<compile_context>
chip_gen: v7x
topology: tpu7x:2x2x1
jax: 0.10.2.dev20260603
libtpu: 0.0.44.dev20260713+nightly
codegen_flags: <defaults>
</compile_context>

<pallas_src>
import jax
import jax.numpy as jnp
from jax import lax
from jax.experimental import pallas as pl
from jax.experimental.pallas import tpu as pltpu
from jax.experimental.pallas import tpu_sc as plsc

N_NODES = 50000
N_EDGES = 800000
IN1_DIM = 80
W_NUMEL = 112
OUT_DIM = 240
OUT_PAD = 256
XREC = 128
REC = 128

NB = 80
CH = 128
T_TASKS = N_NODES // NB
NOFF = 640

INV_SQRT3 = 1.0 / (3.0 ** 0.5)
INV_SQRT2 = 1.0 / (2.0 ** 0.5)

NC = 2
NS = 16
NW = NC * NS


def _sc_body(x_hbm, rows_hbm, cols_hbm, w_hbm, offs_hbm, z_hbm,
             acc_v,
             rows_b0, rows_b1, rows_b2,
             cols_b0, cols_b1, cols_b2,
             w_b0, w_b1, w_b2,
             x_b0, x_b1, x_b2,
             offs_v, semA, semB):
    rows_b = (rows_b0, rows_b1, rows_b2)
    cols_b = (cols_b0, cols_b1, cols_b2)
    w_b = (w_b0, w_b1, w_b2)
    x_b = (x_b0, x_b1, x_b2)
    wid = lax.axis_index("s") * NC + lax.axis_index("c")

    pltpu.sync_copy(offs_hbm, offs_v)

    iota = lax.iota(jnp.int32, 16)
    zero16 = jnp.zeros((16,), jnp.float32)
    c_o1a = iota
    c_o1b = iota + 16
    c_o2 = iota + 32
    c_o3a = [3 * iota + (48 + c) for c in range(3)]
    c_o3b = [3 * iota + (96 + c) for c in range(3)]
    c_o4 = [3 * iota + (144 + c) for c in range(3)]
    c_o5 = [3 * iota + (192 + c) for c in range(3)]

    def make_edge_body(k):
        rows_v, w_v, x_v = rows_b[k], w_b[k], x_b[k]
        return lambda j, carry: edge_step(j, carry, rows_v, w_v, x_v)

    def edge_step(j, carry, rows_v, w_v, x_v):
        n0 = carry
        jv = jnp.full((16,), j, jnp.int32)
        r = plsc.load_gather(rows_v, [jv]) - n0

        x0a = plsc.load_gather(x_v, [jv, iota])
        x0b = plsc.load_gather(x_v, [jv, iota + 16])
        x1 = [plsc.load_gather(x_v, [jv, 3 * iota + (32 + c)]) for c in range(3)]

        y1 = [plsc.load_gather(w_v, [jv, jnp.full((16,), 112 + c, jnp.int32)])
              for c in range(3)]

        w1a = plsc.load_gather(w_v, [jv, iota])
        w1b = plsc.load_gather(w_v, [jv, iota + 16])
        w2 = plsc.load_gather(w_v, [jv, iota + 32])
        w3a = plsc.load_gather(w_v, [jv, iota + 48])
        w3b = plsc.load_gather(w_v, [jv, iota + 64])
        w4 = plsc.load_gather(w_v, [jv, iota + 80])
        w5 = plsc.load_gather(w_v, [jv, iota + 96])

        plsc.addupdate_scatter(acc_v, [r, c_o1a], w1a * x0a)
        plsc.addupdate_scatter(acc_v, [r, c_o1b], w1b * x0b)
        dot = x1[0] * y1[0] + x1[1] * y1[1] + x1[2] * y1[2]
        plsc.addupdate_scatter(acc_v, [r, c_o2], w2 * dot)
        t3a = w3a * x0a
        t3b = w3b * x0b
        for c in range(3):
            plsc.addupdate_scatter(acc_v, [r, c_o3a[c]], t3a * y1[c])
            plsc.addupdate_scatter(acc_v, [r, c_o3b[c]], t3b * y1[c])
        for c in range(3):
            plsc.addupdate_scatter(acc_v, [r, c_o4[c]], w4 * x1[c])
        cr = [x1[1] * y1[2] - x1[2] * y1[1],
              x1[2] * y1[0] - x1[0] * y1[2],
              x1[0] * y1[1] - x1[1] * y1[0]]
        for c in range(3):
            plsc.addupdate_scatter(acc_v, [r, c_o5[c]], w5 * cr[c])
        return carry

    def zero_body(i, _):
        for k in range(OUT_PAD // 16):
            acc_v[i, pl.ds(16 * k, 16)] = zero16
        return 0

    def task_body(i, _):
        t = wid + i * NW
        n0 = t * NB
        ev = offs_v[pl.ds(t, 16)]
        e0 = ev[0]
        e1 = ev[1]
        e0a = (e0 // 8) * 8
        nch = (e1 - e0a + CH - 1) // CH

        def base_of(c):
            return jnp.minimum(e0a + c * CH, N_EDGES - CH)

        def startA(k, c):
            b = base_of(c)
            pltpu.async_copy(rows_hbm.at[pl.ds(b, CH)], rows_b[k], semA.at[k])
            pltpu.async_copy(cols_hbm.at[pl.ds(b, CH)], cols_b[k], semA.at[k])
            pltpu.async_copy(w_hbm.at[pl.ds(b, CH)], w_b[k], semA.at[k])

        def waitA(k, c):
            b = base_of(c)
            pltpu.make_async_copy(
                rows_hbm.at[pl.ds(b, CH)], rows_b[k], semA.at[k]).wait()
            pltpu.make_async_copy(
                cols_hbm.at[pl.ds(b, CH)], cols_b[k], semA.at[k]).wait()
            pltpu.make_async_copy(
                w_hbm.at[pl.ds(b, CH)], w_b[k], semA.at[k]).wait()

        def startB(k):
            pltpu.async_copy(x_hbm.at[cols_b[k]], x_b[k], semB.at[k])

        def waitB(k):
            pltpu.make_async_copy(x_hbm.at[cols_b[k]], x_b[k], semB.at[k]).wait()

        @pl.when(nch > 0)
        def _():
            startA(0, 0)

        @pl.when(nch > 1)
        def _():
            startA(1, 1)

        lax.fori_loop(0, NB, zero_body, 0, unroll=False)

        @pl.when(nch > 0)
        def _():
            waitA(0, 0)
            startB(0)

        def group_body(g, _):
            for k in range(3):
                c = 3 * g + k

                @pl.when(c < nch)
                def _(c=c, k=k):
                    @pl.when(c + 1 < nch)
                    def _():
                        waitA((k + 1) % 3, c + 1)
                        startB((k + 1) % 3)

                    @pl.when(c + 2 < nch)
                    def _():
                        startA((k + 2) % 3, c + 2)

                    waitB(k)
                    bnom = e0a + c * CH
                    b = base_of(c)
                    jlo = jnp.maximum(e0, bnom) - b
                    jhi = jnp.minimum(e1, bnom + CH) - b
                    lax.fori_loop(jlo, jhi, make_edge_body(k), n0,
                                  unroll=False)
            return 0

        lax.fori_loop(0, (nch + 2) // 3, group_body, 0, unroll=False)
        pltpu.sync_copy(acc_v, z_hbm.at[pl.ds(n0, NB)])
        return 0

    ntasks = (T_TASKS - wid + NW - 1) // NW
    lax.fori_loop(0, ntasks, task_body, 0, unroll=False)


_PACK_E = 6400


def _packw_body(wt_ref, yt_ref, o_ref):
    wt = wt_ref[...].T
    yt = yt_ref[...].T
    y0 = yt[:, 0:1]
    o_ref[...] = jnp.concatenate(
        [wt[:, 0:32] * y0,
         wt[:, 32:48] * INV_SQRT3,
         wt[:, 48:80],
         wt[:, 80:96] * y0,
         wt[:, 96:112] * INV_SQRT2,
         yt[:, 1:4],
         jnp.zeros((_PACK_E, REC - W_NUMEL - 3), jnp.float32)], axis=1)


_packw = pl.pallas_call(
    _packw_body,
    grid=(N_EDGES // _PACK_E,),
    in_specs=[
        pl.BlockSpec((W_NUMEL, _PACK_E), lambda i: (0, i)),
        pl.BlockSpec((4, _PACK_E), lambda i: (0, i)),
    ],
    out_specs=pl.BlockSpec((_PACK_E, REC), lambda i: (i, 0)),
    out_shape=jax.ShapeDtypeStruct((N_EDGES, REC), jnp.float32),
)

_UNPACK_N = 2176


def _unpack_body(z_ref, o_ref):
    o_ref[...] = z_ref[:, :OUT_DIM].T


_unpack = pl.pallas_call(
    _unpack_body,
    grid=(23,),
    in_specs=[pl.BlockSpec((_UNPACK_N, OUT_PAD), lambda i: (i, 0))],
    out_specs=pl.BlockSpec((OUT_DIM, _UNPACK_N), lambda i: (0, i)),
    out_shape=jax.ShapeDtypeStruct((OUT_DIM, N_NODES), jnp.float32),
)


_XPACK_N = 6400
_N_XPAD = 51200


def _packx_body(xt_ref, o_ref):
    o_ref[...] = jnp.concatenate(
        [xt_ref[...].T, jnp.zeros((_XPACK_N, XREC - IN1_DIM), jnp.float32)],
        axis=1)


_packx = pl.pallas_call(
    _packx_body,
    grid=(_N_XPAD // _XPACK_N,),
    in_specs=[pl.BlockSpec((IN1_DIM, _XPACK_N), lambda i: (0, i))],
    out_specs=pl.BlockSpec((_XPACK_N, XREC), lambda i: (i, 0)),
    out_shape=jax.ShapeDtypeStruct((_N_XPAD, XREC), jnp.float32),
)


@jax.jit
def _tp_conv(X, Y, W, rows, cols):
    x_p = _packx(X.T)
    w_p = _packw(W.T, Y.T)
    bounds = jnp.arange(0, NOFF, dtype=jnp.int32) * NB
    offs = jnp.searchsorted(rows, bounds, side="left").astype(jnp.int32)
    offs = jnp.minimum(offs, N_EDGES)

    mesh = plsc.VectorSubcoreMesh(core_axis_name="c", subcore_axis_name="s")
    run = pl.kernel(
        _sc_body,
        out_type=jax.ShapeDtypeStruct((N_NODES, OUT_PAD), jnp.float32),
        mesh=mesh,
        compiler_params=pltpu.CompilerParams(
            needs_layout_passes=False, use_tc_tiling_on_sc=False),
        scratch_types=(
            [pltpu.VMEM((NB, OUT_PAD), jnp.float32)]
            + [pltpu.VMEM((CH,), jnp.int32)] * 3
            + [pltpu.VMEM((CH,), jnp.int32)] * 3
            + [pltpu.VMEM((CH, REC), jnp.float32)] * 3
            + [pltpu.VMEM((CH, XREC), jnp.float32)] * 3
            + [pltpu.VMEM((NOFF,), jnp.int32),
               pltpu.SemaphoreType.DMA((3,)),
               pltpu.SemaphoreType.DMA((3,))]
        ),
    )
    z = run(x_p, rows, cols, w_p, offs)
    return _unpack(z).T


def kernel(X, Y, W, rows, cols):
    return _tp_conv(X, Y, W, rows, cols)

# --- scband reference (transcript-rebuilt; emitter-appended) ---
"""Pipeline reference for scband-tensor-product-conv-26663156973855 (READ-ONLY COPY).

The authoritative reference and input builder live on the scoring server;
editing this copy changes nothing except your own understanding.
"""

import jax, jax.numpy as jnp
import numpy as np

N_NODES = 50000
N_EDGES = 800000
IN1_DIM = 80   # 32x0e + 16x1o
IN2_DIM = 4    # 0e + 1o
OUT_DIM = 240  # 32x0e + 16x0e + 32x1o + 16x1o + 16x1e
W_NUMEL = 112  # 32 + 16 + 32 + 16 + 16 (uvu, per-edge weights)
SQRT3 = 3.0 ** 0.5
SQRT2 = 2.0 ** 0.5


def setup_inputs(seed: int = 0) -> dict:
    key = jax.random.key(seed)
    k1, k2, k3, k4, k5 = jax.random.split(key, 5)
    X = jax.random.normal(k1, (N_NODES, IN1_DIM), dtype=jnp.float32)
    Y = jax.random.normal(k2, (N_EDGES, IN2_DIM), dtype=jnp.float32)
    W = jax.random.normal(k3, (N_EDGES, W_NUMEL), dtype=jnp.float32)
    rows = jnp.sort(jax.random.randint(k4, (N_EDGES,), 0, N_NODES, dtype=jnp.int32))
    cols = jax.random.randint(k5, (N_EDGES,), 0, N_NODES, dtype=jnp.int32)
    return {"X": X, "Y": Y, "W": W, "rows": rows, "cols": cols}


def _edge_tensor_product(x_j, y, w):
    # x_j: [E, 80], y: [E, 4], w: [E, 112]
    E = x_j.shape[0]
    x0 = x_j[:, :32]                       # 32x0e scalars
    x1 = x_j[:, 32:].reshape(E, 16, 3)     # 16x1o vectors
    y0 = y[:, :1]                          # 0e scalar [E,1]
    y1 = y[:, 1:]                          # 1o vector [E,3]
    w1 = w[:, 0:32]
    w2 = w[:, 32:48]
    w3 = w[:, 48:80]
    w4 = w[:, 80:96]
    w5 = w[:, 96:112]
    # inst (0,0,0): 0e x 0e -> 0e, CG = 1
    out1 = w1 * (x0 * y0)                                          # [E,32]
    # inst (1,1,1->0e): 1o x 1o -> 0e, CG = dot / sqrt(3)
    out2 = w2 * (jnp.einsum('euc,ec->eu', x1, y1) / SQRT3)         # [E,16]
    # inst (0,1): 0e x 1o -> 1o, CG = identity
    out3 = (w3 * x0)[:, :, None] * y1[:, None, :]                  # [E,32,3]
    # inst (1,0): 1o x 0e -> 1o, CG = identity
    out4 = w4[:, :, None] * x1 * y0[:, :, None]                    # [E,16,3]
    # inst (1,1,1->1e): 1o x 1o -> 1e, CG = cross / sqrt(2)
    out5 = w5[:, :, None] * (jnp.cross(x1, y1[:, None, :]) / SQRT2)  # [E,16,3]
    return jnp.concatenate(
        [out1, out2, out3.reshape(E, -1), out4.reshape(E, -1), out5.reshape(E, -1)],
        axis=1,
    )  # [E, 240]


def reference(X, Y, W, rows, cols):
    # z_i = sum_{(i,j,e) in N(i)} W_e (x_j (x)_CG y_e)
    x_j = jnp.take(X, cols, axis=0)              # gather sender features [E, 80]
    msgs = _edge_tensor_product(x_j, Y, W)       # [E, 240]
    Z = jax.ops.segment_sum(msgs, rows, num_segments=N_NODES)  # scatter-add to receivers
    return Z

if __name__ == "__main__":
    import jax
    _d = setup_inputs()
    print(jax.jit(kernel)(*tuple(_d.values())))

</pallas_src>

<mosaic_0001>
#map = affine_map<(d0, d1) -> (0, 0)>
#map1 = affine_map<(d0, d1) -> (0)>
module attributes {stable_mosaic.version = 14 : i64} {
  func.func @_sc_body(%arg0: i32, %arg1: i32, %arg2: memref<51200x128xf32, #tpu.memory_space<hbm>>, %arg3: memref<800000xi32, #tpu.memory_space<hbm>>, %arg4: memref<800000xi32, #tpu.memory_space<hbm>>, %arg5: memref<800000x128xf32, #tpu.memory_space<hbm>>, %arg6: memref<640xi32, #tpu.memory_space<hbm>>, %arg7: memref<50000x256xf32, #tpu.memory_space<hbm>>, %arg8: memref<80x256xf32, #tpu.memory_space<vmem>>, %arg9: memref<128xi32, #tpu.memory_space<vmem>>, %arg10: memref<128xi32, #tpu.memory_space<vmem>>, %arg11: memref<128xi32, #tpu.memory_space<vmem>>, %arg12: memref<128xi32, #tpu.memory_space<vmem>>, %arg13: memref<128xi32, #tpu.memory_space<vmem>>, %arg14: memref<128xi32, #tpu.memory_space<vmem>>, %arg15: memref<128x128xf32, #tpu.memory_space<vmem>>, %arg16: memref<128x128xf32, #tpu.memory_space<vmem>>, %arg17: memref<128x128xf32, #tpu.memory_space<vmem>>, %arg18: memref<128x128xf32, #tpu.memory_space<vmem>>, %arg19: memref<128x128xf32, #tpu.memory_space<vmem>>, %arg20: memref<128x128xf32, #tpu.memory_space<vmem>>, %arg21: memref<640xi32, #tpu.memory_space<vmem>>, %arg22: memref<3x!tpu.dma_semaphore, #tpu.memory_space<semaphore_mem>>, %arg23: memref<3x!tpu.dma_semaphore, #tpu.memory_space<semaphore_mem>>) attributes {dimension_semantics = [#tpu.dimension_semantics<core_parallel>, #tpu.dimension_semantics<subcore_parallel>], iteration_bounds = array<i64: 2, 16>, scalar_prefetch = 0 : i64, scratch_operands = 16 : i64, tpu.core_type = #tpu.core_type<sc_vector_subcore>, window_params = [{transform_indices = #map}, {transform_indices = #map1}, {transform_indices = #map1}, {transform_indices = #map}, {transform_indices = #map1}, {transform_indices = #map}]} {
    %mul3A = arith.constant 2 : i32
    %mul3A_0 = arith.muli %arg1, %mul3A : i32
    %add3A = arith.addi %mul3A_0, %arg0 : i32
    "tpu.region"() ({
      %run_scoped3A = tpu.sem_alloc : memref<!tpu.dma_semaphore, #tpu.memory_space<semaphore_mem>>
      tpu.enqueue_dma source(%arg6 : memref<640xi32, #tpu.memory_space<hbm>>) target(%arg21 : memref<640xi32, #tpu.memory_space<vmem>>) target_semaphore(%run_scoped3A : memref<!tpu.dma_semaphore, #tpu.memory_space<semaphore_mem>>)
      tpu.wait_dma2 semaphore(%run_scoped3A : memref<!tpu.dma_semaphore, #tpu.memory_space<semaphore_mem>>) src(%arg6 : memref<640xi32, #tpu.memory_space<hbm>>) dst(%arg21 : memref<640xi32, #tpu.memory_space<vmem>>)
      tpu.yield
    }) : () -> ()
    %iota3A = tpu.iota {dimensions = array<i32: 0>} : vector<16xi32>
    %broadcast_in_dim3A = arith.constant 0.000000e+00 : f32
    %broadcast_in_dim3A_1 = vector.broadcast %broadcast_in_dim3A : f32 to vector<16xf32>
    %add3A_2 = arith.constant 16 : i32
    %add3A_3 = vector.broadcast %add3A_2 : i32 to vector<16xi32>
    %add3A_4 = arith.addi %iota3A, %add3A_3 : vector<16xi32>
    %add3A_5 = arith.constant 32 : i32
    %add3A_6 = vector.broadcast %add3A_5 : i32 to vector<16xi32>
    %add3A_7 = arith.addi %iota3A, %add3A_6 : vector<16xi32>
    %mul3A_8 = arith.constant 3 : i32
    %mul3A_9 = vector.broadcast %mul3A_8 : i32 to vector<16xi32>
    %mul3A_10 = arith.muli %mul3A_9, %iota3A : vector<16xi32>
    %add3A_11 = arith.constant 48 : i32
    %add3A_12 = vector.broadcast %add3A_11 : i32 to vector<16xi32>
    %add3A_13 = arith.addi %mul3A_10, %add3A_12 : vector<16xi32>
    %mul3A_14 = arith.constant 3 : i32
    %mul3A_15 = vector.broadcast %mul3A_14 : i32 to vector<16xi32>
    %mul3A_16 = arith.muli %mul3A_15, %iota3A : vector<16xi32>
    %add3A_17 = arith.constant 49 : i32
    %add3A_18 = vector.broadcast %add3A_17 : i32 to vector<16xi32>
    %add3A_19 = arith.addi %mul3A_16, %add3A_18 : vector<16xi32>
    %mul3A_20 = arith.constant 3 : i32
    %mul3A_21 = vector.broadcast %mul3A_20 : i32 to vector<16xi32>
    %mul3A_22 = arith.muli %mul3A_21, %iota3A : vector<16xi32>
    %add3A_23 = arith.constant 50 : i32
    %add3A_24 = vector.broadcast %add3A_23 : i32 to vector<16xi32>
    %add3A_25 = arith.addi %mul3A_22, %add3A_24 : vector<16xi32>
    %mul3A_26 = arith.constant 3 : i32
    %mul3A_27 = vector.broadcast %mul3A_26 : i32 to vector<16xi32>
    %mul3A_28 = arith.muli %mul3A_27, %iota3A : vector<16xi32>
    %add3A_29 = arith.constant 96 : i32
    %add3A_30 = vector.broadcast %add3A_29 : i32 to vector<16xi32>
    %add3A_31 = arith.addi %mul3A_28, %add3A_30 : vector<16xi32>
    %mul3A_32 = arith.constant 3 : i32
    %mul3A_33 = vector.broadcast %mul3A_32 : i32 to vector<16xi32>
    %mul3A_34 = arith.muli %mul3A_33, %iota3A : vector<16xi32>
    %add3A_35 = arith.constant 97 : i32
    %add3A_36 = vector.broadcast %add3A_35 : i32 to vector<16xi32>
    %add3A_37 = arith.addi %mul3A_34, %add3A_36 : vector<16xi32>
    %mul3A_38 = arith.constant 3 : i32
    %mul3A_39 = vector.broadcast %mul3A_38 : i32 to vector<16xi32>
    %mul3A_40 = arith.muli %mul3A_39, %iota3A : vector<16xi32>
    %add3A_41 = arith.constant 98 : i32
    %add3A_42 = vector.broadcast %add3A_41 : i32 to vector<16xi32>
    %add3A_43 = arith.addi %mul3A_40, %add3A_42 : vector<16xi32>
    %mul3A_44 = arith.constant 3 : i32
    %mul3A_45 = vector.broadcast %mul3A_44 : i32 to vector<16xi32>
    %mul3A_46 = arith.muli %mul3A_45, %iota3A : vector<16xi32>
    %add3A_47 = arith.constant 144 : i32
    %add3A_48 = vector.broadcast %add3A_47 : i32 to vector<16xi32>
    %add3A_49 = arith.addi %mul3A_46, %add3A_48 : vector<16xi32>
    %mul3A_50 = arith.constant 3 : i32
    %mul3A_51 = vector.broadcast %mul3A_50 : i32 to vector<16xi32>
    %mul3A_52 = arith.muli %mul3A_51, %iota3A : vector<16xi32>
    %add3A_53 = arith.constant 145 : i32
    %add3A_54 = vector.broadcast %add3A_53 : i32 to vector<16xi32>
    %add3A_55 = arith.addi %mul3A_52, %add3A_54 : vector<16xi32>
    %mul3A_56 = arith.constant 3 : i32
    %mul3A_57 = vector.broadcast %mul3A_56 : i32 to vector<16xi32>
    %mul3A_58 = arith.muli %mul3A_57, %iota3A : vector<16xi32>
    %add3A_59 = arith.constant 146 : i32
    %add3A_60 = vector.broadcast %add3A_59 : i32 to vector<16xi32>
    %add3A_61 = arith.addi %mul3A_58, %add3A_60 : vector<16xi32>
    %mul3A_62 = arith.constant 3 : i32
    %mul3A_63 = vector.broadcast %mul3A_62 : i32 to vector<16xi32>
    %mul3A_64 = arith.muli %mul3A_63, %iota3A : vector<16xi32>
    %add3A_65 = arith.constant 192 : i32
    %add3A_66 = vector.broadcast %add3A_65 : i32 to vector<16xi32>
    %add3A_67 = arith.addi %mul3A_64, %add3A_66 : vector<16xi32>
    %mul3A_68 = arith.constant 3 : i32
    %mul3A_69 = vector.broadcast %mul3A_68 : i32 to vector<16xi32>
    %mul3A_70 = arith.muli %mul3A_69, %iota3A : vector<16xi32>
    %add3A_71 = arith.constant 193 : i32
    %add3A_72 = vector.broadcast %add3A_71 : i32 to vector<16xi32>
    %add3A_73 = arith.addi %mul3A_70, %add3A_72 : vector<16xi32>
    %mul3A_74 = arith.constant 3 : i32
    %mul3A_75 = vector.broadcast %mul3A_74 : i32 to vector<16xi32>
    %mul3A_76 = arith.muli %mul3A_75, %iota3A : vector<16xi32>
    %add3A_77 = arith.constant 194 : i32
    %add3A_78 = vector.broadcast %add3A_77 : i32 to vector<16xi32>
    %add3A_79 = arith.addi %mul3A_76, %add3A_78 : vector<16xi32>
    %sub3A = arith.constant 625 : i32
    %sub3A_80 = arith.subi %sub3A, %add3A : i32
    %add3A_81 = arith.constant 32 : i32
    %add3A_82 = arith.addi %sub3A_80, %add3A_81 : i32
    %sub3A_83 = arith.constant 1 : i32
    %sub3A_84 = arith.subi %add3A_82, %sub3A_83 : i32
    %jit3A = arith.constant 32 : i32
    %div3A = arith.divsi %sub3A_84, %jit3A : i32
    %sign3A = arith.constant 0 : i32
    %sign3A_85 = arith.cmpi sgt, %sub3A_84, %sign3A : i32
    %sign3A_86 = arith.extui %sign3A_85 : i1 to i32
    %sign3A_87 = arith.constant 0 : i32
    %sign3A_88 = arith.cmpi slt, %sub3A_84, %sign3A_87 : i32
    %sign3A_89 = arith.extui %sign3A_88 : i1 to i32
    %sign3A_90 = arith.subi %sign3A_86, %sign3A_89 : i32
    %sign3A_91 = arith.constant 0 : i32
    %sign3A_92 = arith.cmpi sgt, %jit3A, %sign3A_91 : i32
    %sign3A_93 = arith.extui %sign3A_92 : i1 to i32
    %sign3A_94 = arith.constant 0 : i32
    %sign3A_95 = arith.cmpi slt, %jit3A, %sign3A_94 : i32
    %sign3A_96 = arith.extui %sign3A_95 : i1 to i32
    %sign3A_97 = arith.subi %sign3A_93, %sign3A_96 : i32
    %ne3A = arith.cmpi ne, %sign3A_90, %sign3A_97 : i32
    %rem3A = arith.remsi %sub3A_84, %jit3A : i32
    %ne3A_98 = arith.constant 0 : i32
    %ne3A_99 = arith.cmpi ne, %rem3A, %ne3A_98 : i32
    %and3A = arith.andi %ne3A, %ne3A_99 : i1
    %sub3A_100 = arith.constant 1 : i32
    %sub3A_101 = arith.subi %div3A, %sub3A_100 : i32
    %select_n3A = arith.select %and3A, %sub3A_101, %div3A : i32
    %while3A = arith.constant 0 : i32
    %while3A_102 = arith.constant 0 : i32
    %while3A_103 = arith.subi %select_n3A, %while3A : i32
    %while3A_104 = arith.addi %while3A, %while3A_103 : i32
    %while3A_105 = arith.constant 1 : i32
    %while3A_106 = arith.divsi %while3A_103, %while3A_105 : i32
    %while3A_107 = arith.muli %while3A_106, %while3A_105 : i32
    %while3A_108 = arith.addi %while3A, %while3A_107 : i32
    %while3A_109 = arith.constant 1 : i32
    %while3A_110 = scf.for %while3A_113 = %while3A to %while3A_108 step %while3A_109 iter_args(%while3A_114 = %while3A_102) -> (i32)  : i32 {
      %mul3A_115 = arith.constant 32 : i32
      %mul3A_116 = arith.muli %while3A_113, %mul3A_115 : i32
      %add3A_117 = arith.addi %add3A, %mul3A_116 : i32
      %mul3A_118 = arith.constant 80 : i32
      %mul3A_119 = arith.muli %add3A_117, %mul3A_118 : i32
      %get3A = arith.index_cast %add3A_117 : i32 to index
      %get3A_120 = tpu.vector_load %arg21[%get3A] {strides = array<i32>} : memref<640xi32, #tpu.memory_space<vmem>>, vector<16xi32>,
      %slice3A = vector.extract_strided_slice %get3A_120 {offsets = [0], sizes = [1], strides = [1]} : vector<16xi32> to vector<1xi32>
      %squeeze3A = vector.extract %slice3A[0] : i32 from vector<1xi32>
      %slice3A_121 = vector.extract_strided_slice %get3A_120 {offsets = [1], sizes = [1], strides = [1]} : vector<16xi32> to vector<1xi32>
      %squeeze3A_122 = vector.extract %slice3A_121[0] : i32 from vector<1xi32>
      %jit3A_123 = arith.constant 8 : i32
      %div3A_124 = arith.divsi %squeeze3A, %jit3A_123 : i32
      %sign3A_125 = arith.constant 0 : i32
      %sign3A_126 = arith.cmpi sgt, %squeeze3A, %sign3A_125 : i32
      %sign3A_127 = arith.extui %sign3A_126 : i1 to i32
      %sign3A_128 = arith.constant 0 : i32
      %sign3A_129 = arith.cmpi slt, %squeeze3A, %sign3A_128 : i32
      %sign3A_130 = arith.extui %sign3A_129 : i1 to i32
      %sign3A_131 = arith.subi %sign3A_127, %sign3A_130 : i32
      %sign3A_132 = arith.constant 0 : i32
      %sign3A_133 = arith.cmpi sgt, %jit3A_123, %sign3A_132 : i32
      %sign3A_134 = arith.extui %sign3A_133 : i1 to i32
      %sign3A_135 = arith.constant 0 : i32
      %sign3A_136 = arith.cmpi slt, %jit3A_123, %sign3A_135 : i32
      %sign3A_137 = arith.extui %sign3A_136 : i1 to i32
      %sign3A_138 = arith.subi %sign3A_134, %sign3A_137 : i32
      %ne3A_139 = arith.cmpi ne, %sign3A_131, %sign3A_138 : i32
      %rem3A_140 = arith.remsi %squeeze3A, %jit3A_123 : i32
      %ne3A_141 = arith.constant 0 : i32
      %ne3A_142 = arith.cmpi ne, %rem3A_140, %ne3A_141 : i32
      %and3A_143 = arith.andi %ne3A_139, %ne3A_142 : i1
      %sub3A_144 = arith.constant 1 : i32
      %sub3A_145 = arith.subi %div3A_124, %sub3A_144 : i32
      %select_n3A_146 = arith.select %and3A_143, %sub3A_145, %div3A_124 : i32
      %mul3A_147 = arith.constant 8 : i32
      %mul3A_148 = arith.muli %select_n3A_146, %mul3A_147 : i32
      %sub3A_149 = arith.subi %squeeze3A_122, %mul3A_148 : i32
      %add3A_150 = arith.constant 128 : i32
      %add3A_151 = arith.addi %sub3A_149, %add3A_150 : i32
      %sub3A_152 = arith.constant 1 : i32
      %sub3A_153 = arith.subi %add3A_151, %sub3A_152 : i32
      %jit3A_154 = arith.constant 128 : i32
      %div3A_155 = arith.divsi %sub3A_153, %jit3A_154 : i32
      %sign3A_156 = arith.constant 0 : i32
      %sign3A_157 = arith.cmpi sgt, %sub3A_153, %sign3A_156 : i32
      %sign3A_158 = arith.extui %sign3A_157 : i1 to i32
      %sign3A_159 = arith.constant 0 : i32
      %sign3A_160 = arith.cmpi slt, %sub3A_153, %sign3A_159 : i32
      %sign3A_161 = arith.extui %sign3A_160 : i1 to i32
      %sign3A_162 = arith.subi %sign3A_158, %sign3A_161 : i32
      %sign3A_163 = arith.constant 0 : i32
      %sign3A_164 = arith.cmpi sgt, %jit3A_154, %sign3A_163 : i32
      %sign3A_165 = arith.extui %sign3A_164 : i1 to i32
      %sign3A_166 = arith.constant 0 : i32
      %sign3A_167 = arith.cmpi slt, %jit3A_154, %sign3A_166 : i32
      %sign3A_168 = arith.extui %sign3A_167 : i1 to i32
      %sign3A_169 = arith.subi %sign3A_165, %sign3A_168 : i32
      %ne3A_170 = arith.cmpi ne, %sign3A_162, %sign3A_169 : i32
      %rem3A_171 = arith.remsi %sub3A_153, %jit3A_154 : i32
      %ne3A_172 = arith.constant 0 : i32
      %ne3A_173 = arith.cmpi ne, %rem3A_171, %ne3A_172 : i32
      %and3A_174 = arith.andi %ne3A_170, %ne3A_173 : i1
      %sub3A_175 = arith.constant 1 : i32
      %sub3A_176 = arith.subi %div3A_155, %sub3A_175 : i32
      %select_n3A_177 = arith.select %and3A_174, %sub3A_176, %div3A_155 : i32
      %gt3A = arith.constant 0 : i32
      %gt3A_178 = arith.cmpi sgt, %select_n3A_177, %gt3A : i32
      %convert_element_type3A = arith.extui %gt3A_178 : i1 to i32
      %cond3A = arith.constant 0 : i32
      %cond3A_179 = arith.cmpi ne, %convert_element_type3A, %cond3A : i32
      scf.if %cond3A_179 {
        %add3A_235 = arith.constant 0 : i32
        %add3A_236 = arith.addi %mul3A_148, %add3A_235 : i32
        %min3A = arith.constant 799872 : i32
        %min3A_237 = arith.minsi %add3A_236, %min3A : i32
        %dma_start3A = arith.constant 0 : i32
        %dma_start3A_238 = tpu.memref_slice %arg3[%min3A_237] : memref<800000xi32, #tpu.memory_space<hbm>> -> memref<128xi32, #tpu.memory_space<hbm>>
        %dma_start3A_239 = tpu.memref_slice %arg22[%dma_start3A] : memref<3x!tpu.dma_semaphore, #tpu.memory_space<semaphore_mem>> -> memref<1x!tpu.dma_semaphore, #tpu.memory_space<semaphore_mem>>
        %dma_start3A_240 = tpu.memref_squeeze %dma_start3A_239 : memref<1x!tpu.dma_semaphore, #tpu.memory_space<semaphore_mem>> -> memref<!tpu.dma_semaphore, #tpu.memory_space<semaphore_mem>>
        %dma_start3A_241 = tpu.memref_slice %arg3[%min3A_237] : memref<800000xi32, #tpu.memory_space<hbm>> -> memref<128xi32, #tpu.memory_space<hbm>>
        tpu.enqueue_dma source(%dma_start3A_241 : memref<128xi32, #tpu.memory_space<hbm>>) target(%arg9 : memref<128xi32, #tpu.memory_space<vmem>>) target_semaphore(%dma_start3A_240 : memref<!tpu.dma_semaphore, #tpu.memory_space<semaphore_mem>>)
        %dma_start3A_242 = arith.constant 0 : i32
        %dma_start3A_243 = tpu.memref_slice %arg4[%min3A_237] : memref<800000xi32, #tpu.memory_space<hbm>> -> memref<128xi32, #tpu.memory_space<hbm>>
        %dma_start3A_244 = tpu.memref_slice %arg22[%dma_start3A_242] : memref<3x!tpu.dma_semaphore, #tpu.memory_space<semaphore_mem>> -> memref<1x!tpu.dma_semaphore, #tpu.memory_space<semaphore_mem>>
        %dma_start3A_245 = tpu.memref_squeeze %dma_start3A_244 : memref<1x!tpu.dma_semaphore, #tpu.memory_space<semaphore_mem>> -> memref<!tpu.dma_semaphore, #tpu.memory_space<semaphore_mem>>
        %dma_start3A_246 = tpu.memref_slice %arg4[%min3A_237] : memref<800000xi32, #tpu.memory_space<hbm>> -> memref<128xi32, #tpu.memory_space<hbm>>
        tpu.enqueue_dma source(%dma_start3A_246 : memref<128xi32, #tpu.memory_space<hbm>>) target(%arg12 : memref<128xi32, #tpu.memory_space<vmem>>) target_semaphore(%dma_start3A_245 : memref<!tpu.dma_semaphore, #tpu.memory_space<semaphore_mem>>)
        %dma_start3A_247 = arith.constant 0 : i32
        %dma_start3A_248 = arith.constant 0 : i32
        %dma_start3A_249 = tpu.memref_slice %arg5[%min3A_237, %dma_start3A_248] : memref<800000x128xf32, #tpu.memory_space<hbm>> -> memref<128x128xf32, #tpu.memory_space<hbm>>
        %dma_start3A_250 = tpu.memref_slice %arg22[%dma_start3A_247] : memref<3x!tpu.dma_semaphore, #tpu.memory_space<semaphore_mem>> -> memref<1x!tpu.dma_semaphore, #tpu.memory_space<semaphore_mem>>
        %dma_start3A_251 = tpu.memref_squeeze %dma_start3A_250 : memref<1x!tpu.dma_semaphore, #tpu.memory_space<semaphore_mem>> -> memref<!tpu.dma_semaphore, #tpu.memory_space<semaphore_mem>>
        %dma_start3A_252 = arith.constant 0 : i32
        %dma_start3A_253 = tpu.memref_slice %arg5[%min3A_237, %dma_start3A_252] : memref<800000x128xf32, #tpu.memory_space<hbm>> -> memref<128x128xf32, #tpu.memory_space<hbm>>
        tpu.enqueue_dma source(%dma_start3A_253 : memref<128x128xf32, #tpu.memory_space<hbm>>) target(%arg15 : memref<128x128xf32, #tpu.memory_space<vmem>>) target_semaphore(%dma_start3A_251 : memref<!tpu.dma_semaphore, #tpu.memory_space<semaphore_mem>>)
      } else {
      }
      %gt3A_180 = arith.constant 1 : i32
      %gt3A_181 = arith.cmpi sgt, %select_n3A_177, %gt3A_180 : i32
      %convert_element_type3A_182 = arith.extui %gt3A_181 : i1 to i32
      %cond3A_183 = arith.constant 0 : i32
      %cond3A_184 = arith.cmpi ne, %convert_element_type3A_182, %cond3A_183 : i32
      scf.if %cond3A_184 {
        %add3A_235 = arith.constant 128 : i32
        %add3A_236 = arith.addi %mul3A_148, %add3A_235 : i32
        %min3A = arith.constant 799872 : i32
        %min3A_237 = arith.minsi %add3A_236, %min3A : i32
        %dma_start3A = arith.constant 1 : i32
        %dma_start3A_238 = tpu.memref_slice %arg3[%min3A_237] : memref<800000xi32, #tpu.memory_space<hbm>> -> memref<128xi32, #tpu.memory_space<hbm>>
        %dma_start3A_239 = tpu.memref_slice %arg22[%dma_start3A] : memref<3x!tpu.dma_semaphore, #tpu.memory_space<semaphore_mem>> -> memref<1x!tpu.dma_semaphore, #tpu.memory_space<semaphore_mem>>
        %dma_start3A_240 = tpu.memref_squeeze %dma_start3A_239 : memref<1x!tpu.dma_semaphore, #tpu.memory_space<semaphore_mem>> -> memref<!tpu.dma_semaphore, #tpu.memory_space<semaphore_mem>>
        %dma_start3A_241 = tpu.memref_slice %arg3[%min3A_237] : memref<800000xi32, #tpu.memory_space<hbm>> -> memref<128xi32, #tpu.memory_space<hbm>>
        tpu.enqueue_dma source(%dma_start3A_241 : memref<128xi32, #tpu.memory_space<hbm>>) target(%arg10 : memref<128xi32, #tpu.memory_space<vmem>>) target_semaphore(%dma_start3A_240 : memref<!tpu.dma_semaphore, #tpu.memory_space<semaphore_mem>>)
        %dma_start3A_242 = arith.constant 1 : i32
        %dma_start3A_243 = tpu.memref_slice %arg4[%min3A_237] : memref<800000xi32, #tpu.memory_space<hbm>> -> memref<128xi32, #tpu.memory_space<hbm>>
        %dma_start3A_244 = tpu.memref_slice %arg22[%dma_start3A_242] : memref<3x!tpu.dma_semaphore, #tpu.memory_space<semaphore_mem>> -> memref<1x!tpu.dma_semaphore, #tpu.memory_space<semaphore_mem>>
        %dma_start3A_245 = tpu.memref_squeeze %dma_start3A_244 : memref<1x!tpu.dma_semaphore, #tpu.memory_space<semaphore_mem>> -> memref<!tpu.dma_semaphore, #tpu.memory_space<semaphore_mem>>
        %dma_start3A_246 = tpu.memref_slice %arg4[%min3A_237] : memref<800000xi32, #tpu.memory_space<hbm>> -> memref<128xi32, #tpu.memory_space<hbm>>
        tpu.enqueue_dma source(%dma_start3A_246 : memref<128xi32, #tpu.memory_space<hbm>>) target(%arg13 : memref<128xi32, #tpu.memory_space<vmem>>) target_semaphore(%dma_start3A_245 : memref<!tpu.dma_semaphore, #tpu.memory_space<semaphore_mem>>)
        %dma_start3A_247 = arith.constant 1 : i32
        %dma_start3A_248 = arith.constant 0 : i32
        %dma_start3A_249 = tpu.memref_slice %arg5[%min3A_237, %dma_start3A_248] : memref<800000x128xf32, #tpu.memory_space<hbm>> -> memref<128x128xf32, #tpu.memory_space<hbm>>
        %dma_start3A_250 = tpu.memref_slice %arg22[%dma_start3A_247] : memref<3x!tpu.dma_semaphore, #tpu.memory_space<semaphore_mem>> -> memref<1x!tpu.dma_semaphore, #tpu.memory_space<semaphore_mem>>
        %dma_start3A_251 = tpu.memref_squeeze %dma_start3A_250 : memref<1x!tpu.dma_semaphore, #tpu.memory_space<semaphore_mem>> -> memref<!tpu.dma_semaphore, #tpu.memory_space<semaphore_mem>>
        %dma_start3A_252 = arith.constant 0 : i32
        %dma_start3A_253 = tpu.memref_slice %arg5[%min3A_237, %dma_start3A_252] : memref<800000x128xf32, #tpu.memory_space<hbm>> -> memref<128x128xf32, #tpu.memory_space<hbm>>
        tpu.enqueue_dma source(%dma_start3A_253 : memref<128x128xf32, #tpu.memory_space<hbm>>) target(%arg16 : memref<128x128xf32, #tpu.memory_space<vmem>>) target_semaphore(%dma_start3A_251 : memref<!tpu.dma_semaphore, #tpu.memory_space<semaphore_mem>>)
      } else {
      }
      %scan3A = arith.constant 0 : i32
      %scan3A_185 = arith.constant 0 : i32
      %scan3A_186 = arith.constant 80 : i32
      %scan3A_187 = arith.addi %scan3A_185, %scan3A_186 : i32
      %scan3A_188 = arith.constant 1 : i32
      %scan3A_189 = scf.for %scan3A_235 = %scan3A_185 to %scan3A_187 step %scan3A_188 iter_args(%scan3A_236 = %scan3A) -> (i32)  : i32 {
        %swap3A = arith.index_cast %scan3A_235 : i32 to index
        %swap3A_237 = arith.constant 0 : index
        %swap3A_238 = tpu.vector_load %arg8[%swap3A, %swap3A_237] {strides = array<i32>} : memref<80x256xf32, #tpu.memory_space<vmem>>, vector<16xf32>,
        tpu.vector_store %arg8[%swap3A, %swap3A_237], %broadcast_in_dim3A_1 {strides = array<i32>} : memref<80x256xf32, #tpu.memory_space<vmem>>, vector<16xf32>,
        %swap3A_239 = arith.index_cast %scan3A_235 : i32 to index
        %swap3A_240 = arith.constant 16 : index
        %swap3A_241 = tpu.vector_load %arg8[%swap3A_239, %swap3A_240] {strides = array<i32>} : memref<80x256xf32, #tpu.memory_space<vmem>>, vector<16xf32>,
        tpu.vector_store %arg8[%swap3A_239, %swap3A_240], %broadcast_in_dim3A_1 {strides = array<i32>} : memref<80x256xf32, #tpu.memory_space<vmem>>, vector<16xf32>,
        %swap3A_242 = arith.index_cast %scan3A_235 : i32 to index
        %swap3A_243 = arith.constant 32 : index
        %swap3A_244 = tpu.vector_load %arg8[%swap3A_242, %swap3A_243] {strides = array<i32>} : memref<80x256xf32, #tpu.memory_space<vmem>>, vector<16xf32>,
        tpu.vector_store %arg8[%swap3A_242, %swap3A_243], %broadcast_in_dim3A_1 {strides = array<i32>} : memref<80x256xf32, #tpu.memory_space<vmem>>, vector<16xf32>,
        %swap3A_245 = arith.index_cast %scan3A_235 : i32 to index
        %swap3A_246 = arith.constant 48 : index
        %swap3A_247 = tpu.vector_load %arg8[%swap3A_245, %swap3A_246] {strides = array<i32>} : memref<80x256xf32, #tpu.memory_space<vmem>>, vector<16xf32>,
        tpu.vector_store %arg8[%swap3A_245, %swap3A_246], %broadcast_in_dim3A_1 {strides = array<i32>} : memref<80x256xf32, #tpu.memory_space<vmem>>, vector<16xf32>,
        %swap3A_248 = arith.index_cast %scan3A_235 : i32 to index
        %swap3A_249 = arith.constant 64 : index
        %swap3A_250 = tpu.vector_load %arg8[%swap3A_248, %swap3A_249] {strides = array<i32>} : memref<80x256xf32, #tpu.memory_space<vmem>>, vector<16xf32>,
        tpu.vector_store %arg8[%swap3A_248, %swap3A_249], %broadcast_in_dim3A_1 {strides = array<i32>} : memref<80x256xf32, #tpu.memory_space<vmem>>, vector<16xf32>,
        %swap3A_251 = arith.index_cast %scan3A_235 : i32 to index
        %swap3A_252 = arith.constant 80 : index
        %swap3A_253 = tpu.vector_load %arg8[%swap3A_251, %swap3A_252] {strides = array<i32>} : memref<80x256xf32, #tpu.memory_space<vmem>>, vector<16xf32>,
        tpu.vector_store %arg8[%swap3A_251, %swap3A_252], %broadcast_in_dim3A_1 {strides = array<i32>} : memref<80x256xf32, #tpu.memory_space<vmem>>, vector<16xf32>,
        %swap3A_254 = arith.index_cast %scan3A_235 : i32 to index
        %swap3A_255 = arith.constant 96 : index
        %swap3A_256 = tpu.vector_load %arg8[%swap3A_254, %swap3A_255] {strides = array<i32>} : memref<80x256xf32, #tpu.memory_space<vmem>>, vector<16xf32>,
        tpu.vector_store %arg8[%swap3A_254, %swap3A_255], %broadcast_in_dim3A_1 {strides = array<i32>} : memref<80x256xf32, #tpu.memory_space<vmem>>, vector<16xf32>,
        %swap3A_257 = arith.index_cast %scan3A_235 : i32 to index
        %swap3A_258 = arith.constant 112 : index
        %swap3A_259 = tpu.vector_load %arg8[%swap3A_257, %swap3A_258] {strides = array<i32>} : memref<80x256xf32, #tpu.memory_space<vmem>>, vector<16xf32>,
        tpu.vector_store %arg8[%swap3A_257, %swap3A_258], %broadcast_in_dim3A_1 {strides = array<i32>} : memref<80x256xf32, #tpu.memory_space<vmem>>, vector<16xf32>,
        %swap3A_260 = arith.index_cast %scan3A_235 : i32 to index
        %swap3A_261 = arith.constant 128 : index
        %swap3A_262 = tpu.vector_load %arg8[%swap3A_260, %swap3A_261] {strides = array<i32>} : memref<80x256xf32, #tpu.memory_space<vmem>>, vector<16xf32>,
        tpu.vector_store %arg8[%swap3A_260, %swap3A_261], %broadcast_in_dim3A_1 {strides = array<i32>} : memref<80x256xf32, #tpu.memory_space<vmem>>, vector<16xf32>,
        %swap3A_263 = arith.index_cast %scan3A_235 : i32 to index
        %swap3A_264 = arith.constant 144 : index
        %swap3A_265 = tpu.vector_load %arg8[%swap3A_263, %swap3A_264] {strides = array<i32>} : memref<80x256xf32, #tpu.memory_space<vmem>>, vector<16xf32>,
        tpu.vector_store %arg8[%swap3A_263, %swap3A_264], %broadcast_in_dim3A_1 {strides = array<i32>} : memref<80x256xf32, #tpu.memory_space<vmem>>, vector<16xf32>,
        %swap3A_266 = arith.index_cast %scan3A_235 : i32 to index
        %swap3A_267 = arith.constant 160 : index
        %swap3A_268 = tpu.vector_load %arg8[%swap3A_266, %swap3A_267] {strides = array<i32>} : memref<80x256xf32, #tpu.memory_space<vmem>>, vector<16xf32>,
        tpu.vector_store %arg8[%swap3A_266, %swap3A_267], %broadcast_in_dim3A_1 {strides = array<i32>} : memref<80x256xf32, #tpu.memory_space<vmem>>, vector<16xf32>,
        %swap3A_269 = arith.index_cast %scan3A_235 : i32 to index
        %swap3A_270 = arith.constant 176 : index
        %swap3A_271 = tpu.vector_load %arg8[%swap3A_269, %swap3A_270] {strides = array<i32>} : memref<80x256xf32, #tpu.memory_space<vmem>>, vector<16xf32>,
        tpu.vector_store %arg8[%swap3A_269, %swap3A_270], %broadcast_in_dim3A_1 {strides = array<i32>} : memref<80x256xf32, #tpu.memory_space<vmem>>, vector<16xf32>,
        %swap3A_272 = arith.index_cast %scan3A_235 : i32 to index
        %swap3A_273 = arith.constant 192 : index
        %swap3A_274 = tpu.vector_load %arg8[%swap3A_272, %swap3A_273] {strides = array<i32>} : memref<80x256xf32, #tpu.memory_space<vmem>>, vector<16xf32>,
        tpu.vector_store %arg8[%swap3A_272, %swap3A_273], %broadcast_in_dim3A_1 {strides = array<i32>} : memref<80x256xf32, #tpu.memory_space<vmem>>, vector<16xf32>,
        %swap3A_275 = arith.index_cast %scan3A_235 : i32 to index
        %swap3A_276 = arith.constant 208 : index
        %swap3A_277 = tpu.vector_load %arg8[%swap3A_275, %swap3A_276] {strides = array<i32>} : memref<80x256xf32, #tpu.memory_space<vmem>>, vector<16xf32>,
        tpu.vector_store %arg8[%swap3A_275, %swap3A_276], %broadcast_in_dim3A_1 {strides = array<i32>} : memref<80x256xf32, #tpu.memory_space<vmem>>, vector<16xf32>,
        %swap3A_278 = arith.index_cast %scan3A_235 : i32 to index
        %swap3A_279 = arith.constant 224 : index
        %swap3A_280 = tpu.vector_load %arg8[%swap3A_278, %swap3A_279] {strides = array<i32>} : memref<80x256xf32, #tpu.memory_space<vmem>>, vector<16xf32>,
        tpu.vector_store %arg8[%swap3A_278, %swap3A_279], %broadcast_in_dim3A_1 {strides = array<i32>} : memref<80x256xf32, #tpu.memory_space<vmem>>, vector<16xf32>,
        %swap3A_281 = arith.index_cast %scan3A_235 : i32 to index
        %swap3A_282 = arith.constant 240 : index
        %swap3A_283 = tpu.vector_load %arg8[%swap3A_281, %swap3A_282] {strides = array<i32>} : memref<80x256xf32, #tpu.memory_space<vmem>>, vector<16xf32>,
        tpu.vector_store %arg8[%swap3A_281, %swap3A_282], %broadcast_in_dim3A_1 {strides = array<i32>} : memref<80x256xf32, #tpu.memory_space<vmem>>, vector<16xf32>,
        %scan3A_284 = arith.constant 0 : i32
        scf.yield %scan3A_284 : i32
      }
      %scan3A_190 = arith.constant 80 : i32
      %gt3A_191 = arith.constant 0 : i32
      %gt3A_192 = arith.cmpi sgt, %select_n3A_177, %gt3A_191 : i32
      %convert_element_type3A_193 = arith.extui %gt3A_192 : i1 to i32
      %cond3A_194 = arith.constant 0 : i32
      %cond3A_195 = arith.cmpi ne, %convert_element_type3A_193, %cond3A_194 : i32
      scf.if %cond3A_195 {
        %add3A_235 = arith.constant 0 : i32
        %add3A_236 = arith.addi %mul3A_148, %add3A_235 : i32
        %min3A = arith.constant 799872 : i32
        %min3A_237 = arith.minsi %add3A_236, %min3A : i32
        %dma_wait3A = arith.constant 0 : i32
        %dma_wait3A_238 = tpu.memref_slice %arg3[%min3A_237] : memref<800000xi32, #tpu.memory_space<hbm>> -> memref<128xi32, #tpu.memory_space<hbm>>
        %dma_wait3A_239 = tpu.memref_slice %arg22[%dma_wait3A] : memref<3x!tpu.dma_semaphore, #tpu.memory_space<semaphore_mem>> -> memref<1x!tpu.dma_semaphore, #tpu.memory_space<semaphore_mem>>
        %dma_wait3A_240 = tpu.memref_squeeze %dma_wait3A_239 : memref<1x!tpu.dma_semaphore, #tpu.memory_space<semaphore_mem>> -> memref<!tpu.dma_semaphore, #tpu.memory_space<semaphore_mem>>
        %dma_wait3A_241 = tpu.memref_slice %arg3[%min3A_237] : memref<800000xi32, #tpu.memory_space<hbm>> -> memref<128xi32, #tpu.memory_space<hbm>>
        tpu.wait_dma2 semaphore(%dma_wait3A_240 : memref<!tpu.dma_semaphore, #tpu.memory_space<semaphore_mem>>) src(%dma_wait3A_241 : memref<128xi32, #tpu.memory_space<hbm>>) dst(%arg9 : memref<128xi32, #tpu.memory_space<vmem>>)
        %dma_wait3A_242 = arith.constant 0 : i32
        %dma_wait3A_243 = tpu.memref_slice %arg4[%min3A_237] : memref<800000xi32, #tpu.memory_space<hbm>> -> memref<128xi32, #tpu.memory_space<hbm>>
        %dma_wait3A_244 = tpu.memref_slice %arg22[%dma_wait3A_242] : memref<3x!tpu.dma_semaphore, #tpu.memory_space<semaphore_mem>> -> memref<1x!tpu.dma_semaphore, #tpu.memory_space<semaphore_mem>>
        %dma_wait3A_245 = tpu.memref_squeeze %dma_wait3A_244 : memref<1x!tpu.dma_semaphore, #tpu.memory_space<semaphore_mem>> -> memref<!tpu.dma_semaphore, #tpu.memory_space<semaphore_mem>>
        %dma_wait3A_246 = tpu.memref_slice %arg4[%min3A_237] : memref<800000xi32, #tpu.memory_space<hbm>> -> memref<128xi32, #tpu.memory_space<hbm>>
        tpu.wait_dma2 semaphore(%dma_wait3A_245 : memref<!tpu.dma_semaphore, #tpu.memory_space<semaphore_mem>>) src(%dma_wait3A_246 : memref<128xi32, #tpu.memory_space<hbm>>) dst(%arg12 : memref<128xi32, #tpu.memory_space<vmem>>)
        %dma_wait3A_247 = arith.constant 0 : i32
        %dma_wait3A_248 = arith.constant 0 : i32
        %dma_wait3A_249 = tpu.memref_slice %arg5[%min3A_237, %dma_wait3A_248] : memref<800000x128xf32, #tpu.memory_space<hbm>> -> memref<128x128xf32, #tpu.memory_space<hbm>>
        %dma_wait3A_250 = tpu.memref_slice %arg22[%dma_wait3A_247] : memref<3x!tpu.dma_semaphore, #tpu.memory_space<semaphore_mem>> -> memref<1x!tpu.dma_semaphore, #tpu.memory_space<semaphore_mem>>
        %dma_wait3A_251 = tpu.memref_squeeze %dma_wait3A_250 : memref<1x!tpu.dma_semaphore, #tpu.memory_space<semaphore_mem>> -> memref<!tpu.dma_semaphore, #tpu.memory_space<semaphore_mem>>
        %dma_wait3A_252 = arith.constant 0 : i32
        %dma_wait3A_253 = tpu.memref_slice %arg5[%min3A_237, %dma_wait3A_252] : memref<800000x128xf32, #tpu.memory_space<hbm>> -> memref<128x128xf32, #tpu.memory_space<hbm>>
        tpu.wait_dma2 semaphore(%dma_wait3A_251 : memref<!tpu.dma_semaphore, #tpu.memory_space<semaphore_mem>>) src(%dma_wait3A_253 : memref<128x128xf32, #tpu.memory_space<hbm>>) dst(%arg15 : memref<128x128xf32, #tpu.memory_space<vmem>>)
        %dma_start3A = arith.constant 0 : i32
        %dma_start3A_254 = arith.constant 0 : i32
        %dma_start3A_255 = arith.constant 0 : i32
        %dma_start3A_256 = tpu.memref_slice %arg2[%dma_start3A_254, %dma_start3A_255] : memref<51200x128xf32, #tpu.memory_space<hbm>> -> memref<51200x128xf32, #tpu.memory_space<hbm>>
        %dma_start3A_257 = tpu.memref_slice %arg23[%dma_start3A] : memref<3x!tpu.dma_semaphore, #tpu.memory_space<semaphore_mem>> -> memref<1x!tpu.dma_semaphore, #tpu.memory_space<semaphore_mem>>
        %dma_start3A_258 = tpu.memref_squeeze %dma_start3A_257 : memref<1x!tpu.dma_semaphore, #tpu.memory_space<semaphore_mem>> -> memref<!tpu.dma_semaphore, #tpu.memory_space<semaphore_mem>>
        tpu.enqueue_indirect_dma source(%dma_start3A_256 : memref<51200x128xf32, #tpu.memory_space<hbm>>) target(%arg18 : memref<128x128xf32, #tpu.memory_space<vmem>>) offsets(%arg12 : memref<128xi32, #tpu.memory_space<vmem>>) semaphore(%dma_start3A_258 : memref<!tpu.dma_semaphore, #tpu.memory_space<semaphore_mem>>)
      } else {
      }
      %add3A_196 = arith.constant 2 : i32
      %add3A_197 = arith.addi %select_n3A_177, %add3A_196 : i32
      %jit3A_198 = arith.constant 3 : i32
      %div3A_199 = arith.divsi %add3A_197, %jit3A_198 : i32
      %sign3A_200 = arith.constant 0 : i32
      %sign3A_201 = arith.cmpi sgt, %add3A_197, %sign3A_200 : i32
      %sign3A_202 = arith.extui %sign3A_201 : i1 to i32
      %sign3A_203 = arith.constant 0 : i32
      %sign3A_204 = arith.cmpi slt, %add3A_197, %sign3A_203 : i32
      %sign3A_205 = arith.extui %sign3A_204 : i1 to i32
      %sign3A_206 = arith.subi %sign3A_202, %sign3A_205 : i32
      %sign3A_207 = arith.constant 0 : i32
      %sign3A_208 = arith.cmpi sgt, %jit3A_198, %sign3A_207 : i32
      %sign3A_209 = arith.extui %sign3A_208 : i1 to i32
      %sign3A_210 = arith.constant 0 : i32
      %sign3A_211 = arith.cmpi slt, %jit3A_198, %sign3A_210 : i32
      %sign3A_212 = arith.extui %sign3A_211 : i1 to i32
      %sign3A_213 = arith.subi %sign3A_209, %sign3A_212 : i32
      %ne3A_214 = arith.cmpi ne, %sign3A_206, %sign3A_213 : i32
      %rem3A_215 = arith.remsi %add3A_197, %jit3A_198 : i32
      %ne3A_216 = arith.constant 0 : i32
      %ne3A_217 = arith.cmpi ne, %rem3A_215, %ne3A_216 : i32
      %and3A_218 = arith.andi %ne3A_214, %ne3A_217 : i1
      %sub3A_219 = arith.constant 1 : i32
      %sub3A_220 = arith.subi %div3A_199, %sub3A_219 : i32
      %select_n3A_221 = arith.select %and3A_218, %sub3A_220, %div3A_199 : i32
      %while3A_222 = arith.constant 0 : i32
      %while3A_223 = arith.constant 0 : i32
      %while3A_224 = arith.subi %select_n3A_221, %while3A_222 : i32
      %while3A_225 = arith.addi %while3A_222, %while3A_224 : i32
      %while3A_226 = arith.constant 1 : i32
      %while3A_227 = arith.divsi %while3A_224, %while3A_226 : i32
      %while3A_228 = arith.muli %while3A_227, %while3A_226 : i32
      %while3A_229 = arith.addi %while3A_222, %while3A_228 : i32
      %while3A_230 = arith.constant 1 : i32
      %while3A_231 = scf.for %while3A_235 = %while3A_222 to %while3A_229 step %while3A_230 iter_args(%while3A_236 = %while3A_223) -> (i32)  : i32 {
        %mul3A_237 = arith.constant 3 : i32
        %mul3A_238 = arith.muli %mul3A_237, %while3A_235 : i32
        %add3A_239 = arith.constant 0 : i32
        %add3A_240 = arith.addi %mul3A_238, %add3A_239 : i32
        %lt3A = arith.cmpi slt, %add3A_240, %select_n3A_177 : i32
        %convert_element_type3A_241 = arith.extui %lt3A : i1 to i32
        %cond3A_242 = arith.constant 0 : i32
        %cond3A_243 = arith.cmpi ne, %convert_element_type3A_241, %cond3A_242 : i32
        scf.if %cond3A_243 {
          %add3A_261 = arith.constant 1 : i32
          %add3A_262 = arith.addi %add3A_240, %add3A_261 : i32
          %lt3A_263 = arith.cmpi slt, %add3A_262, %select_n3A_177 : i32
          %convert_element_type3A_264 = arith.extui %lt3A_263 : i1 to i32
          %cond3A_265 = arith.constant 0 : i32
          %cond3A_266 = arith.cmpi ne, %convert_element_type3A_264, %cond3A_265 : i32
          scf.if %cond3A_266 {
            %add3A_298 = arith.constant 1 : i32
            %add3A_299 = arith.addi %add3A_240, %add3A_298 : i32
            %mul3A_300 = arith.constant 128 : i32
            %mul3A_301 = arith.muli %add3A_299, %mul3A_300 : i32
            %add3A_302 = arith.addi %mul3A_148, %mul3A_301 : i32
            %min3A_303 = arith.constant 799872 : i32
            %min3A_304 = arith.minsi %add3A_302, %min3A_303 : i32
            %dma_wait3A_305 = arith.constant 1 : i32
            %dma_wait3A_306 = tpu.memref_slice %arg3[%min3A_304] : memref<800000xi32, #tpu.memory_space<hbm>> -> memref<128xi32, #tpu.memory_space<hbm>>
            %dma_wait3A_307 = tpu.memref_slice %arg22[%dma_wait3A_305] : memref<3x!tpu.dma_semaphore, #tpu.memory_space<semaphore_mem>> -> memref<1x!tpu.dma_semaphore, #tpu.memory_space<semaphore_mem>>
            %dma_wait3A_308 = tpu.memref_squeeze %dma_wait3A_307 : memref<1x!tpu.dma_semaphore, #tpu.memory_space<semaphore_mem>> -> memref<!tpu.dma_semaphore, #tpu.memory_space<semaphore_mem>>
            %dma_wait3A_309 = tpu.memref_slice %arg3[%min3A_304] : memref<800000xi32, #tpu.memory_space<hbm>> -> memref<128xi32, #tpu.memory_space<hbm>>
            tpu.wait_dma2 semaphore(%dma_wait3A_308 : memref<!tpu.dma_semaphore, #tpu.memory_space<semaphore_mem>>) src(%dma_wait3A_309 : memref<128xi32, #tpu.memory_space<hbm>>) dst(%arg10 : memref<128xi32, #tpu.memory_space<vmem>>)
            %dma_wait3A_310 = arith.constant 1 : i32
            %dma_wait3A_311 = tpu.memref_slice %arg4[%min3A_304] : memref<800000xi32, #tpu.memory_space<hbm>> -> memref<128xi32, #tpu.memory_space<hbm>>
            %dma_wait3A_312 = tpu.memref_slice %arg22[%dma_wait3A_310] : memref<3x!tpu.dma_semaphore, #tpu.memory_space<semaphore_mem>> -> memref<1x!tpu.dma_semaphore, #tpu.memory_space<semaphore_mem>>
            %dma_wait3A_313 = tpu.memref_squeeze %dma_wait3A_312 : memref<1x!tpu.dma_semaphore, #tpu.memory_space<semaphore_mem>> -> memref<!tpu.dma_semaphore, #tpu.memory_space<semaphore_mem>>
            %dma_wait3A_314 = tpu.memref_slice %arg4[%min3A_304] : memref<800000xi32, #tpu.memory_space<hbm>> -> memref<128xi32, #tpu.memory_space<hbm>>
            tpu.wait_dma2 semaphore(%dma_wait3A_313 : memref<!tpu.dma_semaphore, #tpu.memory_space<semaphore_mem>>) src(%dma_wait3A_314 : memref<128xi32, #tpu.memory_space<hbm>>) dst(%arg13 : memref<128xi32, #tpu.memory_space<vmem>>)
            %dma_wait3A_315 = arith.constant 1 : i32
            %dma_wait3A_316 = arith.constant 0 : i32
            %dma_wait3A_317 = tpu.memref_slice %arg5[%min3A_304, %dma_wait3A_316] : memref<800000x128xf32, #tpu.memory_space<hbm>> -> memref<128x128xf32, #tpu.memory_space<hbm>>
            %dma_wait3A_318 = tpu.memref_slice %arg22[%dma_wait3A_315] : memref<3x!tpu.dma_semaphore, #tpu.memory_space<semaphore_mem>> -> memref<1x!tpu.dma_semaphore, #tpu.memory_space<semaphore_mem>>
            %dma_wait3A_319 = tpu.memref_squeeze %dma_wait3A_318 : memref<1x!tpu.dma_semaphore, #tpu.memory_space<semaphore_mem>> -> memref<!tpu.dma_semaphore, #tpu.memory_space<semaphore_mem>>
            %dma_wait3A_320 = arith.constant 0 : i32
            %dma_wait3A_321 = tpu.memref_slice %arg5[%min3A_304, %dma_wait3A_320] : memref<800000x128xf32, #tpu.memory_space<hbm>> -> memref<128x128xf32, #tpu.memory_space<hbm>>
            tpu.wait_dma2 semaphore(%dma_wait3A_319 : memref<!tpu.dma_semaphore, #tpu.memory_space<semaphore_mem>>) src(%dma_wait3A_321 : memref<128x128xf32, #tpu.memory_space<hbm>>) dst(%arg16 : memref<128x128xf32, #tpu.memory_space<vmem>>)
            %dma_start3A = arith.constant 1 : i32
            %dma_start3A_322 = arith.constant 0 : i32
            %dma_start3A_323 = arith.constant 0 : i32
            %dma_start3A_324 = tpu.memref_slice %arg2[%dma_start3A_322, %dma_start3A_323] : memref<51200x128xf32, #tpu.memory_space<hbm>> -> memref<51200x128xf32, #tpu.memory_space<hbm>>
            %dma_start3A_325 = tpu.memref_slice %arg23[%dma_start3A] : memref<3x!tpu.dma_semaphore, #tpu.memory_space<semaphore_mem>> -> memref<1x!tpu.dma_semaphore, #tpu.memory_space<semaphore_mem>>
            %dma_start3A_326 = tpu.memref_squeeze %dma_start3A_325 : memref<1x!tpu.dma_semaphore, #tpu.memory_space<semaphore_mem>> -> memref<!tpu.dma_semaphore, #tpu.memory_space<semaphore_mem>>
            tpu.enqueue_indirect_dma source(%dma_start3A_324 : memref<51200x128xf32, #tpu.memory_space<hbm>>) target(%arg19 : memref<128x128xf32, #tpu.memory_space<vmem>>) offsets(%arg13 : memref<128xi32, #tpu.memory_space<vmem>>) semaphore(%dma_start3A_326 : memref<!tpu.dma_semaphore, #tpu.memory_space<semaphore_mem>>)
          } else {
          }
          %add3A_267 = arith.constant 2 : i32
          %add3A_268 = arith.addi %add3A_240, %add3A_267 : i32
          %lt3A_269 = arith.cmpi slt, %add3A_268, %select_n3A_177 : i32
          %convert_element_type3A_270 = arith.extui %lt3A_269 : i1 to i32
          %cond3A_271 = arith.constant 0 : i32
          %cond3A_272 = arith.cmpi ne, %convert_element_type3A_270, %cond3A_271 : i32
          scf.if %cond3A_272 {
            %add3A_298 = arith.constant 2 : i32
            %add3A_299 = arith.addi %add3A_240, %add3A_298 : i32
            %mul3A_300 = arith.constant 128 : i32
            %mul3A_301 = arith.muli %add3A_299, %mul3A_300 : i32
            %add3A_302 = arith.addi %mul3A_148, %mul3A_301 : i32
            %min3A_303 = arith.constant 799872 : i32
            %min3A_304 = arith.minsi %add3A_302, %min3A_303 : i32
            %dma_start3A = arith.constant 2 : i32
            %dma_start3A_305 = tpu.memref_slice %arg3[%min3A_304] : memref<800000xi32, #tpu.memory_space<hbm>> -> memref<128xi32, #tpu.memory_space<hbm>>
            %dma_start3A_306 = tpu.memref_slice %arg22[%dma_start3A] : memref<3x!tpu.dma_semaphore, #tpu.memory_space<semaphore_mem>> -> memref<1x!tpu.dma_semaphore, #tpu.memory_space<semaphore_mem>>
            %dma_start3A_307 = tpu.memref_squeeze %dma_start3A_306 : memref<1x!tpu.dma_semaphore, #tpu.memory_space<semaphore_mem>> -> memref<!tpu.dma_semaphore, #tpu.memory_space<semaphore_mem>>
            %dma_start3A_308 = tpu.memref_slice %arg3[%min3A_304] : memref<800000xi32, #tpu.memory_space<hbm>> -> memref<128xi32, #tpu.memory_space<hbm>>
            tpu.enqueue_dma source(%dma_start3A_308 : memref<128xi32, #tpu.memory_space<hbm>>) target(%arg11 : memref<128xi32, #tpu.memory_space<vmem>>) target_semaphore(%dma_start3A_307 : memref<!tpu.dma_semaphore, #tpu.memory_space<semaphore_mem>>)
            %dma_start3A_309 = arith.constant 2 : i32
            %dma_start3A_310 = tpu.memref_slice %arg4[%min3A_304] : memref<800000xi32, #tpu.memory_space<hbm>> -> memref<128xi32, #tpu.memory_space<hbm>>
            %dma_start3A_311 = tpu.memref_slice %arg22[%dma_start3A_309] : memref<3x!tpu.dma_semaphore, #tpu.memory_space<semaphore_mem>> -> memref<1x!tpu.dma_semaphore, #tpu.memory_space<semaphore_mem>>
            %dma_start3A_312 = tpu.memref_squeeze %dma_start3A_311 : memref<1x!tpu.dma_semaphore, #tpu.memory_space<semaphore_mem>> -> memref<!tpu.dma_semaphore, #tpu.memory_space<semaphore_mem>>
            %dma_start3A_313 = tpu.memref_slice %arg4[%min3A_304] : memref<800000xi32, #tpu.memory_space<hbm>> -> memref<128xi32, #tpu.memory_space<hbm>>
            tpu.enqueue_dma source(%dma_start3A_313 : memref<128xi32, #tpu.memory_space<hbm>>) target(%arg14 : memref<128xi32, #tpu.memory_space<vmem>>) target_semaphore(%dma_start3A_312 : memref<!tpu.dma_semaphore, #tpu.memory_space<semaphore_mem>>)
            %dma_start3A_314 = arith.constant 2 : i32
            %dma_start3A_315 = arith.constant 0 : i32
            %dma_start3A_316 = tpu.memref_slice %arg5[%min3A_304, %dma_start3A_315] : memref<800000x128xf32, #tpu.memory_space<hbm>> -> memref<128x128xf32, #tpu.memory_space<hbm>>
            %dma_start3A_317 = tpu.memref_slice %arg22[%dma_start3A_314] : memref<3x!tpu.dma_semaphore, #tpu.memory_space<semaphore_mem>> -> memref<1x!tpu.dma_semaphore, #tpu.memory_space<semaphore_mem>>
            %dma_start3A_318 = tpu.memref_squeeze %dma_start3A_317 : memref<1x!tpu.dma_semaphore, #tpu.memory_space<semaphore_mem>> -> memref<!tpu.dma_semaphore, #tpu.memory_space<semaphore_mem>>
            %dma_start3A_319 = arith.constant 0 : i32
            %dma_start3A_320 = tpu.memref_slice %arg5[%min3A_304, %dma_start3A_319] : memref<800000x128xf32, #tpu.memory_space<hbm>> -> memref<128x128xf32, #tpu.memory_space<hbm>>
            tpu.enqueue_dma source(%dma_start3A_320 : memref<128x128xf32, #tpu.memory_space<hbm>>) target(%arg17 : memref<128x128xf32, #tpu.memory_space<vmem>>) target_semaphore(%dma_start3A_318 : memref<!tpu.dma_semaphore, #tpu.memory_space<semaphore_mem>>)
          } else {
          }
          %dma_wait3A = arith.constant 0 : i32
          %dma_wait3A_273 = arith.constant 0 : i32
          %dma_wait3A_274 = arith.constant 0 : i32
          %dma_wait3A_275 = tpu.memref_slice %arg2[%dma_wait3A_273, %dma_wait3A_274] : memref<51200x128xf32, #tpu.memory_space<hbm>> -> memref<51200x128xf32, #tpu.memory_space<hbm>>
          %dma_wait3A_276 = tpu.memref_slice %arg23[%dma_wait3A] : memref<3x!tpu.dma_semaphore, #tpu.memory_space<semaphore_mem>> -> memref<1x!tpu.dma_semaphore, #tpu.memory_space<semaphore_mem>>
          %dma_wait3A_277 = tpu.memref_squeeze %dma_wait3A_276 : memref<1x!tpu.dma_semaphore, #tpu.memory_space<semaphore_mem>> -> memref<!tpu.dma_semaphore, #tpu.memory_space<semaphore_mem>>
          tpu.wait_indirect_dma semaphore(%dma_wait3A_277 : memref<!tpu.dma_semaphore, #tpu.memory_space<semaphore_mem>>) src(%dma_wait3A_275 : memref<51200x128xf32, #tpu.memory_space<hbm>>) dst(%arg18 : memref<128x128xf32, #tpu.memory_space<vmem>>)
          %mul3A_278 = arith.constant 128 : i32
          %mul3A_279 = arith.muli %add3A_240, %mul3A_278 : i32
          %add3A_280 = arith.addi %mul3A_148, %mul3A_279 : i32
          %mul3A_281 = arith.constant 128 : i32
          %mul3A_282 = arith.muli %add3A_240, %mul3A_281 : i32
          %add3A_283 = arith.addi %mul3A_148, %mul3A_282 : i32
          %min3A = arith.constant 799872 : i32
          %min3A_284 = arith.minsi %add3A_283, %min3A : i32
          %max3A = arith.maxsi %squeeze3A, %add3A_280 : i32
          %sub3A_285 = arith.subi %max3A, %min3A_284 : i32
          %add3A_286 = arith.constant 128 : i32
          %add3A_287 = arith.addi %add3A_280, %add3A_286 : i32
          %min3A_288 = arith.minsi %squeeze3A_122, %add3A_287 : i32
          %sub3A_289 = arith.subi %min3A_288, %min3A_284 : i32
          %while3A_290 = arith.subi %sub3A_289, %sub3A_285 : i32
          %while3A_291 = arith.addi %sub3A_285, %while3A_290 : i32
          %while3A_292 = arith.constant 1 : i32
          %while3A_293 = arith.divsi %while3A_290, %while3A_292 : i32
          %while3A_294 = arith.muli %while3A_293, %while3A_292 : i32
          %while3A_295 = arith.addi %sub3A_285, %while3A_294 : i32
          %while3A_296 = arith.constant 1 : i32
          scf.for %while3A_298 = %sub3A_285 to %while3A_295 step %while3A_296  : i32 {
            %broadcast_in_dim3A_299 = vector.broadcast %while3A_298 : i32 to vector<16xi32>
            %gather3A = tpu.vector_load_idx %arg9[%broadcast_in_dim3A_299] : memref<128xi32, #tpu.memory_space<vmem>>[vector<16xi32>], vector<16xi32>,
            %sub3A_300 = vector.broadcast %mul3A_119 : i32 to vector<16xi32>
            %sub3A_301 = arith.subi %gather3A, %sub3A_300 : vector<16xi32>
            %gather3A_302 = tpu.vector_load_idx %arg18[%broadcast_in_dim3A_299, %iota3A] : memref<128x128xf32, #tpu.memory_space<vmem>>[vector<16xi32>, vector<16xi32>], vector<16xf32>,
            %add3A_303 = arith.constant 16 : i32
            %add3A_304 = vector.broadcast %add3A_303 : i32 to vector<16xi32>
            %add3A_305 = arith.addi %iota3A, %add3A_304 : vector<16xi32>
            %gather3A_306 = tpu.vector_load_idx %arg18[%broadcast_in_dim3A_299, %add3A_305] : memref<128x128xf32, #tpu.memory_space<vmem>>[vector<16xi32>, vector<16xi32>], vector<16xf32>,
            %mul3A_307 = arith.constant 3 : i32
            %mul3A_308 = vector.broadcast %mul3A_307 : i32 to vector<16xi32>
            %mul3A_309 = arith.muli %mul3A_308, %iota3A : vector<16xi32>
            %add3A_310 = arith.constant 32 : i32
            %add3A_311 = vector.broadcast %add3A_310 : i32 to vector<16xi32>
            %add3A_312 = arith.addi %mul3A_309, %add3A_311 : vector<16xi32>
            %gather3A_313 = tpu.vector_load_idx %arg18[%broadcast_in_dim3A_299, %add3A_312] : memref<128x128xf32, #tpu.memory_space<vmem>>[vector<16xi32>, vector<16xi32>], vector<16xf32>,
            %mul3A_314 = arith.constant 3 : i32
            %mul3A_315 = vector.broadcast %mul3A_314 : i32 to vector<16xi32>
            %mul3A_316 = arith.muli %mul3A_315, %iota3A : vector<16xi32>
            %add3A_317 = arith.constant 33 : i32
            %add3A_318 = vector.broadcast %add3A_317 : i32 to vector<16xi32>
            %add3A_319 = arith.addi %mul3A_316, %add3A_318 : vector<16xi32>
            %gather3A_320 = tpu.vector_load_idx %arg18[%broadcast_in_dim3A_299, %add3A_319] : memref<128x128xf32, #tpu.memory_space<vmem>>[vector<16xi32>, vector<16xi32>], vector<16xf32>,
            %mul3A_321 = arith.constant 3 : i32
            %mul3A_322 = vector.broadcast %mul3A_321 : i32 to vector<16xi32>
            %mul3A_323 = arith.muli %mul3A_322, %iota3A : vector<16xi32>
            %add3A_324 = arith.constant 34 : i32
            %add3A_325 = vector.broadcast %add3A_324 : i32 to vector<16xi32>
            %add3A_326 = arith.addi %mul3A_323, %add3A_325 : vector<16xi32>
            %gather3A_327 = tpu.vector_load_idx %arg18[%broadcast_in_dim3A_299, %add3A_326] : memref<128x128xf32, #tpu.memory_space<vmem>>[vector<16xi32>, vector<16xi32>], vector<16xf32>,
            %broadcast_in_dim3A_328 = arith.constant 112 : i32
            %broadcast_in_dim3A_329 = vector.broadcast %broadcast_in_dim3A_328 : i32 to vector<16xi32>
            %gather3A_330 = tpu.vector_load_idx %arg15[%broadcast_in_dim3A_299, %broadcast_in_dim3A_329] : memref<128x128xf32, #tpu.memory_space<vmem>>[vector<16xi32>, vector<16xi32>], vector<16xf32>,
            %broadcast_in_dim3A_331 = arith.constant 113 : i32
            %broadcast_in_dim3A_332 = vector.broadcast %broadcast_in_dim3A_331 : i32 to vector<16xi32>
            %gather3A_333 = tpu.vector_load_idx %arg15[%broadcast_in_dim3A_299, %broadcast_in_dim3A_332] : memref<128x128xf32, #tpu.memory_space<vmem>>[vector<16xi32>, vector<16xi32>], vector<16xf32>,
            %broadcast_in_dim3A_334 = arith.constant 114 : i32
            %broadcast_in_dim3A_335 = vector.broadcast %broadcast_in_dim3A_334 : i32 to vector<16xi32>
            %gather3A_336 = tpu.vector_load_idx %arg15[%broadcast_in_dim3A_299, %broadcast_in_dim3A_335] : memref<128x128xf32, #tpu.memory_space<vmem>>[vector<16xi32>, vector<16xi32>], vector<16xf32>,
            %gather3A_337 = tpu.vector_load_idx %arg15[%broadcast_in_dim3A_299, %iota3A] : memref<128x128xf32, #tpu.memory_space<vmem>>[vector<16xi32>, vector<16xi32>], vector<16xf32>,
            %add3A_338 = arith.constant 16 : i32
            %add3A_339 = vector.broadcast %add3A_338 : i32 to vector<16xi32>
            %add3A_340 = arith.addi %iota3A, %add3A_339 : vector<16xi32>
            %gather3A_341 = tpu.vector_load_idx %arg15[%broadcast_in_dim3A_299, %add3A_340] : memref<128x128xf32, #tpu.memory_space<vmem>>[vector<16xi32>, vector<16xi32>], vector<16xf32>,
            %add3A_342 = arith.constant 32 : i32
            %add3A_343 = vector.broadcast %add3A_342 : i32 to vector<16xi32>
            %add3A_344 = arith.addi %iota3A, %add3A_343 : vector<16xi32>
            %gather3A_345 = tpu.vector_load_idx %arg15[%broadcast_in_dim3A_299, %add3A_344] : memref<128x128xf32, #tpu.memory_space<vmem>>[vector<16xi32>, vector<16xi32>], vector<16xf32>,
            %add3A_346 = arith.constant 48 : i32
            %add3A_347 = vector.broadcast %add3A_346 : i32 to vector<16xi32>
            %add3A_348 = arith.addi %iota3A, %add3A_347 : vector<16xi32>
            %gather3A_349 = tpu.vector_load_idx %arg15[%broadcast_in_dim3A_299, %add3A_348] : memref<128x128xf32, #tpu.memory_space<vmem>>[vector<16xi32>, vector<16xi32>], vector<16xf32>,
            %add3A_350 = arith.constant 64 : i32
            %add3A_351 = vector.broadcast %add3A_350 : i32 to vector<16xi32>
            %add3A_352 = arith.addi %iota3A, %add3A_351 : vector<16xi32>
            %gather3A_353 = tpu.vector_load_idx %arg15[%broadcast_in_dim3A_299, %add3A_352] : memref<128x128xf32, #tpu.memory_space<vmem>>[vector<16xi32>, vector<16xi32>], vector<16xf32>,
            %add3A_354 = arith.constant 80 : i32
            %add3A_355 = vector.broadcast %add3A_354 : i32 to vector<16xi32>
            %add3A_356 = arith.addi %iota3A, %add3A_355 : vector<16xi32>
            %gather3A_357 = tpu.vector_load_idx %arg15[%broadcast_in_dim3A_299, %add3A_356] : memref<128x128xf32, #tpu.memory_space<vmem>>[vector<16xi32>, vector<16xi32>], vector<16xf32>,
            %add3A_358 = arith.constant 96 : i32
            %add3A_359 = vector.broadcast %add3A_358 : i32 to vector<16xi32>
            %add3A_360 = arith.addi %iota3A, %add3A_359 : vector<16xi32>
            %gather3A_361 = tpu.vector_load_idx %arg15[%broadcast_in_dim3A_299, %add3A_360] : memref<128x128xf32, #tpu.memory_space<vmem>>[vector<16xi32>, vector<16xi32>], vector<16xf32>,
            %mul3A_362 = arith.mulf %gather3A_337, %gather3A_302 : vector<16xf32>
            tpu.vector_store_idx %arg8[%sub3A_301, %iota3A], %mul3A_362 {add = true} : memref<80x256xf32, #tpu.memory_space<vmem>>[vector<16xi32>, vector<16xi32>], vector<16xf32>,
            %mul3A_363 = arith.mulf %gather3A_341, %gather3A_306 : vector<16xf32>
            tpu.vector_store_idx %arg8[%sub3A_301, %add3A_4], %mul3A_363 {add = true} : memref<80x256xf32, #tpu.memory_space<vmem>>[vector<16xi32>, vector<16xi32>], vector<16xf32>,
            %mul3A_364 = arith.mulf %gather3A_313, %gather3A_330 : vector<16xf32>
            %mul3A_365 = arith.mulf %gather3A_320, %gather3A_333 : vector<16xf32>
            %add3A_366 = arith.addf %mul3A_364, %mul3A_365 : vector<16xf32>
            %mul3A_367 = arith.mulf %gather3A_327, %gather3A_336 : vector<16xf32>
            %add3A_368 = arith.addf %add3A_366, %mul3A_367 : vector<16xf32>
            %mul3A_369 = arith.mulf %gather3A_345, %add3A_368 : vector<16xf32>
            tpu.vector_store_idx %arg8[%sub3A_301, %add3A_7], %mul3A_369 {add = true} : memref<80x256xf32, #tpu.memory_space<vmem>>[vector<16xi32>, vector<16xi32>], vector<16xf32>,
            %mul3A_370 = arith.mulf %gather3A_349, %gather3A_302 : vector<16xf32>
            %mul3A_371 = arith.mulf %gather3A_353, %gather3A_306 : vector<16xf32>
            %mul3A_372 = arith.mulf %mul3A_370, %gather3A_330 : vector<16xf32>
            tpu.vector_store_idx %arg8[%sub3A_301, %add3A_13], %mul3A_372 {add = true} : memref<80x256xf32, #tpu.memory_space<vmem>>[vector<16xi32>, vector<16xi32>], vector<16xf32>,
            %mul3A_373 = arith.mulf %mul3A_371, %gather3A_330 : vector<16xf32>
            tpu.vector_store_idx %arg8[%sub3A_301, %add3A_31], %mul3A_373 {add = true} : memref<80x256xf32, #tpu.memory_space<vmem>>[vector<16xi32>, vector<16xi32>], vector<16xf32>,
            %mul3A_374 = arith.mulf %mul3A_370, %gather3A_333 : vector<16xf32>
            tpu.vector_store_idx %arg8[%sub3A_301, %add3A_19], %mul3A_374 {add = true} : memref<80x256xf32, #tpu.memory_space<vmem>>[vector<16xi32>, vector<16xi32>], vector<16xf32>,
            %mul3A_375 = arith.mulf %mul3A_371, %gather3A_333 : vector<16xf32>
            tpu.vector_store_idx %arg8[%sub3A_301, %add3A_37], %mul3A_375 {add = true} : memref<80x256xf32, #tpu.memory_space<vmem>>[vector<16xi32>, vector<16xi32>], vector<16xf32>,
            %mul3A_376 = arith.mulf %mul3A_370, %gather3A_336 : vector<16xf32>
            tpu.vector_store_idx %arg8[%sub3A_301, %add3A_25], %mul3A_376 {add = true} : memref<80x256xf32, #tpu.memory_space<vmem>>[vector<16xi32>, vector<16xi32>], vector<16xf32>,
            %mul3A_377 = arith.mulf %mul3A_371, %gather3A_336 : vector<16xf32>
            tpu.vector_store_idx %arg8[%sub3A_301, %add3A_43], %mul3A_377 {add = true} : memref<80x256xf32, #tpu.memory_space<vmem>>[vector<16xi32>, vector<16xi32>], vector<16xf32>,
            %mul3A_378 = arith.mulf %gather3A_357, %gather3A_313 : vector<16xf32>
            tpu.vector_store_idx %arg8[%sub3A_301, %add3A_49], %mul3A_378 {add = true} : memref<80x256xf32, #tpu.memory_space<vmem>>[vector<16xi32>, vector<16xi32>], vector<16xf32>,
            %mul3A_379 = arith.mulf %gather3A_357, %gather3A_320 : vector<16xf32>
            tpu.vector_store_idx %arg8[%sub3A_301, %add3A_55], %mul3A_379 {add = true} : memref<80x256xf32, #tpu.memory_space<vmem>>[vector<16xi32>, vector<16xi32>], vector<16xf32>,
            %mul3A_380 = arith.mulf %gather3A_357, %gather3A_327 : vector<16xf32>
            tpu.vector_store_idx %arg8[%sub3A_301, %add3A_61], %mul3A_380 {add = true} : memref<80x256xf32, #tpu.memory_space<vmem>>[vector<16xi32>, vector<16xi32>], vector<16xf32>,
            %mul3A_381 = arith.mulf %gather3A_320, %gather3A_336 : vector<16xf32>
            %mul3A_382 = arith.mulf %gather3A_327, %gather3A_333 : vector<16xf32>
            %sub3A_383 = arith.subf %mul3A_381, %mul3A_382 : vector<16xf32>
            %mul3A_384 = arith.mulf %gather3A_327, %gather3A_330 : vector<16xf32>
            %mul3A_385 = arith.mulf %gather3A_313, %gather3A_336 : vector<16xf32>
            %sub3A_386 = arith.subf %mul3A_384, %mul3A_385 : vector<16xf32>
            %mul3A_387 = arith.mulf %gather3A_313, %gather3A_333 : vector<16xf32>
            %mul3A_388 = arith.mulf %gather3A_320, %gather3A_330 : vector<16xf32>
            %sub3A_389 = arith.subf %mul3A_387, %mul3A_388 : vector<16xf32>
            %mul3A_390 = arith.mulf %gather3A_361, %sub3A_383 : vector<16xf32>
            tpu.vector_store_idx %arg8[%sub3A_301, %add3A_67], %mul3A_390 {add = true} : memref<80x256xf32, #tpu.memory_space<vmem>>[vector<16xi32>, vector<16xi32>], vector<16xf32>,
            %mul3A_391 = arith.mulf %gather3A_361, %sub3A_386 : vector<16xf32>
            tpu.vector_store_idx %arg8[%sub3A_301, %add3A_73], %mul3A_391 {add = true} : memref<80x256xf32, #tpu.memory_space<vmem>>[vector<16xi32>, vector<16xi32>], vector<16xf32>,
            %mul3A_392 = arith.mulf %gather3A_361, %sub3A_389 : vector<16xf32>
            tpu.vector_store_idx %arg8[%sub3A_301, %add3A_79], %mul3A_392 {add = true} : memref<80x256xf32, #tpu.memory_space<vmem>>[vector<16xi32>, vector<16xi32>], vector<16xf32>,
          }
          %while3A_297 = arith.constant 1 : i32
          scf.for %while3A_298 = %while3A_295 to %while3A_291 step %while3A_297  : i32 {
            %broadcast_in_dim3A_299 = vector.broadcast %while3A_298 : i32 to vector<16xi32>
            %gather3A = tpu.vector_load_idx %arg9[%broadcast_in_dim3A_299] : memref<128xi32, #tpu.memory_space<vmem>>[vector<16xi32>], vector<16xi32>,
            %sub3A_300 = vector.broadcast %mul3A_119 : i32 to vector<16xi32>
            %sub3A_301 = arith.subi %gather3A, %sub3A_300 : vector<16xi32>
            %gather3A_302 = tpu.vector_load_idx %arg18[%broadcast_in_dim3A_299, %iota3A] : memref<128x128xf32, #tpu.memory_space<vmem>>[vector<16xi32>, vector<16xi32>], vector<16xf32>,
            %add3A_303 = arith.constant 16 : i32
            %add3A_304 = vector.broadcast %add3A_303 : i32 to vector<16xi32>
            %add3A_305 = arith.addi %iota3A, %add3A_304 : vector<16xi32>
            %gather3A_306 = tpu.vector_load_idx %arg18[%broadcast_in_dim3A_299, %add3A_305] : memref<128x128xf32, #tpu.memory_space<vmem>>[vector<16xi32>, vector<16xi32>], vector<16xf32>,
            %mul3A_307 = arith.constant 3 : i32
            %mul3A_308 = vector.broadcast %mul3A_307 : i32 to vector<16xi32>
            %mul3A_309 = arith.muli %mul3A_308, %iota3A : vector<16xi32>
            %add3A_310 = arith.constant 32 : i32
            %add3A_311 = vector.broadcast %add3A_310 : i32 to vector<16xi32>
            %add3A_312 = arith.addi %mul3A_309, %add3A_311 : vector<16xi32>
            %gather3A_313 = tpu.vector_load_idx %arg18[%broadcast_in_dim3A_299, %add3A_312] : memref<128x128xf32, #tpu.memory_space<vmem>>[vector<16xi32>, vector<16xi32>], vector<16xf32>,
            %mul3A_314 = arith.constant 3 : i32
            %mul3A_315 = vector.broadcast %mul3A_314 : i32 to vector<16xi32>
            %mul3A_316 = arith.muli %mul3A_315, %iota3A : vector<16xi32>
            %add3A_317 = arith.constant 33 : i32
            %add3A_318 = vector.broadcast %add3A_317 : i32 to vector<16xi32>
            %add3A_319 = arith.addi %mul3A_316, %add3A_318 : vector<16xi32>
            %gather3A_320 = tpu.vector_load_idx %arg18[%broadcast_in_dim3A_299, %add3A_319] : memref<128x128xf32, #tpu.memory_space<vmem>>[vector<16xi32>, vector<16xi32>], vector<16xf32>,
            %mul3A_321 = arith.constant 3 : i32
            %mul3A_322 = vector.broadcast %mul3A_321 : i32 to vector<16xi32>
            %mul3A_323 = arith.muli %mul3A_322, %iota3A : vector<16xi32>
            %add3A_324 = arith.constant 34 : i32
            %add3A_325 = vector.broadcast %add3A_324 : i32 to vector<16xi32>
            %add3A_326 = arith.addi %mul3A_323, %add3A_325 : vector<16xi32>
            %gather3A_327 = tpu.vector_load_idx %arg18[%broadcast_in_dim3A_299, %add3A_326] : memref<128x128xf32, #tpu.memory_space<vmem>>[vector<16xi32>, vector<16xi32>], vector<16xf32>,
            %broadcast_in_dim3A_328 = arith.constant 112 : i32
            %broadcast_in_dim3A_329 = vector.broadcast %broadcast_in_dim3A_328 : i32 to vector<16xi32>
            %gather3A_330 = tpu.vector_load_idx %arg15[%broadcast_in_dim3A_299, %broadcast_in_dim3A_329] : memref<128x128xf32, #tpu.memory_space<vmem>>[vector<16xi32>, vector<16xi32>], vector<16xf32>,
            %broadcast_in_dim3A_331 = arith.constant 113 : i32
            %broadcast_in_dim3A_332 = vector.broadcast %broadcast_in_dim3A_331 : i32 to vector<16xi32>
            %gather3A_333 = tpu.vector_load_idx %arg15[%broadcast_in_dim3A_299, %broadcast_in_dim3A_332] : memref<128x128xf32, #tpu.memory_space<vmem>>[vector<16xi32>, vector<16xi32>], vector<16xf32>,
            %broadcast_in_dim3A_334 = arith.constant 114 : i32
            %broadcast_in_dim3A_335 = vector.broadcast %broadcast_in_dim3A_334 : i32 to vector<16xi32>
            %gather3A_336 = tpu.vector_load_idx %arg15[%broadcast_in_dim3A_299, %broadcast_in_dim3A_335] : memref<128x128xf32, #tpu.memory_space<vmem>>[vector<16xi32>, vector<16xi32>], vector<16xf32>,
            %gather3A_337 = tpu.vector_load_idx %arg15[%broadcast_in_dim3A_299, %iota3A] : memref<128x128xf32, #tpu.memory_space<vmem>>[vector<16xi32>, vector<16xi32>], vector<16xf32>,
            %add3A_338 = arith.constant 16 : i32
            %add3A_339 = vector.broadcast %add3A_338 : i32 to vector<16xi32>
            %add3A_340 = arith.addi %iota3A, %add3A_339 : vector<16xi32>
            %gather3A_341 = tpu.vector_load_idx %arg15[%broadcast_in_dim3A_299, %add3A_340] : memref<128x128xf32, #tpu.memory_space<vmem>>[vector<16xi32>, vector<16xi32>], vector<16xf32>,
            %add3A_342 = arith.constant 32 : i32
            %add3A_343 = vector.broadcast %add3A_342 : i32 to vector<16xi32>
            %add3A_344 = arith.addi %iota3A, %add3A_343 : vector<16xi32>
            %gather3A_345 = tpu.vector_load_idx %arg15[%broadcast_in_dim3A_299, %add3A_344] : memref<128x128xf32, #tpu.memory_space<vmem>>[vector<16xi32>, vector<16xi32>], vector<16xf32>,
            %add3A_346 = arith.constant 48 : i32
            %add3A_347 = vector.broadcast %add3A_346 : i32 to vector<16xi32>
            %add3A_348 = arith.addi %iota3A, %add3A_347 : vector<16xi32>
            %gather3A_349 = tpu.vector_load_idx %arg15[%broadcast_in_dim3A_299, %add3A_348] : memref<128x128xf32, #tpu.memory_space<vmem>>[vector<16xi32>, vector<16xi32>], vector<16xf32>,
            %add3A_350 = arith.constant 64 : i32
            %add3A_351 = vector.broadcast %add3A_350 : i32 to vector<16xi32>
            %add3A_352 = arith.addi %iota3A, %add3A_351 : vector<16xi32>
            %gather3A_353 = tpu.vector_load_idx %arg15[%broadcast_in_dim3A_299, %add3A_352] : memref<128x128xf32, #tpu.memory_space<vmem>>[vector<16xi32>, vector<16xi32>], vector<16xf32>,
            %add3A_354 = arith.constant 80 : i32
            %add3A_355 = vector.broadcast %add3A_354 : i32 to vector<16xi32>
            %add3A_356 = arith.addi %iota3A, %add3A_355 : vector<16xi32>
            %gather3A_357 = tpu.vector_load_idx %arg15[%broadcast_in_dim3A_299, %add3A_356] : memref<128x128xf32, #tpu.memory_space<vmem>>[vector<16xi32>, vector<16xi32>], vector<16xf32>,
            %add3A_358 = arith.constant 96 : i32
            %add3A_359 = vector.broadcast %add3A_358 : i32 to vector<16xi32>
            %add3A_360 = arith.addi %iota3A, %add3A_359 : vector<16xi32>
            %gather3A_361 = tpu.vector_load_idx %arg15[%broadcast_in_dim3A_299, %add3A_360] : memref<128x128xf32, #tpu.memory_space<vmem>>[vector<16xi32>, vector<16xi32>], vector<16xf32>,
            %mul3A_362 = arith.mulf %gather3A_337, %gather3A_302 : vector<16xf32>
            tpu.vector_store_idx %arg8[%sub3A_301, %iota3A], %mul3A_362 {add = true} : memref<80x256xf32, #tpu.memory_space<vmem>>[vector<16xi32>, vector<16xi32>], vector<16xf32>,
            %mul3A_363 = arith.mulf %gather3A_341, %gather3A_306 : vector<16xf32>
            tpu.vector_store_idx %arg8[%sub3A_301, %add3A_4], %mul3A_363 {add = true} : memref<80x256xf32, #tpu.memory_space<vmem>>[vector<16xi32>, vector<16xi32>], vector<16xf32>,
            %mul3A_364 = arith.mulf %gather3A_313, %gather3A_330 : vector<16xf32>
            %mul3A_365 = arith.mulf %gather3A_320, %gather3A_333 : vector<16xf32>
            %add3A_366 = arith.addf %mul3A_364, %mul3A_365 : vector<16xf32>
            %mul3A_367 = arith.mulf %gather3A_327, %gather3A_336 : vector<16xf32>
            %add3A_368 = arith.addf %add3A_366, %mul3A_367 : vector<16xf32>
            %mul3A_369 = arith.mulf %gather3A_345, %add3A_368 : vector<16xf32>
            tpu.vector_store_idx %arg8[%sub3A_301, %add3A_7], %mul3A_369 {add = true} : memref<80x256xf32, #tpu.memory_space<vmem>>[vector<16xi32>, vector<16xi32>], vector<16xf32>,
            %mul3A_370 = arith.mulf %gather3A_349, %gather3A_302 : vector<16xf32>
            %mul3A_371 = arith.mulf %gather3A_353, %gather3A_306 : vector<16xf32>
            %mul3A_372 = arith.mulf %mul3A_370, %gather3A_330 : vector<16xf32>
            tpu.vector_store_idx %arg8[%sub3A_301, %add3A_13], %mul3A_372 {add = true} : memref<80x256xf32, #tpu.memory_space<vmem>>[vector<16xi32>, vector<16xi32>], vector<16xf32>,
            %mul3A_373 = arith.mulf %mul3A_371, %gather3A_330 : vector<16xf32>
            tpu.vector_store_idx %arg8[%sub3A_301, %add3A_31], %mul3A_373 {add = true} : memref<80x256xf32, #tpu.memory_space<vmem>>[vector<16xi32>, vector<16xi32>], vector<16xf32>,
            %mul3A_374 = arith.mulf %mul3A_370, %gather3A_333 : vector<16xf32>
            tpu.vector_store_idx %arg8[%sub3A_301, %add3A_19], %mul3A_374 {add = true} : memref<80x256xf32, #tpu.memory_space<vmem>>[vector<16xi32>, vector<16xi32>], vector<16xf32>,
            %mul3A_375 = arith.mulf %mul3A_371, %gather3A_333 : vector<16xf32>
            tpu.vector_store_idx %arg8[%sub3A_301, %add3A_37], %mul3A_375 {add = true} : memref<80x256xf32, #tpu.memory_space<vmem>>[vector<16xi32>, vector<16xi32>], vector<16xf32>,
            %mul3A_376 = arith.mulf %mul3A_370, %gather3A_336 : vector<16xf32>
            tpu.vector_store_idx %arg8[%sub3A_301, %add3A_25], %mul3A_376 {add = true} : memref<80x256xf32, #tpu.memory_space<vmem>>[vector<16xi32>, vector<16xi32>], vector<16xf32>,
            %mul3A_377 = arith.mulf %mul3A_371, %gather3A_336 : vector<16xf32>
            tpu.vector_store_idx %arg8[%sub3A_301, %add3A_43], %mul3A_377 {add = true} : memref<80x256xf32, #tpu.memory_space<vmem>>[vector<16xi32>, vector<16xi32>], vector<16xf32>,
            %mul3A_378 = arith.mulf %gather3A_357, %gather3A_313 : vector<16xf32>
            tpu.vector_store_idx %arg8[%sub3A_301, %add3A_49], %mul3A_378 {add = true} : memref<80x256xf32, #tpu.memory_space<vmem>>[vector<16xi32>, vector<16xi32>], vector<16xf32>,
            %mul3A_379 = arith.mulf %gather3A_357, %gather3A_320 : vector<16xf32>
            tpu.vector_store_idx %arg8[%sub3A_301, %add3A_55], %mul3A_379 {add = true} : memref<80x256xf32, #tpu.memory_space<vmem>>[vector<16xi32>, vector<16xi32>], vector<16xf32>,
            %mul3A_380 = arith.mulf %gather3A_357, %gather3A_327 : vector<16xf32>
            tpu.vector_store_idx %arg8[%sub3A_301, %add3A_61], %mul3A_380 {add = true} : memref<80x256xf32, #tpu.memory_space<vmem>>[vector<16xi32>, vector<16xi32>], vector<16xf32>,
            %mul3A_381 = arith.mulf %gather3A_320, %gather3A_336 : vector<16xf32>
            %mul3A_382 = arith.mulf %gather3A_327, %gather3A_333 : vector<16xf32>
            %sub3A_383 = arith.subf %mul3A_381, %mul3A_382 : vector<16xf32>
            %mul3A_384 = arith.mulf %gather3A_327, %gather3A_330 : vector<16xf32>
            %mul3A_385 = arith.mulf %gather3A_313, %gather3A_336 : vector<16xf32>
            %sub3A_386 = arith.subf %mul3A_384, %mul3A_385 : vector<16xf32>
            %mul3A_387 = arith.mulf %gather3A_313, %gather3A_333 : vector<16xf32>
            %mul3A_388 = arith.mulf %gather3A_320, %gather3A_330 : vector<16xf32>
            %sub3A_389 = arith.subf %mul3A_387, %mul3A_388 : vector<16xf32>
            %mul3A_390 = arith.mulf %gather3A_361, %sub3A_383 : vector<16xf32>
            tpu.vector_store_idx %arg8[%sub3A_301, %add3A_67], %mul3A_390 {add = true} : memref<80x256xf32, #tpu.memory_space<vmem>>[vector<16xi32>, vector<16xi32>], vector<16xf32>,
            %mul3A_391 = arith.mulf %gather3A_361, %sub3A_386 : vector<16xf32>
            tpu.vector_store_idx %arg8[%sub3A_301, %add3A_73], %mul3A_391 {add = true} : memref<80x256xf32, #tpu.memory_space<vmem>>[vector<16xi32>, vector<16xi32>], vector<16xf32>,
            %mul3A_392 = arith.mulf %gather3A_361, %sub3A_389 : vector<16xf32>
            tpu.vector_store_idx %arg8[%sub3A_301, %add3A_79], %mul3A_392 {add = true} : memref<80x256xf32, #tpu.memory_space<vmem>>[vector<16xi32>, vector<16xi32>], vector<16xf32>,
          }
        } else {
        }
        %mul3A_244 = arith.constant 3 : i32
        %mul3A_245 = arith.muli %mul3A_244, %while3A_235 : i32
        %add3A_246 = arith.constant 1 : i32
        %add3A_247 = arith.addi %mul3A_245, %add3A_246 : i32
        %lt3A_248 = arith.cmpi slt, %add3A_247, %select_n3A_177 : i32
        %convert_element_type3A_249 = arith.extui %lt3A_248 : i1 to i32
        %cond3A_250 = arith.constant 0 : i32
        %cond3A_251 = arith.cmpi ne, %convert_element_type3A_249, %cond3A_250 : i32
        scf.if %cond3A_251 {
          %add3A_261 = arith.constant 1 : i32
          %add3A_262 = arith.addi %add3A_247, %add3A_261 : i32
          %lt3A_263 = arith.cmpi slt, %add3A_262, %select_n3A_177 : i32
          %convert_element_type3A_264 = arith.extui %lt3A_263 : i1 to i32
          %cond3A_265 = arith.constant 0 : i32
          %cond3A_266 = arith.cmpi ne, %convert_element_type3A_264, %cond3A_265 : i32
          scf.if %cond3A_266 {
            %add3A_298 = arith.constant 1 : i32
            %add3A_299 = arith.addi %add3A_247, %add3A_298 : i32
            %mul3A_300 = arith.constant 128 : i32
            %mul3A_301 = arith.muli %add3A_299, %mul3A_300 : i32
            %add3A_302 = arith.addi %mul3A_148, %mul3A_301 : i32
            %min3A_303 = arith.constant 799872 : i32
            %min3A_304 = arith.minsi %add3A_302, %min3A_303 : i32
            %dma_wait3A_305 = arith.constant 2 : i32
            %dma_wait3A_306 = tpu.memref_slice %arg3[%min3A_304] : memref<800000xi32, #tpu.memory_space<hbm>> -> memref<128xi32, #tpu.memory_space<hbm>>
            %dma_wait3A_307 = tpu.memref_slice %arg22[%dma_wait3A_305] : memref<3x!tpu.dma_semaphore, #tpu.memory_space<semaphore_mem>> -> memref<1x!tpu.dma_semaphore, #tpu.memory_space<semaphore_mem>>
            %dma_wait3A_308 = tpu.memref_squeeze %dma_wait3A_307 : memref<1x!tpu.dma_semaphore, #tpu.memory_space<semaphore_mem>> -> memref<!tpu.dma_semaphore, #tpu.memory_space<semaphore_mem>>
            %dma_wait3A_309 = tpu.memref_slice %arg3[%min3A_304] : memref<800000xi32, #tpu.memory_space<hbm>> -> memref<128xi32, #tpu.memory_space<hbm>>
            tpu.wait_dma2 semaphore(%dma_wait3A_308 : memref<!tpu.dma_semaphore, #tpu.memory_space<semaphore_mem>>) src(%dma_wait3A_309 : memref<128xi32, #tpu.memory_space<hbm>>) dst(%arg11 : memref<128xi32, #tpu.memory_space<vmem>>)
            %dma_wait3A_310 = arith.constant 2 : i32
            %dma_wait3A_311 = tpu.memref_slice %arg4[%min3A_304] : memref<800000xi32, #tpu.memory_space<hbm>> -> memref<128xi32, #tpu.memory_space<hbm>>
            %dma_wait3A_312 = tpu.memref_slice %arg22[%dma_wait3A_310] : memref<3x!tpu.dma_semaphore, #tpu.memory_space<semaphore_mem>> -> memref<1x!tpu.dma_semaphore, #tpu.memory_space<semaphore_mem>>
            %dma_wait3A_313 = tpu.memref_squeeze %dma_wait3A_312 : memref<1x!tpu.dma_semaphore, #tpu.memory_space<semaphore_mem>> -> memref<!tpu.dma_semaphore, #tpu.memory_space<semaphore_mem>>
            %dma_wait3A_314 = tpu.memref_slice %arg4[%min3A_304] : memref<800000xi32, #tpu.memory_space<hbm>> -> memref<128xi32, #tpu.memory_space<hbm>>
            tpu.wait_dma2 semaphore(%dma_wait3A_313 : memref<!tpu.dma_semaphore, #tpu.memory_space<semaphore_mem>>) src(%dma_wait3A_314 : memref<128xi32, #tpu.memory_space<hbm>>) dst(%arg14 : memref<128xi32, #tpu.memory_space<vmem>>)
            %dma_wait3A_315 = arith.constant 2 : i32
            %dma_wait3A_316 = arith.constant 0 : i32
            %dma_wait3A_317 = tpu.memref_slice %arg5[%min3A_304, %dma_wait3A_316] : memref<800000x128xf32, #tpu.memory_space<hbm>> -> memref<128x128xf32, #tpu.memory_space<hbm>>
            %dma_wait3A_318 = tpu.memref_slice %arg22[%dma_wait3A_315] : memref<3x!tpu.dma_semaphore, #tpu.memory_space<semaphore_mem>> -> memref<1x!tpu.dma_semaphore, #tpu.memory_space<semaphore_mem>>
            %dma_wait3A_319 = tpu.memref_squeeze %dma_wait3A_318 : memref<1x!tpu.dma_semaphore, #tpu.memory_space<semaphore_mem>> -> memref<!tpu.dma_semaphore, #tpu.memory_space<semaphore_mem>>
            %dma_wait3A_320 = arith.constant 0 : i32
            %dma_wait3A_321 = tpu.memref_slice %arg5[%min3A_304, %dma_wait3A_320] : memref<800000x128xf32, #tpu.memory_space<hbm>> -> memref<128x128xf32, #tpu.memory_space<hbm>>
            tpu.wait_dma2 semaphore(%dma_wait3A_319 : memref<!tpu.dma_semaphore, #tpu.memory_space<semaphore_mem>>) src(%dma_wait3A_321 : memref<128x128xf32, #tpu.memory_space<hbm>>) dst(%arg17 : memref<128x128xf32, #tpu.memory_space<vmem>>)
            %dma_start3A = arith.constant 2 : i32
            %dma_start3A_322 = arith.constant 0 : i32
            %dma_start3A_323 = arith.constant 0 : i32
            %dma_start3A_324 = tpu.memref_slice %arg2[%dma_start3A_322, %dma_start3A_323] : memref<51200x128xf32, #tpu.memory_space<hbm>> -> memref<51200x128xf32, #tpu.memory_space<hbm>>
            %dma_start3A_325 = tpu.memref_slice %arg23[%dma_start3A] : memref<3x!tpu.dma_semaphore, #tpu.memory_space<semaphore_mem>> -> memref<1x!tpu.dma_semaphore, #tpu.memory_space<semaphore_mem>>
            %dma_start3A_326 = tpu.memref_squeeze %dma_start3A_325 : memref<1x!tpu.dma_semaphore, #tpu.memory_space<semaphore_mem>> -> memref<!tpu.dma_semaphore, #tpu.memory_space<semaphore_mem>>
            tpu.enqueue_indirect_dma source(%dma_start3A_324 : memref<51200x128xf32, #tpu.memory_space<hbm>>) target(%arg20 : memref<128x128xf32, #tpu.memory_space<vmem>>) offsets(%arg14 : memref<128xi32, #tpu.memory_space<vmem>>) semaphore(%dma_start3A_326 : memref<!tpu.dma_semaphore, #tpu.memory_space<semaphore_mem>>)
          } else {
          }
          %add3A_267 = arith.constant 2 : i32
          %add3A_268 = arith.addi %add3A_247, %add3A_267 : i32
          %lt3A_269 = arith.cmpi slt, %add3A_268, %select_n3A_177 : i32
          %convert_element_type3A_270 = arith.extui %lt3A_269 : i1 to i32
          %cond3A_271 = arith.constant 0 : i32
          %cond3A_272 = arith.cmpi ne, %convert_element_type3A_270, %cond3A_271 : i32
          scf.if %cond3A_272 {
            %add3A_298 = arith.constant 2 : i32
            %add3A_299 = arith.addi %add3A_247, %add3A_298 : i32
            %mul3A_300 = arith.constant 128 : i32
            %mul3A_301 = arith.muli %add3A_299, %mul3A_300 : i32
            %add3A_302 = arith.addi %mul3A_148, %mul3A_301 : i32
            %min3A_303 = arith.constant 799872 : i32
            %min3A_304 = arith.minsi %add3A_302, %min3A_303 : i32
            %dma_start3A = arith.constant 0 : i32
            %dma_start3A_305 = tpu.memref_slice %arg3[%min3A_304] : memref<800000xi32, #tpu.memory_space<hbm>> -> memref<128xi32, #tpu.memory_space<hbm>>
            %dma_start3A_306 = tpu.memref_slice %arg22[%dma_start3A] : memref<3x!tpu.dma_semaphore, #tpu.memory_space<semaphore_mem>> -> memref<1x!tpu.dma_semaphore, #tpu.memory_space<semaphore_mem>>
            %dma_start3A_307 = tpu.memref_squeeze %dma_start3A_306 : memref<1x!tpu.dma_semaphore, #tpu.memory_space<semaphore_mem>> -> memref<!tpu.dma_semaphore, #tpu.memory_space<semaphore_mem>>
            %dma_start3A_308 = tpu.memref_slice %arg3[%min3A_304] : memref<800000xi32, #tpu.memory_space<hbm>> -> memref<128xi32, #tpu.memory_space<hbm>>
            tpu.enqueue_dma source(%dma_start3A_308 : memref<128xi32, #tpu.memory_space<hbm>>) target(%arg9 : memref<128xi32, #tpu.memory_space<vmem>>) target_semaphore(%dma_start3A_307 : memref<!tpu.dma_semaphore, #tpu.memory_space<semaphore_mem>>)
            %dma_start3A_309 = arith.constant 0 : i32
            %dma_start3A_310 = tpu.memref_slice %arg4[%min3A_304] : memref<800000xi32, #tpu.memory_space<hbm>> -> memref<128xi32, #tpu.memory_space<hbm>>
            %dma_start3A_311 = tpu.memref_slice %arg22[%dma_start3A_309] : memref<3x!tpu.dma_semaphore, #tpu.memory_space<semaphore_mem>> -> memref<1x!tpu.dma_semaphore, #tpu.memory_space<semaphore_mem>>
            %dma_start3A_312 = tpu.memref_squeeze %dma_start3A_311 : memref<1x!tpu.dma_semaphore, #tpu.memory_space<semaphore_mem>> -> memref<!tpu.dma_semaphore, #tpu.memory_space<semaphore_mem>>
            %dma_start3A_313 = tpu.memref_slice %arg4[%min3A_304] : memref<800000xi32, #tpu.memory_space<hbm>> -> memref<128xi32, #tpu.memory_space<hbm>>
            tpu.enqueue_dma source(%dma_start3A_313 : memref<128xi32, #tpu.memory_space<hbm>>) target(%arg12 : memref<128xi32, #tpu.memory_space<vmem>>) target_semaphore(%dma_start3A_312 : memref<!tpu.dma_semaphore, #tpu.memory_space<semaphore_mem>>)
            %dma_start3A_314 = arith.constant 0 : i32
            %dma_start3A_315 = arith.constant 0 : i32
            %dma_start3A_316 = tpu.memref_slice %arg5[%min3A_304, %dma_start3A_315] : memref<800000x128xf32, #tpu.memory_space<hbm>> -> memref<128x128xf32, #tpu.memory_space<hbm>>
            %dma_start3A_317 = tpu.memref_slice %arg22[%dma_start3A_314] : memref<3x!tpu.dma_semaphore, #tpu.memory_space<semaphore_mem>> -> memref<1x!tpu.dma_semaphore, #tpu.memory_space<semaphore_mem>>
            %dma_start3A_318 = tpu.memref_squeeze %dma_start3A_317 : memref<1x!tpu.dma_semaphore, #tpu.memory_space<semaphore_mem>> -> memref<!tpu.dma_semaphore, #tpu.memory_space<semaphore_mem>>
            %dma_start3A_319 = arith.constant 0 : i32
            %dma_start3A_320 = tpu.memref_slice %arg5[%min3A_304, %dma_start3A_319] : memref<800000x128xf32, #tpu.memory_space<hbm>> -> memref<128x128xf32, #tpu.memory_space<hbm>>
            tpu.enqueue_dma source(%dma_start3A_320 : memref<128x128xf32, #tpu.memory_space<hbm>>) target(%arg15 : memref<128x128xf32, #tpu.memory_space<vmem>>) target_semaphore(%dma_start3A_318 : memref<!tpu.dma_semaphore, #tpu.memory_space<semaphore_mem>>)
          } else {
          }
          %dma_wait3A = arith.constant 1 : i32
          %dma_wait3A_273 = arith.constant 0 : i32
          %dma_wait3A_274 = arith.constant 0 : i32
          %dma_wait3A_275 = tpu.memref_slice %arg2[%dma_wait3A_273, %dma_wait3A_274] : memref<51200x128xf32, #tpu.memory_space<hbm>> -> memref<51200x128xf32, #tpu.memory_space<hbm>>
          %dma_wait3A_276 = tpu.memref_slice %arg23[%dma_wait3A] : memref<3x!tpu.dma_semaphore, #tpu.memory_space<semaphore_mem>> -> memref<1x!tpu.dma_semaphore, #tpu.memory_space<semaphore_mem>>
          %dma_wait3A_277 = tpu.memref_squeeze %dma_wait3A_276 : memref<1x!tpu.dma_semaphore, #tpu.memory_space<semaphore_mem>> -> memref<!tpu.dma_semaphore, #tpu.memory_space<semaphore_mem>>
          tpu.wait_indirect_dma semaphore(%dma_wait3A_277 : memref<!tpu.dma_semaphore, #tpu.memory_space<semaphore_mem>>) src(%dma_wait3A_275 : memref<51200x128xf32, #tpu.memory_space<hbm>>) dst(%arg19 : memref<128x128xf32, #tpu.memory_space<vmem>>)
          %mul3A_278 = arith.constant 128 : i32
          %mul3A_279 = arith.muli %add3A_247, %mul3A_278 : i32
          %add3A_280 = arith.addi %mul3A_148, %mul3A_279 : i32
          %mul3A_281 = arith.constant 128 : i32
          %mul3A_282 = arith.muli %add3A_247, %mul3A_281 : i32
          %add3A_283 = arith.addi %mul3A_148, %mul3A_282 : i32
          %min3A = arith.constant 799872 : i32
          %min3A_284 = arith.minsi %add3A_283, %min3A : i32
          %max3A = arith.maxsi %squeeze3A, %add3A_280 : i32
          %sub3A_285 = arith.subi %max3A, %min3A_284 : i32
          %add3A_286 = arith.constant 128 : i32
          %add3A_287 = arith.addi %add3A_280, %add3A_286 : i32
          %min3A_288 = arith.minsi %squeeze3A_122, %add3A_287 : i32
          %sub3A_289 = arith.subi %min3A_288, %min3A_284 : i32
          %while3A_290 = arith.subi %sub3A_289, %sub3A_285 : i32
          %while3A_291 = arith.addi %sub3A_285, %while3A_290 : i32
          %while3A_292 = arith.constant 1 : i32
          %while3A_293 = arith.divsi %while3A_290, %while3A_292 : i32
          %while3A_294 = arith.muli %while3A_293, %while3A_292 : i32
          %while3A_295 = arith.addi %sub3A_285, %while3A_294 : i32
          %while3A_296 = arith.constant 1 : i32
          scf.for %while3A_298 = %sub3A_285 to %while3A_295 step %while3A_296  : i32 {
            %broadcast_in_dim3A_299 = vector.broadcast %while3A_298 : i32 to vector<16xi32>
            %gather3A = tpu.vector_load_idx %arg10[%broadcast_in_dim3A_299] : memref<128xi32, #tpu.memory_space<vmem>>[vector<16xi32>], vector<16xi32>,
            %sub3A_300 = vector.broadcast %mul3A_119 : i32 to vector<16xi32>
            %sub3A_301 = arith.subi %gather3A, %sub3A_300 : vector<16xi32>
            %gather3A_302 = tpu.vector_load_idx %arg19[%broadcast_in_dim3A_299, %iota3A] : memref<128x128xf32, #tpu.memory_space<vmem>>[vector<16xi32>, vector<16xi32>], vector<16xf32>,
            %add3A_303 = arith.constant 16 : i32
            %add3A_304 = vector.broadcast %add3A_303 : i32 to vector<16xi32>
            %add3A_305 = arith.addi %iota3A, %add3A_304 : vector<16xi32>
            %gather3A_306 = tpu.vector_load_idx %arg19[%broadcast_in_dim3A_299, %add3A_305] : memref<128x128xf32, #tpu.memory_space<vmem>>[vector<16xi32>, vector<16xi32>], vector<16xf32>,
            %mul3A_307 = arith.constant 3 : i32
            %mul3A_308 = vector.broadcast %mul3A_307 : i32 to vector<16xi32>
            %mul3A_309 = arith.muli %mul3A_308, %iota3A : vector<16xi32>
            %add3A_310 = arith.constant 32 : i32
            %add3A_311 = vector.broadcast %add3A_310 : i32 to vector<16xi32>
            %add3A_312 = arith.addi %mul3A_309, %add3A_311 : vector<16xi32>
            %gather3A_313 = tpu.vector_load_idx %arg19[%broadcast_in_dim3A_299, %add3A_312] : memref<128x128xf32, #tpu.memory_space<vmem>>[vector<16xi32>, vector<16xi32>], vector<16xf32>,
            %mul3A_314 = arith.constant 3 : i32
            %mul3A_315 = vector.broadcast %mul3A_314 : i32 to vector<16xi32>
            %mul3A_316 = arith.muli %mul3A_315, %iota3A : vector<16xi32>
            %add3A_317 = arith.constant 33 : i32
            %add3A_318 = vector.broadcast %add3A_317 : i32 to vector<16xi32>
            %add3A_319 = arith.addi %mul3A_316, %add3A_318 : vector<16xi32>
            %gather3A_320 = tpu.vector_load_idx %arg19[%broadcast_in_dim3A_299, %add3A_319] : memref<128x128xf32, #tpu.memory_space<vmem>>[vector<16xi32>, vector<16xi32>], vector<16xf32>,
            %mul3A_321 = arith.constant 3 : i32
            %mul3A_322 = vector.broadcast %mul3A_321 : i32 to vector<16xi32>
            %mul3A_323 = arith.muli %mul3A_322, %iota3A : vector<16xi32>
            %add3A_324 = arith.constant 34 : i32
            %add3A_325 = vector.broadcast %add3A_324 : i32 to vector<16xi32>
            %add3A_326 = arith.addi %mul3A_323, %add3A_325 : vector<16xi32>
            %gather3A_327 = tpu.vector_load_idx %arg19[%broadcast_in_dim3A_299, %add3A_326] : memref<128x128xf32, #tpu.memory_space<vmem>>[vector<16xi32>, vector<16xi32>], vector<16xf32>,
            %broadcast_in_dim3A_328 = arith.constant 112 : i32
            %broadcast_in_dim3A_329 = vector.broadcast %broadcast_in_dim3A_328 : i32 to vector<16xi32>
            %gather3A_330 = tpu.vector_load_idx %arg16[%broadcast_in_dim3A_299, %broadcast_in_dim3A_329] : memref<128x128xf32, #tpu.memory_space<vmem>>[vector<16xi32>, vector<16xi32>], vector<16xf32>,
            %broadcast_in_dim3A_331 = arith.constant 113 : i32
            %broadcast_in_dim3A_332 = vector.broadcast %broadcast_in_dim3A_331 : i32 to vector<16xi32>
            %gather3A_333 = tpu.vector_load_idx %arg16[%broadcast_in_dim3A_299, %broadcast_in_dim3A_332] : memref<128x128xf32, #tpu.memory_space<vmem>>[vector<16xi32>, vector<16xi32>], vector<16xf32>,
            %broadcast_in_dim3A_334 = arith.constant 114 : i32
            %broadcast_in_dim3A_335 = vector.broadcast %broadcast_in_dim3A_334 : i32 to vector<16xi32>
            %gather3A_336 = tpu.vector_load_idx %arg16[%broadcast_in_dim3A_299, %broadcast_in_dim3A_335] : memref<128x128xf32, #tpu.memory_space<vmem>>[vector<16xi32>, vector<16xi32>], vector<16xf32>,
            %gather3A_337 = tpu.vector_load_idx %arg16[%broadcast_in_dim3A_299, %iota3A] : memref<128x128xf32, #tpu.memory_space<vmem>>[vector<16xi32>, vector<16xi32>], vector<16xf32>,
            %add3A_338 = arith.constant 16 : i32
            %add3A_339 = vector.broadcast %add3A_338 : i32 to vector<16xi32>
            %add3A_340 = arith.addi %iota3A, %add3A_339 : vector<16xi32>
            %gather3A_341 = tpu.vector_load_idx %arg16[%broadcast_in_dim3A_299, %add3A_340] : memref<128x128xf32, #tpu.memory_space<vmem>>[vector<16xi32>, vector<16xi32>], vector<16xf32>,
            %add3A_342 = arith.constant 32 : i32
            %add3A_343 = vector.broadcast %add3A_342 : i32 to vector<16xi32>
            %add3A_344 = arith.addi %iota3A, %add3A_343 : vector<16xi32>
            %gather3A_345 = tpu.vector_load_idx %arg16[%broadcast_in_dim3A_299, %add3A_344] : memref<128x128xf32, #tpu.memory_space<vmem>>[vector<16xi32>, vector<16xi32>], vector<16xf32>,
            %add3A_346 = arith.constant 48 : i32
            %add3A_347 = vector.broadcast %add3A_346 : i32 to vector<16xi32>
            %add3A_348 = arith.addi %iota3A, %add3A_347 : vector<16xi32>
            %gather3A_349 = tpu.vector_load_idx %arg16[%broadcast_in_dim3A_299, %add3A_348] : memref<128x128xf32, #tpu.memory_space<vmem>>[vector<16xi32>, vector<16xi32>], vector<16xf32>,
            %add3A_350 = arith.constant 64 : i32
            %add3A_351 = vector.broadcast %add3A_350 : i32 to vector<16xi32>
            %add3A_352 = arith.addi %iota3A, %add3A_351 : vector<16xi32>
            %gather3A_353 = tpu.vector_load_idx %arg16[%broadcast_in_dim3A_299, %add3A_352] : memref<128x128xf32, #tpu.memory_space<vmem>>[vector<16xi32>, vector<16xi32>], vector<16xf32>,
            %add3A_354 = arith.constant 80 : i32
            %add3A_355 = vector.broadcast %add3A_354 : i32 to vector<16xi32>
            %add3A_356 = arith.addi %iota3A, %add3A_355 : vector<16xi32>
            %gather3A_357 = tpu.vector_load_idx %arg16[%broadcast_in_dim3A_299, %add3A_356] : memref<128x128xf32, #tpu.memory_space<vmem>>[vector<16xi32>, vector<16xi32>], vector<16xf32>,
            %add3A_358 = arith.constant 96 : i32
            %add3A_359 = vector.broadcast %add3A_358 : i32 to vector<16xi32>
            %add3A_360 = arith.addi %iota3A, %add3A_359 : vector<16xi32>
            %gather3A_361 = tpu.vector_load_idx %arg16[%broadcast_in_dim3A_299, %add3A_360] : memref<128x128xf32, #tpu.memory_space<vmem>>[vector<16xi32>, vector<16xi32>], vector<16xf32>,
            %mul3A_362 = arith.mulf %gather3A_337, %gather3A_302 : vector<16xf32>
            tpu.vector_store_idx %arg8[%sub3A_301, %iota3A], %mul3A_362 {add = true} : memref<80x256xf32, #tpu.memory_space<vmem>>[vector<16xi32>, vector<16xi32>], vector<16xf32>,
            %mul3A_363 = arith.mulf %gather3A_341, %gather3A_306 : vector<16xf32>
            tpu.vector_store_idx %arg8[%sub3A_301, %add3A_4], %mul3A_363 {add = true} : memref<80x256xf32, #tpu.memory_space<vmem>>[vector<16xi32>, vector<16xi32>], vector<16xf32>,
            %mul3A_364 = arith.mulf %gather3A_313, %gather3A_330 : vector<16xf32>
            %mul3A_365 = arith.mulf %gather3A_320, %gather3A_333 : vector<16xf32>
            %add3A_366 = arith.addf %mul3A_364, %mul3A_365 : vector<16xf32>
            %mul3A_367 = arith.mulf %gather3A_327, %gather3A_336 : vector<16xf32>
            %add3A_368 = arith.addf %add3A_366, %mul3A_367 : vector<16xf32>
            %mul3A_369 = arith.mulf %gather3A_345, %add3A_368 : vector<16xf32>
            tpu.vector_store_idx %arg8[%sub3A_301, %add3A_7], %mul3A_369 {add = true} : memref<80x256xf32, #tpu.memory_space<vmem>>[vector<16xi32>, vector<16xi32>], vector<16xf32>,
            %mul3A_370 = arith.mulf %gather3A_349, %gather3A_302 : vector<16xf32>
            %mul3A_371 = arith.mulf %gather3A_353, %gather3A_306 : vector<16xf32>
            %mul3A_372 = arith.mulf %mul3A_370, %gather3A_330 : vector<16xf32>
            tpu.vector_store_idx %arg8[%sub3A_301, %add3A_13], %mul3A_372 {add = true} : memref<80x256xf32, #tpu.memory_space<vmem>>[vector<16xi32>, vector<16xi32>], vector<16xf32>,
            %mul3A_373 = arith.mulf %mul3A_371, %gather3A_330 : vector<16xf32>
            tpu.vector_store_idx %arg8[%sub3A_301, %add3A_31], %mul3A_373 {add = true} : memref<80x256xf32, #tpu.memory_space<vmem>>[vector<16xi32>, vector<16xi32>], vector<16xf32>,
            %mul3A_374 = arith.mulf %mul3A_370, %gather3A_333 : vector<16xf32>
            tpu.vector_store_idx %arg8[%sub3A_301, %add3A_19], %mul3A_374 {add = true} : memref<80x256xf32, #tpu.memory_space<vmem>>[vector<16xi32>, vector<16xi32>], vector<16xf32>,
            %mul3A_375 = arith.mulf %mul3A_371, %gather3A_333 : vector<16xf32>
            tpu.vector_store_idx %arg8[%sub3A_301, %add3A_37], %mul3A_375 {add = true} : memref<80x256xf32, #tpu.memory_space<vmem>>[vector<16xi32>, vector<16xi32>], vector<16xf32>,
            %mul3A_376 = arith.mulf %mul3A_370, %gather3A_336 : vector<16xf32>
            tpu.vector_store_idx %arg8[%sub3A_301, %add3A_25], %mul3A_376 {add = true} : memref<80x256xf32, #tpu.memory_space<vmem>>[vector<16xi32>, vector<16xi32>], vector<16xf32>,
            %mul3A_377 = arith.mulf %mul3A_371, %gather3A_336 : vector<16xf32>
            tpu.vector_store_idx %arg8[%sub3A_301, %add3A_43], %mul3A_377 {add = true} : memref<80x256xf32, #tpu.memory_space<vmem>>[vector<16xi32>, vector<16xi32>], vector<16xf32>,
            %mul3A_378 = arith.mulf %gather3A_357, %gather3A_313 : vector<16xf32>
            tpu.vector_store_idx %arg8[%sub3A_301, %add3A_49], %mul3A_378 {add = true} : memref<80x256xf32, #tpu.memory_space<vmem>>[vector<16xi32>, vector<16xi32>], vector<16xf32>,
            %mul3A_379 = arith.mulf %gather3A_357, %gather3A_320 : vector<16xf32>
            tpu.vector_store_idx %arg8[%sub3A_301, %add3A_55], %mul3A_379 {add = true} : memref<80x256xf32, #tpu.memory_space<vmem>>[vector<16xi32>, vector<16xi32>], vector<16xf32>,
            %mul3A_380 = arith.mulf %gather3A_357, %gather3A_327 : vector<16xf32>
            tpu.vector_store_idx %arg8[%sub3A_301, %add3A_61], %mul3A_380 {add = true} : memref<80x256xf32, #tpu.memory_space<vmem>>[vector<16xi32>, vector<16xi32>], vector<16xf32>,
            %mul3A_381 = arith.mulf %gather3A_320, %gather3A_336 : vector<16xf32>
            %mul3A_382 = arith.mulf %gather3A_327, %gather3A_333 : vector<16xf32>
            %sub3A_383 = arith.subf %mul3A_381, %mul3A_382 : vector<16xf32>
            %mul3A_384 = arith.mulf %gather3A_327, %gather3A_330 : vector<16xf32>
            %mul3A_385 = arith.mulf %gather3A_313, %gather3A_336 : vector<16xf32>
            %sub3A_386 = arith.subf %mul3A_384, %mul3A_385 : vector<16xf32>
            %mul3A_387 = arith.mulf %gather3A_313, %gather3A_333 : vector<16xf32>
            %mul3A_388 = arith.mulf %gather3A_320, %gather3A_330 : vector<16xf32>
            %sub3A_389 = arith.subf %mul3A_387, %mul3A_388 : vector<16xf32>
            %mul3A_390 = arith.mulf %gather3A_361, %sub3A_383 : vector<16xf32>
            tpu.vector_store_idx %arg8[%sub3A_301, %add3A_67], %mul3A_390 {add = true} : memref<80x256xf32, #tpu.memory_space<vmem>>[vector<16xi32>, vector<16xi32>], vector<16xf32>,
            %mul3A_391 = arith.mulf %gather3A_361, %sub3A_386 : vector<16xf32>
            tpu.vector_store_idx %arg8[%sub3A_301, %add3A_73], %mul3A_391 {add = true} : memref<80x256xf32, #tpu.memory_space<vmem>>[vector<16xi32>, vector<16xi32>], vector<16xf32>,
            %mul3A_392 = arith.mulf %gather3A_361, %sub3A_389 : vector<16xf32>
            tpu.vector_store_idx %arg8[%sub3A_301, %add3A_79], %mul3A_392 {add = true} : memref<80x256xf32, #tpu.memory_space<vmem>>[vector<16xi32>, vector<16xi32>], vector<16xf32>,
          }
          %while3A_297 = arith.constant 1 : i32
          scf.for %while3A_298 = %while3A_295 to %while3A_291 step %while3A_297  : i32 {
            %broadcast_in_dim3A_299 = vector.broadcast %while3A_298 : i32 to vector<16xi32>
            %gather3A = tpu.vector_load_idx %arg10[%broadcast_in_dim3A_299] : memref<128xi32, #tpu.memory_space<vmem>>[vector<16xi32>], vector<16xi32>,
            %sub3A_300 = vector.broadcast %mul3A_119 : i32 to vector<16xi32>
            %sub3A_301 = arith.subi %gather3A, %sub3A_300 : vector<16xi32>
            %gather3A_302 = tpu.vector_load_idx %arg19[%broadcast_in_dim3A_299, %iota3A] : memref<128x128xf32, #tpu.memory_space<vmem>>[vector<16xi32>, vector<16xi32>], vector<16xf32>,
            %add3A_303 = arith.constant 16 : i32
            %add3A_304 = vector.broadcast %add3A_303 : i32 to vector<16xi32>
            %add3A_305 = arith.addi %iota3A, %add3A_304 : vector<16xi32>
            %gather3A_306 = tpu.vector_load_idx %arg19[%broadcast_in_dim3A_299, %add3A_305] : memref<128x128xf32, #tpu.memory_space<vmem>>[vector<16xi32>, vector<16xi32>], vector<16xf32>,
            %mul3A_307 = arith.constant 3 : i32
            %mul3A_308 = vector.broadcast %mul3A_307 : i32 to vector<16xi32>
            %mul3A_309 = arith.muli %mul3A_308, %iota3A : vector<16xi32>
            %add3A_310 = arith.constant 32 : i32
            %add3A_311 = vector.broadcast %add3A_310 : i32 to vector<16xi32>
            %add3A_312 = arith.addi %mul3A_309, %add3A_311 : vector<16xi32>
            %gather3A_313 = tpu.vector_load_idx %arg19[%broadcast_in_dim3A_299, %add3A_312] : memref<128x128xf32, #tpu.memory_space<vmem>>[vector<16xi32>, vector<16xi32>], vector<16xf32>,
            %mul3A_314 = arith.constant 3 : i32
            %mul3A_315 = vector.broadcast %mul3A_314 : i32 to vector<16xi32>
            %mul3A_316 = arith.muli %mul3A_315, %iota3A : vector<16xi32>
            %add3A_317 = arith.constant 33 : i32
            %add3A_318 = vector.broadcast %add3A_317 : i32 to vector<16xi32>
            %add3A_319 = arith.addi %mul3A_316, %add3A_318 : vector<16xi32>
            %gather3A_320 = tpu.vector_load_idx %arg19[%broadcast_in_dim3A_299, %add3A_319] : memref<128x128xf32, #tpu.memory_space<vmem>>[vector<16xi32>, vector<16xi32>], vector<16xf32>,
            %mul3A_321 = arith.constant 3 : i32
            %mul3A_322 = vector.broadcast %mul3A_321 : i32 to vector<16xi32>
            %mul3A_323 = arith.muli %mul3A_322, %iota3A : vector<16xi32>
            %add3A_324 = arith.constant 34 : i32
            %add3A_325 = vector.broadcast %add3A_324 : i32 to vector<16xi32>
            %add3A_326 = arith.addi %mul3A_323, %add3A_325 : vector<16xi32>
            %gather3A_327 = tpu.vector_load_idx %arg19[%broadcast_in_dim3A_299, %add3A_326] : memref<128x128xf32, #tpu.memory_space<vmem>>[vector<16xi32>, vector<16xi32>], vector<16xf32>,
            %broadcast_in_dim3A_328 = arith.constant 112 : i32
            %broadcast_in_dim3A_329 = vector.broadcast %broadcast_in_dim3A_328 : i32 to vector<16xi32>
            %gather3A_330 = tpu.vector_load_idx %arg16[%broadcast_in_dim3A_299, %broadcast_in_dim3A_329] : memref<128x128xf32, #tpu.memory_space<vmem>>[vector<16xi32>, vector<16xi32>], vector<16xf32>,
            %broadcast_in_dim3A_331 = arith.constant 113 : i32
            %broadcast_in_dim3A_332 = vector.broadcast %broadcast_in_dim3A_331 : i32 to vector<16xi32>
            %gather3A_333 = tpu.vector_load_idx %arg16[%broadcast_in_dim3A_299, %broadcast_in_dim3A_332] : memref<128x128xf32, #tpu.memory_space<vmem>>[vector<16xi32>, vector<16xi32>], vector<16xf32>,
            %broadcast_in_dim3A_334 = arith.constant 114 : i32
            %broadcast_in_dim3A_335 = vector.broadcast %broadcast_in_dim3A_334 : i32 to vector<16xi32>
            %gather3A_336 = tpu.vector_load_idx %arg16[%broadcast_in_dim3A_299, %broadcast_in_dim3A_335] : memref<128x128xf32, #tpu.memory_space<vmem>>[vector<16xi32>, vector<16xi32>], vector<16xf32>,
            %gather3A_337 = tpu.vector_load_idx %arg16[%broadcast_in_dim3A_299, %iota3A] : memref<128x128xf32, #tpu.memory_space<vmem>>[vector<16xi32>, vector<16xi32>], vector<16xf32>,
            %add3A_338 = arith.constant 16 : i32
            %add3A_339 = vector.broadcast %add3A_338 : i32 to vector<16xi32>
            %add3A_340 = arith.addi %iota3A, %add3A_339 : vector<16xi32>
            %gather3A_341 = tpu.vector_load_idx %arg16[%broadcast_in_dim3A_299, %add3A_340] : memref<128x128xf32, #tpu.memory_space<vmem>>[vector<16xi32>, vector<16xi32>], vector<16xf32>,
            %add3A_342 = arith.constant 32 : i32
            %add3A_343 = vector.broadcast %add3A_342 : i32 to vector<16xi32>
            %add3A_344 = arith.addi %iota3A, %add3A_343 : vector<16xi32>
            %gather3A_345 = tpu.vector_load_idx %arg16[%broadcast_in_dim3A_299, %add3A_344] : memref<128x128xf32, #tpu.memory_space<vmem>>[vector<16xi32>, vector<16xi32>], vector<16xf32>,
            %add3A_346 = arith.constant 48 : i32
            %add3A_347 = vector.broadcast %add3A_346 : i32 to vector<16xi32>
            %add3A_348 = arith.addi %iota3A, %add3A_347 : vector<16xi32>
            %gather3A_349 = tpu.vector_load_idx %arg16[%broadcast_in_dim3A_299, %add3A_348] : memref<128x128xf32, #tpu.memory_space<vmem>>[vector<16xi32>, vector<16xi32>], vector<16xf32>,
            %add3A_350 = arith.constant 64 : i32
            %add3A_351 = vector.broadcast %add3A_350 : i32 to vector<16xi32>
            %add3A_352 = arith.addi %iota3A, %add3A_351 : vector<16xi32>
            %gather3A_353 = tpu.vector_load_idx %arg16[%broadcast_in_dim3A_299, %add3A_352] : memref<128x128xf32, #tpu.memory_space<vmem>>[vector<16xi32>, vector<16xi32>], vector<16xf32>,
            %add3A_354 = arith.constant 80 : i32
            %add3A_355 = vector.broadcast %add3A_354 : i32 to vector<16xi32>
            %add3A_356 = arith.addi %iota3A, %add3A_355 : vector<16xi32>
            %gather3A_357 = tpu.vector_load_idx %arg16[%broadcast_in_dim3A_299, %add3A_356] : memref<128x128xf32, #tpu.memory_space<vmem>>[vector<16xi32>, vector<16xi32>], vector<16xf32>,
            %add3A_358 = arith.constant 96 : i32
            %add3A_359 = vector.broadcast %add3A_358 : i32 to vector<16xi32>
            %add3A_360 = arith.addi %iota3A, %add3A_359 : vector<16xi32>
            %gather3A_361 = tpu.vector_load_idx %arg16[%broadcast_in_dim3A_299, %add3A_360] : memref<128x128xf32, #tpu.memory_space<vmem>>[vector<16xi32>, vector<16xi32>], vector<16xf32>,
            %mul3A_362 = arith.mulf %gather3A_337, %gather3A_302 : vector<16xf32>
            tpu.vector_store_idx %arg8[%sub3A_301, %iota3A], %mul3A_362 {add = true} : memref<80x256xf32, #tpu.memory_space<vmem>>[vector<16xi32>, vector<16xi32>], vector<16xf32>,
            %mul3A_363 = arith.mulf %gather3A_341, %gather3A_306 : vector<16xf32>
            tpu.vector_store_idx %arg8[%sub3A_301, %add3A_4], %mul3A_363 {add = true} : memref<80x256xf32, #tpu.memory_space<vmem>>[vector<16xi32>, vector<16xi32>], vector<16xf32>,
            %mul3A_364 = arith.mulf %gather3A_313, %gather3A_330 : vector<16xf32>
            %mul3A_365 = arith.mulf %gather3A_320, %gather3A_333 : vector<16xf32>
            %add3A_366 = arith.addf %mul3A_364, %mul3A_365 : vector<16xf32>
            %mul3A_367 = arith.mulf %gather3A_327, %gather3A_336 : vector<16xf32>
            %add3A_368 = arith.addf %add3A_366, %mul3A_367 : vector<16xf32>
            %mul3A_369 = arith.mulf %gather3A_345, %add3A_368 : vector<16xf32>
            tpu.vector_store_idx %arg8[%sub3A_301, %add3A_7], %mul3A_369 {add = true} : memref<80x256xf32, #tpu.memory_space<vmem>>[vector<16xi32>, vector<16xi32>], vector<16xf32>,
            %mul3A_370 = arith.mulf %gather3A_349, %gather3A_302 : vector<16xf32>
            %mul3A_371 = arith.mulf %gather3A_353, %gather3A_306 : vector<16xf32>
            %mul3A_372 = arith.mulf %mul3A_370, %gather3A_330 : vector<16xf32>
            tpu.vector_store_idx %arg8[%sub3A_301, %add3A_13], %mul3A_372 {add = true} : memref<80x256xf32, #tpu.memory_space<vmem>>[vector<16xi32>, vector<16xi32>], vector<16xf32>,
            %mul3A_373 = arith.mulf %mul3A_371, %gather3A_330 : vector<16xf32>
            tpu.vector_store_idx %arg8[%sub3A_301, %add3A_31], %mul3A_373 {add = true} : memref<80x256xf32, #tpu.memory_space<vmem>>[vector<16xi32>, vector<16xi32>], vector<16xf32>,
            %mul3A_374 = arith.mulf %mul3A_370, %gather3A_333 : vector<16xf32>
            tpu.vector_store_idx %arg8[%sub3A_301, %add3A_19], %mul3A_374 {add = true} : memref<80x256xf32, #tpu.memory_space<vmem>>[vector<16xi32>, vector<16xi32>], vector<16xf32>,
            %mul3A_375 = arith.mulf %mul3A_371, %gather3A_333 : vector<16xf32>
            tpu.vector_store_idx %arg8[%sub3A_301, %add3A_37], %mul3A_375 {add = true} : memref<80x256xf32, #tpu.memory_space<vmem>>[vector<16xi32>, vector<16xi32>], vector<16xf32>,
            %mul3A_376 = arith.mulf %mul3A_370, %gather3A_336 : vector<16xf32>
            tpu.vector_store_idx %arg8[%sub3A_301, %add3A_25], %mul3A_376 {add = true} : memref<80x256xf32, #tpu.memory_space<vmem>>[vector<16xi32>, vector<16xi32>], vector<16xf32>,
            %mul3A_377 = arith.mulf %mul3A_371, %gather3A_336 : vector<16xf32>
            tpu.vector_store_idx %arg8[%sub3A_301, %add3A_43], %mul3A_377 {add = true} : memref<80x256xf32, #tpu.memory_space<vmem>>[vector<16xi32>, vector<16xi32>], vector<16xf32>,
            %mul3A_378 = arith.mulf %gather3A_357, %gather3A_313 : vector<16xf32>
            tpu.vector_store_idx %arg8[%sub3A_301, %add3A_49], %mul3A_378 {add = true} : memref<80x256xf32, #tpu.memory_space<vmem>>[vector<16xi32>, vector<16xi32>], vector<16xf32>,
            %mul3A_379 = arith.mulf %gather3A_357, %gather3A_320 : vector<16xf32>
            tpu.vector_store_idx %arg8[%sub3A_301, %add3A_55], %mul3A_379 {add = true} : memref<80x256xf32, #tpu.memory_space<vmem>>[vector<16xi32>, vector<16xi32>], vector<16xf32>,
            %mul3A_380 = arith.mulf %gather3A_357, %gather3A_327 : vector<16xf32>
            tpu.vector_store_idx %arg8[%sub3A_301, %add3A_61], %mul3A_380 {add = true} : memref<80x256xf32, #tpu.memory_space<vmem>>[vector<16xi32>, vector<16xi32>], vector<16xf32>,
            %mul3A_381 = arith.mulf %gather3A_320, %gather3A_336 : vector<16xf32>
            %mul3A_382 = arith.mulf %gather3A_327, %gather3A_333 : vector<16xf32>
            %sub3A_383 = arith.subf %mul3A_381, %mul3A_382 : vector<16xf32>
            %mul3A_384 = arith.mulf %gather3A_327, %gather3A_330 : vector<16xf32>
            %mul3A_385 = arith.mulf %gather3A_313, %gather3A_336 : vector<16xf32>
            %sub3A_386 = arith.subf %mul3A_384, %mul3A_385 : vector<16xf32>
            %mul3A_387 = arith.mulf %gather3A_313, %gather3A_333 : vector<16xf32>
            %mul3A_388 = arith.mulf %gather3A_320, %gather3A_330 : vector<16xf32>
            %sub3A_389 = arith.subf %mul3A_387, %mul3A_388 : vector<16xf32>
            %mul3A_390 = arith.mulf %gather3A_361, %sub3A_383 : vector<16xf32>
            tpu.vector_store_idx %arg8[%sub3A_301, %add3A_67], %mul3A_390 {add = true} : memref<80x256xf32, #tpu.memory_space<vmem>>[vector<16xi32>, vector<16xi32>], vector<16xf32>,
            %mul3A_391 = arith.mulf %gather3A_361, %sub3A_386 : vector<16xf32>
            tpu.vector_store_idx %arg8[%sub3A_301, %add3A_73], %mul3A_391 {add = true} : memref<80x256xf32, #tpu.memory_space<vmem>>[vector<16xi32>, vector<16xi32>], vector<16xf32>,
            %mul3A_392 = arith.mulf %gather3A_361, %sub3A_389 : vector<16xf32>
            tpu.vector_store_idx %arg8[%sub3A_301, %add3A_79], %mul3A_392 {add = true} : memref<80x256xf32, #tpu.memory_space<vmem>>[vector<16xi32>, vector<16xi32>], vector<16xf32>,
          }
        } else {
        }
        %mul3A_252 = arith.constant 3 : i32
        %mul3A_253 = arith.muli %mul3A_252, %while3A_235 : i32
        %add3A_254 = arith.constant 2 : i32
        %add3A_255 = arith.addi %mul3A_253, %add3A_254 : i32
        %lt3A_256 = arith.cmpi slt, %add3A_255, %select_n3A_177 : i32
        %convert_element_type3A_257 = arith.extui %lt3A_256 : i1 to i32
        %cond3A_258 = arith.constant 0 : i32
        %cond3A_259 = arith.cmpi ne, %convert_element_type3A_257, %cond3A_258 : i32
        scf.if %cond3A_259 {
          %add3A_261 = arith.constant 1 : i32
          %add3A_262 = arith.addi %add3A_255, %add3A_261 : i32
          %lt3A_263 = arith.cmpi slt, %add3A_262, %select_n3A_177 : i32
          %convert_element_type3A_264 = arith.extui %lt3A_263 : i1 to i32
          %cond3A_265 = arith.constant 0 : i32
          %cond3A_266 = arith.cmpi ne, %convert_element_type3A_264, %cond3A_265 : i32
          scf.if %cond3A_266 {
            %add3A_298 = arith.constant 1 : i32
            %add3A_299 = arith.addi %add3A_255, %add3A_298 : i32
            %mul3A_300 = arith.constant 128 : i32
            %mul3A_301 = arith.muli %add3A_299, %mul3A_300 : i32
            %add3A_302 = arith.addi %mul3A_148, %mul3A_301 : i32
            %min3A_303 = arith.constant 799872 : i32
            %min3A_304 = arith.minsi %add3A_302, %min3A_303 : i32
            %dma_wait3A_305 = arith.constant 0 : i32
            %dma_wait3A_306 = tpu.memref_slice %arg3[%min3A_304] : memref<800000xi32, #tpu.memory_space<hbm>> -> memref<128xi32, #tpu.memory_space<hbm>>
            %dma_wait3A_307 = tpu.memref_slice %arg22[%dma_wait3A_305] : memref<3x!tpu.dma_semaphore, #tpu.memory_space<semaphore_mem>> -> memref<1x!tpu.dma_semaphore, #tpu.memory_space<semaphore_mem>>
            %dma_wait3A_308 = tpu.memref_squeeze %dma_wait3A_307 : memref<1x!tpu.dma_semaphore, #tpu.memory_space<semaphore_mem>> -> memref<!tpu.dma_semaphore, #tpu.memory_space<semaphore_mem>>
            %dma_wait3A_309 = tpu.memref_slice %arg3[%min3A_304] : memref<800000xi32, #tpu.memory_space<hbm>> -> memref<128xi32, #tpu.memory_space<hbm>>
            tpu.wait_dma2 semaphore(%dma_wait3A_308 : memref<!tpu.dma_semaphore, #tpu.memory_space<semaphore_mem>>) src(%dma_wait3A_309 : memref<128xi32, #tpu.memory_space<hbm>>) dst(%arg9 : memref<128xi32, #tpu.memory_space<vmem>>)
            %dma_wait3A_310 = arith.constant 0 : i32
            %dma_wait3A_311 = tpu.memref_slice %arg4[%min3A_304] : memref<800000xi32, #tpu.memory_space<hbm>> -> memref<128xi32, #tpu.memory_space<hbm>>
            %dma_wait3A_312 = tpu.memref_slice %arg22[%dma_wait3A_310] : memref<3x!tpu.dma_semaphore, #tpu.memory_space<semaphore_mem>> -> memref<1x!tpu.dma_semaphore, #tpu.memory_space<semaphore_mem>>
            %dma_wait3A_313 = tpu.memref_squeeze %dma_wait3A_312 : memref<1x!tpu.dma_semaphore, #tpu.memory_space<semaphore_mem>> -> memref<!tpu.dma_semaphore, #tpu.memory_space<semaphore_mem>>
            %dma_wait3A_314 = tpu.memref_slice %arg4[%min3A_304] : memref<800000xi32, #tpu.memory_space<hbm>> -> memref<128xi32, #tpu.memory_space<hbm>>
            tpu.wait_dma2 semaphore(%dma_wait3A_313 : memref<!tpu.dma_semaphore, #tpu.memory_space<semaphore_mem>>) src(%dma_wait3A_314 : memref<128xi32, #tpu.memory_space<hbm>>) dst(%arg12 : memref<128xi32, #tpu.memory_space<vmem>>)
            %dma_wait3A_315 = arith.constant 0 : i32
            %dma_wait3A_316 = arith.constant 0 : i32
            %dma_wait3A_317 = tpu.memref_slice %arg5[%min3A_304, %dma_wait3A_316] : memref<800000x128xf32, #tpu.memory_space<hbm>> -> memref<128x128xf32, #tpu.memory_space<hbm>>
            %dma_wait3A_318 = tpu.memref_slice %arg22[%dma_wait3A_315] : memref<3x!tpu.dma_semaphore, #tpu.memory_space<semaphore_mem>> -> memref<1x!tpu.dma_semaphore, #tpu.memory_space<semaphore_mem>>
            %dma_wait3A_319 = tpu.memref_squeeze %dma_wait3A_318 : memref<1x!tpu.dma_semaphore, #tpu.memory_space<semaphore_mem>> -> memref<!tpu.dma_semaphore, #tpu.memory_space<semaphore_mem>>
            %dma_wait3A_320 = arith.constant 0 : i32
            %dma_wait3A_321 = tpu.memref_slice %arg5[%min3A_304, %dma_wait3A_320] : memref<800000x128xf32, #tpu.memory_space<hbm>> -> memref<128x128xf32, #tpu.memory_space<hbm>>
            tpu.wait_dma2 semaphore(%dma_wait3A_319 : memref<!tpu.dma_semaphore, #tpu.memory_space<semaphore_mem>>) src(%dma_wait3A_321 : memref<128x128xf32, #tpu.memory_space<hbm>>) dst(%arg15 : memref<128x128xf32, #tpu.memory_space<vmem>>)
            %dma_start3A = arith.constant 0 : i32
            %dma_start3A_322 = arith.constant 0 : i32
            %dma_start3A_323 = arith.constant 0 : i32
            %dma_start3A_324 = tpu.memref_slice %arg2[%dma_start3A_322, %dma_start3A_323] : memref<51200x128xf32, #tpu.memory_space<hbm>> -> memref<51200x128xf32, #tpu.memory_space<hbm>>
            %dma_start3A_325 = tpu.memref_slice %arg23[%dma_start3A] : memref<3x!tpu.dma_semaphore, #tpu.memory_space<semaphore_mem>> -> memref<1x!tpu.dma_semaphore, #tpu.memory_space<semaphore_mem>>
            %dma_start3A_326 = tpu.memref_squeeze %dma_start3A_325 : memref<1x!tpu.dma_semaphore, #tpu.memory_space<semaphore_mem>> -> memref<!tpu.dma_semaphore, #tpu.memory_space<semaphore_mem>>
            tpu.enqueue_indirect_dma source(%dma_start3A_324 : memref<51200x128xf32, #tpu.memory_space<hbm>>) target(%arg18 : memref<128x128xf32, #tpu.memory_space<vmem>>) offsets(%arg12 : memref<128xi32, #tpu.memory_space<vmem>>) semaphore(%dma_start3A_326 : memref<!tpu.dma_semaphore, #tpu.memory_space<semaphore_mem>>)
          } else {
          }
          %add3A_267 = arith.constant 2 : i32
          %add3A_268 = arith.addi %add3A_255, %add3A_267 : i32
          %lt3A_269 = arith.cmpi slt, %add3A_268, %select_n3A_177 : i32
          %convert_element_type3A_270 = arith.extui %lt3A_269 : i1 to i32
          %cond3A_271 = arith.constant 0 : i32
          %cond3A_272 = arith.cmpi ne, %convert_element_type3A_270, %cond3A_271 : i32
          scf.if %cond3A_272 {
            %add3A_298 = arith.constant 2 : i32
            %add3A_299 = arith.addi %add3A_255, %add3A_298 : i32
            %mul3A_300 = arith.constant 128 : i32
            %mul3A_301 = arith.muli %add3A_299, %mul3A_300 : i32
            %add3A_302 = arith.addi %mul3A_148, %mul3A_301 : i32
            %min3A_303 = arith.constant 799872 : i32
            %min3A_304 = arith.minsi %add3A_302, %min3A_303 : i32
            %dma_start3A = arith.constant 1 : i32
            %dma_start3A_305 = tpu.memref_slice %arg3[%min3A_304] : memref<800000xi32, #tpu.memory_space<hbm>> -> memref<128xi32, #tpu.memory_space<hbm>>
            %dma_start3A_306 = tpu.memref_slice %arg22[%dma_start3A] : memref<3x!tpu.dma_semaphore, #tpu.memory_space<semaphore_mem>> -> memref<1x!tpu.dma_semaphore, #tpu.memory_space<semaphore_mem>>
            %dma_start3A_307 = tpu.memref_squeeze %dma_start3A_306 : memref<1x!tpu.dma_semaphore, #tpu.memory_space<semaphore_mem>> -> memref<!tpu.dma_semaphore, #tpu.memory_space<semaphore_mem>>
            %dma_start3A_308 = tpu.memref_slice %arg3[%min3A_304] : memref<800000xi32, #tpu.memory_space<hbm>> -> memref<128xi32, #tpu.memory_space<hbm>>
            tpu.enqueue_dma source(%dma_start3A_308 : memref<128xi32, #tpu.memory_space<hbm>>) target(%arg10 : memref<128xi32, #tpu.memory_space<vmem>>) target_semaphore(%dma_start3A_307 : memref<!tpu.dma_semaphore, #tpu.memory_space<semaphore_mem>>)
            %dma_start3A_309 = arith.constant 1 : i32
            %dma_start3A_310 = tpu.memref_slice %arg4[%min3A_304] : memref<800000xi32, #tpu.memory_space<hbm>> -> memref<128xi32, #tpu.memory_space<hbm>>
            %dma_start3A_311 = tpu.memref_slice %arg22[%dma_start3A_309] : memref<3x!tpu.dma_semaphore, #tpu.memory_space<semaphore_mem>> -> memref<1x!tpu.dma_semaphore, #tpu.memory_space<semaphore_mem>>
            %dma_start3A_312 = tpu.memref_squeeze %dma_start3A_311 : memref<1x!tpu.dma_semaphore, #tpu.memory_space<semaphore_mem>> -> memref<!tpu.dma_semaphore, #tpu.memory_space<semaphore_mem>>
            %dma_start3A_313 = tpu.memref_slice %arg4[%min3A_304] : memref<800000xi32, #tpu.memory_space<hbm>> -> memref<128xi32, #tpu.memory_space<hbm>>
            tpu.enqueue_dma source(%dma_start3A_313 : memref<128xi32, #tpu.memory_space<hbm>>) target(%arg13 : memref<128xi32, #tpu.memory_space<vmem>>) target_semaphore(%dma_start3A_312 : memref<!tpu.dma_semaphore, #tpu.memory_space<semaphore_mem>>)
            %dma_start3A_314 = arith.constant 1 : i32
            %dma_start3A_315 = arith.constant 0 : i32
            %dma_start3A_316 = tpu.memref_slice %arg5[%min3A_304, %dma_start3A_315] : memref<800000x128xf32, #tpu.memory_space<hbm>> -> memref<128x128xf32, #tpu.memory_space<hbm>>
            %dma_start3A_317 = tpu.memref_slice %arg22[%dma_start3A_314] : memref<3x!tpu.dma_semaphore, #tpu.memory_space<semaphore_mem>> -> memref<1x!tpu.dma_semaphore, #tpu.memory_space<semaphore_mem>>
            %dma_start3A_318 = tpu.memref_squeeze %dma_start3A_317 : memref<1x!tpu.dma_semaphore, #tpu.memory_space<semaphore_mem>> -> memref<!tpu.dma_semaphore, #tpu.memory_space<semaphore_mem>>
            %dma_start3A_319 = arith.constant 0 : i32
            %dma_start3A_320 = tpu.memref_slice %arg5[%min3A_304, %dma_start3A_319] : memref<800000x128xf32, #tpu.memory_space<hbm>> -> memref<128x128xf32, #tpu.memory_space<hbm>>
            tpu.enqueue_dma source(%dma_start3A_320 : memref<128x128xf32, #tpu.memory_space<hbm>>) target(%arg16 : memref<128x128xf32, #tpu.memory_space<vmem>>) target_semaphore(%dma_start3A_318 : memref<!tpu.dma_semaphore, #tpu.memory_space<semaphore_mem>>)
          } else {
          }
          %dma_wait3A = arith.constant 2 : i32
          %dma_wait3A_273 = arith.constant 0 : i32
          %dma_wait3A_274 = arith.constant 0 : i32
          %dma_wait3A_275 = tpu.memref_slice %arg2[%dma_wait3A_273, %dma_wait3A_274] : memref<51200x128xf32, #tpu.memory_space<hbm>> -> memref<51200x128xf32, #tpu.memory_space<hbm>>
          %dma_wait3A_276 = tpu.memref_slice %arg23[%dma_wait3A] : memref<3x!tpu.dma_semaphore, #tpu.memory_space<semaphore_mem>> -> memref<1x!tpu.dma_semaphore, #tpu.memory_space<semaphore_mem>>
          %dma_wait3A_277 = tpu.memref_squeeze %dma_wait3A_276 : memref<1x!tpu.dma_semaphore, #tpu.memory_space<semaphore_mem>> -> memref<!tpu.dma_semaphore, #tpu.memory_space<semaphore_mem>>
          tpu.wait_indirect_dma semaphore(%dma_wait3A_277 : memref<!tpu.dma_semaphore, #tpu.memory_space<semaphore_mem>>) src(%dma_wait3A_275 : memref<51200x128xf32, #tpu.memory_space<hbm>>) dst(%arg20 : memref<128x128xf32, #tpu.memory_space<vmem>>)
          %mul3A_278 = arith.constant 128 : i32
          %mul3A_279 = arith.muli %add3A_255, %mul3A_278 : i32
          %add3A_280 = arith.addi %mul3A_148, %mul3A_279 : i32
          %mul3A_281 = arith.constant 128 : i32
          %mul3A_282 = arith.muli %add3A_255, %mul3A_281 : i32
          %add3A_283 = arith.addi %mul3A_148, %mul3A_282 : i32
          %min3A = arith.constant 799872 : i32
          %min3A_284 = arith.minsi %add3A_283, %min3A : i32
          %max3A = arith.maxsi %squeeze3A, %add3A_280 : i32
          %sub3A_285 = arith.subi %max3A, %min3A_284 : i32
          %add3A_286 = arith.constant 128 : i32
          %add3A_287 = arith.addi %add3A_280, %add3A_286 : i32
          %min3A_288 = arith.minsi %squeeze3A_122, %add3A_287 : i32
          %sub3A_289 = arith.subi %min3A_288, %min3A_284 : i32
          %while3A_290 = arith.subi %sub3A_289, %sub3A_285 : i32
          %while3A_291 = arith.addi %sub3A_285, %while3A_290 : i32
          %while3A_292 = arith.constant 1 : i32
          %while3A_293 = arith.divsi %while3A_290, %while3A_292 : i32
          %while3A_294 = arith.muli %while3A_293, %while3A_292 : i32
          %while3A_295 = arith.addi %sub3A_285, %while3A_294 : i32
          %while3A_296 = arith.constant 1 : i32
          scf.for %while3A_298 = %sub3A_285 to %while3A_295 step %while3A_296  : i32 {
            %broadcast_in_dim3A_299 = vector.broadcast %while3A_298 : i32 to vector<16xi32>
            %gather3A = tpu.vector_load_idx %arg11[%broadcast_in_dim3A_299] : memref<128xi32, #tpu.memory_space<vmem>>[vector<16xi32>], vector<16xi32>,
            %sub3A_300 = vector.broadcast %mul3A_119 : i32 to vector<16xi32>
            %sub3A_301 = arith.subi %gather3A, %sub3A_300 : vector<16xi32>
            %gather3A_302 = tpu.vector_load_idx %arg20[%broadcast_in_dim3A_299, %iota3A] : memref<128x128xf32, #tpu.memory_space<vmem>>[vector<16xi32>, vector<16xi32>], vector<16xf32>,
            %add3A_303 = arith.constant 16 : i32
            %add3A_304 = vector.broadcast %add3A_303 : i32 to vector<16xi32>
            %add3A_305 = arith.addi %iota3A, %add3A_304 : vector<16xi32>
            %gather3A_306 = tpu.vector_load_idx %arg20[%broadcast_in_dim3A_299, %add3A_305] : memref<128x128xf32, #tpu.memory_space<vmem>>[vector<16xi32>, vector<16xi32>], vector<16xf32>,
            %mul3A_307 = arith.constant 3 : i32
            %mul3A_308 = vector.broadcast %mul3A_307 : i32 to vector<16xi32>
            %mul3A_309 = arith.muli %mul3A_308, %iota3A : vector<16xi32>
            %add3A_310 = arith.constant 32 : i32
            %add3A_311 = vector.broadcast %add3A_310 : i32 to vector<16xi32>
            %add3A_312 = arith.addi %mul3A_309, %add3A_311 : vector<16xi32>
            %gather3A_313 = tpu.vector_load_idx %arg20[%broadcast_in_dim3A_299, %add3A_312] : memref<128x128xf32, #tpu.memory_space<vmem>>[vector<16xi32>, vector<16xi32>], vector<16xf32>,
            %mul3A_314 = arith.constant 3 : i32
            %mul3A_315 = vector.broadcast %mul3A_314 : i32 to vector<16xi32>
            %mul3A_316 = arith.muli %mul3A_315, %iota3A : vector<16xi32>
            %add3A_317 = arith.constant 33 : i32
            %add3A_318 = vector.broadcast %add3A_317 : i32 to vector<16xi32>
            %add3A_319 = arith.addi %mul3A_316, %add3A_318 : vector<16xi32>
            %gather3A_320 = tpu.vector_load_idx %arg20[%broadcast_in_dim3A_299, %add3A_319] : memref<128x128xf32, #tpu.memory_space<vmem>>[vector<16xi32>, vector<16xi32>], vector<16xf32>,
            %mul3A_321 = arith.constant 3 : i32
            %mul3A_322 = vector.broadcast %mul3A_321 : i32 to vector<16xi32>
            %mul3A_323 = arith.muli %mul3A_322, %iota3A : vector<16xi32>
            %add3A_324 = arith.constant 34 : i32
            %add3A_325 = vector.broadcast %add3A_324 : i32 to vector<16xi32>
            %add3A_326 = arith.addi %mul3A_323, %add3A_325 : vector<16xi32>
            %gather3A_327 = tpu.vector_load_idx %arg20[%broadcast_in_dim3A_299, %add3A_326] : memref<128x128xf32, #tpu.memory_space<vmem>>[vector<16xi32>, vector<16xi32>], vector<16xf32>,
            %broadcast_in_dim3A_328 = arith.constant 112 : i32
            %broadcast_in_dim3A_329 = vector.broadcast %broadcast_in_dim3A_328 : i32 to vector<16xi32>
            %gather3A_330 = tpu.vector_load_idx %arg17[%broadcast_in_dim3A_299, %broadcast_in_dim3A_329] : memref<128x128xf32, #tpu.memory_space<vmem>>[vector<16xi32>, vector<16xi32>], vector<16xf32>,
            %broadcast_in_dim3A_331 = arith.constant 113 : i32
            %broadcast_in_dim3A_332 = vector.broadcast %broadcast_in_dim3A_331 : i32 to vector<16xi32>
            %gather3A_333 = tpu.vector_load_idx %arg17[%broadcast_in_dim3A_299, %broadcast_in_dim3A_332] : memref<128x128xf32, #tpu.memory_space<vmem>>[vector<16xi32>, vector<16xi32>], vector<16xf32>,
            %broadcast_in_dim3A_334 = arith.constant 114 : i32
            %broadcast_in_dim3A_335 = vector.broadcast %broadcast_in_dim3A_334 : i32 to vector<16xi32>
            %gather3A_336 = tpu.vector_load_idx %arg17[%broadcast_in_dim3A_299, %broadcast_in_dim3A_335] : memref<128x128xf32, #tpu.memory_space<vmem>>[vector<16xi32>, vector<16xi32>], vector<16xf32>,
            %gather3A_337 = tpu.vector_load_idx %arg17[%broadcast_in_dim3A_299, %iota3A] : memref<128x128xf32, #tpu.memory_space<vmem>>[vector<16xi32>, vector<16xi32>], vector<16xf32>,
            %add3A_338 = arith.constant 16 : i32
            %add3A_339 = vector.broadcast %add3A_338 : i32 to vector<16xi32>
            %add3A_340 = arith.addi %iota3A, %add3A_339 : vector<16xi32>
            %gather3A_341 = tpu.vector_load_idx %arg17[%broadcast_in_dim3A_299, %add3A_340] : memref<128x128xf32, #tpu.memory_space<vmem>>[vector<16xi32>, vector<16xi32>], vector<16xf32>,
            %add3A_342 = arith.constant 32 : i32
            %add3A_343 = vector.broadcast %add3A_342 : i32 to vector<16xi32>
            %add3A_344 = arith.addi %iota3A, %add3A_343 : vector<16xi32>
            %gather3A_345 = tpu.vector_load_idx %arg17[%broadcast_in_dim3A_299, %add3A_344] : memref<128x128xf32, #tpu.memory_space<vmem>>[vector<16xi32>, vector<16xi32>], vector<16xf32>,
            %add3A_346 = arith.constant 48 : i32
            %add3A_347 = vector.broadcast %add3A_346 : i32 to vector<16xi32>
            %add3A_348 = arith.addi %iota3A, %add3A_347 : vector<16xi32>
            %gather3A_349 = tpu.vector_load_idx %arg17[%broadcast_in_dim3A_299, %add3A_348] : memref<128x128xf32, #tpu.memory_space<vmem>>[vector<16xi32>, vector<16xi32>], vector<16xf32>,
            %add3A_350 = arith.constant 64 : i32
            %add3A_351 = vector.broadcast %add3A_350 : i32 to vector<16xi32>
            %add3A_352 = arith.addi %iota3A, %add3A_351 : vector<16xi32>
            %gather3A_353 = tpu.vector_load_idx %arg17[%broadcast_in_dim3A_299, %add3A_352] : memref<128x128xf32, #tpu.memory_space<vmem>>[vector<16xi32>, vector<16xi32>], vector<16xf32>,
            %add3A_354 = arith.constant 80 : i32
            %add3A_355 = vector.broadcast %add3A_354 : i32 to vector<16xi32>
            %add3A_356 = arith.addi %iota3A, %add3A_355 : vector<16xi32>
            %gather3A_357 = tpu.vector_load_idx %arg17[%broadcast_in_dim3A_299, %add3A_356] : memref<128x128xf32, #tpu.memory_space<vmem>>[vector<16xi32>, vector<16xi32>], vector<16xf32>,
            %add3A_358 = arith.constant 96 : i32
            %add3A_359 = vector.broadcast %add3A_358 : i32 to vector<16xi32>
            %add3A_360 = arith.addi %iota3A, %add3A_359 : vector<16xi32>
            %gather3A_361 = tpu.vector_load_idx %arg17[%broadcast_in_dim3A_299, %add3A_360] : memref<128x128xf32, #tpu.memory_space<vmem>>[vector<16xi32>, vector<16xi32>], vector<16xf32>,
            %mul3A_362 = arith.mulf %gather3A_337, %gather3A_302 : vector<16xf32>
            tpu.vector_store_idx %arg8[%sub3A_301, %iota3A], %mul3A_362 {add = true} : memref<80x256xf32, #tpu.memory_space<vmem>>[vector<16xi32>, vector<16xi32>], vector<16xf32>,
            %mul3A_363 = arith.mulf %gather3A_341, %gather3A_306 : vector<16xf32>
            tpu.vector_store_idx %arg8[%sub3A_301, %add3A_4], %mul3A_363 {add = true} : memref<80x256xf32, #tpu.memory_space<vmem>>[vector<16xi32>, vector<16xi32>], vector<16xf32>,
            %mul3A_364 = arith.mulf %gather3A_313, %gather3A_330 : vector<16xf32>
            %mul3A_365 = arith.mulf %gather3A_320, %gather3A_333 : vector<16xf32>
            %add3A_366 = arith.addf %mul3A_364, %mul3A_365 : vector<16xf32>
            %mul3A_367 = arith.mulf %gather3A_327, %gather3A_336 : vector<16xf32>
            %add3A_368 = arith.addf %add3A_366, %mul3A_367 : vector<16xf32>
            %mul3A_369 = arith.mulf %gather3A_345, %add3A_368 : vector<16xf32>
            tpu.vector_store_idx %arg8[%sub3A_301, %add3A_7], %mul3A_369 {add = true} : memref<80x256xf32, #tpu.memory_space<vmem>>[vector<16xi32>, vector<16xi32>], vector<16xf32>,
            %mul3A_370 = arith.mulf %gather3A_349, %gather3A_302 : vector<16xf32>
            %mul3A_371 = arith.mulf %gather3A_353, %gather3A_306 : vector<16xf32>
            %mul3A_372 = arith.mulf %mul3A_370, %gather3A_330 : vector<16xf32>
            tpu.vector_store_idx %arg8[%sub3A_301, %add3A_13], %mul3A_372 {add = true} : memref<80x256xf32, #tpu.memory_space<vmem>>[vector<16xi32>, vector<16xi32>], vector<16xf32>,
            %mul3A_373 = arith.mulf %mul3A_371, %gather3A_330 : vector<16xf32>
            tpu.vector_store_idx %arg8[%sub3A_301, %add3A_31], %mul3A_373 {add = true} : memref<80x256xf32, #tpu.memory_space<vmem>>[vector<16xi32>, vector<16xi32>], vector<16xf32>,
            %mul3A_374 = arith.mulf %mul3A_370, %gather3A_333 : vector<16xf32>
            tpu.vector_store_idx %arg8[%sub3A_301, %add3A_19], %mul3A_374 {add = true} : memref<80x256xf32, #tpu.memory_space<vmem>>[vector<16xi32>, vector<16xi32>], vector<16xf32>,
            %mul3A_375 = arith.mulf %mul3A_371, %gather3A_333 : vector<16xf32>
            tpu.vector_store_idx %arg8[%sub3A_301, %add3A_37], %mul3A_375 {add = true} : memref<80x256xf32, #tpu.memory_space<vmem>>[vector<16xi32>, vector<16xi32>], vector<16xf32>,
            %mul3A_376 = arith.mulf %mul3A_370, %gather3A_336 : vector<16xf32>
            tpu.vector_store_idx %arg8[%sub3A_301, %add3A_25], %mul3A_376 {add = true} : memref<80x256xf32, #tpu.memory_space<vmem>>[vector<16xi32>, vector<16xi32>], vector<16xf32>,
            %mul3A_377 = arith.mulf %mul3A_371, %gather3A_336 : vector<16xf32>
            tpu.vector_store_idx %arg8[%sub3A_301, %add3A_43], %mul3A_377 {add = true} : memref<80x256xf32, #tpu.memory_space<vmem>>[vector<16xi32>, vector<16xi32>], vector<16xf32>,
            %mul3A_378 = arith.mulf %gather3A_357, %gather3A_313 : vector<16xf32>
            tpu.vector_store_idx %arg8[%sub3A_301, %add3A_49], %mul3A_378 {add = true} : memref<80x256xf32, #tpu.memory_space<vmem>>[vector<16xi32>, vector<16xi32>], vector<16xf32>,
            %mul3A_379 = arith.mulf %gather3A_357, %gather3A_320 : vector<16xf32>
            tpu.vector_store_idx %arg8[%sub3A_301, %add3A_55], %mul3A_379 {add = true} : memref<80x256xf32, #tpu.memory_space<vmem>>[vector<16xi32>, vector<16xi32>], vector<16xf32>,
            %mul3A_380 = arith.mulf %gather3A_357, %gather3A_327 : vector<16xf32>
            tpu.vector_store_idx %arg8[%sub3A_301, %add3A_61], %mul3A_380 {add = true} : memref<80x256xf32, #tpu.memory_space<vmem>>[vector<16xi32>, vector<16xi32>], vector<16xf32>,
            %mul3A_381 = arith.mulf %gather3A_320, %gather3A_336 : vector<16xf32>
            %mul3A_382 = arith.mulf %gather3A_327, %gather3A_333 : vector<16xf32>
            %sub3A_383 = arith.subf %mul3A_381, %mul3A_382 : vector<16xf32>
            %mul3A_384 = arith.mulf %gather3A_327, %gather3A_330 : vector<16xf32>
            %mul3A_385 = arith.mulf %gather3A_313, %gather3A_336 : vector<16xf32>
            %sub3A_386 = arith.subf %mul3A_384, %mul3A_385 : vector<16xf32>
            %mul3A_387 = arith.mulf %gather3A_313, %gather3A_333 : vector<16xf32>
            %mul3A_388 = arith.mulf %gather3A_320, %gather3A_330 : vector<16xf32>
            %sub3A_389 = arith.subf %mul3A_387, %mul3A_388 : vector<16xf32>
            %mul3A_390 = arith.mulf %gather3A_361, %sub3A_383 : vector<16xf32>
            tpu.vector_store_idx %arg8[%sub3A_301, %add3A_67], %mul3A_390 {add = true} : memref<80x256xf32, #tpu.memory_space<vmem>>[vector<16xi32>, vector<16xi32>], vector<16xf32>,
            %mul3A_391 = arith.mulf %gather3A_361, %sub3A_386 : vector<16xf32>
            tpu.vector_store_idx %arg8[%sub3A_301, %add3A_73], %mul3A_391 {add = true} : memref<80x256xf32, #tpu.memory_space<vmem>>[vector<16xi32>, vector<16xi32>], vector<16xf32>,
            %mul3A_392 = arith.mulf %gather3A_361, %sub3A_389 : vector<16xf32>
            tpu.vector_store_idx %arg8[%sub3A_301, %add3A_79], %mul3A_392 {add = true} : memref<80x256xf32, #tpu.memory_space<vmem>>[vector<16xi32>, vector<16xi32>], vector<16xf32>,
          }
          %while3A_297 = arith.constant 1 : i32
          scf.for %while3A_298 = %while3A_295 to %while3A_291 step %while3A_297  : i32 {
            %broadcast_in_dim3A_299 = vector.broadcast %while3A_298 : i32 to vector<16xi32>
            %gather3A = tpu.vector_load_idx %arg11[%broadcast_in_dim3A_299] : memref<128xi32, #tpu.memory_space<vmem>>[vector<16xi32>], vector<16xi32>,
            %sub3A_300 = vector.broadcast %mul3A_119 : i32 to vector<16xi32>
            %sub3A_301 = arith.subi %gather3A, %sub3A_300 : vector<16xi32>
            %gather3A_302 = tpu.vector_load_idx %arg20[%broadcast_in_dim3A_299, %iota3A] : memref<128x128xf32, #tpu.memory_space<vmem>>[vector<16xi32>, vector<16xi32>], vector<16xf32>,
            %add3A_303 = arith.constant 16 : i32
            %add3A_304 = vector.broadcast %add3A_303 : i32 to vector<16xi32>
            %add3A_305 = arith.addi %iota3A, %add3A_304 : vector<16xi32>
            %gather3A_306 = tpu.vector_load_idx %arg20[%broadcast_in_dim3A_299, %add3A_305] : memref<128x128xf32, #tpu.memory_space<vmem>>[vector<16xi32>, vector<16xi32>], vector<16xf32>,
            %mul3A_307 = arith.constant 3 : i32
            %mul3A_308 = vector.broadcast %mul3A_307 : i32 to vector<16xi32>
            %mul3A_309 = arith.muli %mul3A_308, %iota3A : vector<16xi32>
            %add3A_310 = arith.constant 32 : i32
            %add3A_311 = vector.broadcast %add3A_310 : i32 to vector<16xi32>
            %add3A_312 = arith.addi %mul3A_309, %add3A_311 : vector<16xi32>
            %gather3A_313 = tpu.vector_load_idx %arg20[%broadcast_in_dim3A_299, %add3A_312] : memref<128x128xf32, #tpu.memory_space<vmem>>[vector<16xi32>, vector<16xi32>], vector<16xf32>,
            %mul3A_314 = arith.constant 3 : i32
            %mul3A_315 = vector.broadcast %mul3A_314 : i32 to vector<16xi32>
            %mul3A_316 = arith.muli %mul3A_315, %iota3A : vector<16xi32>
            %add3A_317 = arith.constant 33 : i32
            %add3A_318 = vector.broadcast %add3A_317 : i32 to vector<16xi32>
            %add3A_319 = arith.addi %mul3A_316, %add3A_318 : vector<16xi32>
            %gather3A_320 = tpu.vector_load_idx %arg20[%broadcast_in_dim3A_299, %add3A_319] : memref<128x128xf32, #tpu.memory_space<vmem>>[vector<16xi32>, vector<16xi32>], vector<16xf32>,
            %mul3A_321 = arith.constant 3 : i32
            %mul3A_322 = vector.broadcast %mul3A_321 : i32 to vector<16xi32>
            %mul3A_323 = arith.muli %mul3A_322, %iota3A : vector<16xi32>
            %add3A_324 = arith.constant 34 : i32
            %add3A_325 = vector.broadcast %add3A_324 : i32 to vector<16xi32>
            %add3A_326 = arith.addi %mul3A_323, %add3A_325 : vector<16xi32>
            %gather3A_327 = tpu.vector_load_idx %arg20[%broadcast_in_dim3A_299, %add3A_326] : memref<128x128xf32, #tpu.memory_space<vmem>>[vector<16xi32>, vector<16xi32>], vector<16xf32>,
            %broadcast_in_dim3A_328 = arith.constant 112 : i32
            %broadcast_in_dim3A_329 = vector.broadcast %broadcast_in_dim3A_328 : i32 to vector<16xi32>
            %gather3A_330 = tpu.vector_load_idx %arg17[%broadcast_in_dim3A_299, %broadcast_in_dim3A_329] : memref<128x128xf32, #tpu.memory_space<vmem>>[vector<16xi32>, vector<16xi32>], vector<16xf32>,
            %broadcast_in_dim3A_331 = arith.constant 113 : i32
            %broadcast_in_dim3A_332 = vector.broadcast %broadcast_in_dim3A_331 : i32 to vector<16xi32>
            %gather3A_333 = tpu.vector_load_idx %arg17[%broadcast_in_dim3A_299, %broadcast_in_dim3A_332] : memref<128x128xf32, #tpu.memory_space<vmem>>[vector<16xi32>, vector<16xi32>], vector<16xf32>,
            %broadcast_in_dim3A_334 = arith.constant 114 : i32
            %broadcast_in_dim3A_335 = vector.broadcast %broadcast_in_dim3A_334 : i32 to vector<16xi32>
            %gather3A_336 = tpu.vector_load_idx %arg17[%broadcast_in_dim3A_299, %broadcast_in_dim3A_335] : memref<128x128xf32, #tpu.memory_space<vmem>>[vector<16xi32>, vector<16xi32>], vector<16xf32>,
            %gather3A_337 = tpu.vector_load_idx %arg17[%broadcast_in_dim3A_299, %iota3A] : memref<128x128xf32, #tpu.memory_space<vmem>>[vector<16xi32>, vector<16xi32>], vector<16xf32>,
            %add3A_338 = arith.constant 16 : i32
            %add3A_339 = vector.broadcast %add3A_338 : i32 to vector<16xi32>
            %add3A_340 = arith.addi %iota3A, %add3A_339 : vector<16xi32>
            %gather3A_341 = tpu.vector_load_idx %arg17[%broadcast_in_dim3A_299, %add3A_340] : memref<128x128xf32, #tpu.memory_space<vmem>>[vector<16xi32>, vector<16xi32>], vector<16xf32>,
            %add3A_342 = arith.constant 32 : i32
            %add3A_343 = vector.broadcast %add3A_342 : i32 to vector<16xi32>
            %add3A_344 = arith.addi %iota3A, %add3A_343 : vector<16xi32>
            %gather3A_345 = tpu.vector_load_idx %arg17[%broadcast_in_dim3A_299, %add3A_344] : memref<128x128xf32, #tpu.memory_space<vmem>>[vector<16xi32>, vector<16xi32>], vector<16xf32>,
            %add3A_346 = arith.constant 48 : i32
            %add3A_347 = vector.broadcast %add3A_346 : i32 to vector<16xi32>
            %add3A_348 = arith.addi %iota3A, %add3A_347 : vector<16xi32>
            %gather3A_349 = tpu.vector_load_idx %arg17[%broadcast_in_dim3A_299, %add3A_348] : memref<128x128xf32, #tpu.memory_space<vmem>>[vector<16xi32>, vector<16xi32>], vector<16xf32>,
            %add3A_350 = arith.constant 64 : i32
            %add3A_351 = vector.broadcast %add3A_350 : i32 to vector<16xi32>
            %add3A_352 = arith.addi %iota3A, %add3A_351 : vector<16xi32>
            %gather3A_353 = tpu.vector_load_idx %arg17[%broadcast_in_dim3A_299, %add3A_352] : memref<128x128xf32, #tpu.memory_space<vmem>>[vector<16xi32>, vector<16xi32>], vector<16xf32>,
            %add3A_354 = arith.constant 80 : i32
            %add3A_355 = vector.broadcast %add3A_354 : i32 to vector<16xi32>
            %add3A_356 = arith.addi %iota3A, %add3A_355 : vector<16xi32>
            %gather3A_357 = tpu.vector_load_idx %arg17[%broadcast_in_dim3A_299, %add3A_356] : memref<128x128xf32, #tpu.memory_space<vmem>>[vector<16xi32>, vector<16xi32>], vector<16xf32>,
            %add3A_358 = arith.constant 96 : i32
            %add3A_359 = vector.broadcast %add3A_358 : i32 to vector<16xi32>
            %add3A_360 = arith.addi %iota3A, %add3A_359 : vector<16xi32>
            %gather3A_361 = tpu.vector_load_idx %arg17[%broadcast_in_dim3A_299, %add3A_360] : memref<128x128xf32, #tpu.memory_space<vmem>>[vector<16xi32>, vector<16xi32>], vector<16xf32>,
            %mul3A_362 = arith.mulf %gather3A_337, %gather3A_302 : vector<16xf32>
            tpu.vector_store_idx %arg8[%sub3A_301, %iota3A], %mul3A_362 {add = true} : memref<80x256xf32, #tpu.memory_space<vmem>>[vector<16xi32>, vector<16xi32>], vector<16xf32>,
            %mul3A_363 = arith.mulf %gather3A_341, %gather3A_306 : vector<16xf32>
            tpu.vector_store_idx %arg8[%sub3A_301, %add3A_4], %mul3A_363 {add = true} : memref<80x256xf32, #tpu.memory_space<vmem>>[vector<16xi32>, vector<16xi32>], vector<16xf32>,
            %mul3A_364 = arith.mulf %gather3A_313, %gather3A_330 : vector<16xf32>
            %mul3A_365 = arith.mulf %gather3A_320, %gather3A_333 : vector<16xf32>
            %add3A_366 = arith.addf %mul3A_364, %mul3A_365 : vector<16xf32>
            %mul3A_367 = arith.mulf %gather3A_327, %gather3A_336 : vector<16xf32>
            %add3A_368 = arith.addf %add3A_366, %mul3A_367 : vector<16xf32>
            %mul3A_369 = arith.mulf %gather3A_345, %add3A_368 : vector<16xf32>
            tpu.vector_store_idx %arg8[%sub3A_301, %add3A_7], %mul3A_369 {add = true} : memref<80x256xf32, #tpu.memory_space<vmem>>[vector<16xi32>, vector<16xi32>], vector<16xf32>,
            %mul3A_370 = arith.mulf %gather3A_349, %gather3A_302 : vector<16xf32>
            %mul3A_371 = arith.mulf %gather3A_353, %gather3A_306 : vector<16xf32>
            %mul3A_372 = arith.mulf %mul3A_370, %gather3A_330 : vector<16xf32>
            tpu.vector_store_idx %arg8[%sub3A_301, %add3A_13], %mul3A_372 {add = true} : memref<80x256xf32, #tpu.memory_space<vmem>>[vector<16xi32>, vector<16xi32>], vector<16xf32>,
            %mul3A_373 = arith.mulf %mul3A_371, %gather3A_330 : vector<16xf32>
            tpu.vector_store_idx %arg8[%sub3A_301, %add3A_31], %mul3A_373 {add = true} : memref<80x256xf32, #tpu.memory_space<vmem>>[vector<16xi32>, vector<16xi32>], vector<16xf32>,
            %mul3A_374 = arith.mulf %mul3A_370, %gather3A_333 : vector<16xf32>
            tpu.vector_store_idx %arg8[%sub3A_301, %add3A_19], %mul3A_374 {add = true} : memref<80x256xf32, #tpu.memory_space<vmem>>[vector<16xi32>, vector<16xi32>], vector<16xf32>,
            %mul3A_375 = arith.mulf %mul3A_371, %gather3A_333 : vector<16xf32>
            tpu.vector_store_idx %arg8[%sub3A_301, %add3A_37], %mul3A_375 {add = true} : memref<80x256xf32, #tpu.memory_space<vmem>>[vector<16xi32>, vector<16xi32>], vector<16xf32>,
            %mul3A_376 = arith.mulf %mul3A_370, %gather3A_336 : vector<16xf32>
            tpu.vector_store_idx %arg8[%sub3A_301, %add3A_25], %mul3A_376 {add = true} : memref<80x256xf32, #tpu.memory_space<vmem>>[vector<16xi32>, vector<16xi32>], vector<16xf32>,
            %mul3A_377 = arith.mulf %mul3A_371, %gather3A_336 : vector<16xf32>
            tpu.vector_store_idx %arg8[%sub3A_301, %add3A_43], %mul3A_377 {add = true} : memref<80x256xf32, #tpu.memory_space<vmem>>[vector<16xi32>, vector<16xi32>], vector<16xf32>,
            %mul3A_378 = arith.mulf %gather3A_357, %gather3A_313 : vector<16xf32>
            tpu.vector_store_idx %arg8[%sub3A_301, %add3A_49], %mul3A_378 {add = true} : memref<80x256xf32, #tpu.memory_space<vmem>>[vector<16xi32>, vector<16xi32>], vector<16xf32>,
            %mul3A_379 = arith.mulf %gather3A_357, %gather3A_320 : vector<16xf32>
            tpu.vector_store_idx %arg8[%sub3A_301, %add3A_55], %mul3A_379 {add = true} : memref<80x256xf32, #tpu.memory_space<vmem>>[vector<16xi32>, vector<16xi32>], vector<16xf32>,
            %mul3A_380 = arith.mulf %gather3A_357, %gather3A_327 : vector<16xf32>
            tpu.vector_store_idx %arg8[%sub3A_301, %add3A_61], %mul3A_380 {add = true} : memref<80x256xf32, #tpu.memory_space<vmem>>[vector<16xi32>, vector<16xi32>], vector<16xf32>,
            %mul3A_381 = arith.mulf %gather3A_320, %gather3A_336 : vector<16xf32>
            %mul3A_382 = arith.mulf %gather3A_327, %gather3A_333 : vector<16xf32>
            %sub3A_383 = arith.subf %mul3A_381, %mul3A_382 : vector<16xf32>
            %mul3A_384 = arith.mulf %gather3A_327, %gather3A_330 : vector<16xf32>
            %mul3A_385 = arith.mulf %gather3A_313, %gather3A_336 : vector<16xf32>
            %sub3A_386 = arith.subf %mul3A_384, %mul3A_385 : vector<16xf32>
            %mul3A_387 = arith.mulf %gather3A_313, %gather3A_333 : vector<16xf32>
            %mul3A_388 = arith.mulf %gather3A_320, %gather3A_330 : vector<16xf32>
            %sub3A_389 = arith.subf %mul3A_387, %mul3A_388 : vector<16xf32>
            %mul3A_390 = arith.mulf %gather3A_361, %sub3A_383 : vector<16xf32>
            tpu.vector_store_idx %arg8[%sub3A_301, %add3A_67], %mul3A_390 {add = true} : memref<80x256xf32, #tpu.memory_space<vmem>>[vector<16xi32>, vector<16xi32>], vector<16xf32>,
            %mul3A_391 = arith.mulf %gather3A_361, %sub3A_386 : vector<16xf32>
            tpu.vector_store_idx %arg8[%sub3A_301, %add3A_73], %mul3A_391 {add = true} : memref<80x256xf32, #tpu.memory_space<vmem>>[vector<16xi32>, vector<16xi32>], vector<16xf32>,
            %mul3A_392 = arith.mulf %gather3A_361, %sub3A_389 : vector<16xf32>
            tpu.vector_store_idx %arg8[%sub3A_301, %add3A_79], %mul3A_392 {add = true} : memref<80x256xf32, #tpu.memory_space<vmem>>[vector<16xi32>, vector<16xi32>], vector<16xf32>,
          }
        } else {
        }
        %while3A_260 = arith.constant 0 : i32
        scf.yield %while3A_260 : i32
      }
      %while3A_232 = arith.constant 1 : i32
      %while3A_233 = scf.for %while3A_235 = %while3A_229 to %while3A_225 step %while3A_232 iter_args(%while3A_236 = %while3A_231) -> (i32)  : i32 {
        %mul3A_237 = arith.constant 3 : i32
        %mul3A_238 = arith.muli %mul3A_237, %while3A_235 : i32
        %add3A_239 = arith.constant 0 : i32
        %add3A_240 = arith.addi %mul3A_238, %add3A_239 : i32
        %lt3A = arith.cmpi slt, %add3A_240, %select_n3A_177 : i32
        %convert_element_type3A_241 = arith.extui %lt3A : i1 to i32
        %cond3A_242 = arith.constant 0 : i32
        %cond3A_243 = arith.cmpi ne, %convert_element_type3A_241, %cond3A_242 : i32
        scf.if %cond3A_243 {
          %add3A_261 = arith.constant 1 : i32
          %add3A_262 = arith.addi %add3A_240, %add3A_261 : i32
          %lt3A_263 = arith.cmpi slt, %add3A_262, %select_n3A_177 : i32
          %convert_element_type3A_264 = arith.extui %lt3A_263 : i1 to i32
          %cond3A_265 = arith.constant 0 : i32
          %cond3A_266 = arith.cmpi ne, %convert_element_type3A_264, %cond3A_265 : i32
          scf.if %cond3A_266 {
            %add3A_298 = arith.constant 1 : i32
            %add3A_299 = arith.addi %add3A_240, %add3A_298 : i32
            %mul3A_300 = arith.constant 128 : i32
            %mul3A_301 = arith.muli %add3A_299, %mul3A_300 : i32
            %add3A_302 = arith.addi %mul3A_148, %mul3A_301 : i32
            %min3A_303 = arith.constant 799872 : i32
            %min3A_304 = arith.minsi %add3A_302, %min3A_303 : i32
            %dma_wait3A_305 = arith.constant 1 : i32
            %dma_wait3A_306 = tpu.memref_slice %arg3[%min3A_304] : memref<800000xi32, #tpu.memory_space<hbm>> -> memref<128xi32, #tpu.memory_space<hbm>>
            %dma_wait3A_307 = tpu.memref_slice %arg22[%dma_wait3A_305] : memref<3x!tpu.dma_semaphore, #tpu.memory_space<semaphore_mem>> -> memref<1x!tpu.dma_semaphore, #tpu.memory_space<semaphore_mem>>
            %dma_wait3A_308 = tpu.memref_squeeze %dma_wait3A_307 : memref<1x!tpu.dma_semaphore, #tpu.memory_space<semaphore_mem>> -> memref<!tpu.dma_semaphore, #tpu.memory_space<semaphore_mem>>
            %dma_wait3A_309 = tpu.memref_slice %arg3[%min3A_304] : memref<800000xi32, #tpu.memory_space<hbm>> -> memref<128xi32, #tpu.memory_space<hbm>>
            tpu.wait_dma2 semaphore(%dma_wait3A_308 : memref<!tpu.dma_semaphore, #tpu.memory_space<semaphore_mem>>) src(%dma_wait3A_309 : memref<128xi32, #tpu.memory_space<hbm>>) dst(%arg10 : memref<128xi32, #tpu.memory_space<vmem>>)
            %dma_wait3A_310 = arith.constant 1 : i32
            %dma_wait3A_311 = tpu.memref_slice %arg4[%min3A_304] : memref<800000xi32, #tpu.memory_space<hbm>> -> memref<128xi32, #tpu.memory_space<hbm>>
            %dma_wait3A_312 = tpu.memref_slice %arg22[%dma_wait3A_310] : memref<3x!tpu.dma_semaphore, #tpu.memory_space<semaphore_mem>> -> memref<1x!tpu.dma_semaphore, #tpu.memory_space<semaphore_mem>>
            %dma_wait3A_313 = tpu.memref_squeeze %dma_wait3A_312 : memref<1x!tpu.dma_semaphore, #tpu.memory_space<semaphore_mem>> -> memref<!tpu.dma_semaphore, #tpu.memory_space<semaphore_mem>>
            %dma_wait3A_314 = tpu.memref_slice %arg4[%min3A_304] : memref<800000xi32, #tpu.memory_space<hbm>> -> memref<128xi32, #tpu.memory_space<hbm>>
            tpu.wait_dma2 semaphore(%dma_wait3A_313 : memref<!tpu.dma_semaphore, #tpu.memory_space<semaphore_mem>>) src(%dma_wait3A_314 : memref<128xi32, #tpu.memory_space<hbm>>) dst(%arg13 : memref<128xi32, #tpu.memory_space<vmem>>)
            %dma_wait3A_315 = arith.constant 1 : i32
            %dma_wait3A_316 = arith.constant 0 : i32
            %dma_wait3A_317 = tpu.memref_slice %arg5[%min3A_304, %dma_wait3A_316] : memref<800000x128xf32, #tpu.memory_space<hbm>> -> memref<128x128xf32, #tpu.memory_space<hbm>>
            %dma_wait3A_318 = tpu.memref_slice %arg22[%dma_wait3A_315] : memref<3x!tpu.dma_semaphore, #tpu.memory_space<semaphore_mem>> -> memref<1x!tpu.dma_semaphore, #tpu.memory_space<semaphore_mem>>
            %dma_wait3A_319 = tpu.memref_squeeze %dma_wait3A_318 : memref<1x!tpu.dma_semaphore, #tpu.memory_space<semaphore_mem>> -> memref<!tpu.dma_semaphore, #tpu.memory_space<semaphore_mem>>
            %dma_wait3A_320 = arith.constant 0 : i32
            %dma_wait3A_321 = tpu.memref_slice %arg5[%min3A_304, %dma_wait3A_320] : memref<800000x128xf32, #tpu.memory_space<hbm>> -> memref<128x128xf32, #tpu.memory_space<hbm>>
            tpu.wait_dma2 semaphore(%dma_wait3A_319 : memref<!tpu.dma_semaphore, #tpu.memory_space<semaphore_mem>>) src(%dma_wait3A_321 : memref<128x128xf32, #tpu.memory_space<hbm>>) dst(%arg16 : memref<128x128xf32, #tpu.memory_space<vmem>>)
            %dma_start3A = arith.constant 1 : i32
            %dma_start3A_322 = arith.constant 0 : i32
            %dma_start3A_323 = arith.constant 0 : i32
            %dma_start3A_324 = tpu.memref_slice %arg2[%dma_start3A_322, %dma_start3A_323] : memref<51200x128xf32, #tpu.memory_space<hbm>> -> memref<51200x128xf32, #tpu.memory_space<hbm>>
            %dma_start3A_325 = tpu.memref_slice %arg23[%dma_start3A] : memref<3x!tpu.dma_semaphore, #tpu.memory_space<semaphore_mem>> -> memref<1x!tpu.dma_semaphore, #tpu.memory_space<semaphore_mem>>
            %dma_start3A_326 = tpu.memref_squeeze %dma_start3A_325 : memref<1x!tpu.dma_semaphore, #tpu.memory_space<semaphore_mem>> -> memref<!tpu.dma_semaphore, #tpu.memory_space<semaphore_mem>>
            tpu.enqueue_indirect_dma source(%dma_start3A_324 : memref<51200x128xf32, #tpu.memory_space<hbm>>) target(%arg19 : memref<128x128xf32, #tpu.memory_space<vmem>>) offsets(%arg13 : memref<128xi32, #tpu.memory_space<vmem>>) semaphore(%dma_start3A_326 : memref<!tpu.dma_semaphore, #tpu.memory_space<semaphore_mem>>)
          } else {
          }
          %add3A_267 = arith.constant 2 : i32
          %add3A_268 = arith.addi %add3A_240, %add3A_267 : i32
          %lt3A_269 = arith.cmpi slt, %add3A_268, %select_n3A_177 : i32
          %convert_element_type3A_270 = arith.extui %lt3A_269 : i1 to i32
          %cond3A_271 = arith.constant 0 : i32
          %cond3A_272 = arith.cmpi ne, %convert_element_type3A_270, %cond3A_271 : i32
          scf.if %cond3A_272 {
            %add3A_298 = arith.constant 2 : i32
            %add3A_299 = arith.addi %add3A_240, %add3A_298 : i32
            %mul3A_300 = arith.constant 128 : i32
            %mul3A_301 = arith.muli %add3A_299, %mul3A_300 : i32
            %add3A_302 = arith.addi %mul3A_148, %mul3A_301 : i32
            %min3A_303 = arith.constant 799872 : i32
            %min3A_304 = arith.minsi %add3A_302, %min3A_303 : i32
            %dma_start3A = arith.constant 2 : i32
            %dma_start3A_305 = tpu.memref_slice %arg3[%min3A_304] : memref<800000xi32, #tpu.memory_space<hbm>> -> memref<128xi32, #tpu.memory_space<hbm>>
            %dma_start3A_306 = tpu.memref_slice %arg22[%dma_start3A] : memref<3x!tpu.dma_semaphore, #tpu.memory_space<semaphore_mem>> -> memref<1x!tpu.dma_semaphore, #tpu.memory_space<semaphore_mem>>
            %dma_start3A_307 = tpu.memref_squeeze %dma_start3A_306 : memref<1x!tpu.dma_semaphore, #tpu.memory_space<semaphore_mem>> -> memref<!tpu.dma_semaphore, #tpu.memory_space<semaphore_mem>>
            %dma_start3A_308 = tpu.memref_slice %arg3[%min3A_304] : memref<800000xi32, #tpu.memory_space<hbm>> -> memref<128xi32, #tpu.memory_space<hbm>>
            tpu.enqueue_dma source(%dma_start3A_308 : memref<128xi32, #tpu.memory_space<hbm>>) target(%arg11 : memref<128xi32, #tpu.memory_space<vmem>>) target_semaphore(%dma_start3A_307 : memref<!tpu.dma_semaphore, #tpu.memory_space<semaphore_mem>>)
            %dma_start3A_309 = arith.constant 2 : i32
            %dma_start3A_310 = tpu.memref_slice %arg4[%min3A_304] : memref<800000xi32, #tpu.memory_space<hbm>> -> memref<128xi32, #tpu.memory_space<hbm>>
            %dma_start3A_311 = tpu.memref_slice %arg22[%dma_start3A_309] : memref<3x!tpu.dma_semaphore, #tpu.memory_space<semaphore_mem>> -> memref<1x!tpu.dma_semaphore, #tpu.memory_space<semaphore_mem>>
            %dma_start3A_312 = tpu.memref_squeeze %dma_start3A_311 : memref<1x!tpu.dma_semaphore, #tpu.memory_space<semaphore_mem>> -> memref<!tpu.dma_semaphore, #tpu.memory_space<semaphore_mem>>
            %dma_start3A_313 = tpu.memref_slice %arg4[%min3A_304] : memref<800000xi32, #tpu.memory_space<hbm>> -> memref<128xi32, #tpu.memory_space<hbm>>
            tpu.enqueue_dma source(%dma_start3A_313 : memref<128xi32, #tpu.memory_space<hbm>>) target(%arg14 : memref<128xi32, #tpu.memory_space<vmem>>) target_semaphore(%dma_start3A_312 : memref<!tpu.dma_semaphore, #tpu.memory_space<semaphore_mem>>)
            %dma_start3A_314 = arith.constant 2 : i32
            %dma_start3A_315 = arith.constant 0 : i32
            %dma_start3A_316 = tpu.memref_slice %arg5[%min3A_304, %dma_start3A_315] : memref<800000x128xf32, #tpu.memory_space<hbm>> -> memref<128x128xf32, #tpu.memory_space<hbm>>
            %dma_start3A_317 = tpu.memref_slice %arg22[%dma_start3A_314] : memref<3x!tpu.dma_semaphore, #tpu.memory_space<semaphore_mem>> -> memref<1x!tpu.dma_semaphore, #tpu.memory_space<semaphore_mem>>
            %dma_start3A_318 = tpu.memref_squeeze %dma_start3A_317 : memref<1x!tpu.dma_semaphore, #tpu.memory_space<semaphore_mem>> -> memref<!tpu.dma_semaphore, #tpu.memory_space<semaphore_mem>>
            %dma_start3A_319 = arith.constant 0 : i32
            %dma_start3A_320 = tpu.memref_slice %arg5[%min3A_304, %dma_start3A_319] : memref<800000x128xf32, #tpu.memory_space<hbm>> -> memref<128x128xf32, #tpu.memory_space<hbm>>
            tpu.enqueue_dma source(%dma_start3A_320 : memref<128x128xf32, #tpu.memory_space<hbm>>) target(%arg17 : memref<128x128xf32, #tpu.memory_space<vmem>>) target_semaphore(%dma_start3A_318 : memref<!tpu.dma_semaphore, #tpu.memory_space<semaphore_mem>>)
          } else {
          }
          %dma_wait3A = arith.constant 0 : i32
          %dma_wait3A_273 = arith.constant 0 : i32
          %dma_wait3A_274 = arith.constant 0 : i32
          %dma_wait3A_275 = tpu.memref_slice %arg2[%dma_wait3A_273, %dma_wait3A_274] : memref<51200x128xf32, #tpu.memory_space<hbm>> -> memref<51200x128xf32, #tpu.memory_space<hbm>>
          %dma_wait3A_276 = tpu.memref_slice %arg23[%dma_wait3A] : memref<3x!tpu.dma_semaphore, #tpu.memory_space<semaphore_mem>> -> memref<1x!tpu.dma_semaphore, #tpu.memory_space<semaphore_mem>>
          %dma_wait3A_277 = tpu.memref_squeeze %dma_wait3A_276 : memref<1x!tpu.dma_semaphore, #tpu.memory_space<semaphore_mem>> -> memref<!tpu.dma_semaphore, #tpu.memory_space<semaphore_mem>>
          tpu.wait_indirect_dma semaphore(%dma_wait3A_277 : memref<!tpu.dma_semaphore, #tpu.memory_space<semaphore_mem>>) src(%dma_wait3A_275 : memref<51200x128xf32, #tpu.memory_space<hbm>>) dst(%arg18 : memref<128x128xf32, #tpu.memory_space<vmem>>)
          %mul3A_278 = arith.constant 128 : i32
          %mul3A_279 = arith.muli %add3A_240, %mul3A_278 : i32
          %add3A_280 = arith.addi %mul3A_148, %mul3A_279 : i32
          %mul3A_281 = arith.constant 128 : i32
          %mul3A_282 = arith.muli %add3A_240, %mul3A_281 : i32
          %add3A_283 = arith.addi %mul3A_148, %mul3A_282 : i32
          %min3A = arith.constant 799872 : i32
          %min3A_284 = arith.minsi %add3A_283, %min3A : i32
          %max3A = arith.maxsi %squeeze3A, %add3A_280 : i32
          %sub3A_285 = arith.subi %max3A, %min3A_284 : i32
          %add3A_286 = arith.constant 128 : i32
          %add3A_287 = arith.addi %add3A_280, %add3A_286 : i32
          %min3A_288 = arith.minsi %squeeze3A_122, %add3A_287 : i32
          %sub3A_289 = arith.subi %min3A_288, %min3A_284 : i32
          %while3A_290 = arith.subi %sub3A_289, %sub3A_285 : i32
          %while3A_291 = arith.addi %sub3A_285, %while3A_290 : i32
          %while3A_292 = arith.constant 1 : i32
          %while3A_293 = arith.divsi %while3A_290, %while3A_292 : i32
          %while3A_294 = arith.muli %while3A_293, %while3A_292 : i32
          %while3A_295 = arith.addi %sub3A_285, %while3A_294 : i32
          %while3A_296 = arith.constant 1 : i32
          scf.for %while3A_298 = %sub3A_285 to %while3A_295 step %while3A_296  : i32 {
            %broadcast_in_dim3A_299 = vector.broadcast %while3A_298 : i32 to vector<16xi32>
            %gather3A = tpu.vector_load_idx %arg9[%broadcast_in_dim3A_299] : memref<128xi32, #tpu.memory_space<vmem>>[vector<16xi32>], vector<16xi32>,
            %sub3A_300 = vector.broadcast %mul3A_119 : i32 to vector<16xi32>
            %sub3A_301 = arith.subi %gather3A, %sub3A_300 : vector<16xi32>
            %gather3A_302 = tpu.vector_load_idx %arg18[%broadcast_in_dim3A_299, %iota3A] : memref<128x128xf32, #tpu.memory_space<vmem>>[vector<16xi32>, vector<16xi32>], vector<16xf32>,
            %add3A_303 = arith.constant 16 : i32
            %add3A_304 = vector.broadcast %add3A_303 : i32 to vector<16xi32>
            %add3A_305 = arith.addi %iota3A, %add3A_304 : vector<16xi32>
            %gather3A_306 = tpu.vector_load_idx %arg18[%broadcast_in_dim3A_299, %add3A_305] : memref<128x128xf32, #tpu.memory_space<vmem>>[vector<16xi32>, vector<16xi32>], vector<16xf32>,
            %mul3A_307 = arith.constant 3 : i32
            %mul3A_308 = vector.broadcast %mul3A_307 : i32 to vector<16xi32>
            %mul3A_309 = arith.muli %mul3A_308, %iota3A : vector<16xi32>
            %add3A_310 = arith.constant 32 : i32
            %add3A_311 = vector.broadcast %add3A_310 : i32 to vector<16xi32>
            %add3A_312 = arith.addi %mul3A_309, %add3A_311 : vector<16xi32>
            %gather3A_313 = tpu.vector_load_idx %arg18[%broadcast_in_dim3A_299, %add3A_312] : memref<128x128xf32, #tpu.memory_space<vmem>>[vector<16xi32>, vector<16xi32>], vector<16xf32>,
            %mul3A_314 = arith.constant 3 : i32
            %mul3A_315 = vector.broadcast %mul3A_314 : i32 to vector<16xi32>
            %mul3A_316 = arith.muli %mul3A_315, %iota3A : vector<16xi32>
            %add3A_317 = arith.constant 33 : i32
            %add3A_318 = vector.broadcast %add3A_317 : i32 to vector<16xi32>
            %add3A_319 = arith.addi %mul3A_316, %add3A_318 : vector<16xi32>
            %gather3A_320 = tpu.vector_load_idx %arg18[%broadcast_in_dim3A_299, %add3A_319] : memref<128x128xf32, #tpu.memory_space<vmem>>[vector<16xi32>, vector<16xi32>], vector<16xf32>,
            %mul3A_321 = arith.constant 3 : i32
            %mul3A_322 = vector.broadcast %mul3A_321 : i32 to vector<16xi32>
            %mul3A_323 = arith.muli %mul3A_322, %iota3A : vector<16xi32>
            %add3A_324 = arith.constant 34 : i32
            %add3A_325 = vector.broadcast %add3A_324 : i32 to vector<16xi32>
            %add3A_326 = arith.addi %mul3A_323, %add3A_325 : vector<16xi32>
            %gather3A_327 = tpu.vector_load_idx %arg18[%broadcast_in_dim3A_299, %add3A_326] : memref<128x128xf32, #tpu.memory_space<vmem>>[vector<16xi32>, vector<16xi32>], vector<16xf32>,
            %broadcast_in_dim3A_328 = arith.constant 112 : i32
            %broadcast_in_dim3A_329 = vector.broadcast %broadcast_in_dim3A_328 : i32 to vector<16xi32>
            %gather3A_330 = tpu.vector_load_idx %arg15[%broadcast_in_dim3A_299, %broadcast_in_dim3A_329] : memref<128x128xf32, #tpu.memory_space<vmem>>[vector<16xi32>, vector<16xi32>], vector<16xf32>,
            %broadcast_in_dim3A_331 = arith.constant 113 : i32
            %broadcast_in_dim3A_332 = vector.broadcast %broadcast_in_dim3A_331 : i32 to vector<16xi32>
            %gather3A_333 = tpu.vector_load_idx %arg15[%broadcast_in_dim3A_299, %broadcast_in_dim3A_332] : memref<128x128xf32, #tpu.memory_space<vmem>>[vector<16xi32>, vector<16xi32>], vector<16xf32>,
            %broadcast_in_dim3A_334 = arith.constant 114 : i32
            %broadcast_in_dim3A_335 = vector.broadcast %broadcast_in_dim3A_334 : i32 to vector<16xi32>
            %gather3A_336 = tpu.vector_load_idx %arg15[%broadcast_in_dim3A_299, %broadcast_in_dim3A_335] : memref<128x128xf32, #tpu.memory_space<vmem>>[vector<16xi32>, vector<16xi32>], vector<16xf32>,
            %gather3A_337 = tpu.vector_load_idx %arg15[%broadcast_in_dim3A_299, %iota3A] : memref<128x128xf32, #tpu.memory_space<vmem>>[vector<16xi32>, vector<16xi32>], vector<16xf32>,
            %add3A_338 = arith.constant 16 : i32
            %add3A_339 = vector.broadcast %add3A_338 : i32 to vector<16xi32>
            %add3A_340 = arith.addi %iota3A, %add3A_339 : vector<16xi32>
            %gather3A_341 = tpu.vector_load_idx %arg15[%broadcast_in_dim3A_299, %add3A_340] : memref<128x128xf32, #tpu.memory_space<vmem>>[vector<16xi32>, vector<16xi32>], vector<16xf32>,
            %add3A_342 = arith.constant 32 : i32
            %add3A_343 = vector.broadcast %add3A_342 : i32 to vector<16xi32>
            %add3A_344 = arith.addi %iota3A, %add3A_343 : vector<16xi32>
            %gather3A_345 = tpu.vector_load_idx %arg15[%broadcast_in_dim3A_299, %add3A_344] : memref<128x128xf32, #tpu.memory_space<vmem>>[vector<16xi32>, vector<16xi32>], vector<16xf32>,
            %add3A_346 = arith.constant 48 : i32
            %add3A_347 = vector.broadcast %add3A_346 : i32 to vector<16xi32>
            %add3A_348 = arith.addi %iota3A, %add3A_347 : vector<16xi32>
            %gather3A_349 = tpu.vector_load_idx %arg15[%broadcast_in_dim3A_299, %add3A_348] : memref<128x128xf32, #tpu.memory_space<vmem>>[vector<16xi32>, vector<16xi32>], vector<16xf32>,
            %add3A_350 = arith.constant 64 : i32
            %add3A_351 = vector.broadcast %add3A_350 : i32 to vector<16xi32>
            %add3A_352 = arith.addi %iota3A, %add3A_351 : vector<16xi32>
            %gather3A_353 = tpu.vector_load_idx %arg15[%broadcast_in_dim3A_299, %add3A_352] : memref<128x128xf32, #tpu.memory_space<vmem>>[vector<16xi32>, vector<16xi32>], vector<16xf32>,
            %add3A_354 = arith.constant 80 : i32
            %add3A_355 = vector.broadcast %add3A_354 : i32 to vector<16xi32>
            %add3A_356 = arith.addi %iota3A, %add3A_355 : vector<16xi32>
            %gather3A_357 = tpu.vector_load_idx %arg15[%broadcast_in_dim3A_299, %add3A_356] : memref<128x128xf32, #tpu.memory_space<vmem>>[vector<16xi32>, vector<16xi32>], vector<16xf32>,
            %add3A_358 = arith.constant 96 : i32
            %add3A_359 = vector.broadcast %add3A_358 : i32 to vector<16xi32>
            %add3A_360 = arith.addi %iota3A, %add3A_359 : vector<16xi32>
            %gather3A_361 = tpu.vector_load_idx %arg15[%broadcast_in_dim3A_299, %add3A_360] : memref<128x128xf32, #tpu.memory_space<vmem>>[vector<16xi32>, vector<16xi32>], vector<16xf32>,
            %mul3A_362 = arith.mulf %gather3A_337, %gather3A_302 : vector<16xf32>
            tpu.vector_store_idx %arg8[%sub3A_301, %iota3A], %mul3A_362 {add = true} : memref<80x256xf32, #tpu.memory_space<vmem>>[vector<16xi32>, vector<16xi32>], vector<16xf32>,
            %mul3A_363 = arith.mulf %gather3A_341, %gather3A_306 : vector<16xf32>
            tpu.vector_store_idx %arg8[%sub3A_301, %add3A_4], %mul3A_363 {add = true} : memref<80x256xf32, #tpu.memory_space<vmem>>[vector<16xi32>, vector<16xi32>], vector<16xf32>,
            %mul3A_364 = arith.mulf %gather3A_313, %gather3A_330 : vector<16xf32>
            %mul3A_365 = arith.mulf %gather3A_320, %gather3A_333 : vector<16xf32>
            %add3A_366 = arith.addf %mul3A_364, %mul3A_365 : vector<16xf32>
            %mul3A_367 = arith.mulf %gather3A_327, %gather3A_336 : vector<16xf32>
            %add3A_368 = arith.addf %add3A_366, %mul3A_367 : vector<16xf32>
            %mul3A_369 = arith.mulf %gather3A_345, %add3A_368 : vector<16xf32>
            tpu.vector_store_idx %arg8[%sub3A_301, %add3A_7], %mul3A_369 {add = true} : memref<80x256xf32, #tpu.memory_space<vmem>>[vector<16xi32>, vector<16xi32>], vector<16xf32>,
            %mul3A_370 = arith.mulf %gather3A_349, %gather3A_302 : vector<16xf32>
            %mul3A_371 = arith.mulf %gather3A_353, %gather3A_306 : vector<16xf32>
            %mul3A_372 = arith.mulf %mul3A_370, %gather3A_330 : vector<16xf32>
            tpu.vector_store_idx %arg8[%sub3A_301, %add3A_13], %mul3A_372 {add = true} : memref<80x256xf32, #tpu.memory_space<vmem>>[vector<16xi32>, vector<16xi32>], vector<16xf32>,
            %mul3A_373 = arith.mulf %mul3A_371, %gather3A_330 : vector<16xf32>
            tpu.vector_store_idx %arg8[%sub3A_301, %add3A_31], %mul3A_373 {add = true} : memref<80x256xf32, #tpu.memory_space<vmem>>[vector<16xi32>, vector<16xi32>], vector<16xf32>,
            %mul3A_374 = arith.mulf %mul3A_370, %gather3A_333 : vector<16xf32>
            tpu.vector_store_idx %arg8[%sub3A_301, %add3A_19], %mul3A_374 {add = true} : memref<80x256xf32, #tpu.memory_space<vmem>>[vector<16xi32>, vector<16xi32>], vector<16xf32>,
            %mul3A_375 = arith.mulf %mul3A_371, %gather3A_333 : vector<16xf32>
            tpu.vector_store_idx %arg8[%sub3A_301, %add3A_37], %mul3A_375 {add = true} : memref<80x256xf32, #tpu.memory_space<vmem>>[vector<16xi32>, vector<16xi32>], vector<16xf32>,
            %mul3A_376 = arith.mulf %mul3A_370, %gather3A_336 : vector<16xf32>
            tpu.vector_store_idx %arg8[%sub3A_301, %add3A_25], %mul3A_376 {add = true} : memref<80x256xf32, #tpu.memory_space<vmem>>[vector<16xi32>, vector<16xi32>], vector<16xf32>,
            %mul3A_377 = arith.mulf %mul3A_371, %gather3A_336 : vector<16xf32>
            tpu.vector_store_idx %arg8[%sub3A_301, %add3A_43], %mul3A_377 {add = true} : memref<80x256xf32, #tpu.memory_space<vmem>>[vector<16xi32>, vector<16xi32>], vector<16xf32>,
            %mul3A_378 = arith.mulf %gather3A_357, %gather3A_313 : vector<16xf32>
            tpu.vector_store_idx %arg8[%sub3A_301, %add3A_49], %mul3A_378 {add = true} : memref<80x256xf32, #tpu.memory_space<vmem>>[vector<16xi32>, vector<16xi32>], vector<16xf32>,
            %mul3A_379 = arith.mulf %gather3A_357, %gather3A_320 : vector<16xf32>
            tpu.vector_store_idx %arg8[%sub3A_301, %add3A_55], %mul3A_379 {add = true} : memref<80x256xf32, #tpu.memory_space<vmem>>[vector<16xi32>, vector<16xi32>], vector<16xf32>,
            %mul3A_380 = arith.mulf %gather3A_357, %gather3A_327 : vector<16xf32>
            tpu.vector_store_idx %arg8[%sub3A_301, %add3A_61], %mul3A_380 {add = true} : memref<80x256xf32, #tpu.memory_space<vmem>>[vector<16xi32>, vector<16xi32>], vector<16xf32>,
            %mul3A_381 = arith.mulf %gather3A_320, %gather3A_336 : vector<16xf32>
            %mul3A_382 = arith.mulf %gather3A_327, %gather3A_333 : vector<16xf32>
            %sub3A_383 = arith.subf %mul3A_381, %mul3A_382 : vector<16xf32>
            %mul3A_384 = arith.mulf %gather3A_327, %gather3A_330 : vector<16xf32>
            %mul3A_385 = arith.mulf %gather3A_313, %gather3A_336 : vector<16xf32>
            %sub3A_386 = arith.subf %mul3A_384, %mul3A_385 : vector<16xf32>
            %mul3A_387 = arith.mulf %gather3A_313, %gather3A_333 : vector<16xf32>
            %mul3A_388 = arith.mulf %gather3A_320, %gather3A_330 : vector<16xf32>
            %sub3A_389 = arith.subf %mul3A_387, %mul3A_388 : vector<16xf32>
            %mul3A_390 = arith.mulf %gather3A_361, %sub3A_383 : vector<16xf32>
            tpu.vector_store_idx %arg8[%sub3A_301, %add3A_67], %mul3A_390 {add = true} : memref<80x256xf32, #tpu.memory_space<vmem>>[vector<16xi32>, vector<16xi32>], vector<16xf32>,
            %mul3A_391 = arith.mulf %gather3A_361, %sub3A_386 : vector<16xf32>
            tpu.vector_store_idx %arg8[%sub3A_301, %add3A_73], %mul3A_391 {add = true} : memref<80x256xf32, #tpu.memory_space<vmem>>[vector<16xi32>, vector<16xi32>], vector<16xf32>,
            %mul3A_392 = arith.mulf %gather3A_361, %sub3A_389 : vector<16xf32>
            tpu.vector_store_idx %arg8[%sub3A_301, %add3A_79], %mul3A_392 {add = true} : memref<80x256xf32, #tpu.memory_space<vmem>>[vector<16xi32>, vector<16xi32>], vector<16xf32>,
          }
          %while3A_297 = arith.constant 1 : i32
          scf.for %while3A_298 = %while3A_295 to %while3A_291 step %while3A_297  : i32 {
            %broadcast_in_dim3A_299 = vector.broadcast %while3A_298 : i32 to vector<16xi32>
            %gather3A = tpu.vector_load_idx %arg9[%broadcast_in_dim3A_299] : memref<128xi32, #tpu.memory_space<vmem>>[vector<16xi32>], vector<16xi32>,
            %sub3A_300 = vector.broadcast %mul3A_119 : i32 to vector<16xi32>
            %sub3A_301 = arith.subi %gather3A, %sub3A_300 : vector<16xi32>
            %gather3A_302 = tpu.vector_load_idx %arg18[%broadcast_in_dim3A_299, %iota3A] : memref<128x128xf32, #tpu.memory_space<vmem>>[vector<16xi32>, vector<16xi32>], vector<16xf32>,
            %add3A_303 = arith.constant 16 : i32
            %add3A_304 = vector.broadcast %add3A_303 : i32 to vector<16xi32>
            %add3A_305 = arith.addi %iota3A, %add3A_304 : vector<16xi32>
            %gather3A_306 = tpu.vector_load_idx %arg18[%broadcast_in_dim3A_299, %add3A_305] : memref<128x128xf32, #tpu.memory_space<vmem>>[vector<16xi32>, vector<16xi32>], vector<16xf32>,
            %mul3A_307 = arith.constant 3 : i32
            %mul3A_308 = vector.broadcast %mul3A_307 : i32 to vector<16xi32>
            %mul3A_309 = arith.muli %mul3A_308, %iota3A : vector<16xi32>
            %add3A_310 = arith.constant 32 : i32
            %add3A_311 = vector.broadcast %add3A_310 : i32 to vector<16xi32>
            %add3A_312 = arith.addi %mul3A_309, %add3A_311 : vector<16xi32>
            %gather3A_313 = tpu.vector_load_idx %arg18[%broadcast_in_dim3A_299, %add3A_312] : memref<128x128xf32, #tpu.memory_space<vmem>>[vector<16xi32>, vector<16xi32>], vector<16xf32>,
            %mul3A_314 = arith.constant 3 : i32
            %mul3A_315 = vector.broadcast %mul3A_314 : i32 to vector<16xi32>
            %mul3A_316 = arith.muli %mul3A_315, %iota3A : vector<16xi32>
            %add3A_317 = arith.constant 33 : i32
            %add3A_318 = vector.broadcast %add3A_317 : i32 to vector<16xi32>
            %add3A_319 = arith.addi %mul3A_316, %add3A_318 : vector<16xi32>
            %gather3A_320 = tpu.vector_load_idx %arg18[%broadcast_in_dim3A_299, %add3A_319] : memref<128x128xf32, #tpu.memory_space<vmem>>[vector<16xi32>, vector<16xi32>], vector<16xf32>,
            %mul3A_321 = arith.constant 3 : i32
            %mul3A_322 = vector.broadcast %mul3A_321 : i32 to vector<16xi32>
            %mul3A_323 = arith.muli %mul3A_322, %iota3A : vector<16xi32>
            %add3A_324 = arith.constant 34 : i32
            %add3A_325 = vector.broadcast %add3A_324 : i32 to vector<16xi32>
            %add3A_326 = arith.addi %mul3A_323, %add3A_325 : vector<16xi32>
            %gather3A_327 = tpu.vector_load_idx %arg18[%broadcast_in_dim3A_299, %add3A_326] : memref<128x128xf32, #tpu.memory_space<vmem>>[vector<16xi32>, vector<16xi32>], vector<16xf32>,
            %broadcast_in_dim3A_328 = arith.constant 112 : i32
            %broadcast_in_dim3A_329 = vector.broadcast %broadcast_in_dim3A_328 : i32 to vector<16xi32>
            %gather3A_330 = tpu.vector_load_idx %arg15[%broadcast_in_dim3A_299, %broadcast_in_dim3A_329] : memref<128x128xf32, #tpu.memory_space<vmem>>[vector<16xi32>, vector<16xi32>], vector<16xf32>,
            %broadcast_in_dim3A_331 = arith.constant 113 : i32
            %broadcast_in_dim3A_332 = vector.broadcast %broadcast_in_dim3A_331 : i32 to vector<16xi32>
            %gather3A_333 = tpu.vector_load_idx %arg15[%broadcast_in_dim3A_299, %broadcast_in_dim3A_332] : memref<128x128xf32, #tpu.memory_space<vmem>>[vector<16xi32>, vector<16xi32>], vector<16xf32>,
            %broadcast_in_dim3A_334 = arith.constant 114 : i32
            %broadcast_in_dim3A_335 = vector.broadcast %broadcast_in_dim3A_334 : i32 to vector<16xi32>
            %gather3A_336 = tpu.vector_load_idx %arg15[%broadcast_in_dim3A_299, %broadcast_in_dim3A_335] : memref<128x128xf32, #tpu.memory_space<vmem>>[vector<16xi32>, vector<16xi32>], vector<16xf32>,
            %gather3A_337 = tpu.vector_load_idx %arg15[%broadcast_in_dim3A_299, %iota3A] : memref<128x128xf32, #tpu.memory_space<vmem>>[vector<16xi32>, vector<16xi32>], vector<16xf32>,
            %add3A_338 = arith.constant 16 : i32
            %add3A_339 = vector.broadcast %add3A_338 : i32 to vector<16xi32>
            %add3A_340 = arith.addi %iota3A, %add3A_339 : vector<16xi32>
            %gather3A_341 = tpu.vector_load_idx %arg15[%broadcast_in_dim3A_299, %add3A_340] : memref<128x128xf32, #tpu.memory_space<vmem>>[vector<16xi32>, vector<16xi32>], vector<16xf32>,
            %add3A_342 = arith.constant 32 : i32
            %add3A_343 = vector.broadcast %add3A_342 : i32 to vector<16xi32>
            %add3A_344 = arith.addi %iota3A, %add3A_343 : vector<16xi32>
            %gather3A_345 = tpu.vector_load_idx %arg15[%broadcast_in_dim3A_299, %add3A_344] : memref<128x128xf32, #tpu.memory_space<vmem>>[vector<16xi32>, vector<16xi32>], vector<16xf32>,
            %add3A_346 = arith.constant 48 : i32
            %add3A_347 = vector.broadcast %add3A_346 : i32 to vector<16xi32>
            %add3A_348 = arith.addi %iota3A, %add3A_347 : vector<16xi32>
            %gather3A_349 = tpu.vector_load_idx %arg15[%broadcast_in_dim3A_299, %add3A_348] : memref<128x128xf32, #tpu.memory_space<vmem>>[vector<16xi32>, vector<16xi32>], vector<16xf32>,
            %add3A_350 = arith.constant 64 : i32
            %add3A_351 = vector.broadcast %add3A_350 : i32 to vector<16xi32>
            %add3A_352 = arith.addi %iota3A, %add3A_351 : vector<16xi32>
            %gather3A_353 = tpu.vector_load_idx %arg15[%broadcast_in_dim3A_299, %add3A_352] : memref<128x128xf32, #tpu.memory_space<vmem>>[vector<16xi32>, vector<16xi32>], vector<16xf32>,
            %add3A_354 = arith.constant 80 : i32
            %add3A_355 = vector.broadcast %add3A_354 : i32 to vector<16xi32>
            %add3A_356 = arith.addi %iota3A, %add3A_355 : vector<16xi32>
            %gather3A_357 = tpu.vector_load_idx %arg15[%broadcast_in_dim3A_299, %add3A_356] : memref<128x128xf32, #tpu.memory_space<vmem>>[vector<16xi32>, vector<16xi32>], vector<16xf32>,
            %add3A_358 = arith.constant 96 : i32
            %add3A_359 = vector.broadcast %add3A_358 : i32 to vector<16xi32>
            %add3A_360 = arith.addi %iota3A, %add3A_359 : vector<16xi32>
            %gather3A_361 = tpu.vector_load_idx %arg15[%broadcast_in_dim3A_299, %add3A_360] : memref<128x128xf32, #tpu.memory_space<vmem>>[vector<16xi32>, vector<16xi32>], vector<16xf32>,
            %mul3A_362 = arith.mulf %gather3A_337, %gather3A_302 : vector<16xf32>
            tpu.vector_store_idx %arg8[%sub3A_301, %iota3A], %mul3A_362 {add = true} : memref<80x256xf32, #tpu.memory_space<vmem>>[vector<16xi32>, vector<16xi32>], vector<16xf32>,
            %mul3A_363 = arith.mulf %gather3A_341, %gather3A_306 : vector<16xf32>
            tpu.vector_store_idx %arg8[%sub3A_301, %add3A_4], %mul3A_363 {add = true} : memref<80x256xf32, #tpu.memory_space<vmem>>[vector<16xi32>, vector<16xi32>], vector<16xf32>,
            %mul3A_364 = arith.mulf %gather3A_313, %gather3A_330 : vector<16xf32>
            %mul3A_365 = arith.mulf %gather3A_320, %gather3A_333 : vector<16xf32>
            %add3A_366 = arith.addf %mul3A_364, %mul3A_365 : vector<16xf32>
            %mul3A_367 = arith.mulf %gather3A_327, %gather3A_336 : vector<16xf32>
            %add3A_368 = arith.addf %add3A_366, %mul3A_367 : vector<16xf32>
            %mul3A_369 = arith.mulf %gather3A_345, %add3A_368 : vector<16xf32>
            tpu.vector_store_idx %arg8[%sub3A_301, %add3A_7], %mul3A_369 {add = true} : memref<80x256xf32, #tpu.memory_space<vmem>>[vector<16xi32>, vector<16xi32>], vector<16xf32>,
            %mul3A_370 = arith.mulf %gather3A_349, %gather3A_302 : vector<16xf32>
            %mul3A_371 = arith.mulf %gather3A_353, %gather3A_306 : vector<16xf32>
            %mul3A_372 = arith.mulf %mul3A_370, %gather3A_330 : vector<16xf32>
            tpu.vector_store_idx %arg8[%sub3A_301, %add3A_13], %mul3A_372 {add = true} : memref<80x256xf32, #tpu.memory_space<vmem>>[vector<16xi32>, vector<16xi32>], vector<16xf32>,
            %mul3A_373 = arith.mulf %mul3A_371, %gather3A_330 : vector<16xf32>
            tpu.vector_store_idx %arg8[%sub3A_301, %add3A_31], %mul3A_373 {add = true} : memref<80x256xf32, #tpu.memory_space<vmem>>[vector<16xi32>, vector<16xi32>], vector<16xf32>,
            %mul3A_374 = arith.mulf %mul3A_370, %gather3A_333 : vector<16xf32>
            tpu.vector_store_idx %arg8[%sub3A_301, %add3A_19], %mul3A_374 {add = true} : memref<80x256xf32, #tpu.memory_space<vmem>>[vector<16xi32>, vector<16xi32>], vector<16xf32>,
            %mul3A_375 = arith.mulf %mul3A_371, %gather3A_333 : vector<16xf32>
            tpu.vector_store_idx %arg8[%sub3A_301, %add3A_37], %mul3A_375 {add = true} : memref<80x256xf32, #tpu.memory_space<vmem>>[vector<16xi32>, vector<16xi32>], vector<16xf32>,
            %mul3A_376 = arith.mulf %mul3A_370, %gather3A_336 : vector<16xf32>
            tpu.vector_store_idx %arg8[%sub3A_301, %add3A_25], %mul3A_376 {add = true} : memref<80x256xf32, #tpu.memory_space<vmem>>[vector<16xi32>, vector<16xi32>], vector<16xf32>,
            %mul3A_377 = arith.mulf %mul3A_371, %gather3A_336 : vector<16xf32>
            tpu.vector_store_idx %arg8[%sub3A_301, %add3A_43], %mul3A_377 {add = true} : memref<80x256xf32, #tpu.memory_space<vmem>>[vector<16xi32>, vector<16xi32>], vector<16xf32>,
            %mul3A_378 = arith.mulf %gather3A_357, %gather3A_313 : vector<16xf32>
            tpu.vector_store_idx %arg8[%sub3A_301, %add3A_49], %mul3A_378 {add = true} : memref<80x256xf32, #tpu.memory_space<vmem>>[vector<16xi32>, vector<16xi32>], vector<16xf32>,
            %mul3A_379 = arith.mulf %gather3A_357, %gather3A_320 : vector<16xf32>
            tpu.vector_store_idx %arg8[%sub3A_301, %add3A_55], %mul3A_379 {add = true} : memref<80x256xf32, #tpu.memory_space<vmem>>[vector<16xi32>, vector<16xi32>], vector<16xf32>,
            %mul3A_380 = arith.mulf %gather3A_357, %gather3A_327 : vector<16xf32>
            tpu.vector_store_idx %arg8[%sub3A_301, %add3A_61], %mul3A_380 {add = true} : memref<80x256xf32, #tpu.memory_space<vmem>>[vector<16xi32>, vector<16xi32>], vector<16xf32>,
            %mul3A_381 = arith.mulf %gather3A_320, %gather3A_336 : vector<16xf32>
            %mul3A_382 = arith.mulf %gather3A_327, %gather3A_333 : vector<16xf32>
            %sub3A_383 = arith.subf %mul3A_381, %mul3A_382 : vector<16xf32>
            %mul3A_384 = arith.mulf %gather3A_327, %gather3A_330 : vector<16xf32>
            %mul3A_385 = arith.mulf %gather3A_313, %gather3A_336 : vector<16xf32>
            %sub3A_386 = arith.subf %mul3A_384, %mul3A_385 : vector<16xf32>
            %mul3A_387 = arith.mulf %gather3A_313, %gather3A_333 : vector<16xf32>
            %mul3A_388 = arith.mulf %gather3A_320, %gather3A_330 : vector<16xf32>
            %sub3A_389 = arith.subf %mul3A_387, %mul3A_388 : vector<16xf32>
            %mul3A_390 = arith.mulf %gather3A_361, %sub3A_383 : vector<16xf32>
            tpu.vector_store_idx %arg8[%sub3A_301, %add3A_67], %mul3A_390 {add = true} : memref<80x256xf32, #tpu.memory_space<vmem>>[vector<16xi32>, vector<16xi32>], vector<16xf32>,
            %mul3A_391 = arith.mulf %gather3A_361, %sub3A_386 : vector<16xf32>
            tpu.vector_store_idx %arg8[%sub3A_301, %add3A_73], %mul3A_391 {add = true} : memref<80x256xf32, #tpu.memory_space<vmem>>[vector<16xi32>, vector<16xi32>], vector<16xf32>,
            %mul3A_392 = arith.mulf %gather3A_361, %sub3A_389 : vector<16xf32>
            tpu.vector_store_idx %arg8[%sub3A_301, %add3A_79], %mul3A_392 {add = true} : memref<80x256xf32, #tpu.memory_space<vmem>>[vector<16xi32>, vector<16xi32>], vector<16xf32>,
          }
        } else {
        }
        %mul3A_244 = arith.constant 3 : i32
        %mul3A_245 = arith.muli %mul3A_244, %while3A_235 : i32
        %add3A_246 = arith.constant 1 : i32
        %add3A_247 = arith.addi %mul3A_245, %add3A_246 : i32
        %lt3A_248 = arith.cmpi slt, %add3A_247, %select_n3A_177 : i32
        %convert_element_type3A_249 = arith.extui %lt3A_248 : i1 to i32
        %cond3A_250 = arith.constant 0 : i32
        %cond3A_251 = arith.cmpi ne, %convert_element_type3A_249, %cond3A_250 : i32
        scf.if %cond3A_251 {
          %add3A_261 = arith.constant 1 : i32
          %add3A_262 = arith.addi %add3A_247, %add3A_261 : i32
          %lt3A_263 = arith.cmpi slt, %add3A_262, %select_n3A_177 : i32
          %convert_element_type3A_264 = arith.extui %lt3A_263 : i1 to i32
          %cond3A_265 = arith.constant 0 : i32
          %cond3A_266 = arith.cmpi ne, %convert_element_type3A_264, %cond3A_265 : i32
          scf.if %cond3A_266 {
            %add3A_298 = arith.constant 1 : i32
            %add3A_299 = arith.addi %add3A_247, %add3A_298 : i32
            %mul3A_300 = arith.constant 128 : i32
            %mul3A_301 = arith.muli %add3A_299, %mul3A_300 : i32
            %add3A_302 = arith.addi %mul3A_148, %mul3A_301 : i32
            %min3A_303 = arith.constant 799872 : i32
            %min3A_304 = arith.minsi %add3A_302, %min3A_303 : i32
            %dma_wait3A_305 = arith.constant 2 : i32
            %dma_wait3A_306 = tpu.memref_slice %arg3[%min3A_304] : memref<800000xi32, #tpu.memory_space<hbm>> -> memref<128xi32, #tpu.memory_space<hbm>>
            %dma_wait3A_307 = tpu.memref_slice %arg22[%dma_wait3A_305] : memref<3x!tpu.dma_semaphore, #tpu.memory_space<semaphore_mem>> -> memref<1x!tpu.dma_semaphore, #tpu.memory_space<semaphore_mem>>
            %dma_wait3A_308 = tpu.memref_squeeze %dma_wait3A_307 : memref<1x!tpu.dma_semaphore, #tpu.memory_space<semaphore_mem>> -> memref<!tpu.dma_semaphore, #tpu.memory_space<semaphore_mem>>
            %dma_wait3A_309 = tpu.memref_slice %arg3[%min3A_304] : memref<800000xi32, #tpu.memory_space<hbm>> -> memref<128xi32, #tpu.memory_space<hbm>>
            tpu.wait_dma2 semaphore(%dma_wait3A_308 : memref<!tpu.dma_semaphore, #tpu.memory_space<semaphore_mem>>) src(%dma_wait3A_309 : memref<128xi32, #tpu.memory_space<hbm>>) dst(%arg11 : memref<128xi32, #tpu.memory_space<vmem>>)
            %dma_wait3A_310 = arith.constant 2 : i32
            %dma_wait3A_311 = tpu.memref_slice %arg4[%min3A_304] : memref<800000xi32, #tpu.memory_space<hbm>> -> memref<128xi32, #tpu.memory_space<hbm>>
            %dma_wait3A_312 = tpu.memref_slice %arg22[%dma_wait3A_310] : memref<3x!tpu.dma_semaphore, #tpu.memory_space<semaphore_mem>> -> memref<1x!tpu.dma_semaphore, #tpu.memory_space<semaphore_mem>>
            %dma_wait3A_313 = tpu.memref_squeeze %dma_wait3A_312 : memref<1x!tpu.dma_semaphore, #tpu.memory_space<semaphore_mem>> -> memref<!tpu.dma_semaphore, #tpu.memory_space<semaphore_mem>>
            %dma_wait3A_314 = tpu.memref_slice %arg4[%min3A_304] : memref<800000xi32, #tpu.memory_space<hbm>> -> memref<128xi32, #tpu.memory_space<hbm>>
            tpu.wait_dma2 semaphore(%dma_wait3A_313 : memref<!tpu.dma_semaphore, #tpu.memory_space<semaphore_mem>>) src(%dma_wait3A_314 : memref<128xi32, #tpu.memory_space<hbm>>) dst(%arg14 : memref<128xi32, #tpu.memory_space<vmem>>)
            %dma_wait3A_315 = arith.constant 2 : i32
            %dma_wait3A_316 = arith.constant 0 : i32
            %dma_wait3A_317 = tpu.memref_slice %arg5[%min3A_304, %dma_wait3A_316] : memref<800000x128xf32, #tpu.memory_space<hbm>> -> memref<128x128xf32, #tpu.memory_space<hbm>>
            %dma_wait3A_318 = tpu.memref_slice %arg22[%dma_wait3A_315] : memref<3x!tpu.dma_semaphore, #tpu.memory_space<semaphore_mem>> -> memref<1x!tpu.dma_semaphore, #tpu.memory_space<semaphore_mem>>
            %dma_wait3A_319 = tpu.memref_squeeze %dma_wait3A_318 : memref<1x!tpu.dma_semaphore, #tpu.memory_space<semaphore_mem>> -> memref<!tpu.dma_semaphore, #tpu.memory_space<semaphore_mem>>
            %dma_wait3A_320 = arith.constant 0 : i32
            %dma_wait3A_321 = tpu.memref_slice %arg5[%min3A_304, %dma_wait3A_320] : memref<800000x128xf32, #tpu.memory_space<hbm>> -> memref<128x128xf32, #tpu.memory_space<hbm>>
            tpu.wait_dma2 semaphore(%dma_wait3A_319 : memref<!tpu.dma_semaphore, #tpu.memory_space<semaphore_mem>>) src(%dma_wait3A_321 : memref<128x128xf32, #tpu.memory_space<hbm>>) dst(%arg17 : memref<128x128xf32, #tpu.memory_space<vmem>>)
            %dma_start3A = arith.constant 2 : i32
            %dma_start3A_322 = arith.constant 0 : i32
            %dma_start3A_323 = arith.constant 0 : i32
            %dma_start3A_324 = tpu.memref_slice %arg2[%dma_start3A_322, %dma_start3A_323] : memref<51200x128xf32, #tpu.memory_space<hbm>> -> memref<51200x128xf32, #tpu.memory_space<hbm>>
            %dma_start3A_325 = tpu.memref_slice %arg23[%dma_start3A] : memref<3x!tpu.dma_semaphore, #tpu.memory_space<semaphore_mem>> -> memref<1x!tpu.dma_semaphore, #tpu.memory_space<semaphore_mem>>
            %dma_start3A_326 = tpu.memref_squeeze %dma_start3A_325 : memref<1x!tpu.dma_semaphore, #tpu.memory_space<semaphore_mem>> -> memref<!tpu.dma_semaphore, #tpu.memory_space<semaphore_mem>>
            tpu.enqueue_indirect_dma source(%dma_start3A_324 : memref<51200x128xf32, #tpu.memory_space<hbm>>) target(%arg20 : memref<128x128xf32, #tpu.memory_space<vmem>>) offsets(%arg14 : memref<128xi32, #tpu.memory_space<vmem>>) semaphore(%dma_start3A_326 : memref<!tpu.dma_semaphore, #tpu.memory_space<semaphore_mem>>)
          } else {
          }
          %add3A_267 = arith.constant 2 : i32
          %add3A_268 = arith.addi %add3A_247, %add3A_267 : i32
          %lt3A_269 = arith.cmpi slt, %add3A_268, %select_n3A_177 : i32
          %convert_element_type3A_270 = arith.extui %lt3A_269 : i1 to i32
          %cond3A_271 = arith.constant 0 : i32
          %cond3A_272 = arith.cmpi ne, %convert_element_type3A_270, %cond3A_271 : i32
          scf.if %cond3A_272 {
            %add3A_298 = arith.constant 2 : i32
            %add3A_299 = arith.addi %add3A_247, %add3A_298 : i32
            %mul3A_300 = arith.constant 128 : i32
            %mul3A_301 = arith.muli %add3A_299, %mul3A_300 : i32
            %add3A_302 = arith.addi %mul3A_148, %mul3A_301 : i32
            %min3A_303 = arith.constant 799872 : i32
            %min3A_304 = arith.minsi %add3A_302, %min3A_303 : i32
            %dma_start3A = arith.constant 0 : i32
            %dma_start3A_305 = tpu.memref_slice %arg3[%min3A_304] : memref<800000xi32, #tpu.memory_space<hbm>> -> memref<128xi32, #tpu.memory_space<hbm>>
            %dma_start3A_306 = tpu.memref_slice %arg22[%dma_start3A] : memref<3x!tpu.dma_semaphore, #tpu.memory_space<semaphore_mem>> -> memref<1x!tpu.dma_semaphore, #tpu.memory_space<semaphore_mem>>
            %dma_start3A_307 = tpu.memref_squeeze %dma_start3A_306 : memref<1x!tpu.dma_semaphore, #tpu.memory_space<semaphore_mem>> -> memref<!tpu.dma_semaphore, #tpu.memory_space<semaphore_mem>>
            %dma_start3A_308 = tpu.memref_slice %arg3[%min3A_304] : memref<800000xi32, #tpu.memory_space<hbm>> -> memref<128xi32, #tpu.memory_space<hbm>>
            tpu.enqueue_dma source(%dma_start3A_308 : memref<128xi32, #tpu.memory_space<hbm>>) target(%arg9 : memref<128xi32, #tpu.memory_space<vmem>>) target_semaphore(%dma_start3A_307 : memref<!tpu.dma_semaphore, #tpu.memory_space<semaphore_mem>>)
            %dma_start3A_309 = arith.constant 0 : i32
            %dma_start3A_310 = tpu.memref_slice %arg4[%min3A_304] : memref<800000xi32, #tpu.memory_space<hbm>> -> memref<128xi32, #tpu.memory_space<hbm>>
            %dma_start3A_311 = tpu.memref_slice %arg22[%dma_start3A_309] : memref<3x!tpu.dma_semaphore, #tpu.memory_space<semaphore_mem>> -> memref<1x!tpu.dma_semaphore, #tpu.memory_space<semaphore_mem>>
            %dma_start3A_312 = tpu.memref_squeeze %dma_start3A_311 : memref<1x!tpu.dma_semaphore, #tpu.memory_space<semaphore_mem>> -> memref<!tpu.dma_semaphore, #tpu.memory_space<semaphore_mem>>
            %dma_start3A_313 = tpu.memref_slice %arg4[%min3A_304] : memref<800000xi32, #tpu.memory_space<hbm>> -> memref<128xi32, #tpu.memory_space<hbm>>
            tpu.enqueue_dma source(%dma_start3A_313 : memref<128xi32, #tpu.memory_space<hbm>>) target(%arg12 : memref<128xi32, #tpu.memory_space<vmem>>) target_semaphore(%dma_start3A_312 : memref<!tpu.dma_semaphore, #tpu.memory_space<semaphore_mem>>)
            %dma_start3A_314 = arith.constant 0 : i32
            %dma_start3A_315 = arith.constant 0 : i32
            %dma_start3A_316 = tpu.memref_slice %arg5[%min3A_304, %dma_start3A_315] : memref<800000x128xf32, #tpu.memory_space<hbm>> -> memref<128x128xf32, #tpu.memory_space<hbm>>
            %dma_start3A_317 = tpu.memref_slice %arg22[%dma_start3A_314] : memref<3x!tpu.dma_semaphore, #tpu.memory_space<semaphore_mem>> -> memref<1x!tpu.dma_semaphore, #tpu.memory_space<semaphore_mem>>
            %dma_start3A_318 = tpu.memref_squeeze %dma_start3A_317 : memref<1x!tpu.dma_semaphore, #tpu.memory_space<semaphore_mem>> -> memref<!tpu.dma_semaphore, #tpu.memory_space<semaphore_mem>>
            %dma_start3A_319 = arith.constant 0 : i32
            %dma_start3A_320 = tpu.memref_slice %arg5[%min3A_304, %dma_start3A_319] : memref<800000x128xf32, #tpu.memory_space<hbm>> -> memref<128x128xf32, #tpu.memory_space<hbm>>
            tpu.enqueue_dma source(%dma_start3A_320 : memref<128x128xf32, #tpu.memory_space<hbm>>) target(%arg15 : memref<128x128xf32, #tpu.memory_space<vmem>>) target_semaphore(%dma_start3A_318 : memref<!tpu.dma_semaphore, #tpu.memory_space<semaphore_mem>>)
          } else {
          }
          %dma_wait3A = arith.constant 1 : i32
          %dma_wait3A_273 = arith.constant 0 : i32
          %dma_wait3A_274 = arith.constant 0 : i32
          %dma_wait3A_275 = tpu.memref_slice %arg2[%dma_wait3A_273, %dma_wait3A_274] : memref<51200x128xf32, #tpu.memory_space<hbm>> -> memref<51200x128xf32, #tpu.memory_space<hbm>>
          %dma_wait3A_276 = tpu.memref_slice %arg23[%dma_wait3A] : memref<3x!tpu.dma_semaphore, #tpu.memory_space<semaphore_mem>> -> memref<1x!tpu.dma_semaphore, #tpu.memory_space<semaphore_mem>>
          %dma_wait3A_277 = tpu.memref_squeeze %dma_wait3A_276 : memref<1x!tpu.dma_semaphore, #tpu.memory_space<semaphore_mem>> -> memref<!tpu.dma_semaphore, #tpu.memory_space<semaphore_mem>>
          tpu.wait_indirect_dma semaphore(%dma_wait3A_277 : memref<!tpu.dma_semaphore, #tpu.memory_space<semaphore_mem>>) src(%dma_wait3A_275 : memref<51200x128xf32, #tpu.memory_space<hbm>>) dst(%arg19 : memref<128x128xf32, #tpu.memory_space<vmem>>)
          %mul3A_278 = arith.constant 128 : i32
          %mul3A_279 = arith.muli %add3A_247, %mul3A_278 : i32
          %add3A_280 = arith.addi %mul3A_148, %mul3A_279 : i32
          %mul3A_281 = arith.constant 128 : i32
          %mul3A_282 = arith.muli %add3A_247, %mul3A_281 : i32
          %add3A_283 = arith.addi %mul3A_148, %mul3A_282 : i32
          %min3A = arith.constant 799872 : i32
          %min3A_284 = arith.minsi %add3A_283, %min3A : i32
          %max3A = arith.maxsi %squeeze3A, %add3A_280 : i32
          %sub3A_285 = arith.subi %max3A, %min3A_284 : i32
          %add3A_286 = arith.constant 128 : i32
          %add3A_287 = arith.addi %add3A_280, %add3A_286 : i32
          %min3A_288 = arith.minsi %squeeze3A_122, %add3A_287 : i32
          %sub3A_289 = arith.subi %min3A_288, %min3A_284 : i32
          %while3A_290 = arith.subi %sub3A_289, %sub3A_285 : i32
          %while3A_291 = arith.addi %sub3A_285, %while3A_290 : i32
          %while3A_292 = arith.constant 1 : i32
          %while3A_293 = arith.divsi %while3A_290, %while3A_292 : i32
          %while3A_294 = arith.muli %while3A_293, %while3A_292 : i32
          %while3A_295 = arith.addi %sub3A_285, %while3A_294 : i32
          %while3A_296 = arith.constant 1 : i32
          scf.for %while3A_298 = %sub3A_285 to %while3A_295 step %while3A_296  : i32 {
            %broadcast_in_dim3A_299 = vector.broadcast %while3A_298 : i32 to vector<16xi32>
            %gather3A = tpu.vector_load_idx %arg10[%broadcast_in_dim3A_299] : memref<128xi32, #tpu.memory_space<vmem>>[vector<16xi32>], vector<16xi32>,
            %sub3A_300 = vector.broadcast %mul3A_119 : i32 to vector<16xi32>
            %sub3A_301 = arith.subi %gather3A, %sub3A_300 : vector<16xi32>
            %gather3A_302 = tpu.vector_load_idx %arg19[%broadcast_in_dim3A_299, %iota3A] : memref<128x128xf32, #tpu.memory_space<vmem>>[vector<16xi32>, vector<16xi32>], vector<16xf32>,
            %add3A_303 = arith.constant 16 : i32
            %add3A_304 = vector.broadcast %add3A_303 : i32 to vector<16xi32>
            %add3A_305 = arith.addi %iota3A, %add3A_304 : vector<16xi32>
            %gather3A_306 = tpu.vector_load_idx %arg19[%broadcast_in_dim3A_299, %add3A_305] : memref<128x128xf32, #tpu.memory_space<vmem>>[vector<16xi32>, vector<16xi32>], vector<16xf32>,
            %mul3A_307 = arith.constant 3 : i32
            %mul3A_308 = vector.broadcast %mul3A_307 : i32 to vector<16xi32>
            %mul3A_309 = arith.muli %mul3A_308, %iota3A : vector<16xi32>
            %add3A_310 = arith.constant 32 : i32
            %add3A_311 = vector.broadcast %add3A_310 : i32 to vector<16xi32>
            %add3A_312 = arith.addi %mul3A_309, %add3A_311 : vector<16xi32>
            %gather3A_313 = tpu.vector_load_idx %arg19[%broadcast_in_dim3A_299, %add3A_312] : memref<128x128xf32, #tpu.memory_space<vmem>>[vector<16xi32>, vector<16xi32>], vector<16xf32>,
            %mul3A_314 = arith.constant 3 : i32
            %mul3A_315 = vector.broadcast %mul3A_314 : i32 to vector<16xi32>
            %mul3A_316 = arith.muli %mul3A_315, %iota3A : vector<16xi32>
            %add3A_317 = arith.constant 33 : i32
            %add3A_318 = vector.broadcast %add3A_317 : i32 to vector<16xi32>
            %add3A_319 = arith.addi %mul3A_316, %add3A_318 : vector<16xi32>
            %gather3A_320 = tpu.vector_load_idx %arg19[%broadcast_in_dim3A_299, %add3A_319] : memref<128x128xf32, #tpu.memory_space<vmem>>[vector<16xi32>, vector<16xi32>], vector<16xf32>,
            %mul3A_321 = arith.constant 3 : i32
            %mul3A_322 = vector.broadcast %mul3A_321 : i32 to vector<16xi32>
            %mul3A_323 = arith.muli %mul3A_322, %iota3A : vector<16xi32>
            %add3A_324 = arith.constant 34 : i32
            %add3A_325 = vector.broadcast %add3A_324 : i32 to vector<16xi32>
            %add3A_326 = arith.addi %mul3A_323, %add3A_325 : vector<16xi32>
            %gather3A_327 = tpu.vector_load_idx %arg19[%broadcast_in_dim3A_299, %add3A_326] : memref<128x128xf32, #tpu.memory_space<vmem>>[vector<16xi32>, vector<16xi32>], vector<16xf32>,
            %broadcast_in_dim3A_328 = arith.constant 112 : i32
            %broadcast_in_dim3A_329 = vector.broadcast %broadcast_in_dim3A_328 : i32 to vector<16xi32>
            %gather3A_330 = tpu.vector_load_idx %arg16[%broadcast_in_dim3A_299, %broadcast_in_dim3A_329] : memref<128x128xf32, #tpu.memory_space<vmem>>[vector<16xi32>, vector<16xi32>], vector<16xf32>,
            %broadcast_in_dim3A_331 = arith.constant 113 : i32
            %broadcast_in_dim3A_332 = vector.broadcast %broadcast_in_dim3A_331 : i32 to vector<16xi32>
            %gather3A_333 = tpu.vector_load_idx %arg16[%broadcast_in_dim3A_299, %broadcast_in_dim3A_332] : memref<128x128xf32, #tpu.memory_space<vmem>>[vector<16xi32>, vector<16xi32>], vector<16xf32>,
            %broadcast_in_dim3A_334 = arith.constant 114 : i32
            %broadcast_in_dim3A_335 = vector.broadcast %broadcast_in_dim3A_334 : i32 to vector<16xi32>
            %gather3A_336 = tpu.vector_load_idx %arg16[%broadcast_in_dim3A_299, %broadcast_in_dim3A_335] : memref<128x128xf32, #tpu.memory_space<vmem>>[vector<16xi32>, vector<16xi32>], vector<16xf32>,
            %gather3A_337 = tpu.vector_load_idx %arg16[%broadcast_in_dim3A_299, %iota3A] : memref<128x128xf32, #tpu.memory_space<vmem>>[vector<16xi32>, vector<16xi32>], vector<16xf32>,
            %add3A_338 = arith.constant 16 : i32
            %add3A_339 = vector.broadcast %add3A_338 : i32 to vector<16xi32>
            %add3A_340 = arith.addi %iota3A, %add3A_339 : vector<16xi32>
            %gather3A_341 = tpu.vector_load_idx %arg16[%broadcast_in_dim3A_299, %add3A_340] : memref<128x128xf32, #tpu.memory_space<vmem>>[vector<16xi32>, vector<16xi32>], vector<16xf32>,
            %add3A_342 = arith.constant 32 : i32
            %add3A_343 = vector.broadcast %add3A_342 : i32 to vector<16xi32>
            %add3A_344 = arith.addi %iota3A, %add3A_343 : vector<16xi32>
            %gather3A_345 = tpu.vector_load_idx %arg16[%broadcast_in_dim3A_299, %add3A_344] : memref<128x128xf32, #tpu.memory_space<vmem>>[vector<16xi32>, vector<16xi32>], vector<16xf32>,
            %add3A_346 = arith.constant 48 : i32
            %add3A_347 = vector.broadcast %add3A_346 : i32 to vector<16xi32>
            %add3A_348 = arith.addi %iota3A, %add3A_347 : vector<16xi32>
            %gather3A_349 = tpu.vector_load_idx %arg16[%broadcast_in_dim3A_299, %add3A_348] : memref<128x128xf32, #tpu.memory_space<vmem>>[vector<16xi32>, vector<16xi32>], vector<16xf32>,
            %add3A_350 = arith.constant 64 : i32
            %add3A_351 = vector.broadcast %add3A_350 : i32 to vector<16xi32>
            %add3A_352 = arith.addi %iota3A, %add3A_351 : vector<16xi32>
            %gather3A_353 = tpu.vector_load_idx %arg16[%broadcast_in_dim3A_299, %add3A_352] : memref<128x128xf32, #tpu.memory_space<vmem>>[vector<16xi32>, vector<16xi32>], vector<16xf32>,
            %add3A_354 = arith.constant 80 : i32
            %add3A_355 = vector.broadcast %add3A_354 : i32 to vector<16xi32>
            %add3A_356 = arith.addi %iota3A, %add3A_355 : vector<16xi32>
            %gather3A_357 = tpu.vector_load_idx %arg16[%broadcast_in_dim3A_299, %add3A_356] : memref<128x128xf32, #tpu.memory_space<vmem>>[vector<16xi32>, vector<16xi32>], vector<16xf32>,
            %add3A_358 = arith.constant 96 : i32
            %add3A_359 = vector.broadcast %add3A_358 : i32 to vector<16xi32>
            %add3A_360 = arith.addi %iota3A, %add3A_359 : vector<16xi32>
            %gather3A_361 = tpu.vector_load_idx %arg16[%broadcast_in_dim3A_299, %add3A_360] : memref<128x128xf32, #tpu.memory_space<vmem>>[vector<16xi32>, vector<16xi32>], vector<16xf32>,
            %mul3A_362 = arith.mulf %gather3A_337, %gather3A_302 : vector<16xf32>
            tpu.vector_store_idx %arg8[%sub3A_301, %iota3A], %mul3A_362 {add = true} : memref<80x256xf32, #tpu.memory_space<vmem>>[vector<16xi32>, vector<16xi32>], vector<16xf32>,
            %mul3A_363 = arith.mulf %gather3A_341, %gather3A_306 : vector<16xf32>
            tpu.vector_store_idx %arg8[%sub3A_301, %add3A_4], %mul3A_363 {add = true} : memref<80x256xf32, #tpu.memory_space<vmem>>[vector<16xi32>, vector<16xi32>], vector<16xf32>,
            %mul3A_364 = arith.mulf %gather3A_313, %gather3A_330 : vector<16xf32>
            %mul3A_365 = arith.mulf %gather3A_320, %gather3A_333 : vector<16xf32>
            %add3A_366 = arith.addf %mul3A_364, %mul3A_365 : vector<16xf32>
            %mul3A_367 = arith.mulf %gather3A_327, %gather3A_336 : vector<16xf32>
            %add3A_368 = arith.addf %add3A_366, %mul3A_367 : vector<16xf32>
            %mul3A_369 = arith.mulf %gather3A_345, %add3A_368 : vector<16xf32>
            tpu.vector_store_idx %arg8[%sub3A_301, %add3A_7], %mul3A_369 {add = true} : memref<80x256xf32, #tpu.memory_space<vmem>>[vector<16xi32>, vector<16xi32>], vector<16xf32>,
            %mul3A_370 = arith.mulf %gather3A_349, %gather3A_302 : vector<16xf32>
            %mul3A_371 = arith.mulf %gather3A_353, %gather3A_306 : vector<16xf32>
            %mul3A_372 = arith.mulf %mul3A_370, %gather3A_330 : vector<16xf32>
            tpu.vector_store_idx %arg8[%sub3A_301, %add3A_13], %mul3A_372 {add = true} : memref<80x256xf32, #tpu.memory_space<vmem>>[vector<16xi32>, vector<16xi32>], vector<16xf32>,
            %mul3A_373 = arith.mulf %mul3A_371, %gather3A_330 : vector<16xf32>
            tpu.vector_store_idx %arg8[%sub3A_301, %add3A_31], %mul3A_373 {add = true} : memref<80x256xf32, #tpu.memory_space<vmem>>[vector<16xi32>, vector<16xi32>], vector<16xf32>,
            %mul3A_374 = arith.mulf %mul3A_370, %gather3A_333 : vector<16xf32>
            tpu.vector_store_idx %arg8[%sub3A_301, %add3A_19], %mul3A_374 {add = true} : memref<80x256xf32, #tpu.memory_space<vmem>>[vector<16xi32>, vector<16xi32>], vector<16xf32>,
            %mul3A_375 = arith.mulf %mul3A_371, %gather3A_333 : vector<16xf32>
            tpu.vector_store_idx %arg8[%sub3A_301, %add3A_37], %mul3A_375 {add = true} : memref<80x256xf32, #tpu.memory_space<vmem>>[vector<16xi32>, vector<16xi32>], vector<16xf32>,
            %mul3A_376 = arith.mulf %mul3A_370, %gather3A_336 : vector<16xf32>
            tpu.vector_store_idx %arg8[%sub3A_301, %add3A_25], %mul3A_376 {add = true} : memref<80x256xf32, #tpu.memory_space<vmem>>[vector<16xi32>, vector<16xi32>], vector<16xf32>,
            %mul3A_377 = arith.mulf %mul3A_371, %gather3A_336 : vector<16xf32>
            tpu.vector_store_idx %arg8[%sub3A_301, %add3A_43], %mul3A_377 {add = true} : memref<80x256xf32, #tpu.memory_space<vmem>>[vector<16xi32>, vector<16xi32>], vector<16xf32>,
            %mul3A_378 = arith.mulf %gather3A_357, %gather3A_313 : vector<16xf32>
            tpu.vector_store_idx %arg8[%sub3A_301, %add3A_49], %mul3A_378 {add = true} : memref<80x256xf32, #tpu.memory_space<vmem>>[vector<16xi32>, vector<16xi32>], vector<16xf32>,
            %mul3A_379 = arith.mulf %gather3A_357, %gather3A_320 : vector<16xf32>
            tpu.vector_store_idx %arg8[%sub3A_301, %add3A_55], %mul3A_379 {add = true} : memref<80x256xf32, #tpu.memory_space<vmem>>[vector<16xi32>, vector<16xi32>], vector<16xf32>,
            %mul3A_380 = arith.mulf %gather3A_357, %gather3A_327 : vector<16xf32>
            tpu.vector_store_idx %arg8[%sub3A_301, %add3A_61], %mul3A_380 {add = true} : memref<80x256xf32, #tpu.memory_space<vmem>>[vector<16xi32>, vector<16xi32>], vector<16xf32>,
            %mul3A_381 = arith.mulf %gather3A_320, %gather3A_336 : vector<16xf32>
            %mul3A_382 = arith.mulf %gather3A_327, %gather3A_333 : vector<16xf32>
            %sub3A_383 = arith.subf %mul3A_381, %mul3A_382 : vector<16xf32>
            %mul3A_384 = arith.mulf %gather3A_327, %gather3A_330 : vector<16xf32>
            %mul3A_385 = arith.mulf %gather3A_313, %gather3A_336 : vector<16xf32>
            %sub3A_386 = arith.subf %mul3A_384, %mul3A_385 : vector<16xf32>
            %mul3A_387 = arith.mulf %gather3A_313, %gather3A_333 : vector<16xf32>
            %mul3A_388 = arith.mulf %gather3A_320, %gather3A_330 : vector<16xf32>
            %sub3A_389 = arith.subf %mul3A_387, %mul3A_388 : vector<16xf32>
            %mul3A_390 = arith.mulf %gather3A_361, %sub3A_383 : vector<16xf32>
            tpu.vector_store_idx %arg8[%sub3A_301, %add3A_67], %mul3A_390 {add = true} : memref<80x256xf32, #tpu.memory_space<vmem>>[vector<16xi32>, vector<16xi32>], vector<16xf32>,
            %mul3A_391 = arith.mulf %gather3A_361, %sub3A_386 : vector<16xf32>
            tpu.vector_store_idx %arg8[%sub3A_301, %add3A_73], %mul3A_391 {add = true} : memref<80x256xf32, #tpu.memory_space<vmem>>[vector<16xi32>, vector<16xi32>], vector<16xf32>,
            %mul3A_392 = arith.mulf %gather3A_361, %sub3A_389 : vector<16xf32>
            tpu.vector_store_idx %arg8[%sub3A_301, %add3A_79], %mul3A_392 {add = true} : memref<80x256xf32, #tpu.memory_space<vmem>>[vector<16xi32>, vector<16xi32>], vector<16xf32>,
          }
          %while3A_297 = arith.constant 1 : i32
          scf.for %while3A_298 = %while3A_295 to %while3A_291 step %while3A_297  : i32 {
            %broadcast_in_dim3A_299 = vector.broadcast %while3A_298 : i32 to vector<16xi32>
            %gather3A = tpu.vector_load_idx %arg10[%broadcast_in_dim3A_299] : memref<128xi32, #tpu.memory_space<vmem>>[vector<16xi32>], vector<16xi32>,
            %sub3A_300 = vector.broadcast %mul3A_119 : i32 to vector<16xi32>
            %sub3A_301 = arith.subi %gather3A, %sub3A_300 : vector<16xi32>
            %gather3A_302 = tpu.vector_load_idx %arg19[%broadcast_in_dim3A_299, %iota3A] : memref<128x128xf32, #tpu.memory_space<vmem>>[vector<16xi32>, vector<16xi32>], vector<16xf32>,
            %add3A_303 = arith.constant 16 : i32
            %add3A_304 = vector.broadcast %add3A_303 : i32 to vector<16xi32>
            %add3A_305 = arith.addi %iota3A, %add3A_304 : vector<16xi32>
            %gather3A_306 = tpu.vector_load_idx %arg19[%broadcast_in_dim3A_299, %add3A_305] : memref<128x128xf32, #tpu.memory_space<vmem>>[vector<16xi32>, vector<16xi32>], vector<16xf32>,
            %mul3A_307 = arith.constant 3 : i32
            %mul3A_308 = vector.broadcast %mul3A_307 : i32 to vector<16xi32>
            %mul3A_309 = arith.muli %mul3A_308, %iota3A : vector<16xi32>
            %add3A_310 = arith.constant 32 : i32
            %add3A_311 = vector.broadcast %add3A_310 : i32 to vector<16xi32>
            %add3A_312 = arith.addi %mul3A_309, %add3A_311 : vector<16xi32>
            %gather3A_313 = tpu.vector_load_idx %arg19[%broadcast_in_dim3A_299, %add3A_312] : memref<128x128xf32, #tpu.memory_space<vmem>>[vector<16xi32>, vector<16xi32>], vector<16xf32>,
            %mul3A_314 = arith.constant 3 : i32
            %mul3A_315 = vector.broadcast %mul3A_314 : i32 to vector<16xi32>
            %mul3A_316 = arith.muli %mul3A_315, %iota3A : vector<16xi32>
            %add3A_317 = arith.constant 33 : i32
            %add3A_318 = vector.broadcast %add3A_317 : i32 to vector<16xi32>
            %add3A_319 = arith.addi %mul3A_316, %add3A_318 : vector<16xi32>
            %gather3A_320 = tpu.vector_load_idx %arg19[%broadcast_in_dim3A_299, %add3A_319] : memref<128x128xf32, #tpu.memory_space<vmem>>[vector<16xi32>, vector<16xi32>], vector<16xf32>,
            %mul3A_321 = arith.constant 3 : i32
            %mul3A_322 = vector.broadcast %mul3A_321 : i32 to vector<16xi32>
            %mul3A_323 = arith.muli %mul3A_322, %iota3A : vector<16xi32>
            %add3A_324 = arith.constant 34 : i32
            %add3A_325 = vector.broadcast %add3A_324 : i32 to vector<16xi32>
            %add3A_326 = arith.addi %mul3A_323, %add3A_325 : vector<16xi32>
            %gather3A_327 = tpu.vector_load_idx %arg19[%broadcast_in_dim3A_299, %add3A_326] : memref<128x128xf32, #tpu.memory_space<vmem>>[vector<16xi32>, vector<16xi32>], vector<16xf32>,
            %broadcast_in_dim3A_328 = arith.constant 112 : i32
            %broadcast_in_dim3A_329 = vector.broadcast %broadcast_in_dim3A_328 : i32 to vector<16xi32>
            %gather3A_330 = tpu.vector_load_idx %arg16[%broadcast_in_dim3A_299, %broadcast_in_dim3A_329] : memref<128x128xf32, #tpu.memory_space<vmem>>[vector<16xi32>, vector<16xi32>], vector<16xf32>,
            %broadcast_in_dim3A_331 = arith.constant 113 : i32
            %broadcast_in_dim3A_332 = vector.broadcast %broadcast_in_dim3A_331 : i32 to vector<16xi32>
            %gather3A_333 = tpu.vector_load_idx %arg16[%broadcast_in_dim3A_299, %broadcast_in_dim3A_332] : memref<128x128xf32, #tpu.memory_space<vmem>>[vector<16xi32>, vector<16xi32>], vector<16xf32>,
            %broadcast_in_dim3A_334 = arith.constant 114 : i32
            %broadcast_in_dim3A_335 = vector.broadcast %broadcast_in_dim3A_334 : i32 to vector<16xi32>
            %gather3A_336 = tpu.vector_load_idx %arg16[%broadcast_in_dim3A_299, %broadcast_in_dim3A_335] : memref<128x128xf32, #tpu.memory_space<vmem>>[vector<16xi32>, vector<16xi32>], vector<16xf32>,
            %gather3A_337 = tpu.vector_load_idx %arg16[%broadcast_in_dim3A_299, %iota3A] : memref<128x128xf32, #tpu.memory_space<vmem>>[vector<16xi32>, vector<16xi32>], vector<16xf32>,
            %add3A_338 = arith.constant 16 : i32
            %add3A_339 = vector.broadcast %add3A_338 : i32 to vector<16xi32>
            %add3A_340 = arith.addi %iota3A, %add3A_339 : vector<16xi32>
            %gather3A_341 = tpu.vector_load_idx %arg16[%broadcast_in_dim3A_299, %add3A_340] : memref<128x128xf32, #tpu.memory_space<vmem>>[vector<16xi32>, vector<16xi32>], vector<16xf32>,
            %add3A_342 = arith.constant 32 : i32
            %add3A_343 = vector.broadcast %add3A_342 : i32 to vector<16xi32>
            %add3A_344 = arith.addi %iota3A, %add3A_343 : vector<16xi32>
            %gather3A_345 = tpu.vector_load_idx %arg16[%broadcast_in_dim3A_299, %add3A_344] : memref<128x128xf32, #tpu.memory_space<vmem>>[vector<16xi32>, vector<16xi32>], vector<16xf32>,
            %add3A_346 = arith.constant 48 : i32
            %add3A_347 = vector.broadcast %add3A_346 : i32 to vector<16xi32>
            %add3A_348 = arith.addi %iota3A, %add3A_347 : vector<16xi32>
            %gather3A_349 = tpu.vector_load_idx %arg16[%broadcast_in_dim3A_299, %add3A_348] : memref<128x128xf32, #tpu.memory_space<vmem>>[vector<16xi32>, vector<16xi32>], vector<16xf32>,
            %add3A_350 = arith.constant 64 : i32
            %add3A_351 = vector.broadcast %add3A_350 : i32 to vector<16xi32>
            %add3A_352 = arith.addi %iota3A, %add3A_351 : vector<16xi32>
            %gather3A_353 = tpu.vector_load_idx %arg16[%broadcast_in_dim3A_299, %add3A_352] : memref<128x128xf32, #tpu.memory_space<vmem>>[vector<16xi32>, vector<16xi32>], vector<16xf32>,
            %add3A_354 = arith.constant 80 : i32
            %add3A_355 = vector.broadcast %add3A_354 : i32 to vector<16xi32>
            %add3A_356 = arith.addi %iota3A, %add3A_355 : vector<16xi32>
            %gather3A_357 = tpu.vector_load_idx %arg16[%broadcast_in_dim3A_299, %add3A_356] : memref<128x128xf32, #tpu.memory_space<vmem>>[vector<16xi32>, vector<16xi32>], vector<16xf32>,
            %add3A_358 = arith.constant 96 : i32
            %add3A_359 = vector.broadcast %add3A_358 : i32 to vector<16xi32>
            %add3A_360 = arith.addi %iota3A, %add3A_359 : vector<16xi32>
            %gather3A_361 = tpu.vector_load_idx %arg16[%broadcast_in_dim3A_299, %add3A_360] : memref<128x128xf32, #tpu.memory_space<vmem>>[vector<16xi32>, vector<16xi32>], vector<16xf32>,
            %mul3A_362 = arith.mulf %gather3A_337, %gather3A_302 : vector<16xf32>
            tpu.vector_store_idx %arg8[%sub3A_301, %iota3A], %mul3A_362 {add = true} : memref<80x256xf32, #tpu.memory_space<vmem>>[vector<16xi32>, vector<16xi32>], vector<16xf32>,
            %mul3A_363 = arith.mulf %gather3A_341, %gather3A_306 : vector<16xf32>
            tpu.vector_store_idx %arg8[%sub3A_301, %add3A_4], %mul3A_363 {add = true} : memref<80x256xf32, #tpu.memory_space<vmem>>[vector<16xi32>, vector<16xi32>], vector<16xf32>,
            %mul3A_364 = arith.mulf %gather3A_313, %gather3A_330 : vector<16xf32>
            %mul3A_365 = arith.mulf %gather3A_320, %gather3A_333 : vector<16xf32>
            %add3A_366 = arith.addf %mul3A_364, %mul3A_365 : vector<16xf32>
            %mul3A_367 = arith.mulf %gather3A_327, %gather3A_336 : vector<16xf32>
            %add3A_368 = arith.addf %add3A_366, %mul3A_367 : vector<16xf32>
            %mul3A_369 = arith.mulf %gather3A_345, %add3A_368 : vector<16xf32>
            tpu.vector_store_idx %arg8[%sub3A_301, %add3A_7], %mul3A_369 {add = true} : memref<80x256xf32, #tpu.memory_space<vmem>>[vector<16xi32>, vector<16xi32>], vector<16xf32>,
            %mul3A_370 = arith.mulf %gather3A_349, %gather3A_302 : vector<16xf32>
            %mul3A_371 = arith.mulf %gather3A_353, %gather3A_306 : vector<16xf32>
            %mul3A_372 = arith.mulf %mul3A_370, %gather3A_330 : vector<16xf32>
            tpu.vector_store_idx %arg8[%sub3A_301, %add3A_13], %mul3A_372 {add = true} : memref<80x256xf32, #tpu.memory_space<vmem>>[vector<16xi32>, vector<16xi32>], vector<16xf32>,
            %mul3A_373 = arith.mulf %mul3A_371, %gather3A_330 : vector<16xf32>
            tpu.vector_store_idx %arg8[%sub3A_301, %add3A_31], %mul3A_373 {add = true} : memref<80x256xf32, #tpu.memory_space<vmem>>[vector<16xi32>, vector<16xi32>], vector<16xf32>,
            %mul3A_374 = arith.mulf %mul3A_370, %gather3A_333 : vector<16xf32>
            tpu.vector_store_idx %arg8[%sub3A_301, %add3A_19], %mul3A_374 {add = true} : memref<80x256xf32, #tpu.memory_space<vmem>>[vector<16xi32>, vector<16xi32>], vector<16xf32>,
            %mul3A_375 = arith.mulf %mul3A_371, %gather3A_333 : vector<16xf32>
            tpu.vector_store_idx %arg8[%sub3A_301, %add3A_37], %mul3A_375 {add = true} : memref<80x256xf32, #tpu.memory_space<vmem>>[vector<16xi32>, vector<16xi32>], vector<16xf32>,
            %mul3A_376 = arith.mulf %mul3A_370, %gather3A_336 : vector<16xf32>
            tpu.vector_store_idx %arg8[%sub3A_301, %add3A_25], %mul3A_376 {add = true} : memref<80x256xf32, #tpu.memory_space<vmem>>[vector<16xi32>, vector<16xi32>], vector<16xf32>,
            %mul3A_377 = arith.mulf %mul3A_371, %gather3A_336 : vector<16xf32>
            tpu.vector_store_idx %arg8[%sub3A_301, %add3A_43], %mul3A_377 {add = true} : memref<80x256xf32, #tpu.memory_space<vmem>>[vector<16xi32>, vector<16xi32>], vector<16xf32>,
            %mul3A_378 = arith.mulf %gather3A_357, %gather3A_313 : vector<16xf32>
            tpu.vector_store_idx %arg8[%sub3A_301, %add3A_49], %mul3A_378 {add = true} : memref<80x256xf32, #tpu.memory_space<vmem>>[vector<16xi32>, vector<16xi32>], vector<16xf32>,
            %mul3A_379 = arith.mulf %gather3A_357, %gather3A_320 : vector<16xf32>
            tpu.vector_store_idx %arg8[%sub3A_301, %add3A_55], %mul3A_379 {add = true} : memref<80x256xf32, #tpu.memory_space<vmem>>[vector<16xi32>, vector<16xi32>], vector<16xf32>,
            %mul3A_380 = arith.mulf %gather3A_357, %gather3A_327 : vector<16xf32>
            tpu.vector_store_idx %arg8[%sub3A_301, %add3A_61], %mul3A_380 {add = true} : memref<80x256xf32, #tpu.memory_space<vmem>>[vector<16xi32>, vector<16xi32>], vector<16xf32>,
            %mul3A_381 = arith.mulf %gather3A_320, %gather3A_336 : vector<16xf32>
            %mul3A_382 = arith.mulf %gather3A_327, %gather3A_333 : vector<16xf32>
            %sub3A_383 = arith.subf %mul3A_381, %mul3A_382 : vector<16xf32>
            %mul3A_384 = arith.mulf %gather3A_327, %gather3A_330 : vector<16xf32>
            %mul3A_385 = arith.mulf %gather3A_313, %gather3A_336 : vector<16xf32>
            %sub3A_386 = arith.subf %mul3A_384, %mul3A_385 : vector<16xf32>
            %mul3A_387 = arith.mulf %gather3A_313, %gather3A_333 : vector<16xf32>
            %mul3A_388 = arith.mulf %gather3A_320, %gather3A_330 : vector<16xf32>
            %sub3A_389 = arith.subf %mul3A_387, %mul3A_388 : vector<16xf32>
            %mul3A_390 = arith.mulf %gather3A_361, %sub3A_383 : vector<16xf32>
            tpu.vector_store_idx %arg8[%sub3A_301, %add3A_67], %mul3A_390 {add = true} : memref<80x256xf32, #tpu.memory_space<vmem>>[vector<16xi32>, vector<16xi32>], vector<16xf32>,
            %mul3A_391 = arith.mulf %gather3A_361, %sub3A_386 : vector<16xf32>
            tpu.vector_store_idx %arg8[%sub3A_301, %add3A_73], %mul3A_391 {add = true} : memref<80x256xf32, #tpu.memory_space<vmem>>[vector<16xi32>, vector<16xi32>], vector<16xf32>,
            %mul3A_392 = arith.mulf %gather3A_361, %sub3A_389 : vector<16xf32>
            tpu.vector_store_idx %arg8[%sub3A_301, %add3A_79], %mul3A_392 {add = true} : memref<80x256xf32, #tpu.memory_space<vmem>>[vector<16xi32>, vector<16xi32>], vector<16xf32>,
          }
        } else {
        }
        %mul3A_252 = arith.constant 3 : i32
        %mul3A_253 = arith.muli %mul3A_252, %while3A_235 : i32
        %add3A_254 = arith.constant 2 : i32
        %add3A_255 = arith.addi %mul3A_253, %add3A_254 : i32
        %lt3A_256 = arith.cmpi slt, %add3A_255, %select_n3A_177 : i32
        %convert_element_type3A_257 = arith.extui %lt3A_256 : i1 to i32
        %cond3A_258 = arith.constant 0 : i32
        %cond3A_259 = arith.cmpi ne, %convert_element_type3A_257, %cond3A_258 : i32
        scf.if %cond3A_259 {
          %add3A_261 = arith.constant 1 : i32
          %add3A_262 = arith.addi %add3A_255, %add3A_261 : i32
          %lt3A_263 = arith.cmpi slt, %add3A_262, %select_n3A_177 : i32
          %convert_element_type3A_264 = arith.extui %lt3A_263 : i1 to i32
          %cond3A_265 = arith.constant 0 : i32
          %cond3A_266 = arith.cmpi ne, %convert_element_type3A_264, %cond3A_265 : i32
          scf.if %cond3A_266 {
            %add3A_298 = arith.constant 1 : i32
            %add3A_299 = arith.addi %add3A_255, %add3A_298 : i32
            %mul3A_300 = arith.constant 128 : i32
            %mul3A_301 = arith.muli %add3A_299, %mul3A_300 : i32
            %add3A_302 = arith.addi %mul3A_148, %mul3A_301 : i32
            %min3A_303 = arith.constant 799872 : i32
            %min3A_304 = arith.minsi %add3A_302, %min3A_303 : i32
            %dma_wait3A_305 = arith.constant 0 : i32
            %dma_wait3A_306 = tpu.memref_slice %arg3[%min3A_304] : memref<800000xi32, #tpu.memory_space<hbm>> -> memref<128xi32, #tpu.memory_space<hbm>>
            %dma_wait3A_307 = tpu.memref_slice %arg22[%dma_wait3A_305] : memref<3x!tpu.dma_semaphore, #tpu.memory_space<semaphore_mem>> -> memref<1x!tpu.dma_semaphore, #tpu.memory_space<semaphore_mem>>
            %dma_wait3A_308 = tpu.memref_squeeze %dma_wait3A_307 : memref<1x!tpu.dma_semaphore, #tpu.memory_space<semaphore_mem>> -> memref<!tpu.dma_semaphore, #tpu.memory_space<semaphore_mem>>
            %dma_wait3A_309 = tpu.memref_slice %arg3[%min3A_304] : memref<800000xi32, #tpu.memory_space<hbm>> -> memref<128xi32, #tpu.memory_space<hbm>>
            tpu.wait_dma2 semaphore(%dma_wait3A_308 : memref<!tpu.dma_semaphore, #tpu.memory_space<semaphore_mem>>) src(%dma_wait3A_309 : memref<128xi32, #tpu.memory_space<hbm>>) dst(%arg9 : memref<128xi32, #tpu.memory_space<vmem>>)
            %dma_wait3A_310 = arith.constant 0 : i32
            %dma_wait3A_311 = tpu.memref_slice %arg4[%min3A_304] : memref<800000xi32, #tpu.memory_space<hbm>> -> memref<128xi32, #tpu.memory_space<hbm>>
            %dma_wait3A_312 = tpu.memref_slice %arg22[%dma_wait3A_310] : memref<3x!tpu.dma_semaphore, #tpu.memory_space<semaphore_mem>> -> memref<1x!tpu.dma_semaphore, #tpu.memory_space<semaphore_mem>>
            %dma_wait3A_313 = tpu.memref_squeeze %dma_wait3A_312 : memref<1x!tpu.dma_semaphore, #tpu.memory_space<semaphore_mem>> -> memref<!tpu.dma_semaphore, #tpu.memory_space<semaphore_mem>>
            %dma_wait3A_314 = tpu.memref_slice %arg4[%min3A_304] : memref<800000xi32, #tpu.memory_space<hbm>> -> memref<128xi32, #tpu.memory_space<hbm>>
            tpu.wait_dma2 semaphore(%dma_wait3A_313 : memref<!tpu.dma_semaphore, #tpu.memory_space<semaphore_mem>>) src(%dma_wait3A_314 : memref<128xi32, #tpu.memory_space<hbm>>) dst(%arg12 : memref<128xi32, #tpu.memory_space<vmem>>)
            %dma_wait3A_315 = arith.constant 0 : i32
            %dma_wait3A_316 = arith.constant 0 : i32
            %dma_wait3A_317 = tpu.memref_slice %arg5[%min3A_304, %dma_wait3A_316] : memref<800000x128xf32, #tpu.memory_space<hbm>> -> memref<128x128xf32, #tpu.memory_space<hbm>>
            %dma_wait3A_318 = tpu.memref_slice %arg22[%dma_wait3A_315] : memref<3x!tpu.dma_semaphore, #tpu.memory_space<semaphore_mem>> -> memref<1x!tpu.dma_semaphore, #tpu.memory_space<semaphore_mem>>
            %dma_wait3A_319 = tpu.memref_squeeze %dma_wait3A_318 : memref<1x!tpu.dma_semaphore, #tpu.memory_space<semaphore_mem>> -> memref<!tpu.dma_semaphore, #tpu.memory_space<semaphore_mem>>
            %dma_wait3A_320 = arith.constant 0 : i32
            %dma_wait3A_321 = tpu.memref_slice %arg5[%min3A_304, %dma_wait3A_320] : memref<800000x128xf32, #tpu.memory_space<hbm>> -> memref<128x128xf32, #tpu.memory_space<hbm>>
            tpu.wait_dma2 semaphore(%dma_wait3A_319 : memref<!tpu.dma_semaphore, #tpu.memory_space<semaphore_mem>>) src(%dma_wait3A_321 : memref<128x128xf32, #tpu.memory_space<hbm>>) dst(%arg15 : memref<128x128xf32, #tpu.memory_space<vmem>>)
            %dma_start3A = arith.constant 0 : i32
            %dma_start3A_322 = arith.constant 0 : i32
            %dma_start3A_323 = arith.constant 0 : i32
            %dma_start3A_324 = tpu.memref_slice %arg2[%dma_start3A_322, %dma_start3A_323] : memref<51200x128xf32, #tpu.memory_space<hbm>> -> memref<51200x128xf32, #tpu.memory_space<hbm>>
            %dma_start3A_325 = tpu.memref_slice %arg23[%dma_start3A] : memref<3x!tpu.dma_semaphore, #tpu.memory_space<semaphore_mem>> -> memref<1x!tpu.dma_semaphore, #tpu.memory_space<semaphore_mem>>
            %dma_start3A_326 = tpu.memref_squeeze %dma_start3A_325 : memref<1x!tpu.dma_semaphore, #tpu.memory_space<semaphore_mem>> -> memref<!tpu.dma_semaphore, #tpu.memory_space<semaphore_mem>>
            tpu.enqueue_indirect_dma source(%dma_start3A_324 : memref<51200x128xf32, #tpu.memory_space<hbm>>) target(%arg18 : memref<128x128xf32, #tpu.memory_space<vmem>>) offsets(%arg12 : memref<128xi32, #tpu.memory_space<vmem>>) semaphore(%dma_start3A_326 : memref<!tpu.dma_semaphore, #tpu.memory_space<semaphore_mem>>)
          } else {
          }
          %add3A_267 = arith.constant 2 : i32
          %add3A_268 = arith.addi %add3A_255, %add3A_267 : i32
          %lt3A_269 = arith.cmpi slt, %add3A_268, %select_n3A_177 : i32
          %convert_element_type3A_270 = arith.extui %lt3A_269 : i1 to i32
          %cond3A_271 = arith.constant 0 : i32
          %cond3A_272 = arith.cmpi ne, %convert_element_type3A_270, %cond3A_271 : i32
          scf.if %cond3A_272 {
            %add3A_298 = arith.constant 2 : i32
            %add3A_299 = arith.addi %add3A_255, %add3A_298 : i32
            %mul3A_300 = arith.constant 128 : i32
            %mul3A_301 = arith.muli %add3A_299, %mul3A_300 : i32
            %add3A_302 = arith.addi %mul3A_148, %mul3A_301 : i32
            %min3A_303 = arith.constant 799872 : i32
            %min3A_304 = arith.minsi %add3A_302, %min3A_303 : i32
            %dma_start3A = arith.constant 1 : i32
            %dma_start3A_305 = tpu.memref_slice %arg3[%min3A_304] : memref<800000xi32, #tpu.memory_space<hbm>> -> memref<128xi32, #tpu.memory_space<hbm>>
            %dma_start3A_306 = tpu.memref_slice %arg22[%dma_start3A] : memref<3x!tpu.dma_semaphore, #tpu.memory_space<semaphore_mem>> -> memref<1x!tpu.dma_semaphore, #tpu.memory_space<semaphore_mem>>
            %dma_start3A_307 = tpu.memref_squeeze %dma_start3A_306 : memref<1x!tpu.dma_semaphore, #tpu.memory_space<semaphore_mem>> -> memref<!tpu.dma_semaphore, #tpu.memory_space<semaphore_mem>>
            %dma_start3A_308 = tpu.memref_slice %arg3[%min3A_304] : memref<800000xi32, #tpu.memory_space<hbm>> -> memref<128xi32, #tpu.memory_space<hbm>>
            tpu.enqueue_dma source(%dma_start3A_308 : memref<128xi32, #tpu.memory_space<hbm>>) target(%arg10 : memref<128xi32, #tpu.memory_space<vmem>>) target_semaphore(%dma_start3A_307 : memref<!tpu.dma_semaphore, #tpu.memory_space<semaphore_mem>>)
            %dma_start3A_309 = arith.constant 1 : i32
            %dma_start3A_310 = tpu.memref_slice %arg4[%min3A_304] : memref<800000xi32, #tpu.memory_space<hbm>> -> memref<128xi32, #tpu.memory_space<hbm>>
            %dma_start3A_311 = tpu.memref_slice %arg22[%dma_start3A_309] : memref<3x!tpu.dma_semaphore, #tpu.memory_space<semaphore_mem>> -> memref<1x!tpu.dma_semaphore, #tpu.memory_space<semaphore_mem>>
            %dma_start3A_312 = tpu.memref_squeeze %dma_start3A_311 : memref<1x!tpu.dma_semaphore, #tpu.memory_space<semaphore_mem>> -> memref<!tpu.dma_semaphore, #tpu.memory_space<semaphore_mem>>
            %dma_start3A_313 = tpu.memref_slice %arg4[%min3A_304] : memref<800000xi32, #tpu.memory_space<hbm>> -> memref<128xi32, #tpu.memory_space<hbm>>
            tpu.enqueue_dma source(%dma_start3A_313 : memref<128xi32, #tpu.memory_space<hbm>>) target(%arg13 : memref<128xi32, #tpu.memory_space<vmem>>) target_semaphore(%dma_start3A_312 : memref<!tpu.dma_semaphore, #tpu.memory_space<semaphore_mem>>)
            %dma_start3A_314 = arith.constant 1 : i32
            %dma_start3A_315 = arith.constant 0 : i32
            %dma_start3A_316 = tpu.memref_slice %arg5[%min3A_304, %dma_start3A_315] : memref<800000x128xf32, #tpu.memory_space<hbm>> -> memref<128x128xf32, #tpu.memory_space<hbm>>
            %dma_start3A_317 = tpu.memref_slice %arg22[%dma_start3A_314] : memref<3x!tpu.dma_semaphore, #tpu.memory_space<semaphore_mem>> -> memref<1x!tpu.dma_semaphore, #tpu.memory_space<semaphore_mem>>
            %dma_start3A_318 = tpu.memref_squeeze %dma_start3A_317 : memref<1x!tpu.dma_semaphore, #tpu.memory_space<semaphore_mem>> -> memref<!tpu.dma_semaphore, #tpu.memory_space<semaphore_mem>>
            %dma_start3A_319 = arith.constant 0 : i32
            %dma_start3A_320 = tpu.memref_slice %arg5[%min3A_304, %dma_start3A_319] : memref<800000x128xf32, #tpu.memory_space<hbm>> -> memref<128x128xf32, #tpu.memory_space<hbm>>
            tpu.enqueue_dma source(%dma_start3A_320 : memref<128x128xf32, #tpu.memory_space<hbm>>) target(%arg16 : memref<128x128xf32, #tpu.memory_space<vmem>>) target_semaphore(%dma_start3A_318 : memref<!tpu.dma_semaphore, #tpu.memory_space<semaphore_mem>>)
          } else {
          }
          %dma_wait3A = arith.constant 2 : i32
          %dma_wait3A_273 = arith.constant 0 : i32
          %dma_wait3A_274 = arith.constant 0 : i32
          %dma_wait3A_275 = tpu.memref_slice %arg2[%dma_wait3A_273, %dma_wait3A_274] : memref<51200x128xf32, #tpu.memory_space<hbm>> -> memref<51200x128xf32, #tpu.memory_space<hbm>>
          %dma_wait3A_276 = tpu.memref_slice %arg23[%dma_wait3A] : memref<3x!tpu.dma_semaphore, #tpu.memory_space<semaphore_mem>> -> memref<1x!tpu.dma_semaphore, #tpu.memory_space<semaphore_mem>>
          %dma_wait3A_277 = tpu.memref_squeeze %dma_wait3A_276 : memref<1x!tpu.dma_semaphore, #tpu.memory_space<semaphore_mem>> -> memref<!tpu.dma_semaphore, #tpu.memory_space<semaphore_mem>>
          tpu.wait_indirect_dma semaphore(%dma_wait3A_277 : memref<!tpu.dma_semaphore, #tpu.memory_space<semaphore_mem>>) src(%dma_wait3A_275 : memref<51200x128xf32, #tpu.memory_space<hbm>>) dst(%arg20 : memref<128x128xf32, #tpu.memory_space<vmem>>)
          %mul3A_278 = arith.constant 128 : i32
          %mul3A_279 = arith.muli %add3A_255, %mul3A_278 : i32
          %add3A_280 = arith.addi %mul3A_148, %mul3A_279 : i32
          %mul3A_281 = arith.constant 128 : i32
          %mul3A_282 = arith.muli %add3A_255, %mul3A_281 : i32
          %add3A_283 = arith.addi %mul3A_148, %mul3A_282 : i32
          %min3A = arith.constant 799872 : i32
          %min3A_284 = arith.minsi %add3A_283, %min3A : i32
          %max3A = arith.maxsi %squeeze3A, %add3A_280 : i32
          %sub3A_285 = arith.subi %max3A, %min3A_284 : i32
          %add3A_286 = arith.constant 128 : i32
          %add3A_287 = arith.addi %add3A_280, %add3A_286 : i32
          %min3A_288 = arith.minsi %squeeze3A_122, %add3A_287 : i32
          %sub3A_289 = arith.subi %min3A_288, %min3A_284 : i32
          %while3A_290 = arith.subi %sub3A_289, %sub3A_285 : i32
          %while3A_291 = arith.addi %sub3A_285, %while3A_290 : i32
          %while3A_292 = arith.constant 1 : i32
          %while3A_293 = arith.divsi %while3A_290, %while3A_292 : i32
          %while3A_294 = arith.muli %while3A_293, %while3A_292 : i32
          %while3A_295 = arith.addi %sub3A_285, %while3A_294 : i32
          %while3A_296 = arith.constant 1 : i32
          scf.for %while3A_298 = %sub3A_285 to %while3A_295 step %while3A_296  : i32 {
            %broadcast_in_dim3A_299 = vector.broadcast %while3A_298 : i32 to vector<16xi32>
            %gather3A = tpu.vector_load_idx %arg11[%broadcast_in_dim3A_299] : memref<128xi32, #tpu.memory_space<vmem>>[vector<16xi32>], vector<16xi32>,
            %sub3A_300 = vector.broadcast %mul3A_119 : i32 to vector<16xi32>
            %sub3A_301 = arith.subi %gather3A, %sub3A_300 : vector<16xi32>
            %gather3A_302 = tpu.vector_load_idx %arg20[%broadcast_in_dim3A_299, %iota3A] : memref<128x128xf32, #tpu.memory_space<vmem>>[vector<16xi32>, vector<16xi32>], vector<16xf32>,
            %add3A_303 = arith.constant 16 : i32
            %add3A_304 = vector.broadcast %add3A_303 : i32 to vector<16xi32>
            %add3A_305 = arith.addi %iota3A, %add3A_304 : vector<16xi32>
            %gather3A_306 = tpu.vector_load_idx %arg20[%broadcast_in_dim3A_299, %add3A_305] : memref<128x128xf32, #tpu.memory_space<vmem>>[vector<16xi32>, vector<16xi32>], vector<16xf32>,
            %mul3A_307 = arith.constant 3 : i32
            %mul3A_308 = vector.broadcast %mul3A_307 : i32 to vector<16xi32>
            %mul3A_309 = arith.muli %mul3A_308, %iota3A : vector<16xi32>
            %add3A_310 = arith.constant 32 : i32
            %add3A_311 = vector.broadcast %add3A_310 : i32 to vector<16xi32>
            %add3A_312 = arith.addi %mul3A_309, %add3A_311 : vector<16xi32>
            %gather3A_313 = tpu.vector_load_idx %arg20[%broadcast_in_dim3A_299, %add3A_312] : memref<128x128xf32, #tpu.memory_space<vmem>>[vector<16xi32>, vector<16xi32>], vector<16xf32>,
            %mul3A_314 = arith.constant 3 : i32
            %mul3A_315 = vector.broadcast %mul3A_314 : i32 to vector<16xi32>
            %mul3A_316 = arith.muli %mul3A_315, %iota3A : vector<16xi32>
            %add3A_317 = arith.constant 33 : i32
            %add3A_318 = vector.broadcast %add3A_317 : i32 to vector<16xi32>
            %add3A_319 = arith.addi %mul3A_316, %add3A_318 : vector<16xi32>
            %gather3A_320 = tpu.vector_load_idx %arg20[%broadcast_in_dim3A_299, %add3A_319] : memref<128x128xf32, #tpu.memory_space<vmem>>[vector<16xi32>, vector<16xi32>], vector<16xf32>,
            %mul3A_321 = arith.constant 3 : i32
            %mul3A_322 = vector.broadcast %mul3A_321 : i32 to vector<16xi32>
            %mul3A_323 = arith.muli %mul3A_322, %iota3A : vector<16xi32>
            %add3A_324 = arith.constant 34 : i32
            %add3A_325 = vector.broadcast %add3A_324 : i32 to vector<16xi32>
            %add3A_326 = arith.addi %mul3A_323, %add3A_325 : vector<16xi32>
            %gather3A_327 = tpu.vector_load_idx %arg20[%broadcast_in_dim3A_299, %add3A_326] : memref<128x128xf32, #tpu.memory_space<vmem>>[vector<16xi32>, vector<16xi32>], vector<16xf32>,
            %broadcast_in_dim3A_328 = arith.constant 112 : i32
            %broadcast_in_dim3A_329 = vector.broadcast %broadcast_in_dim3A_328 : i32 to vector<16xi32>
            %gather3A_330 = tpu.vector_load_idx %arg17[%broadcast_in_dim3A_299, %broadcast_in_dim3A_329] : memref<128x128xf32, #tpu.memory_space<vmem>>[vector<16xi32>, vector<16xi32>], vector<16xf32>,
            %broadcast_in_dim3A_331 = arith.constant 113 : i32
            %broadcast_in_dim3A_332 = vector.broadcast %broadcast_in_dim3A_331 : i32 to vector<16xi32>
            %gather3A_333 = tpu.vector_load_idx %arg17[%broadcast_in_dim3A_299, %broadcast_in_dim3A_332] : memref<128x128xf32, #tpu.memory_space<vmem>>[vector<16xi32>, vector<16xi32>], vector<16xf32>,
            %broadcast_in_dim3A_334 = arith.constant 114 : i32
            %broadcast_in_dim3A_335 = vector.broadcast %broadcast_in_dim3A_334 : i32 to vector<16xi32>
            %gather3A_336 = tpu.vector_load_idx %arg17[%broadcast_in_dim3A_299, %broadcast_in_dim3A_335] : memref<128x128xf32, #tpu.memory_space<vmem>>[vector<16xi32>, vector<16xi32>], vector<16xf32>,
            %gather3A_337 = tpu.vector_load_idx %arg17[%broadcast_in_dim3A_299, %iota3A] : memref<128x128xf32, #tpu.memory_space<vmem>>[vector<16xi32>, vector<16xi32>], vector<16xf32>,
            %add3A_338 = arith.constant 16 : i32
            %add3A_339 = vector.broadcast %add3A_338 : i32 to vector<16xi32>
            %add3A_340 = arith.addi %iota3A, %add3A_339 : vector<16xi32>
            %gather3A_341 = tpu.vector_load_idx %arg17[%broadcast_in_dim3A_299, %add3A_340] : memref<128x128xf32, #tpu.memory_space<vmem>>[vector<16xi32>, vector<16xi32>], vector<16xf32>,
            %add3A_342 = arith.constant 32 : i32
            %add3A_343 = vector.broadcast %add3A_342 : i32 to vector<16xi32>
            %add3A_344 = arith.addi %iota3A, %add3A_343 : vector<16xi32>
            %gather3A_345 = tpu.vector_load_idx %arg17[%broadcast_in_dim3A_299, %add3A_344] : memref<128x128xf32, #tpu.memory_space<vmem>>[vector<16xi32>, vector<16xi32>], vector<16xf32>,
            %add3A_346 = arith.constant 48 : i32
            %add3A_347 = vector.broadcast %add3A_346 : i32 to vector<16xi32>
            %add3A_348 = arith.addi %iota3A, %add3A_347 : vector<16xi32>
            %gather3A_349 = tpu.vector_load_idx %arg17[%broadcast_in_dim3A_299, %add3A_348] : memref<128x128xf32, #tpu.memory_space<vmem>>[vector<16xi32>, vector<16xi32>], vector<16xf32>,
            %add3A_350 = arith.constant 64 : i32
            %add3A_351 = vector.broadcast %add3A_350 : i32 to vector<16xi32>
            %add3A_352 = arith.addi %iota3A, %add3A_351 : vector<16xi32>
            %gather3A_353 = tpu.vector_load_idx %arg17[%broadcast_in_dim3A_299, %add3A_352] : memref<128x128xf32, #tpu.memory_space<vmem>>[vector<16xi32>, vector<16xi32>], vector<16xf32>,
            %add3A_354 = arith.constant 80 : i32
            %add3A_355 = vector.broadcast %add3A_354 : i32 to vector<16xi32>
            %add3A_356 = arith.addi %iota3A, %add3A_355 : vector<16xi32>
            %gather3A_357 = tpu.vector_load_idx %arg17[%broadcast_in_dim3A_299, %add3A_356] : memref<128x128xf32, #tpu.memory_space<vmem>>[vector<16xi32>, vector<16xi32>], vector<16xf32>,
            %add3A_358 = arith.constant 96 : i32
            %add3A_359 = vector.broadcast %add3A_358 : i32 to vector<16xi32>
            %add3A_360 = arith.addi %iota3A, %add3A_359 : vector<16xi32>
            %gather3A_361 = tpu.vector_load_idx %arg17[%broadcast_in_dim3A_299, %add3A_360] : memref<128x128xf32, #tpu.memory_space<vmem>>[vector<16xi32>, vector<16xi32>], vector<16xf32>,
            %mul3A_362 = arith.mulf %gather3A_337, %gather3A_302 : vector<16xf32>
            tpu.vector_store_idx %arg8[%sub3A_301, %iota3A], %mul3A_362 {add = true} : memref<80x256xf32, #tpu.memory_space<vmem>>[vector<16xi32>, vector<16xi32>], vector<16xf32>,
            %mul3A_363 = arith.mulf %gather3A_341, %gather3A_306 : vector<16xf32>
            tpu.vector_store_idx %arg8[%sub3A_301, %add3A_4], %mul3A_363 {add = true} : memref<80x256xf32, #tpu.memory_space<vmem>>[vector<16xi32>, vector<16xi32>], vector<16xf32>,
            %mul3A_364 = arith.mulf %gather3A_313, %gather3A_330 : vector<16xf32>
            %mul3A_365 = arith.mulf %gather3A_320, %gather3A_333 : vector<16xf32>
            %add3A_366 = arith.addf %mul3A_364, %mul3A_365 : vector<16xf32>
            %mul3A_367 = arith.mulf %gather3A_327, %gather3A_336 : vector<16xf32>
            %add3A_368 = arith.addf %add3A_366, %mul3A_367 : vector<16xf32>
            %mul3A_369 = arith.mulf %gather3A_345, %add3A_368 : vector<16xf32>
            tpu.vector_store_idx %arg8[%sub3A_301, %add3A_7], %mul3A_369 {add = true} : memref<80x256xf32, #tpu.memory_space<vmem>>[vector<16xi32>, vector<16xi32>], vector<16xf32>,
            %mul3A_370 = arith.mulf %gather3A_349, %gather3A_302 : vector<16xf32>
            %mul3A_371 = arith.mulf %gather3A_353, %gather3A_306 : vector<16xf32>
            %mul3A_372 = arith.mulf %mul3A_370, %gather3A_330 : vector<16xf32>
            tpu.vector_store_idx %arg8[%sub3A_301, %add3A_13], %mul3A_372 {add = true} : memref<80x256xf32, #tpu.memory_space<vmem>>[vector<16xi32>, vector<16xi32>], vector<16xf32>,
            %mul3A_373 = arith.mulf %mul3A_371, %gather3A_330 : vector<16xf32>
            tpu.vector_store_idx %arg8[%sub3A_301, %add3A_31], %mul3A_373 {add = true} : memref<80x256xf32, #tpu.memory_space<vmem>>[vector<16xi32>, vector<16xi32>], vector<16xf32>,
            %mul3A_374 = arith.mulf %mul3A_370, %gather3A_333 : vector<16xf32>
            tpu.vector_store_idx %arg8[%sub3A_301, %add3A_19], %mul3A_374 {add = true} : memref<80x256xf32, #tpu.memory_space<vmem>>[vector<16xi32>, vector<16xi32>], vector<16xf32>,
            %mul3A_375 = arith.mulf %mul3A_371, %gather3A_333 : vector<16xf32>
            tpu.vector_store_idx %arg8[%sub3A_301, %add3A_37], %mul3A_375 {add = true} : memref<80x256xf32, #tpu.memory_space<vmem>>[vector<16xi32>, vector<16xi32>], vector<16xf32>,
            %mul3A_376 = arith.mulf %mul3A_370, %gather3A_336 : vector<16xf32>
            tpu.vector_store_idx %arg8[%sub3A_301, %add3A_25], %mul3A_376 {add = true} : memref<80x256xf32, #tpu.memory_space<vmem>>[vector<16xi32>, vector<16xi32>], vector<16xf32>,
            %mul3A_377 = arith.mulf %mul3A_371, %gather3A_336 : vector<16xf32>
            tpu.vector_store_idx %arg8[%sub3A_301, %add3A_43], %mul3A_377 {add = true} : memref<80x256xf32, #tpu.memory_space<vmem>>[vector<16xi32>, vector<16xi32>], vector<16xf32>,
            %mul3A_378 = arith.mulf %gather3A_357, %gather3A_313 : vector<16xf32>
            tpu.vector_store_idx %arg8[%sub3A_301, %add3A_49], %mul3A_378 {add = true} : memref<80x256xf32, #tpu.memory_space<vmem>>[vector<16xi32>, vector<16xi32>], vector<16xf32>,
            %mul3A_379 = arith.mulf %gather3A_357, %gather3A_320 : vector<16xf32>
            tpu.vector_store_idx %arg8[%sub3A_301, %add3A_55], %mul3A_379 {add = true} : memref<80x256xf32, #tpu.memory_space<vmem>>[vector<16xi32>, vector<16xi32>], vector<16xf32>,
            %mul3A_380 = arith.mulf %gather3A_357, %gather3A_327 : vector<16xf32>
            tpu.vector_store_idx %arg8[%sub3A_301, %add3A_61], %mul3A_380 {add = true} : memref<80x256xf32, #tpu.memory_space<vmem>>[vector<16xi32>, vector<16xi32>], vector<16xf32>,
            %mul3A_381 = arith.mulf %gather3A_320, %gather3A_336 : vector<16xf32>
            %mul3A_382 = arith.mulf %gather3A_327, %gather3A_333 : vector<16xf32>
            %sub3A_383 = arith.subf %mul3A_381, %mul3A_382 : vector<16xf32>
            %mul3A_384 = arith.mulf %gather3A_327, %gather3A_330 : vector<16xf32>
            %mul3A_385 = arith.mulf %gather3A_313, %gather3A_336 : vector<16xf32>
            %sub3A_386 = arith.subf %mul3A_384, %mul3A_385 : vector<16xf32>
            %mul3A_387 = arith.mulf %gather3A_313, %gather3A_333 : vector<16xf32>
            %mul3A_388 = arith.mulf %gather3A_320, %gather3A_330 : vector<16xf32>
            %sub3A_389 = arith.subf %mul3A_387, %mul3A_388 : vector<16xf32>
            %mul3A_390 = arith.mulf %gather3A_361, %sub3A_383 : vector<16xf32>
            tpu.vector_store_idx %arg8[%sub3A_301, %add3A_67], %mul3A_390 {add = true} : memref<80x256xf32, #tpu.memory_space<vmem>>[vector<16xi32>, vector<16xi32>], vector<16xf32>,
            %mul3A_391 = arith.mulf %gather3A_361, %sub3A_386 : vector<16xf32>
            tpu.vector_store_idx %arg8[%sub3A_301, %add3A_73], %mul3A_391 {add = true} : memref<80x256xf32, #tpu.memory_space<vmem>>[vector<16xi32>, vector<16xi32>], vector<16xf32>,
            %mul3A_392 = arith.mulf %gather3A_361, %sub3A_389 : vector<16xf32>
            tpu.vector_store_idx %arg8[%sub3A_301, %add3A_79], %mul3A_392 {add = true} : memref<80x256xf32, #tpu.memory_space<vmem>>[vector<16xi32>, vector<16xi32>], vector<16xf32>,
          }
          %while3A_297 = arith.constant 1 : i32
          scf.for %while3A_298 = %while3A_295 to %while3A_291 step %while3A_297  : i32 {
            %broadcast_in_dim3A_299 = vector.broadcast %while3A_298 : i32 to vector<16xi32>
            %gather3A = tpu.vector_load_idx %arg11[%broadcast_in_dim3A_299] : memref<128xi32, #tpu.memory_space<vmem>>[vector<16xi32>], vector<16xi32>,
            %sub3A_300 = vector.broadcast %mul3A_119 : i32 to vector<16xi32>
            %sub3A_301 = arith.subi %gather3A, %sub3A_300 : vector<16xi32>
            %gather3A_302 = tpu.vector_load_idx %arg20[%broadcast_in_dim3A_299, %iota3A] : memref<128x128xf32, #tpu.memory_space<vmem>>[vector<16xi32>, vector<16xi32>], vector<16xf32>,
            %add3A_303 = arith.constant 16 : i32
            %add3A_304 = vector.broadcast %add3A_303 : i32 to vector<16xi32>
            %add3A_305 = arith.addi %iota3A, %add3A_304 : vector<16xi32>
            %gather3A_306 = tpu.vector_load_idx %arg20[%broadcast_in_dim3A_299, %add3A_305] : memref<128x128xf32, #tpu.memory_space<vmem>>[vector<16xi32>, vector<16xi32>], vector<16xf32>,
            %mul3A_307 = arith.constant 3 : i32
            %mul3A_308 = vector.broadcast %mul3A_307 : i32 to vector<16xi32>
            %mul3A_309 = arith.muli %mul3A_308, %iota3A : vector<16xi32>
            %add3A_310 = arith.constant 32 : i32
            %add3A_311 = vector.broadcast %add3A_310 : i32 to vector<16xi32>
            %add3A_312 = arith.addi %mul3A_309, %add3A_311 : vector<16xi32>
            %gather3A_313 = tpu.vector_load_idx %arg20[%broadcast_in_dim3A_299, %add3A_312] : memref<128x128xf32, #tpu.memory_space<vmem>>[vector<16xi32>, vector<16xi32>], vector<16xf32>,
            %mul3A_314 = arith.constant 3 : i32
            %mul3A_315 = vector.broadcast %mul3A_314 : i32 to vector<16xi32>
            %mul3A_316 = arith.muli %mul3A_315, %iota3A : vector<16xi32>
            %add3A_317 = arith.constant 33 : i32
            %add3A_318 = vector.broadcast %add3A_317 : i32 to vector<16xi32>
            %add3A_319 = arith.addi %mul3A_316, %add3A_318 : vector<16xi32>
            %gather3A_320 = tpu.vector_load_idx %arg20[%broadcast_in_dim3A_299, %add3A_319] : memref<128x128xf32, #tpu.memory_space<vmem>>[vector<16xi32>, vector<16xi32>], vector<16xf32>,
            %mul3A_321 = arith.constant 3 : i32
            %mul3A_322 = vector.broadcast %mul3A_321 : i32 to vector<16xi32>
            %mul3A_323 = arith.muli %mul3A_322, %iota3A : vector<16xi32>
            %add3A_324 = arith.constant 34 : i32
            %add3A_325 = vector.broadcast %add3A_324 : i32 to vector<16xi32>
            %add3A_326 = arith.addi %mul3A_323, %add3A_325 : vector<16xi32>
            %gather3A_327 = tpu.vector_load_idx %arg20[%broadcast_in_dim3A_299, %add3A_326] : memref<128x128xf32, #tpu.memory_space<vmem>>[vector<16xi32>, vector<16xi32>], vector<16xf32>,
            %broadcast_in_dim3A_328 = arith.constant 112 : i32
            %broadcast_in_dim3A_329 = vector.broadcast %broadcast_in_dim3A_328 : i32 to vector<16xi32>
            %gather3A_330 = tpu.vector_load_idx %arg17[%broadcast_in_dim3A_299, %broadcast_in_dim3A_329] : memref<128x128xf32, #tpu.memory_space<vmem>>[vector<16xi32>, vector<16xi32>], vector<16xf32>,
            %broadcast_in_dim3A_331 = arith.constant 113 : i32
            %broadcast_in_dim3A_332 = vector.broadcast %broadcast_in_dim3A_331 : i32 to vector<16xi32>
            %gather3A_333 = tpu.vector_load_idx %arg17[%broadcast_in_dim3A_299, %broadcast_in_dim3A_332] : memref<128x128xf32, #tpu.memory_space<vmem>>[vector<16xi32>, vector<16xi32>], vector<16xf32>,
            %broadcast_in_dim3A_334 = arith.constant 114 : i32
            %broadcast_in_dim3A_335 = vector.broadcast %broadcast_in_dim3A_334 : i32 to vector<16xi32>
            %gather3A_336 = tpu.vector_load_idx %arg17[%broadcast_in_dim3A_299, %broadcast_in_dim3A_335] : memref<128x128xf32, #tpu.memory_space<vmem>>[vector<16xi32>, vector<16xi32>], vector<16xf32>,
            %gather3A_337 = tpu.vector_load_idx %arg17[%broadcast_in_dim3A_299, %iota3A] : memref<128x128xf32, #tpu.memory_space<vmem>>[vector<16xi32>, vector<16xi32>], vector<16xf32>,
            %add3A_338 = arith.constant 16 : i32
            %add3A_339 = vector.broadcast %add3A_338 : i32 to vector<16xi32>
            %add3A_340 = arith.addi %iota3A, %add3A_339 : vector<16xi32>
            %gather3A_341 = tpu.vector_load_idx %arg17[%broadcast_in_dim3A_299, %add3A_340] : memref<128x128xf32, #tpu.memory_space<vmem>>[vector<16xi32>, vector<16xi32>], vector<16xf32>,
            %add3A_342 = arith.constant 32 : i32
            %add3A_343 = vector.broadcast %add3A_342 : i32 to vector<16xi32>
            %add3A_344 = arith.addi %iota3A, %add3A_343 : vector<16xi32>
            %gather3A_345 = tpu.vector_load_idx %arg17[%broadcast_in_dim3A_299, %add3A_344] : memref<128x128xf32, #tpu.memory_space<vmem>>[vector<16xi32>, vector<16xi32>], vector<16xf32>,
            %add3A_346 = arith.constant 48 : i32
            %add3A_347 = vector.broadcast %add3A_346 : i32 to vector<16xi32>
            %add3A_348 = arith.addi %iota3A, %add3A_347 : vector<16xi32>
            %gather3A_349 = tpu.vector_load_idx %arg17[%broadcast_in_dim3A_299, %add3A_348] : memref<128x128xf32, #tpu.memory_space<vmem>>[vector<16xi32>, vector<16xi32>], vector<16xf32>,
            %add3A_350 = arith.constant 64 : i32
            %add3A_351 = vector.broadcast %add3A_350 : i32 to vector<16xi32>
            %add3A_352 = arith.addi %iota3A, %add3A_351 : vector<16xi32>
            %gather3A_353 = tpu.vector_load_idx %arg17[%broadcast_in_dim3A_299, %add3A_352] : memref<128x128xf32, #tpu.memory_space<vmem>>[vector<16xi32>, vector<16xi32>], vector<16xf32>,
            %add3A_354 = arith.constant 80 : i32
            %add3A_355 = vector.broadcast %add3A_354 : i32 to vector<16xi32>
            %add3A_356 = arith.addi %iota3A, %add3A_355 : vector<16xi32>
            %gather3A_357 = tpu.vector_load_idx %arg17[%broadcast_in_dim3A_299, %add3A_356] : memref<128x128xf32, #tpu.memory_space<vmem>>[vector<16xi32>, vector<16xi32>], vector<16xf32>,
            %add3A_358 = arith.constant 96 : i32
            %add3A_359 = vector.broadcast %add3A_358 : i32 to vector<16xi32>
            %add3A_360 = arith.addi %iota3A, %add3A_359 : vector<16xi32>
            %gather3A_361 = tpu.vector_load_idx %arg17[%broadcast_in_dim3A_299, %add3A_360] : memref<128x128xf32, #tpu.memory_space<vmem>>[vector<16xi32>, vector<16xi32>], vector<16xf32>,
            %mul3A_362 = arith.mulf %gather3A_337, %gather3A_302 : vector<16xf32>
            tpu.vector_store_idx %arg8[%sub3A_301, %iota3A], %mul3A_362 {add = true} : memref<80x256xf32, #tpu.memory_space<vmem>>[vector<16xi32>, vector<16xi32>], vector<16xf32>,
            %mul3A_363 = arith.mulf %gather3A_341, %gather3A_306 : vector<16xf32>
            tpu.vector_store_idx %arg8[%sub3A_301, %add3A_4], %mul3A_363 {add = true} : memref<80x256xf32, #tpu.memory_space<vmem>>[vector<16xi32>, vector<16xi32>], vector<16xf32>,
            %mul3A_364 = arith.mulf %gather3A_313, %gather3A_330 : vector<16xf32>
            %mul3A_365 = arith.mulf %gather3A_320, %gather3A_333 : vector<16xf32>
            %add3A_366 = arith.addf %mul3A_364, %mul3A_365 : vector<16xf32>
            %mul3A_367 = arith.mulf %gather3A_327, %gather3A_336 : vector<16xf32>
            %add3A_368 = arith.addf %add3A_366, %mul3A_367 : vector<16xf32>
            %mul3A_369 = arith.mulf %gather3A_345, %add3A_368 : vector<16xf32>
            tpu.vector_store_idx %arg8[%sub3A_301, %add3A_7], %mul3A_369 {add = true} : memref<80x256xf32, #tpu.memory_space<vmem>>[vector<16xi32>, vector<16xi32>], vector<16xf32>,
            %mul3A_370 = arith.mulf %gather3A_349, %gather3A_302 : vector<16xf32>
            %mul3A_371 = arith.mulf %gather3A_353, %gather3A_306 : vector<16xf32>
            %mul3A_372 = arith.mulf %mul3A_370, %gather3A_330 : vector<16xf32>
            tpu.vector_store_idx %arg8[%sub3A_301, %add3A_13], %mul3A_372 {add = true} : memref<80x256xf32, #tpu.memory_space<vmem>>[vector<16xi32>, vector<16xi32>], vector<16xf32>,
            %mul3A_373 = arith.mulf %mul3A_371, %gather3A_330 : vector<16xf32>
            tpu.vector_store_idx %arg8[%sub3A_301, %add3A_31], %mul3A_373 {add = true} : memref<80x256xf32, #tpu.memory_space<vmem>>[vector<16xi32>, vector<16xi32>], vector<16xf32>,
            %mul3A_374 = arith.mulf %mul3A_370, %gather3A_333 : vector<16xf32>
            tpu.vector_store_idx %arg8[%sub3A_301, %add3A_19], %mul3A_374 {add = true} : memref<80x256xf32, #tpu.memory_space<vmem>>[vector<16xi32>, vector<16xi32>], vector<16xf32>,
            %mul3A_375 = arith.mulf %mul3A_371, %gather3A_333 : vector<16xf32>
            tpu.vector_store_idx %arg8[%sub3A_301, %add3A_37], %mul3A_375 {add = true} : memref<80x256xf32, #tpu.memory_space<vmem>>[vector<16xi32>, vector<16xi32>], vector<16xf32>,
            %mul3A_376 = arith.mulf %mul3A_370, %gather3A_336 : vector<16xf32>
            tpu.vector_store_idx %arg8[%sub3A_301, %add3A_25], %mul3A_376 {add = true} : memref<80x256xf32, #tpu.memory_space<vmem>>[vector<16xi32>, vector<16xi32>], vector<16xf32>,
            %mul3A_377 = arith.mulf %mul3A_371, %gather3A_336 : vector<16xf32>
            tpu.vector_store_idx %arg8[%sub3A_301, %add3A_43], %mul3A_377 {add = true} : memref<80x256xf32, #tpu.memory_space<vmem>>[vector<16xi32>, vector<16xi32>], vector<16xf32>,
            %mul3A_378 = arith.mulf %gather3A_357, %gather3A_313 : vector<16xf32>
            tpu.vector_store_idx %arg8[%sub3A_301, %add3A_49], %mul3A_378 {add = true} : memref<80x256xf32, #tpu.memory_space<vmem>>[vector<16xi32>, vector<16xi32>], vector<16xf32>,
            %mul3A_379 = arith.mulf %gather3A_357, %gather3A_320 : vector<16xf32>
            tpu.vector_store_idx %arg8[%sub3A_301, %add3A_55], %mul3A_379 {add = true} : memref<80x256xf32, #tpu.memory_space<vmem>>[vector<16xi32>, vector<16xi32>], vector<16xf32>,
            %mul3A_380 = arith.mulf %gather3A_357, %gather3A_327 : vector<16xf32>
            tpu.vector_store_idx %arg8[%sub3A_301, %add3A_61], %mul3A_380 {add = true} : memref<80x256xf32, #tpu.memory_space<vmem>>[vector<16xi32>, vector<16xi32>], vector<16xf32>,
            %mul3A_381 = arith.mulf %gather3A_320, %gather3A_336 : vector<16xf32>
            %mul3A_382 = arith.mulf %gather3A_327, %gather3A_333 : vector<16xf32>
            %sub3A_383 = arith.subf %mul3A_381, %mul3A_382 : vector<16xf32>
            %mul3A_384 = arith.mulf %gather3A_327, %gather3A_330 : vector<16xf32>
            %mul3A_385 = arith.mulf %gather3A_313, %gather3A_336 : vector<16xf32>
            %sub3A_386 = arith.subf %mul3A_384, %mul3A_385 : vector<16xf32>
            %mul3A_387 = arith.mulf %gather3A_313, %gather3A_333 : vector<16xf32>
            %mul3A_388 = arith.mulf %gather3A_320, %gather3A_330 : vector<16xf32>
            %sub3A_389 = arith.subf %mul3A_387, %mul3A_388 : vector<16xf32>
            %mul3A_390 = arith.mulf %gather3A_361, %sub3A_383 : vector<16xf32>
            tpu.vector_store_idx %arg8[%sub3A_301, %add3A_67], %mul3A_390 {add = true} : memref<80x256xf32, #tpu.memory_space<vmem>>[vector<16xi32>, vector<16xi32>], vector<16xf32>,
            %mul3A_391 = arith.mulf %gather3A_361, %sub3A_386 : vector<16xf32>
            tpu.vector_store_idx %arg8[%sub3A_301, %add3A_73], %mul3A_391 {add = true} : memref<80x256xf32, #tpu.memory_space<vmem>>[vector<16xi32>, vector<16xi32>], vector<16xf32>,
            %mul3A_392 = arith.mulf %gather3A_361, %sub3A_389 : vector<16xf32>
            tpu.vector_store_idx %arg8[%sub3A_301, %add3A_79], %mul3A_392 {add = true} : memref<80x256xf32, #tpu.memory_space<vmem>>[vector<16xi32>, vector<16xi32>], vector<16xf32>,
          }
        } else {
        }
        %while3A_260 = arith.constant 0 : i32
        scf.yield %while3A_260 : i32
      }
      "tpu.region"() ({
        %run_scoped3A = tpu.sem_alloc : memref<!tpu.dma_semaphore, #tpu.memory_space<semaphore_mem>>
        %dma_start3A = arith.constant 0 : i32
        %dma_start3A_235 = tpu.memref_slice %arg7[%mul3A_119, %dma_start3A] : memref<50000x256xf32, #tpu.memory_space<hbm>> -> memref<80x256xf32, #tpu.memory_space<hbm>>
        %dma_start3A_236 = arith.constant 0 : i32
        %dma_start3A_237 = tpu.memref_slice %arg7[%mul3A_119, %dma_start3A_236] : memref<50000x256xf32, #tpu.memory_space<hbm>> -> memref<80x256xf32, #tpu.memory_space<hbm>>
        tpu.enqueue_dma source(%arg8 : memref<80x256xf32, #tpu.memory_space<vmem>>) target(%dma_start3A_237 : memref<80x256xf32, #tpu.memory_space<hbm>>) target_semaphore(%run_scoped3A : memref<!tpu.dma_semaphore, #tpu.memory_space<semaphore_mem>>)
        %dma_wait3A = arith.constant 0 : i32
        %dma_wait3A_238 = tpu.memref_slice %arg7[%mul3A_119, %dma_wait3A] : memref<50000x256xf32, #tpu.memory_space<hbm>> -> memref<80x256xf32, #tpu.memory_space<hbm>>
        %dma_wait3A_239 = arith.constant 0 : i32
        %dma_wait3A_240 = tpu.memref_slice %arg7[%mul3A_119, %dma_wait3A_239] : memref<50000x256xf32, #tpu.memory_space<hbm>> -> memref<80x256xf32, #tpu.memory_space<hbm>>
        tpu.wait_dma2 semaphore(%run_scoped3A : memref<!tpu.dma_semaphore, #tpu.memory_space<semaphore_mem>>) src(%arg8 : memref<80x256xf32, #tpu.memory_space<vmem>>) dst(%dma_wait3A_240 : memref<80x256xf32, #tpu.memory_space<hbm>>)
        tpu.yield
      }) : () -> ()
      %while3A_234 = arith.constant 0 : i32
      scf.yield %while3A_234 : i32
    }
    %while3A_111 = arith.constant 1 : i32
    %while3A_112 = scf.for %while3A_113 = %while3A_108 to %while3A_104 step %while3A_111 iter_args(%while3A_114 = %while3A_110) -> (i32)  : i32 {
      %mul3A_115 = arith.constant 32 : i32
      %mul3A_116 = arith.muli %while3A_113, %mul3A_115 : i32
      %add3A_117 = arith.addi %add3A, %mul3A_116 : i32
      %mul3A_118 = arith.constant 80 : i32
      %mul3A_119 = arith.muli %add3A_117, %mul3A_118 : i32
      %get3A = arith.index_cast %add3A_117 : i32 to index
      %get3A_120 = tpu.vector_load %arg21[%get3A] {strides = array<i32>} : memref<640xi32, #tpu.memory_space<vmem>>, vector<16xi32>,
      %slice3A = vector.extract_strided_slice %get3A_120 {offsets = [0], sizes = [1], strides = [1]} : vector<16xi32> to vector<1xi32>
      %squeeze3A = vector.extract %slice3A[0] : i32 from vector<1xi32>
      %slice3A_121 = vector.extract_strided_slice %get3A_120 {offsets = [1], sizes = [1], strides = [1]} : vector<16xi32> to vector<1xi32>
      %squeeze3A_122 = vector.extract %slice3A_121[0] : i32 from vector<1xi32>
      %jit3A_123 = arith.constant 8 : i32
      %div3A_124 = arith.divsi %squeeze3A, %jit3A_123 : i32
      %sign3A_125 = arith.constant 0 : i32
      %sign3A_126 = arith.cmpi sgt, %squeeze3A, %sign3A_125 : i32
      %sign3A_127 = arith.extui %sign3A_126 : i1 to i32
      %sign3A_128 = arith.constant 0 : i32
      %sign3A_129 = arith.cmpi slt, %squeeze3A, %sign3A_128 : i32
      %sign3A_130 = arith.extui %sign3A_129 : i1 to i32
      %sign3A_131 = arith.subi %sign3A_127, %sign3A_130 : i32
      %sign3A_132 = arith.constant 0 : i32
      %sign3A_133 = arith.cmpi sgt, %jit3A_123, %sign3A_132 : i32
      %sign3A_134 = arith.extui %sign3A_133 : i1 to i32
      %sign3A_135 = arith.constant 0 : i32
      %sign3A_136 = arith.cmpi slt, %jit3A_123, %sign3A_135 : i32
      %sign3A_137 = arith.extui %sign3A_136 : i1 to i32
      %sign3A_138 = arith.subi %sign3A_134, %sign3A_137 : i32
      %ne3A_139 = arith.cmpi ne, %sign3A_131, %sign3A_138 : i32
      %rem3A_140 = arith.remsi %squeeze3A, %jit3A_123 : i32
      %ne3A_141 = arith.constant 0 : i32
      %ne3A_142 = arith.cmpi ne, %rem3A_140, %ne3A_141 : i32
      %and3A_143 = arith.andi %ne3A_139, %ne3A_142 : i1
      %sub3A_144 = arith.constant 1 : i32
      %sub3A_145 = arith.subi %div3A_124, %sub3A_144 : i32
      %select_n3A_146 = arith.select %and3A_143, %sub3A_145, %div3A_124 : i32
      %mul3A_147 = arith.constant 8 : i32
      %mul3A_148 = arith.muli %select_n3A_146, %mul3A_147 : i32
      %sub3A_149 = arith.subi %squeeze3A_122, %mul3A_148 : i32
      %add3A_150 = arith.constant 128 : i32
      %add3A_151 = arith.addi %sub3A_149, %add3A_150 : i32
      %sub3A_152 = arith.constant 1 : i32
      %sub3A_153 = arith.subi %add3A_151, %sub3A_152 : i32
      %jit3A_154 = arith.constant 128 : i32
      %div3A_155 = arith.divsi %sub3A_153, %jit3A_154 : i32
      %sign3A_156 = arith.constant 0 : i32
      %sign3A_157 = arith.cmpi sgt, %sub3A_153, %sign3A_156 : i32
      %sign3A_158 = arith.extui %sign3A_157 : i1 to i32
      %sign3A_159 = arith.constant 0 : i32
      %sign3A_160 = arith.cmpi slt, %sub3A_153, %sign3A_159 : i32
      %sign3A_161 = arith.extui %sign3A_160 : i1 to i32
      %sign3A_162 = arith.subi %sign3A_158, %sign3A_161 : i32
      %sign3A_163 = arith.constant 0 : i32
      %sign3A_164 = arith.cmpi sgt, %jit3A_154, %sign3A_163 : i32
      %sign3A_165 = arith.extui %sign3A_164 : i1 to i32
      %sign3A_166 = arith.constant 0 : i32
      %sign3A_167 = arith.cmpi slt, %jit3A_154, %sign3A_166 : i32
      %sign3A_168 = arith.extui %sign3A_167 : i1 to i32
      %sign3A_169 = arith.subi %sign3A_165, %sign3A_168 : i32
      %ne3A_170 = arith.cmpi ne, %sign3A_162, %sign3A_169 : i32
      %rem3A_171 = arith.remsi %sub3A_153, %jit3A_154 : i32
      %ne3A_172 = arith.constant 0 : i32
      %ne3A_173 = arith.cmpi ne, %rem3A_171, %ne3A_172 : i32
      %and3A_174 = arith.andi %ne3A_170, %ne3A_173 : i1
      %sub3A_175 = arith.constant 1 : i32
      %sub3A_176 = arith.subi %div3A_155, %sub3A_175 : i32
      %select_n3A_177 = arith.select %and3A_174, %sub3A_176, %div3A_155 : i32
      %gt3A = arith.constant 0 : i32
      %gt3A_178 = arith.cmpi sgt, %select_n3A_177, %gt3A : i32
      %convert_element_type3A = arith.extui %gt3A_178 : i1 to i32
      %cond3A = arith.constant 0 : i32
      %cond3A_179 = arith.cmpi ne, %convert_element_type3A, %cond3A : i32
      scf.if %cond3A_179 {
        %add3A_235 = arith.constant 0 : i32
        %add3A_236 = arith.addi %mul3A_148, %add3A_235 : i32
        %min3A = arith.constant 799872 : i32
        %min3A_237 = arith.minsi %add3A_236, %min3A : i32
        %dma_start3A = arith.constant 0 : i32
        %dma_start3A_238 = tpu.memref_slice %arg3[%min3A_237] : memref<800000xi32, #tpu.memory_space<hbm>> -> memref<128xi32, #tpu.memory_space<hbm>>
        %dma_start3A_239 = tpu.memref_slice %arg22[%dma_start3A] : memref<3x!tpu.dma_semaphore, #tpu.memory_space<semaphore_mem>> -> memref<1x!tpu.dma_semaphore, #tpu.memory_space<semaphore_mem>>
        %dma_start3A_240 = tpu.memref_squeeze %dma_start3A_239 : memref<1x!tpu.dma_semaphore, #tpu.memory_space<semaphore_mem>> -> memref<!tpu.dma_semaphore, #tpu.memory_space<semaphore_mem>>
        %dma_start3A_241 = tpu.memref_slice %arg3[%min3A_237] : memref<800000xi32, #tpu.memory_space<hbm>> -> memref<128xi32, #tpu.memory_space<hbm>>
        tpu.enqueue_dma source(%dma_start3A_241 : memref<128xi32, #tpu.memory_space<hbm>>) target(%arg9 : memref<128xi32, #tpu.memory_space<vmem>>) target_semaphore(%dma_start3A_240 : memref<!tpu.dma_semaphore, #tpu.memory_space<semaphore_mem>>)
        %dma_start3A_242 = arith.constant 0 : i32
        %dma_start3A_243 = tpu.memref_slice %arg4[%min3A_237] : memref<800000xi32, #tpu.memory_space<hbm>> -> memref<128xi32, #tpu.memory_space<hbm>>
        %dma_start3A_244 = tpu.memref_slice %arg22[%dma_start3A_242] : memref<3x!tpu.dma_semaphore, #tpu.memory_space<semaphore_mem>> -> memref<1x!tpu.dma_semaphore, #tpu.memory_space<semaphore_mem>>
        %dma_start3A_245 = tpu.memref_squeeze %dma_start3A_244 : memref<1x!tpu.dma_semaphore, #tpu.memory_space<semaphore_mem>> -> memref<!tpu.dma_semaphore, #tpu.memory_space<semaphore_mem>>
        %dma_start3A_246 = tpu.memref_slice %arg4[%min3A_237] : memref<800000xi32, #tpu.memory_space<hbm>> -> memref<128xi32, #tpu.memory_space<hbm>>
        tpu.enqueue_dma source(%dma_start3A_246 : memref<128xi32, #tpu.memory_space<hbm>>) target(%arg12 : memref<128xi32, #tpu.memory_space<vmem>>) target_semaphore(%dma_start3A_245 : memref<!tpu.dma_semaphore, #tpu.memory_space<semaphore_mem>>)
        %dma_start3A_247 = arith.constant 0 : i32
        %dma_start3A_248 = arith.constant 0 : i32
        %dma_start3A_249 = tpu.memref_slice %arg5[%min3A_237, %dma_start3A_248] : memref<800000x128xf32, #tpu.memory_space<hbm>> -> memref<128x128xf32, #tpu.memory_space<hbm>>
        %dma_start3A_250 = tpu.memref_slice %arg22[%dma_start3A_247] : memref<3x!tpu.dma_semaphore, #tpu.memory_space<semaphore_mem>> -> memref<1x!tpu.dma_semaphore, #tpu.memory_space<semaphore_mem>>
        %dma_start3A_251 = tpu.memref_squeeze %dma_start3A_250 : memref<1x!tpu.dma_semaphore, #tpu.memory_space<semaphore_mem>> -> memref<!tpu.dma_semaphore, #tpu.memory_space<semaphore_mem>>
        %dma_start3A_252 = arith.constant 0 : i32
        %dma_start3A_253 = tpu.memref_slice %arg5[%min3A_237, %dma_start3A_252] : memref<800000x128xf32, #tpu.memory_space<hbm>> -> memref<128x128xf32, #tpu.memory_space<hbm>>
        tpu.enqueue_dma source(%dma_start3A_253 : memref<128x128xf32, #tpu.memory_space<hbm>>) target(%arg15 : memref<128x128xf32, #tpu.memory_space<vmem>>) target_semaphore(%dma_start3A_251 : memref<!tpu.dma_semaphore, #tpu.memory_space<semaphore_mem>>)
      } else {
      }
      %gt3A_180 = arith.constant 1 : i32
      %gt3A_181 = arith.cmpi sgt, %select_n3A_177, %gt3A_180 : i32
      %convert_element_type3A_182 = arith.extui %gt3A_181 : i1 to i32
      %cond3A_183 = arith.constant 0 : i32
      %cond3A_184 = arith.cmpi ne, %convert_element_type3A_182, %cond3A_183 : i32
      scf.if %cond3A_184 {
        %add3A_235 = arith.constant 128 : i32
        %add3A_236 = arith.addi %mul3A_148, %add3A_235 : i32
        %min3A = arith.constant 799872 : i32
        %min3A_237 = arith.minsi %add3A_236, %min3A : i32
        %dma_start3A = arith.constant 1 : i32
        %dma_start3A_238 = tpu.memref_slice %arg3[%min3A_237] : memref<800000xi32, #tpu.memory_space<hbm>> -> memref<128xi32, #tpu.memory_space<hbm>>
        %dma_start3A_239 = tpu.memref_slice %arg22[%dma_start3A] : memref<3x!tpu.dma_semaphore, #tpu.memory_space<semaphore_mem>> -> memref<1x!tpu.dma_semaphore, #tpu.memory_space<semaphore_mem>>
        %dma_start3A_240 = tpu.memref_squeeze %dma_start3A_239 : memref<1x!tpu.dma_semaphore, #tpu.memory_space<semaphore_mem>> -> memref<!tpu.dma_semaphore, #tpu.memory_space<semaphore_mem>>
        %dma_start3A_241 = tpu.memref_slice %arg3[%min3A_237] : memref<800000xi32, #tpu.memory_space<hbm>> -> memref<128xi32, #tpu.memory_space<hbm>>
        tpu.enqueue_dma source(%dma_start3A_241 : memref<128xi32, #tpu.memory_space<hbm>>) target(%arg10 : memref<128xi32, #tpu.memory_space<vmem>>) target_semaphore(%dma_start3A_240 : memref<!tpu.dma_semaphore, #tpu.memory_space<semaphore_mem>>)
        %dma_start3A_242 = arith.constant 1 : i32
        %dma_start3A_243 = tpu.memref_slice %arg4[%min3A_237] : memref<800000xi32, #tpu.memory_space<hbm>> -> memref<128xi32, #tpu.memory_space<hbm>>
        %dma_start3A_244 = tpu.memref_slice %arg22[%dma_start3A_242] : memref<3x!tpu.dma_semaphore, #tpu.memory_space<semaphore_mem>> -> memref<1x!tpu.dma_semaphore, #tpu.memory_space<semaphore_mem>>
        %dma_start3A_245 = tpu.memref_squeeze %dma_start3A_244 : memref<1x!tpu.dma_semaphore, #tpu.memory_space<semaphore_mem>> -> memref<!tpu.dma_semaphore, #tpu.memory_space<semaphore_mem>>
        %dma_start3A_246 = tpu.memref_slice %arg4[%min3A_237] : memref<800000xi32, #tpu.memory_space<hbm>> -> memref<128xi32, #tpu.memory_space<hbm>>
        tpu.enqueue_dma source(%dma_start3A_246 : memref<128xi32, #tpu.memory_space<hbm>>) target(%arg13 : memref<128xi32, #tpu.memory_space<vmem>>) target_semaphore(%dma_start3A_245 : memref<!tpu.dma_semaphore, #tpu.memory_space<semaphore_mem>>)
        %dma_start3A_247 = arith.constant 1 : i32
        %dma_start3A_248 = arith.constant 0 : i32
        %dma_start3A_249 = tpu.memref_slice %arg5[%min3A_237, %dma_start3A_248] : memref<800000x128xf32, #tpu.memory_space<hbm>> -> memref<128x128xf32, #tpu.memory_space<hbm>>
        %dma_start3A_250 = tpu.memref_slice %arg22[%dma_start3A_247] : memref<3x!tpu.dma_semaphore, #tpu.memory_space<semaphore_mem>> -> memref<1x!tpu.dma_semaphore, #tpu.memory_space<semaphore_mem>>
        %dma_start3A_251 = tpu.memref_squeeze %dma_start3A_250 : memref<1x!tpu.dma_semaphore, #tpu.memory_space<semaphore_mem>> -> memref<!tpu.dma_semaphore, #tpu.memory_space<semaphore_mem>>
        %dma_start3A_252 = arith.constant 0 : i32
        %dma_start3A_253 = tpu.memref_slice %arg5[%min3A_237, %dma_start3A_252] : memref<800000x128xf32, #tpu.memory_space<hbm>> -> memref<128x128xf32, #tpu.memory_space<hbm>>
        tpu.enqueue_dma source(%dma_start3A_253 : memref<128x128xf32, #tpu.memory_space<hbm>>) target(%arg16 : memref<128x128xf32, #tpu.memory_space<vmem>>) target_semaphore(%dma_start3A_251 : memref<!tpu.dma_semaphore, #tpu.memory_space<semaphore_mem>>)
      } else {
      }
      %scan3A = arith.constant 0 : i32
      %scan3A_185 = arith.constant 0 : i32
      %scan3A_186 = arith.constant 80 : i32
      %scan3A_187 = arith.addi %scan3A_185, %scan3A_186 : i32
      %scan3A_188 = arith.constant 1 : i32
      %scan3A_189 = scf.for %scan3A_235 = %scan3A_185 to %scan3A_187 step %scan3A_188 iter_args(%scan3A_236 = %scan3A) -> (i32)  : i32 {
        %swap3A = arith.index_cast %scan3A_235 : i32 to index
        %swap3A_237 = arith.constant 0 : index
        %swap3A_238 = tpu.vector_load %arg8[%swap3A, %swap3A_237] {strides = array<i32>} : memref<80x256xf32, #tpu.memory_space<vmem>>, vector<16xf32>,
        tpu.vector_store %arg8[%swap3A, %swap3A_237], %broadcast_in_dim3A_1 {strides = array<i32>} : memref<80x256xf32, #tpu.memory_space<vmem>>, vector<16xf32>,
        %swap3A_239 = arith.index_cast %scan3A_235 : i32 to index
        %swap3A_240 = arith.constant 16 : index
        %swap3A_241 = tpu.vector_load %arg8[%swap3A_239, %swap3A_240] {strides = array<i32>} : memref<80x256xf32, #tpu.memory_space<vmem>>, vector<16xf32>,
        tpu.vector_store %arg8[%swap3A_239, %swap3A_240], %broadcast_in_dim3A_1 {strides = array<i32>} : memref<80x256xf32, #tpu.memory_space<vmem>>, vector<16xf32>,
        %swap3A_242 = arith.index_cast %scan3A_235 : i32 to index
        %swap3A_243 = arith.constant 32 : index
        %swap3A_244 = tpu.vector_load %arg8[%swap3A_242, %swap3A_243] {strides = array<i32>} : memref<80x256xf32, #tpu.memory_space<vmem>>, vector<16xf32>,
        tpu.vector_store %arg8[%swap3A_242, %swap3A_243], %broadcast_in_dim3A_1 {strides = array<i32>} : memref<80x256xf32, #tpu.memory_space<vmem>>, vector<16xf32>,
        %swap3A_245 = arith.index_cast %scan3A_235 : i32 to index
        %swap3A_246 = arith.constant 48 : index
        %swap3A_247 = tpu.vector_load %arg8[%swap3A_245, %swap3A_246] {strides = array<i32>} : memref<80x256xf32, #tpu.memory_space<vmem>>, vector<16xf32>,
        tpu.vector_store %arg8[%swap3A_245, %swap3A_246], %broadcast_in_dim3A_1 {strides = array<i32>} : memref<80x256xf32, #tpu.memory_space<vmem>>, vector<16xf32>,
        %swap3A_248 = arith.index_cast %scan3A_235 : i32 to index
        %swap3A_249 = arith.constant 64 : index
        %swap3A_250 = tpu.vector_load %arg8[%swap3A_248, %swap3A_249] {strides = array<i32>} : memref<80x256xf32, #tpu.memory_space<vmem>>, vector<16xf32>,
        tpu.vector_store %arg8[%swap3A_248, %swap3A_249], %broadcast_in_dim3A_1 {strides = array<i32>} : memref<80x256xf32, #tpu.memory_space<vmem>>, vector<16xf32>,
        %swap3A_251 = arith.index_cast %scan3A_235 : i32 to index
        %swap3A_252 = arith.constant 80 : index
        %swap3A_253 = tpu.vector_load %arg8[%swap3A_251, %swap3A_252] {strides = array<i32>} : memref<80x256xf32, #tpu.memory_space<vmem>>, vector<16xf32>,
        tpu.vector_store %arg8[%swap3A_251, %swap3A_252], %broadcast_in_dim3A_1 {strides = array<i32>} : memref<80x256xf32, #tpu.memory_space<vmem>>, vector<16xf32>,
        %swap3A_254 = arith.index_cast %scan3A_235 : i32 to index
        %swap3A_255 = arith.constant 96 : index
        %swap3A_256 = tpu.vector_load %arg8[%swap3A_254, %swap3A_255] {strides = array<i32>} : memref<80x256xf32, #tpu.memory_space<vmem>>, vector<16xf32>,
        tpu.vector_store %arg8[%swap3A_254, %swap3A_255], %broadcast_in_dim3A_1 {strides = array<i32>} : memref<80x256xf32, #tpu.memory_space<vmem>>, vector<16xf32>,
        %swap3A_257 = arith.index_cast %scan3A_235 : i32 to index
        %swap3A_258 = arith.constant 112 : index
        %swap3A_259 = tpu.vector_load %arg8[%swap3A_257, %swap3A_258] {strides = array<i32>} : memref<80x256xf32, #tpu.memory_space<vmem>>, vector<16xf32>,
        tpu.vector_store %arg8[%swap3A_257, %swap3A_258], %broadcast_in_dim3A_1 {strides = array<i32>} : memref<80x256xf32, #tpu.memory_space<vmem>>, vector<16xf32>,
        %swap3A_260 = arith.index_cast %scan3A_235 : i32 to index
        %swap3A_261 = arith.constant 128 : index
        %swap3A_262 = tpu.vector_load %arg8[%swap3A_260, %swap3A_261] {strides = array<i32>} : memref<80x256xf32, #tpu.memory_space<vmem>>, vector<16xf32>,
        tpu.vector_store %arg8[%swap3A_260, %swap3A_261], %broadcast_in_dim3A_1 {strides = array<i32>} : memref<80x256xf32, #tpu.memory_space<vmem>>, vector<16xf32>,
        %swap3A_263 = arith.index_cast %scan3A_235 : i32 to index
        %swap3A_264 = arith.constant 144 : index
        %swap3A_265 = tpu.vector_load %arg8[%swap3A_263, %swap3A_264] {strides = array<i32>} : memref<80x256xf32, #tpu.memory_space<vmem>>, vector<16xf32>,
        tpu.vector_store %arg8[%swap3A_263, %swap3A_264], %broadcast_in_dim3A_1 {strides = array<i32>} : memref<80x256xf32, #tpu.memory_space<vmem>>, vector<16xf32>,
        %swap3A_266 = arith.index_cast %scan3A_235 : i32 to index
        %swap3A_267 = arith.constant 160 : index
        %swap3A_268 = tpu.vector_load %arg8[%swap3A_266, %swap3A_267] {strides = array<i32>} : memref<80x256xf32, #tpu.memory_space<vmem>>, vector<16xf32>,
        tpu.vector_store %arg8[%swap3A_266, %swap3A_267], %broadcast_in_dim3A_1 {strides = array<i32>} : memref<80x256xf32, #tpu.memory_space<vmem>>, vector<16xf32>,
        %swap3A_269 = arith.index_cast %scan3A_235 : i32 to index
        %swap3A_270 = arith.constant 176 : index
        %swap3A_271 = tpu.vector_load %arg8[%swap3A_269, %swap3A_270] {strides = array<i32>} : memref<80x256xf32, #tpu.memory_space<vmem>>, vector<16xf32>,
        tpu.vector_store %arg8[%swap3A_269, %swap3A_270], %broadcast_in_dim3A_1 {strides = array<i32>} : memref<80x256xf32, #tpu.memory_space<vmem>>, vector<16xf32>,
        %swap3A_272 = arith.index_cast %scan3A_235 : i32 to index
        %swap3A_273 = arith.constant 192 : index
        %swap3A_274 = tpu.vector_load %arg8[%swap3A_272, %swap3A_273] {strides = array<i32>} : memref<80x256xf32, #tpu.memory_space<vmem>>, vector<16xf32>,
        tpu.vector_store %arg8[%swap3A_272, %swap3A_273], %broadcast_in_dim3A_1 {strides = array<i32>} : memref<80x256xf32, #tpu.memory_space<vmem>>, vector<16xf32>,
        %swap3A_275 = arith.index_cast %scan3A_235 : i32 to index
        %swap3A_276 = arith.constant 208 : index
        %swap3A_277 = tpu.vector_load %arg8[%swap3A_275, %swap3A_276] {strides = array<i32>} : memref<80x256xf32, #tpu.memory_space<vmem>>, vector<16xf32>,
        tpu.vector_store %arg8[%swap3A_275, %swap3A_276], %broadcast_in_dim3A_1 {strides = array<i32>} : memref<80x256xf32, #tpu.memory_space<vmem>>, vector<16xf32>,
        %swap3A_278 = arith.index_cast %scan3A_235 : i32 to index
        %swap3A_279 = arith.constant 224 : index
        %swap3A_280 = tpu.vector_load %arg8[%swap3A_278, %swap3A_279] {strides = array<i32>} : memref<80x256xf32, #tpu.memory_space<vmem>>, vector<16xf32>,
        tpu.vector_store %arg8[%swap3A_278, %swap3A_279], %broadcast_in_dim3A_1 {strides = array<i32>} : memref<80x256xf32, #tpu.memory_space<vmem>>, vector<16xf32>,
        %swap3A_281 = arith.index_cast %scan3A_235 : i32 to index
        %swap3A_282 = arith.constant 240 : index
        %swap3A_283 = tpu.vector_load %arg8[%swap3A_281, %swap3A_282] {strides = array<i32>} : memref<80x256xf32, #tpu.memory_space<vmem>>, vector<16xf32>,
        tpu.vector_store %arg8[%swap3A_281, %swap3A_282], %broadcast_in_dim3A_1 {strides = array<i32>} : memref<80x256xf32, #tpu.memory_space<vmem>>, vector<16xf32>,
        %scan3A_284 = arith.constant 0 : i32
        scf.yield %scan3A_284 : i32
      }
      %scan3A_190 = arith.constant 80 : i32
      %gt3A_191 = arith.constant 0 : i32
      %gt3A_192 = arith.cmpi sgt, %select_n3A_177, %gt3A_191 : i32
      %convert_element_type3A_193 = arith.extui %gt3A_192 : i1 to i32
      %cond3A_194 = arith.constant 0 : i32
      %cond3A_195 = arith.cmpi ne, %convert_element_type3A_193, %cond3A_194 : i32
      scf.if %cond3A_195 {
        %add3A_235 = arith.constant 0 : i32
        %add3A_236 = arith.addi %mul3A_148, %add3A_235 : i32
        %min3A = arith.constant 799872 : i32
        %min3A_237 = arith.minsi %add3A_236, %min3A : i32
        %dma_wait3A = arith.constant 0 : i32
        %dma_wait3A_238 = tpu.memref_slice %arg3[%min3A_237] : memref<800000xi32, #tpu.memory_space<hbm>> -> memref<128xi32, #tpu.memory_space<hbm>>
        %dma_wait3A_239 = tpu.memref_slice %arg22[%dma_wait3A] : memref<3x!tpu.dma_semaphore, #tpu.memory_space<semaphore_mem>> -> memref<1x!tpu.dma_semaphore, #tpu.memory_space<semaphore_mem>>
        %dma_wait3A_240 = tpu.memref_squeeze %dma_wait3A_239 : memref<1x!tpu.dma_semaphore, #tpu.memory_space<semaphore_mem>> -> memref<!tpu.dma_semaphore, #tpu.memory_space<semaphore_mem>>
        %dma_wait3A_241 = tpu.memref_slice %arg3[%min3A_237] : memref<800000xi32, #tpu.memory_space<hbm>> -> memref<128xi32, #tpu.memory_space<hbm>>
        tpu.wait_dma2 semaphore(%dma_wait3A_240 : memref<!tpu.dma_semaphore, #tpu.memory_space<semaphore_mem>>) src(%dma_wait3A_241 : memref<128xi32, #tpu.memory_space<hbm>>) dst(%arg9 : memref<128xi32, #tpu.memory_space<vmem>>)
        %dma_wait3A_242 = arith.constant 0 : i32
        %dma_wait3A_243 = tpu.memref_slice %arg4[%min3A_237] : memref<800000xi32, #tpu.memory_space<hbm>> -> memref<128xi32, #tpu.memory_space<hbm>>
        %dma_wait3A_244 = tpu.memref_slice %arg22[%dma_wait3A_242] : memref<3x!tpu.dma_semaphore, #tpu.memory_space<semaphore_mem>> -> memref<1x!tpu.dma_semaphore, #tpu.memory_space<semaphore_mem>>
        %dma_wait3A_245 = tpu.memref_squeeze %dma_wait3A_244 : memref<1x!tpu.dma_semaphore, #tpu.memory_space<semaphore_mem>> -> memref<!tpu.dma_semaphore, #tpu.memory_space<semaphore_mem>>
        %dma_wait3A_246 = tpu.memref_slice %arg4[%min3A_237] : memref<800000xi32, #tpu.memory_space<hbm>> -> memref<128xi32, #tpu.memory_space<hbm>>
        tpu.wait_dma2 semaphore(%dma_wait3A_245 : memref<!tpu.dma_semaphore, #tpu.memory_space<semaphore_mem>>) src(%dma_wait3A_246 : memref<128xi32, #tpu.memory_space<hbm>>) dst(%arg12 : memref<128xi32, #tpu.memory_space<vmem>>)
        %dma_wait3A_247 = arith.constant 0 : i32
        %dma_wait3A_248 = arith.constant 0 : i32
        %dma_wait3A_249 = tpu.memref_slice %arg5[%min3A_237, %dma_wait3A_248] : memref<800000x128xf32, #tpu.memory_space<hbm>> -> memref<128x128xf32, #tpu.memory_space<hbm>>
        %dma_wait3A_250 = tpu.memref_slice %arg22[%dma_wait3A_247] : memref<3x!tpu.dma_semaphore, #tpu.memory_space<semaphore_mem>> -> memref<1x!tpu.dma_semaphore, #tpu.memory_space<semaphore_mem>>
        %dma_wait3A_251 = tpu.memref_squeeze %dma_wait3A_250 : memref<1x!tpu.dma_semaphore, #tpu.memory_space<semaphore_mem>> -> memref<!tpu.dma_semaphore, #tpu.memory_space<semaphore_mem>>
        %dma_wait3A_252 = arith.constant 0 : i32
        %dma_wait3A_253 = tpu.memref_slice %arg5[%min3A_237, %dma_wait3A_252] : memref<800000x128xf32, #tpu.memory_space<hbm>> -> memref<128x128xf32, #tpu.memory_space<hbm>>
        tpu.wait_dma2 semaphore(%dma_wait3A_251 : memref<!tpu.dma_semaphore, #tpu.memory_space<semaphore_mem>>) src(%dma_wait3A_253 : memref<128x128xf32, #tpu.memory_space<hbm>>) dst(%arg15 : memref<128x128xf32, #tpu.memory_space<vmem>>)
        %dma_start3A = arith.constant 0 : i32
        %dma_start3A_254 = arith.constant 0 : i32
        %dma_start3A_255 = arith.constant 0 : i32
        %dma_start3A_256 = tpu.memref_slice %arg2[%dma_start3A_254, %dma_start3A_255] : memref<51200x128xf32, #tpu.memory_space<hbm>> -> memref<51200x128xf32, #tpu.memory_space<hbm>>
        %dma_start3A_257 = tpu.memref_slice %arg23[%dma_start3A] : memref<3x!tpu.dma_semaphore, #tpu.memory_space<semaphore_mem>> -> memref<1x!tpu.dma_semaphore, #tpu.memory_space<semaphore_mem>>
        %dma_start3A_258 = tpu.memref_squeeze %dma_start3A_257 : memref<1x!tpu.dma_semaphore, #tpu.memory_space<semaphore_mem>> -> memref<!tpu.dma_semaphore, #tpu.memory_space<semaphore_mem>>
        tpu.enqueue_indirect_dma source(%dma_start3A_256 : memref<51200x128xf32, #tpu.memory_space<hbm>>) target(%arg18 : memref<128x128xf32, #tpu.memory_space<vmem>>) offsets(%arg12 : memref<128xi32, #tpu.memory_space<vmem>>) semaphore(%dma_start3A_258 : memref<!tpu.dma_semaphore, #tpu.memory_space<semaphore_mem>>)
      } else {
      }
      %add3A_196 = arith.constant 2 : i32
      %add3A_197 = arith.addi %select_n3A_177, %add3A_196 : i32
      %jit3A_198 = arith.constant 3 : i32
      %div3A_199 = arith.divsi %add3A_197, %jit3A_198 : i32
      %sign3A_200 = arith.constant 0 : i32
      %sign3A_201 = arith.cmpi sgt, %add3A_197, %sign3A_200 : i32
      %sign3A_202 = arith.extui %sign3A_201 : i1 to i32
      %sign3A_203 = arith.constant 0 : i32
      %sign3A_204 = arith.cmpi slt, %add3A_197, %sign3A_203 : i32
      %sign3A_205 = arith.extui %sign3A_204 : i1 to i32
      %sign3A_206 = arith.subi %sign3A_202, %sign3A_205 : i32
      %sign3A_207 = arith.constant 0 : i32
      %sign3A_208 = arith.cmpi sgt, %jit3A_198, %sign3A_207 : i32
      %sign3A_209 = arith.extui %sign3A_208 : i1 to i32
      %sign3A_210 = arith.constant 0 : i32
      %sign3A_211 = arith.cmpi slt, %jit3A_198, %sign3A_210 : i32
      %sign3A_212 = arith.extui %sign3A_211 : i1 to i32
      %sign3A_213 = arith.subi %sign3A_209, %sign3A_212 : i32
      %ne3A_214 = arith.cmpi ne, %sign3A_206, %sign3A_213 : i32
      %rem3A_215 = arith.remsi %add3A_197, %jit3A_198 : i32
      %ne3A_216 = arith.constant 0 : i32
      %ne3A_217 = arith.cmpi ne, %rem3A_215, %ne3A_216 : i32
      %and3A_218 = arith.andi %ne3A_214, %ne3A_217 : i1
      %sub3A_219 = arith.constant 1 : i32
      %sub3A_220 = arith.subi %div3A_199, %sub3A_219 : i32
      %select_n3A_221 = arith.select %and3A_218, %sub3A_220, %div3A_199 : i32
      %while3A_222 = arith.constant 0 : i32
      %while3A_223 = arith.constant 0 : i32
      %while3A_224 = arith.subi %select_n3A_221, %while3A_222 : i32
      %while3A_225 = arith.addi %while3A_222, %while3A_224 : i32
      %while3A_226 = arith.constant 1 : i32
      %while3A_227 = arith.divsi %while3A_224, %while3A_226 : i32
      %while3A_228 = arith.muli %while3A_227, %while3A_226 : i32
      %while3A_229 = arith.addi %while3A_222, %while3A_228 : i32
      %while3A_230 = arith.constant 1 : i32
      %while3A_231 = scf.for %while3A_235 = %while3A_222 to %while3A_229 step %while3A_230 iter_args(%while3A_236 = %while3A_223) -> (i32)  : i32 {
        %mul3A_237 = arith.constant 3 : i32
        %mul3A_238 = arith.muli %mul3A_237, %while3A_235 : i32
        %add3A_239 = arith.constant 0 : i32
        %add3A_240 = arith.addi %mul3A_238, %add3A_239 : i32
        %lt3A = arith.cmpi slt, %add3A_240, %select_n3A_177 : i32
        %convert_element_type3A_241 = arith.extui %lt3A : i1 to i32
        %cond3A_242 = arith.constant 0 : i32
        %cond3A_243 = arith.cmpi ne, %convert_element_type3A_241, %cond3A_242 : i32
        scf.if %cond3A_243 {
          %add3A_261 = arith.constant 1 : i32
          %add3A_262 = arith.addi %add3A_240, %add3A_261 : i32
          %lt3A_263 = arith.cmpi slt, %add3A_262, %select_n3A_177 : i32
          %convert_element_type3A_264 = arith.extui %lt3A_263 : i1 to i32
          %cond3A_265 = arith.constant 0 : i32
          %cond3A_266 = arith.cmpi ne, %convert_element_type3A_264, %cond3A_265 : i32
          scf.if %cond3A_266 {
            %add3A_298 = arith.constant 1 : i32
            %add3A_299 = arith.addi %add3A_240, %add3A_298 : i32
            %mul3A_300 = arith.constant 128 : i32
            %mul3A_301 = arith.muli %add3A_299, %mul3A_300 : i32
            %add3A_302 = arith.addi %mul3A_148, %mul3A_301 : i32
            %min3A_303 = arith.constant 799872 : i32
            %min3A_304 = arith.minsi %add3A_302, %min3A_303 : i32
            %dma_wait3A_305 = arith.constant 1 : i32
            %dma_wait3A_306 = tpu.memref_slice %arg3[%min3A_304] : memref<800000xi32, #tpu.memory_space<hbm>> -> memref<128xi32, #tpu.memory_space<hbm>>
            %dma_wait3A_307 = tpu.memref_slice %arg22[%dma_wait3A_305] : memref<3x!tpu.dma_semaphore, #tpu.memory_space<semaphore_mem>> -> memref<1x!tpu.dma_semaphore, #tpu.memory_space<semaphore_mem>>
            %dma_wait3A_308 = tpu.memref_squeeze %dma_wait3A_307 : memref<1x!tpu.dma_semaphore, #tpu.memory_space<semaphore_mem>> -> memref<!tpu.dma_semaphore, #tpu.memory_space<semaphore_mem>>
            %dma_wait3A_309 = tpu.memref_slice %arg3[%min3A_304] : memref<800000xi32, #tpu.memory_space<hbm>> -> memref<128xi32, #tpu.memory_space<hbm>>
            tpu.wait_dma2 semaphore(%dma_wait3A_308 : memref<!tpu.dma_semaphore, #tpu.memory_space<semaphore_mem>>) src(%dma_wait3A_309 : memref<128xi32, #tpu.memory_space<hbm>>) dst(%arg10 : memref<128xi32, #tpu.memory_space<vmem>>)
            %dma_wait3A_310 = arith.constant 1 : i32
            %dma_wait3A_311 = tpu.memref_slice %arg4[%min3A_304] : memref<800000xi32, #tpu.memory_space<hbm>> -> memref<128xi32, #tpu.memory_space<hbm>>
            %dma_wait3A_312 = tpu.memref_slice %arg22[%dma_wait3A_310] : memref<3x!tpu.dma_semaphore, #tpu.memory_space<semaphore_mem>> -> memref<1x!tpu.dma_semaphore, #tpu.memory_space<semaphore_mem>>
            %dma_wait3A_313 = tpu.memref_squeeze %dma_wait3A_312 : memref<1x!tpu.dma_semaphore, #tpu.memory_space<semaphore_mem>> -> memref<!tpu.dma_semaphore, #tpu.memory_space<semaphore_mem>>
            %dma_wait3A_314 = tpu.memref_slice %arg4[%min3A_304] : memref<800000xi32, #tpu.memory_space<hbm>> -> memref<128xi32, #tpu.memory_space<hbm>>
            tpu.wait_dma2 semaphore(%dma_wait3A_313 : memref<!tpu.dma_semaphore, #tpu.memory_space<semaphore_mem>>) src(%dma_wait3A_314 : memref<128xi32, #tpu.memory_space<hbm>>) dst(%arg13 : memref<128xi32, #tpu.memory_space<vmem>>)
            %dma_wait3A_315 = arith.constant 1 : i32
            %dma_wait3A_316 = arith.constant 0 : i32
            %dma_wait3A_317 = tpu.memref_slice %arg5[%min3A_304, %dma_wait3A_316] : memref<800000x128xf32, #tpu.memory_space<hbm>> -> memref<128x128xf32, #tpu.memory_space<hbm>>
            %dma_wait3A_318 = tpu.memref_slice %arg22[%dma_wait3A_315] : memref<3x!tpu.dma_semaphore, #tpu.memory_space<semaphore_mem>> -> memref<1x!tpu.dma_semaphore, #tpu.memory_space<semaphore_mem>>
            %dma_wait3A_319 = tpu.memref_squeeze %dma_wait3A_318 : memref<1x!tpu.dma_semaphore, #tpu.memory_space<semaphore_mem>> -> memref<!tpu.dma_semaphore, #tpu.memory_space<semaphore_mem>>
            %dma_wait3A_320 = arith.constant 0 : i32
            %dma_wait3A_321 = tpu.memref_slice %arg5[%min3A_304, %dma_wait3A_320] : memref<800000x128xf32, #tpu.memory_space<hbm>> -> memref<128x128xf32, #tpu.memory_space<hbm>>
            tpu.wait_dma2 semaphore(%dma_wait3A_319 : memref<!tpu.dma_semaphore, #tpu.memory_space<semaphore_mem>>) src(%dma_wait3A_321 : memref<128x128xf32, #tpu.memory_space<hbm>>) dst(%arg16 : memref<128x128xf32, #tpu.memory_space<vmem>>)
            %dma_start3A = arith.constant 1 : i32
            %dma_start3A_322 = arith.constant 0 : i32
            %dma_start3A_323 = arith.constant 0 : i32
            %dma_start3A_324 = tpu.memref_slice %arg2[%dma_start3A_322, %dma_start3A_323] : memref<51200x128xf32, #tpu.memory_space<hbm>> -> memref<51200x128xf32, #tpu.memory_space<hbm>>
            %dma_start3A_325 = tpu.memref_slice %arg23[%dma_start3A] : memref<3x!tpu.dma_semaphore, #tpu.memory_space<semaphore_mem>> -> memref<1x!tpu.dma_semaphore, #tpu.memory_space<semaphore_mem>>
            %dma_start3A_326 = tpu.memref_squeeze %dma_start3A_325 : memref<1x!tpu.dma_semaphore, #tpu.memory_space<semaphore_mem>> -> memref<!tpu.dma_semaphore, #tpu.memory_space<semaphore_mem>>
            tpu.enqueue_indirect_dma source(%dma_start3A_324 : memref<51200x128xf32, #tpu.memory_space<hbm>>) target(%arg19 : memref<128x128xf32, #tpu.memory_space<vmem>>) offsets(%arg13 : memref<128xi32, #tpu.memory_space<vmem>>) semaphore(%dma_start3A_326 : memref<!tpu.dma_semaphore, #tpu.memory_space<semaphore_mem>>)
          } else {
          }
          %add3A_267 = arith.constant 2 : i32
          %add3A_268 = arith.addi %add3A_240, %add3A_267 : i32
          %lt3A_269 = arith.cmpi slt, %add3A_268, %select_n3A_177 : i32
          %convert_element_type3A_270 = arith.extui %lt3A_269 : i1 to i32
          %cond3A_271 = arith.constant 0 : i32
          %cond3A_272 = arith.cmpi ne, %convert_element_type3A_270, %cond3A_271 : i32
          scf.if %cond3A_272 {
            %add3A_298 = arith.constant 2 : i32
            %add3A_299 = arith.addi %add3A_240, %add3A_298 : i32
            %mul3A_300 = arith.constant 128 : i32
            %mul3A_301 = arith.muli %add3A_299, %mul3A_300 : i32
            %add3A_302 = arith.addi %mul3A_148, %mul3A_301 : i32
            %min3A_303 = arith.constant 799872 : i32
            %min3A_304 = arith.minsi %add3A_302, %min3A_303 : i32
            %dma_start3A = arith.constant 2 : i32
            %dma_start3A_305 = tpu.memref_slice %arg3[%min3A_304] : memref<800000xi32, #tpu.memory_space<hbm>> -> memref<128xi32, #tpu.memory_space<hbm>>
            %dma_start3A_306 = tpu.memref_slice %arg22[%dma_start3A] : memref<3x!tpu.dma_semaphore, #tpu.memory_space<semaphore_mem>> -> memref<1x!tpu.dma_semaphore, #tpu.memory_space<semaphore_mem>>
            %dma_start3A_307 = tpu.memref_squeeze %dma_start3A_306 : memref<1x!tpu.dma_semaphore, #tpu.memory_space<semaphore_mem>> -> memref<!tpu.dma_semaphore, #tpu.memory_space<semaphore_mem>>
            %dma_start3A_308 = tpu.memref_slice %arg3[%min3A_304] : memref<800000xi32, #tpu.memory_space<hbm>> -> memref<128xi32, #tpu.memory_space<hbm>>
            tpu.enqueue_dma source(%dma_start3A_308 : memref<128xi32, #tpu.memory_space<hbm>>) target(%arg11 : memref<128xi32, #tpu.memory_space<vmem>>) target_semaphore(%dma_start3A_307 : memref<!tpu.dma_semaphore, #tpu.memory_space<semaphore_mem>>)
            %dma_start3A_309 = arith.constant 2 : i32
            %dma_start3A_310 = tpu.memref_slice %arg4[%min3A_304] : memref<800000xi32, #tpu.memory_space<hbm>> -> memref<128xi32, #tpu.memory_space<hbm>>
            %dma_start3A_311 = tpu.memref_slice %arg22[%dma_start3A_309] : memref<3x!tpu.dma_semaphore, #tpu.memory_space<semaphore_mem>> -> memref<1x!tpu.dma_semaphore, #tpu.memory_space<semaphore_mem>>
            %dma_start3A_312 = tpu.memref_squeeze %dma_start3A_311 : memref<1x!tpu.dma_semaphore, #tpu.memory_space<semaphore_mem>> -> memref<!tpu.dma_semaphore, #tpu.memory_space<semaphore_mem>>
            %dma_start3A_313 = tpu.memref_slice %arg4[%min3A_304] : memref<800000xi32, #tpu.memory_space<hbm>> -> memref<128xi32, #tpu.memory_space<hbm>>
            tpu.enqueue_dma source(%dma_start3A_313 : memref<128xi32, #tpu.memory_space<hbm>>) target(%arg14 : memref<128xi32, #tpu.memory_space<vmem>>) target_semaphore(%dma_start3A_312 : memref<!tpu.dma_semaphore, #tpu.memory_space<semaphore_mem>>)
            %dma_start3A_314 = arith.constant 2 : i32
            %dma_start3A_315 = arith.constant 0 : i32
            %dma_start3A_316 = tpu.memref_slice %arg5[%min3A_304, %dma_start3A_315] : memref<800000x128xf32, #tpu.memory_space<hbm>> -> memref<128x128xf32, #tpu.memory_space<hbm>>
            %dma_start3A_317 = tpu.memref_slice %arg22[%dma_start3A_314] : memref<3x!tpu.dma_semaphore, #tpu.memory_space<semaphore_mem>> -> memref<1x!tpu.dma_semaphore, #tpu.memory_space<semaphore_mem>>
            %dma_start3A_318 = tpu.memref_squeeze %dma_start3A_317 : memref<1x!tpu.dma_semaphore, #tpu.memory_space<semaphore_mem>> -> memref<!tpu.dma_semaphore, #tpu.memory_space<semaphore_mem>>
            %dma_start3A_319 = arith.constant 0 : i32
            %dma_start3A_320 = tpu.memref_slice %arg5[%min3A_304, %dma_start3A_319] : memref<800000x128xf32, #tpu.memory_space<hbm>> -> memref<128x128xf32, #tpu.memory_space<hbm>>
            tpu.enqueue_dma source(%dma_start3A_320 : memref<128x128xf32, #tpu.memory_space<hbm>>) target(%arg17 : memref<128x128xf32, #tpu.memory_space<vmem>>) target_semaphore(%dma_start3A_318 : memref<!tpu.dma_semaphore, #tpu.memory_space<semaphore_mem>>)
          } else {
          }
          %dma_wait3A = arith.constant 0 : i32
          %dma_wait3A_273 = arith.constant 0 : i32
          %dma_wait3A_274 = arith.constant 0 : i32
          %dma_wait3A_275 = tpu.memref_slice %arg2[%dma_wait3A_273, %dma_wait3A_274] : memref<51200x128xf32, #tpu.memory_space<hbm>> -> memref<51200x128xf32, #tpu.memory_space<hbm>>
          %dma_wait3A_276 = tpu.memref_slice %arg23[%dma_wait3A] : memref<3x!tpu.dma_semaphore, #tpu.memory_space<semaphore_mem>> -> memref<1x!tpu.dma_semaphore, #tpu.memory_space<semaphore_mem>>
          %dma_wait3A_277 = tpu.memref_squeeze %dma_wait3A_276 : memref<1x!tpu.dma_semaphore, #tpu.memory_space<semaphore_mem>> -> memref<!tpu.dma_semaphore, #tpu.memory_space<semaphore_mem>>
          tpu.wait_indirect_dma semaphore(%dma_wait3A_277 : memref<!tpu.dma_semaphore, #tpu.memory_space<semaphore_mem>>) src(%dma_wait3A_275 : memref<51200x128xf32, #tpu.memory_space<hbm>>) dst(%arg18 : memref<128x128xf32, #tpu.memory_space<vmem>>)
          %mul3A_278 = arith.constant 128 : i32
          %mul3A_279 = arith.muli %add3A_240, %mul3A_278 : i32
          %add3A_280 = arith.addi %mul3A_148, %mul3A_279 : i32
          %mul3A_281 = arith.constant 128 : i32
          %mul3A_282 = arith.muli %add3A_240, %mul3A_281 : i32
          %add3A_283 = arith.addi %mul3A_148, %mul3A_282 : i32
          %min3A = arith.constant 799872 : i32
          %min3A_284 = arith.minsi %add3A_283, %min3A : i32
          %max3A = arith.maxsi %squeeze3A, %add3A_280 : i32
          %sub3A_285 = arith.subi %max3A, %min3A_284 : i32
          %add3A_286 = arith.constant 128 : i32
          %add3A_287 = arith.addi %add3A_280, %add3A_286 : i32
          %min3A_288 = arith.minsi %squeeze3A_122, %add3A_287 : i32
          %sub3A_289 = arith.subi %min3A_288, %min3A_284 : i32
          %while3A_290 = arith.subi %sub3A_289, %sub3A_285 : i32
          %while3A_291 = arith.addi %sub3A_285, %while3A_290 : i32
          %while3A_292 = arith.constant 1 : i32
          %while3A_293 = arith.divsi %while3A_290, %while3A_292 : i32
          %while3A_294 = arith.muli %while3A_293, %while3A_292 : i32
          %while3A_295 = arith.addi %sub3A_285, %while3A_294 : i32
          %while3A_296 = arith.constant 1 : i32
          scf.for %while3A_298 = %sub3A_285 to %while3A_295 step %while3A_296  : i32 {
            %broadcast_in_dim3A_299 = vector.broadcast %while3A_298 : i32 to vector<16xi32>
            %gather3A = tpu.vector_load_idx %arg9[%broadcast_in_dim3A_299] : memref<128xi32, #tpu.memory_space<vmem>>[vector<16xi32>], vector<16xi32>,
            %sub3A_300 = vector.broadcast %mul3A_119 : i32 to vector<16xi32>
            %sub3A_301 = arith.subi %gather3A, %sub3A_300 : vector<16xi32>
            %gather3A_302 = tpu.vector_load_idx %arg18[%broadcast_in_dim3A_299, %iota3A] : memref<128x128xf32, #tpu.memory_space<vmem>>[vector<16xi32>, vector<16xi32>], vector<16xf32>,
            %add3A_303 = arith.constant 16 : i32
            %add3A_304 = vector.broadcast %add3A_303 : i32 to vector<16xi32>
            %add3A_305 = arith.addi %iota3A, %add3A_304 : vector<16xi32>
            %gather3A_306 = tpu.vector_load_idx %arg18[%broadcast_in_dim3A_299, %add3A_305] : memref<128x128xf32, #tpu.memory_space<vmem>>[vector<16xi32>, vector<16xi32>], vector<16xf32>,
            %mul3A_307 = arith.constant 3 : i32
            %mul3A_308 = vector.broadcast %mul3A_307 : i32 to vector<16xi32>
            %mul3A_309 = arith.muli %mul3A_308, %iota3A : vector<16xi32>
            %add3A_310 = arith.constant 32 : i32
            %add3A_311 = vector.broadcast %add3A_310 : i32 to vector<16xi32>
            %add3A_312 = arith.addi %mul3A_309, %add3A_311 : vector<16xi32>
            %gather3A_313 = tpu.vector_load_idx %arg18[%broadcast_in_dim3A_299, %add3A_312] : memref<128x128xf32, #tpu.memory_space<vmem>>[vector<16xi32>, vector<16xi32>], vector<16xf32>,
            %mul3A_314 = arith.constant 3 : i32
            %mul3A_315 = vector.broadcast %mul3A_314 : i32 to vector<16xi32>
            %mul3A_316 = arith.muli %mul3A_315, %iota3A : vector<16xi32>
            %add3A_317 = arith.constant 33 : i32
            %add3A_318 = vector.broadcast %add3A_317 : i32 to vector<16xi32>
            %add3A_319 = arith.addi %mul3A_316, %add3A_318 : vector<16xi32>
            %gather3A_320 = tpu.vector_load_idx %arg18[%broadcast_in_dim3A_299, %add3A_319] : memref<128x128xf32, #tpu.memory_space<vmem>>[vector<16xi32>, vector<16xi32>], vector<16xf32>,
            %mul3A_321 = arith.constant 3 : i32
            %mul3A_322 = vector.broadcast %mul3A_321 : i32 to vector<16xi32>
            %mul3A_323 = arith.muli %mul3A_322, %iota3A : vector<16xi32>
            %add3A_324 = arith.constant 34 : i32
            %add3A_325 = vector.broadcast %add3A_324 : i32 to vector<16xi32>
            %add3A_326 = arith.addi %mul3A_323, %add3A_325 : vector<16xi32>
            %gather3A_327 = tpu.vector_load_idx %arg18[%broadcast_in_dim3A_299, %add3A_326] : memref<128x128xf32, #tpu.memory_space<vmem>>[vector<16xi32>, vector<16xi32>], vector<16xf32>,
            %broadcast_in_dim3A_328 = arith.constant 112 : i32
            %broadcast_in_dim3A_329 = vector.broadcast %broadcast_in_dim3A_328 : i32 to vector<16xi32>
            %gather3A_330 = tpu.vector_load_idx %arg15[%broadcast_in_dim3A_299, %broadcast_in_dim3A_329] : memref<128x128xf32, #tpu.memory_space<vmem>>[vector<16xi32>, vector<16xi32>], vector<16xf32>,
            %broadcast_in_dim3A_331 = arith.constant 113 : i32
            %broadcast_in_dim3A_332 = vector.broadcast %broadcast_in_dim3A_331 : i32 to vector<16xi32>
            %gather3A_333 = tpu.vector_load_idx %arg15[%broadcast_in_dim3A_299, %broadcast_in_dim3A_332] : memref<128x128xf32, #tpu.memory_space<vmem>>[vector<16xi32>, vector<16xi32>], vector<16xf32>,
            %broadcast_in_dim3A_334 = arith.constant 114 : i32
            %broadcast_in_dim3A_335 = vector.broadcast %broadcast_in_dim3A_334 : i32 to vector<16xi32>
            %gather3A_336 = tpu.vector_load_idx %arg15[%broadcast_in_dim3A_299, %broadcast_in_dim3A_335] : memref<128x128xf32, #tpu.memory_space<vmem>>[vector<16xi32>, vector<16xi32>], vector<16xf32>,
            %gather3A_337 = tpu.vector_load_idx %arg15[%broadcast_in_dim3A_299, %iota3A] : memref<128x128xf32, #tpu.memory_space<vmem>>[vector<16xi32>, vector<16xi32>], vector<16xf32>,
            %add3A_338 = arith.constant 16 : i32
            %add3A_339 = vector.broadcast %add3A_338 : i32 to vector<16xi32>
            %add3A_340 = arith.addi %iota3A, %add3A_339 : vector<16xi32>
            %gather3A_341 = tpu.vector_load_idx %arg15[%broadcast_in_dim3A_299, %add3A_340] : memref<128x128xf32, #tpu.memory_space<vmem>>[vector<16xi32>, vector<16xi32>], vector<16xf32>,
            %add3A_342 = arith.constant 32 : i32
            %add3A_343 = vector.broadcast %add3A_342 : i32 to vector<16xi32>
            %add3A_344 = arith.addi %iota3A, %add3A_343 : vector<16xi32>
            %gather3A_345 = tpu.vector_load_idx %arg15[%broadcast_in_dim3A_299, %add3A_344] : memref<128x128xf32, #tpu.memory_space<vmem>>[vector<16xi32>, vector<16xi32>], vector<16xf32>,
            %add3A_346 = arith.constant 48 : i32
            %add3A_347 = vector.broadcast %add3A_346 : i32 to vector<16xi32>
            %add3A_348 = arith.addi %iota3A, %add3A_347 : vector<16xi32>
            %gather3A_349 = tpu.vector_load_idx %arg15[%broadcast_in_dim3A_299, %add3A_348] : memref<128x128xf32, #tpu.memory_space<vmem>>[vector<16xi32>, vector<16xi32>], vector<16xf32>,
            %add3A_350 = arith.constant 64 : i32
            %add3A_351 = vector.broadcast %add3A_350 : i32 to vector<16xi32>
            %add3A_352 = arith.addi %iota3A, %add3A_351 : vector<16xi32>
            %gather3A_353 = tpu.vector_load_idx %arg15[%broadcast_in_dim3A_299, %add3A_352] : memref<128x128xf32, #tpu.memory_space<vmem>>[vector<16xi32>, vector<16xi32>], vector<16xf32>,
            %add3A_354 = arith.constant 80 : i32
            %add3A_355 = vector.broadcast %add3A_354 : i32 to vector<16xi32>
            %add3A_356 = arith.addi %iota3A, %add3A_355 : vector<16xi32>
            %gather3A_357 = tpu.vector_load_idx %arg15[%broadcast_in_dim3A_299, %add3A_356] : memref<128x128xf32, #tpu.memory_space<vmem>>[vector<16xi32>, vector<16xi32>], vector<16xf32>,
            %add3A_358 = arith.constant 96 : i32
            %add3A_359 = vector.broadcast %add3A_358 : i32 to vector<16xi32>
            %add3A_360 = arith.addi %iota3A, %add3A_359 : vector<16xi32>
            %gather3A_361 = tpu.vector_load_idx %arg15[%broadcast_in_dim3A_299, %add3A_360] : memref<128x128xf32, #tpu.memory_space<vmem>>[vector<16xi32>, vector<16xi32>], vector<16xf32>,
            %mul3A_362 = arith.mulf %gather3A_337, %gather3A_302 : vector<16xf32>
            tpu.vector_store_idx %arg8[%sub3A_301, %iota3A], %mul3A_362 {add = true} : memref<80x256xf32, #tpu.memory_space<vmem>>[vector<16xi32>, vector<16xi32>], vector<16xf32>,
            %mul3A_363 = arith.mulf %gather3A_341, %gather3A_306 : vector<16xf32>
            tpu.vector_store_idx %arg8[%sub3A_301, %add3A_4], %mul3A_363 {add = true} : memref<80x256xf32, #tpu.memory_space<vmem>>[vector<16xi32>, vector<16xi32>], vector<16xf32>,
            %mul3A_364 = arith.mulf %gather3A_313, %gather3A_330 : vector<16xf32>
            %mul3A_365 = arith.mulf %gather3A_320, %gather3A_333 : vector<16xf32>
            %add3A_366 = arith.addf %mul3A_364, %mul3A_365 : vector<16xf32>
            %mul3A_367 = arith.mulf %gather3A_327, %gather3A_336 : vector<16xf32>
            %add3A_368 = arith.addf %add3A_366, %mul3A_367 : vector<16xf32>
            %mul3A_369 = arith.mulf %gather3A_345, %add3A_368 : vector<16xf32>
            tpu.vector_store_idx %arg8[%sub3A_301, %add3A_7], %mul3A_369 {add = true} : memref<80x256xf32, #tpu.memory_space<vmem>>[vector<16xi32>, vector<16xi32>], vector<16xf32>,
            %mul3A_370 = arith.mulf %gather3A_349, %gather3A_302 : vector<16xf32>
            %mul3A_371 = arith.mulf %gather3A_353, %gather3A_306 : vector<16xf32>
            %mul3A_372 = arith.mulf %mul3A_370, %gather3A_330 : vector<16xf32>
            tpu.vector_store_idx %arg8[%sub3A_301, %add3A_13], %mul3A_372 {add = true} : memref<80x256xf32, #tpu.memory_space<vmem>>[vector<16xi32>, vector<16xi32>], vector<16xf32>,
            %mul3A_373 = arith.mulf %mul3A_371, %gather3A_330 : vector<16xf32>
            tpu.vector_store_idx %arg8[%sub3A_301, %add3A_31], %mul3A_373 {add = true} : memref<80x256xf32, #tpu.memory_space<vmem>>[vector<16xi32>, vector<16xi32>], vector<16xf32>,
            %mul3A_374 = arith.mulf %mul3A_370, %gather3A_333 : vector<16xf32>
            tpu.vector_store_idx %arg8[%sub3A_301, %add3A_19], %mul3A_374 {add = true} : memref<80x256xf32, #tpu.memory_space<vmem>>[vector<16xi32>, vector<16xi32>], vector<16xf32>,
            %mul3A_375 = arith.mulf %mul3A_371, %gather3A_333 : vector<16xf32>
            tpu.vector_store_idx %arg8[%sub3A_301, %add3A_37], %mul3A_375 {add = true} : memref<80x256xf32, #tpu.memory_space<vmem>>[vector<16xi32>, vector<16xi32>], vector<16xf32>,
            %mul3A_376 = arith.mulf %mul3A_370, %gather3A_336 : vector<16xf32>
            tpu.vector_store_idx %arg8[%sub3A_301, %add3A_25], %mul3A_376 {add = true} : memref<80x256xf32, #tpu.memory_space<vmem>>[vector<16xi32>, vector<16xi32>], vector<16xf32>,
            %mul3A_377 = arith.mulf %mul3A_371, %gather3A_336 : vector<16xf32>
            tpu.vector_store_idx %arg8[%sub3A_301, %add3A_43], %mul3A_377 {add = true} : memref<80x256xf32, #tpu.memory_space<vmem>>[vector<16xi32>, vector<16xi32>], vector<16xf32>,
            %mul3A_378 = arith.mulf %gather3A_357, %gather3A_313 : vector<16xf32>
            tpu.vector_store_idx %arg8[%sub3A_301, %add3A_49], %mul3A_378 {add = true} : memref<80x256xf32, #tpu.memory_space<vmem>>[vector<16xi32>, vector<16xi32>], vector<16xf32>,
            %mul3A_379 = arith.mulf %gather3A_357, %gather3A_320 : vector<16xf32>
            tpu.vector_store_idx %arg8[%sub3A_301, %add3A_55], %mul3A_379 {add = true} : memref<80x256xf32, #tpu.memory_space<vmem>>[vector<16xi32>, vector<16xi32>], vector<16xf32>,
            %mul3A_380 = arith.mulf %gather3A_357, %gather3A_327 : vector<16xf32>
            tpu.vector_store_idx %arg8[%sub3A_301, %add3A_61], %mul3A_380 {add = true} : memref<80x256xf32, #tpu.memory_space<vmem>>[vector<16xi32>, vector<16xi32>], vector<16xf32>,
            %mul3A_381 = arith.mulf %gather3A_320, %gather3A_336 : vector<16xf32>
            %mul3A_382 = arith.mulf %gather3A_327, %gather3A_333 : vector<16xf32>
            %sub3A_383 = arith.subf %mul3A_381, %mul3A_382 : vector<16xf32>
            %mul3A_384 = arith.mulf %gather3A_327, %gather3A_330 : vector<16xf32>
            %mul3A_385 = arith.mulf %gather3A_313, %gather3A_336 : vector<16xf32>
            %sub3A_386 = arith.subf %mul3A_384, %mul3A_385 : vector<16xf32>
            %mul3A_387 = arith.mulf %gather3A_313, %gather3A_333 : vector<16xf32>
            %mul3A_388 = arith.mulf %gather3A_320, %gather3A_330 : vector<16xf32>
            %sub3A_389 = arith.subf %mul3A_387, %mul3A_388 : vector<16xf32>
            %mul3A_390 = arith.mulf %gather3A_361, %sub3A_383 : vector<16xf32>
            tpu.vector_store_idx %arg8[%sub3A_301, %add3A_67], %mul3A_390 {add = true} : memref<80x256xf32, #tpu.memory_space<vmem>>[vector<16xi32>, vector<16xi32>], vector<16xf32>,
            %mul3A_391 = arith.mulf %gather3A_361, %sub3A_386 : vector<16xf32>
            tpu.vector_store_idx %arg8[%sub3A_301, %add3A_73], %mul3A_391 {add = true} : memref<80x256xf32, #tpu.memory_space<vmem>>[vector<16xi32>, vector<16xi32>], vector<16xf32>,
            %mul3A_392 = arith.mulf %gather3A_361, %sub3A_389 : vector<16xf32>
            tpu.vector_store_idx %arg8[%sub3A_301, %add3A_79], %mul3A_392 {add = true} : memref<80x256xf32, #tpu.memory_space<vmem>>[vector<16xi32>, vector<16xi32>], vector<16xf32>,
          }
          %while3A_297 = arith.constant 1 : i32
          scf.for %while3A_298 = %while3A_295 to %while3A_291 step %while3A_297  : i32 {
            %broadcast_in_dim3A_299 = vector.broadcast %while3A_298 : i32 to vector<16xi32>
            %gather3A = tpu.vector_load_idx %arg9[%broadcast_in_dim3A_299] : memref<128xi32, #tpu.memory_space<vmem>>[vector<16xi32>], vector<16xi32>,
            %sub3A_300 = vector.broadcast %mul3A_119 : i32 to vector<16xi32>
            %sub3A_301 = arith.subi %gather3A, %sub3A_300 : vector<16xi32>
            %gather3A_302 = tpu.vector_load_idx %arg18[%broadcast_in_dim3A_299, %iota3A] : memref<128x128xf32, #tpu.memory_space<vmem>>[vector<16xi32>, vector<16xi32>], vector<16xf32>,
            %add3A_303 = arith.constant 16 : i32
            %add3A_304 = vector.broadcast %add3A_303 : i32 to vector<16xi32>
            %add3A_305 = arith.addi %iota3A, %add3A_304 : vector<16xi32>
            %gather3A_306 = tpu.vector_load_idx %arg18[%broadcast_in_dim3A_299, %add3A_305] : memref<128x128xf32, #tpu.memory_space<vmem>>[vector<16xi32>, vector<16xi32>], vector<16xf32>,
            %mul3A_307 = arith.constant 3 : i32
            %mul3A_308 = vector.broadcast %mul3A_307 : i32 to vector<16xi32>
            %mul3A_309 = arith.muli %mul3A_308, %iota3A : vector<16xi32>
            %add3A_310 = arith.constant 32 : i32
            %add3A_311 = vector.broadcast %add3A_310 : i32 to vector<16xi32>
            %add3A_312 = arith.addi %mul3A_309, %add3A_311 : vector<16xi32>
            %gather3A_313 = tpu.vector_load_idx %arg18[%broadcast_in_dim3A_299, %add3A_312] : memref<128x128xf32, #tpu.memory_space<vmem>>[vector<16xi32>, vector<16xi32>], vector<16xf32>,
            %mul3A_314 = arith.constant 3 : i32
            %mul3A_315 = vector.broadcast %mul3A_314 : i32 to vector<16xi32>
            %mul3A_316 = arith.muli %mul3A_315, %iota3A : vector<16xi32>
            %add3A_317 = arith.constant 33 : i32
            %add3A_318 = vector.broadcast %add3A_317 : i32 to vector<16xi32>
            %add3A_319 = arith.addi %mul3A_316, %add3A_318 : vector<16xi32>
            %gather3A_320 = tpu.vector_load_idx %arg18[%broadcast_in_dim3A_299, %add3A_319] : memref<128x128xf32, #tpu.memory_space<vmem>>[vector<16xi32>, vector<16xi32>], vector<16xf32>,
            %mul3A_321 = arith.constant 3 : i32
            %mul3A_322 = vector.broadcast %mul3A_321 : i32 to vector<16xi32>
            %mul3A_323 = arith.muli %mul3A_322, %iota3A : vector<16xi32>
            %add3A_324 = arith.constant 34 : i32
            %add3A_325 = vector.broadcast %add3A_324 : i32 to vector<16xi32>
            %add3A_326 = arith.addi %mul3A_323, %add3A_325 : vector<16xi32>
            %gather3A_327 = tpu.vector_load_idx %arg18[%broadcast_in_dim3A_299, %add3A_326] : memref<128x128xf32, #tpu.memory_space<vmem>>[vector<16xi32>, vector<16xi32>], vector<16xf32>,
            %broadcast_in_dim3A_328 = arith.constant 112 : i32
            %broadcast_in_dim3A_329 = vector.broadcast %broadcast_in_dim3A_328 : i32 to vector<16xi32>
            %gather3A_330 = tpu.vector_load_idx %arg15[%broadcast_in_dim3A_299, %broadcast_in_dim3A_329] : memref<128x128xf32, #tpu.memory_space<vmem>>[vector<16xi32>, vector<16xi32>], vector<16xf32>,
            %broadcast_in_dim3A_331 = arith.constant 113 : i32
            %broadcast_in_dim3A_332 = vector.broadcast %broadcast_in_dim3A_331 : i32 to vector<16xi32>
            %gather3A_333 = tpu.vector_load_idx %arg15[%broadcast_in_dim3A_299, %broadcast_in_dim3A_332] : memref<128x128xf32, #tpu.memory_space<vmem>>[vector<16xi32>, vector<16xi32>], vector<16xf32>,
            %broadcast_in_dim3A_334 = arith.constant 114 : i32
            %broadcast_in_dim3A_335 = vector.broadcast %broadcast_in_dim3A_334 : i32 to vector<16xi32>
            %gather3A_336 = tpu.vector_load_idx %arg15[%broadcast_in_dim3A_299, %broadcast_in_dim3A_335] : memref<128x128xf32, #tpu.memory_space<vmem>>[vector<16xi32>, vector<16xi32>], vector<16xf32>,
            %gather3A_337 = tpu.vector_load_idx %arg15[%broadcast_in_dim3A_299, %iota3A] : memref<128x128xf32, #tpu.memory_space<vmem>>[vector<16xi32>, vector<16xi32>], vector<16xf32>,
            %add3A_338 = arith.constant 16 : i32
            %add3A_339 = vector.broadcast %add3A_338 : i32 to vector<16xi32>
            %add3A_340 = arith.addi %iota3A, %add3A_339 : vector<16xi32>
            %gather3A_341 = tpu.vector_load_idx %arg15[%broadcast_in_dim3A_299, %add3A_340] : memref<128x128xf32, #tpu.memory_space<vmem>>[vector<16xi32>, vector<16xi32>], vector<16xf32>,
            %add3A_342 = arith.constant 32 : i32
            %add3A_343 = vector.broadcast %add3A_342 : i32 to vector<16xi32>
            %add3A_344 = arith.addi %iota3A, %add3A_343 : vector<16xi32>
            %gather3A_345 = tpu.vector_load_idx %arg15[%broadcast_in_dim3A_299, %add3A_344] : memref<128x128xf32, #tpu.memory_space<vmem>>[vector<16xi32>, vector<16xi32>], vector<16xf32>,
            %add3A_346 = arith.constant 48 : i32
            %add3A_347 = vector.broadcast %add3A_346 : i32 to vector<16xi32>
            %add3A_348 = arith.addi %iota3A, %add3A_347 : vector<16xi32>
            %gather3A_349 = tpu.vector_load_idx %arg15[%broadcast_in_dim3A_299, %add3A_348] : memref<128x128xf32, #tpu.memory_space<vmem>>[vector<16xi32>, vector<16xi32>], vector<16xf32>,
            %add3A_350 = arith.constant 64 : i32
            %add3A_351 = vector.broadcast %add3A_350 : i32 to vector<16xi32>
            %add3A_352 = arith.addi %iota3A, %add3A_351 : vector<16xi32>
            %gather3A_353 = tpu.vector_load_idx %arg15[%broadcast_in_dim3A_299, %add3A_352] : memref<128x128xf32, #tpu.memory_space<vmem>>[vector<16xi32>, vector<16xi32>], vector<16xf32>,
            %add3A_354 = arith.constant 80 : i32
            %add3A_355 = vector.broadcast %add3A_354 : i32 to vector<16xi32>
            %add3A_356 = arith.addi %iota3A, %add3A_355 : vector<16xi32>
            %gather3A_357 = tpu.vector_load_idx %arg15[%broadcast_in_dim3A_299, %add3A_356] : memref<128x128xf32, #tpu.memory_space<vmem>>[vector<16xi32>, vector<16xi32>], vector<16xf32>,
            %add3A_358 = arith.constant 96 : i32
            %add3A_359 = vector.broadcast %add3A_358 : i32 to vector<16xi32>
            %add3A_360 = arith.addi %iota3A, %add3A_359 : vector<16xi32>
            %gather3A_361 = tpu.vector_load_idx %arg15[%broadcast_in_dim3A_299, %add3A_360] : memref<128x128xf32, #tpu.memory_space<vmem>>[vector<16xi32>, vector<16xi32>], vector<16xf32>,
            %mul3A_362 = arith.mulf %gather3A_337, %gather3A_302 : vector<16xf32>
            tpu.vector_store_idx %arg8[%sub3A_301, %iota3A], %mul3A_362 {add = true} : memref<80x256xf32, #tpu.memory_space<vmem>>[vector<16xi32>, vector<16xi32>], vector<16xf32>,
            %mul3A_363 = arith.mulf %gather3A_341, %gather3A_306 : vector<16xf32>
            tpu.vector_store_idx %arg8[%sub3A_301, %add3A_4], %mul3A_363 {add = true} : memref<80x256xf32, #tpu.memory_space<vmem>>[vector<16xi32>, vector<16xi32>], vector<16xf32>,
            %mul3A_364 = arith.mulf %gather3A_313, %gather3A_330 : vector<16xf32>
            %mul3A_365 = arith.mulf %gather3A_320, %gather3A_333 : vector<16xf32>
            %add3A_366 = arith.addf %mul3A_364, %mul3A_365 : vector<16xf32>
            %mul3A_367 = arith.mulf %gather3A_327, %gather3A_336 : vector<16xf32>
            %add3A_368 = arith.addf %add3A_366, %mul3A_367 : vector<16xf32>
            %mul3A_369 = arith.mulf %gather3A_345, %add3A_368 : vector<16xf32>
            tpu.vector_store_idx %arg8[%sub3A_301, %add3A_7], %mul3A_369 {add = true} : memref<80x256xf32, #tpu.memory_space<vmem>>[vector<16xi32>, vector<16xi32>], vector<16xf32>,
            %mul3A_370 = arith.mulf %gather3A_349, %gather3A_302 : vector<16xf32>
            %mul3A_371 = arith.mulf %gather3A_353, %gather3A_306 : vector<16xf32>
            %mul3A_372 = arith.mulf %mul3A_370, %gather3A_330 : vector<16xf32>
            tpu.vector_store_idx %arg8[%sub3A_301, %add3A_13], %mul3A_372 {add = true} : memref<80x256xf32, #tpu.memory_space<vmem>>[vector<16xi32>, vector<16xi32>], vector<16xf32>,
            %mul3A_373 = arith.mulf %mul3A_371, %gather3A_330 : vector<16xf32>
            tpu.vector_store_idx %arg8[%sub3A_301, %add3A_31], %mul3A_373 {add = true} : memref<80x256xf32, #tpu.memory_space<vmem>>[vector<16xi32>, vector<16xi32>], vector<16xf32>,
            %mul3A_374 = arith.mulf %mul3A_370, %gather3A_333 : vector<16xf32>
            tpu.vector_store_idx %arg8[%sub3A_301, %add3A_19], %mul3A_374 {add = true} : memref<80x256xf32, #tpu.memory_space<vmem>>[vector<16xi32>, vector<16xi32>], vector<16xf32>,
            %mul3A_375 = arith.mulf %mul3A_371, %gather3A_333 : vector<16xf32>
            tpu.vector_store_idx %arg8[%sub3A_301, %add3A_37], %mul3A_375 {add = true} : memref<80x256xf32, #tpu.memory_space<vmem>>[vector<16xi32>, vector<16xi32>], vector<16xf32>,
            %mul3A_376 = arith.mulf %mul3A_370, %gather3A_336 : vector<16xf32>
            tpu.vector_store_idx %arg8[%sub3A_301, %add3A_25], %mul3A_376 {add = true} : memref<80x256xf32, #tpu.memory_space<vmem>>[vector<16xi32>, vector<16xi32>], vector<16xf32>,
            %mul3A_377 = arith.mulf %mul3A_371, %gather3A_336 : vector<16xf32>
            tpu.vector_store_idx %arg8[%sub3A_301, %add3A_43], %mul3A_377 {add = true} : memref<80x256xf32, #tpu.memory_space<vmem>>[vector<16xi32>, vector<16xi32>], vector<16xf32>,
            %mul3A_378 = arith.mulf %gather3A_357, %gather3A_313 : vector<16xf32>
            tpu.vector_store_idx %arg8[%sub3A_301, %add3A_49], %mul3A_378 {add = true} : memref<80x256xf32, #tpu.memory_space<vmem>>[vector<16xi32>, vector<16xi32>], vector<16xf32>,
            %mul3A_379 = arith.mulf %gather3A_357, %gather3A_320 : vector<16xf32>
            tpu.vector_store_idx %arg8[%sub3A_301, %add3A_55], %mul3A_379 {add = true} : memref<80x256xf32, #tpu.memory_space<vmem>>[vector<16xi32>, vector<16xi32>], vector<16xf32>,
            %mul3A_380 = arith.mulf %gather3A_357, %gather3A_327 : vector<16xf32>
            tpu.vector_store_idx %arg8[%sub3A_301, %add3A_61], %mul3A_380 {add = true} : memref<80x256xf32, #tpu.memory_space<vmem>>[vector<16xi32>, vector<16xi32>], vector<16xf32>,
            %mul3A_381 = arith.mulf %gather3A_320, %gather3A_336 : vector<16xf32>
            %mul3A_382 = arith.mulf %gather3A_327, %gather3A_333 : vector<16xf32>
            %sub3A_383 = arith.subf %mul3A_381, %mul3A_382 : vector<16xf32>
            %mul3A_384 = arith.mulf %gather3A_327, %gather3A_330 : vector<16xf32>
            %mul3A_385 = arith.mulf %gather3A_313, %gather3A_336 : vector<16xf32>
            %sub3A_386 = arith.subf %mul3A_384, %mul3A_385 : vector<16xf32>
            %mul3A_387 = arith.mulf %gather3A_313, %gather3A_333 : vector<16xf32>
            %mul3A_388 = arith.mulf %gather3A_320, %gather3A_330 : vector<16xf32>
            %sub3A_389 = arith.subf %mul3A_387, %mul3A_388 : vector<16xf32>
            %mul3A_390 = arith.mulf %gather3A_361, %sub3A_383 : vector<16xf32>
            tpu.vector_store_idx %arg8[%sub3A_301, %add3A_67], %mul3A_390 {add = true} : memref<80x256xf32, #tpu.memory_space<vmem>>[vector<16xi32>, vector<16xi32>], vector<16xf32>,
            %mul3A_391 = arith.mulf %gather3A_361, %sub3A_386 : vector<16xf32>
            tpu.vector_store_idx %arg8[%sub3A_301, %add3A_73], %mul3A_391 {add = true} : memref<80x256xf32, #tpu.memory_space<vmem>>[vector<16xi32>, vector<16xi32>], vector<16xf32>,
            %mul3A_392 = arith.mulf %gather3A_361, %sub3A_389 : vector<16xf32>
            tpu.vector_store_idx %arg8[%sub3A_301, %add3A_79], %mul3A_392 {add = true} : memref<80x256xf32, #tpu.memory_space<vmem>>[vector<16xi32>, vector<16xi32>], vector<16xf32>,
          }
        } else {
        }
        %mul3A_244 = arith.constant 3 : i32
        %mul3A_245 = arith.muli %mul3A_244, %while3A_235 : i32
        %add3A_246 = arith.constant 1 : i32
        %add3A_247 = arith.addi %mul3A_245, %add3A_246 : i32
        %lt3A_248 = arith.cmpi slt, %add3A_247, %select_n3A_177 : i32
        %convert_element_type3A_249 = arith.extui %lt3A_248 : i1 to i32
        %cond3A_250 = arith.constant 0 : i32
        %cond3A_251 = arith.cmpi ne, %convert_element_type3A_249, %cond3A_250 : i32
        scf.if %cond3A_251 {
          %add3A_261 = arith.constant 1 : i32
          %add3A_262 = arith.addi %add3A_247, %add3A_261 : i32
          %lt3A_263 = arith.cmpi slt, %add3A_262, %select_n3A_177 : i32
          %convert_element_type3A_264 = arith.extui %lt3A_263 : i1 to i32
          %cond3A_265 = arith.constant 0 : i32
          %cond3A_266 = arith.cmpi ne, %convert_element_type3A_264, %cond3A_265 : i32
          scf.if %cond3A_266 {
            %add3A_298 = arith.constant 1 : i32
            %add3A_299 = arith.addi %add3A_247, %add3A_298 : i32
            %mul3A_300 = arith.constant 128 : i32
            %mul3A_301 = arith.muli %add3A_299, %mul3A_300 : i32
            %add3A_302 = arith.addi %mul3A_148, %mul3A_301 : i32
            %min3A_303 = arith.constant 799872 : i32
            %min3A_304 = arith.minsi %add3A_302, %min3A_303 : i32
            %dma_wait3A_305 = arith.constant 2 : i32
            %dma_wait3A_306 = tpu.memref_slice %arg3[%min3A_304] : memref<800000xi32, #tpu.memory_space<hbm>> -> memref<128xi32, #tpu.memory_space<hbm>>
            %dma_wait3A_307 = tpu.memref_slice %arg22[%dma_wait3A_305] : memref<3x!tpu.dma_semaphore, #tpu.memory_space<semaphore_mem>> -> memref<1x!tpu.dma_semaphore, #tpu.memory_space<semaphore_mem>>
            %dma_wait3A_308 = tpu.memref_squeeze %dma_wait3A_307 : memref<1x!tpu.dma_semaphore, #tpu.memory_space<semaphore_mem>> -> memref<!tpu.dma_semaphore, #tpu.memory_space<semaphore_mem>>
            %dma_wait3A_309 = tpu.memref_slice %arg3[%min3A_304] : memref<800000xi32, #tpu.memory_space<hbm>> -> memref<128xi32, #tpu.memory_space<hbm>>
            tpu.wait_dma2 semaphore(%dma_wait3A_308 : memref<!tpu.dma_semaphore, #tpu.memory_space<semaphore_mem>>) src(%dma_wait3A_309 : memref<128xi32, #tpu.memory_space<hbm>>) dst(%arg11 : memref<128xi32, #tpu.memory_space<vmem>>)
            %dma_wait3A_310 = arith.constant 2 : i32
            %dma_wait3A_311 = tpu.memref_slice %arg4[%min3A_304] : memref<800000xi32, #tpu.memory_space<hbm>> -> memref<128xi32, #tpu.memory_space<hbm>>
            %dma_wait3A_312 = tpu.memref_slice %arg22[%dma_wait3A_310] : memref<3x!tpu.dma_semaphore, #tpu.memory_space<semaphore_mem>> -> memref<1x!tpu.dma_semaphore, #tpu.memory_space<semaphore_mem>>
            %dma_wait3A_313 = tpu.memref_squeeze %dma_wait3A_312 : memref<1x!tpu.dma_semaphore, #tpu.memory_space<semaphore_mem>> -> memref<!tpu.dma_semaphore, #tpu.memory_space<semaphore_mem>>
            %dma_wait3A_314 = tpu.memref_slice %arg4[%min3A_304] : memref<800000xi32, #tpu.memory_space<hbm>> -> memref<128xi32, #tpu.memory_space<hbm>>
            tpu.wait_dma2 semaphore(%dma_wait3A_313 : memref<!tpu.dma_semaphore, #tpu.memory_space<semaphore_mem>>) src(%dma_wait3A_314 : memref<128xi32, #tpu.memory_space<hbm>>) dst(%arg14 : memref<128xi32, #tpu.memory_space<vmem>>)
            %dma_wait3A_315 = arith.constant 2 : i32
            %dma_wait3A_316 = arith.constant 0 : i32
            %dma_wait3A_317 = tpu.memref_slice %arg5[%min3A_304, %dma_wait3A_316] : memref<800000x128xf32, #tpu.memory_space<hbm>> -> memref<128x128xf32, #tpu.memory_space<hbm>>
            %dma_wait3A_318 = tpu.memref_slice %arg22[%dma_wait3A_315] : memref<3x!tpu.dma_semaphore, #tpu.memory_space<semaphore_mem>> -> memref<1x!tpu.dma_semaphore, #tpu.memory_space<semaphore_mem>>
            %dma_wait3A_319 = tpu.memref_squeeze %dma_wait3A_318 : memref<1x!tpu.dma_semaphore, #tpu.memory_space<semaphore_mem>> -> memref<!tpu.dma_semaphore, #tpu.memory_space<semaphore_mem>>
            %dma_wait3A_320 = arith.constant 0 : i32
            %dma_wait3A_321 = tpu.memref_slice %arg5[%min3A_304, %dma_wait3A_320] : memref<800000x128xf32, #tpu.memory_space<hbm>> -> memref<128x128xf32, #tpu.memory_space<hbm>>
            tpu.wait_dma2 semaphore(%dma_wait3A_319 : memref<!tpu.dma_semaphore, #tpu.memory_space<semaphore_mem>>) src(%dma_wait3A_321 : memref<128x128xf32, #tpu.memory_space<hbm>>) dst(%arg17 : memref<128x128xf32, #tpu.memory_space<vmem>>)
            %dma_start3A = arith.constant 2 : i32
            %dma_start3A_322 = arith.constant 0 : i32
            %dma_start3A_323 = arith.constant 0 : i32
            %dma_start3A_324 = tpu.memref_slice %arg2[%dma_start3A_322, %dma_start3A_323] : memref<51200x128xf32, #tpu.memory_space<hbm>> -> memref<51200x128xf32, #tpu.memory_space<hbm>>
            %dma_start3A_325 = tpu.memref_slice %arg23[%dma_start3A] : memref<3x!tpu.dma_semaphore, #tpu.memory_space<semaphore_mem>> -> memref<1x!tpu.dma_semaphore, #tpu.memory_space<semaphore_mem>>
            %dma_start3A_326 = tpu.memref_squeeze %dma_start3A_325 : memref<1x!tpu.dma_semaphore, #tpu.memory_space<semaphore_mem>> -> memref<!tpu.dma_semaphore, #tpu.memory_space<semaphore_mem>>
            tpu.enqueue_indirect_dma source(%dma_start3A_324 : memref<51200x128xf32, #tpu.memory_space<hbm>>) target(%arg20 : memref<128x128xf32, #tpu.memory_space<vmem>>) offsets(%arg14 : memref<128xi32, #tpu.memory_space<vmem>>) semaphore(%dma_start3A_326 : memref<!tpu.dma_semaphore, #tpu.memory_space<semaphore_mem>>)
          } else {
          }
          %add3A_267 = arith.constant 2 : i32
          %add3A_268 = arith.addi %add3A_247, %add3A_267 : i32
          %lt3A_269 = arith.cmpi slt, %add3A_268, %select_n3A_177 : i32
          %convert_element_type3A_270 = arith.extui %lt3A_269 : i1 to i32
          %cond3A_271 = arith.constant 0 : i32
          %cond3A_272 = arith.cmpi ne, %convert_element_type3A_270, %cond3A_271 : i32
          scf.if %cond3A_272 {
            %add3A_298 = arith.constant 2 : i32
            %add3A_299 = arith.addi %add3A_247, %add3A_298 : i32
            %mul3A_300 = arith.constant 128 : i32
            %mul3A_301 = arith.muli %add3A_299, %mul3A_300 : i32
            %add3A_302 = arith.addi %mul3A_148, %mul3A_301 : i32
            %min3A_303 = arith.constant 799872 : i32
            %min3A_304 = arith.minsi %add3A_302, %min3A_303 : i32
            %dma_start3A = arith.constant 0 : i32
            %dma_start3A_305 = tpu.memref_slice %arg3[%min3A_304] : memref<800000xi32, #tpu.memory_space<hbm>> -> memref<128xi32, #tpu.memory_space<hbm>>
            %dma_start3A_306 = tpu.memref_slice %arg22[%dma_start3A] : memref<3x!tpu.dma_semaphore, #tpu.memory_space<semaphore_mem>> -> memref<1x!tpu.dma_semaphore, #tpu.memory_space<semaphore_mem>>
            %dma_start3A_307 = tpu.memref_squeeze %dma_start3A_306 : memref<1x!tpu.dma_semaphore, #tpu.memory_space<semaphore_mem>> -> memref<!tpu.dma_semaphore, #tpu.memory_space<semaphore_mem>>
            %dma_start3A_308 = tpu.memref_slice %arg3[%min3A_304] : memref<800000xi32, #tpu.memory_space<hbm>> -> memref<128xi32, #tpu.memory_space<hbm>>
            tpu.enqueue_dma source(%dma_start3A_308 : memref<128xi32, #tpu.memory_space<hbm>>) target(%arg9 : memref<128xi32, #tpu.memory_space<vmem>>) target_semaphore(%dma_start3A_307 : memref<!tpu.dma_semaphore, #tpu.memory_space<semaphore_mem>>)
            %dma_start3A_309 = arith.constant 0 : i32
            %dma_start3A_310 = tpu.memref_slice %arg4[%min3A_304] : memref<800000xi32, #tpu.memory_space<hbm>> -> memref<128xi32, #tpu.memory_space<hbm>>
            %dma_start3A_311 = tpu.memref_slice %arg22[%dma_start3A_309] : memref<3x!tpu.dma_semaphore, #tpu.memory_space<semaphore_mem>> -> memref<1x!tpu.dma_semaphore, #tpu.memory_space<semaphore_mem>>
            %dma_start3A_312 = tpu.memref_squeeze %dma_start3A_311 : memref<1x!tpu.dma_semaphore, #tpu.memory_space<semaphore_mem>> -> memref<!tpu.dma_semaphore, #tpu.memory_space<semaphore_mem>>
            %dma_start3A_313 = tpu.memref_slice %arg4[%min3A_304] : memref<800000xi32, #tpu.memory_space<hbm>> -> memref<128xi32, #tpu.memory_space<hbm>>
            tpu.enqueue_dma source(%dma_start3A_313 : memref<128xi32, #tpu.memory_space<hbm>>) target(%arg12 : memref<128xi32, #tpu.memory_space<vmem>>) target_semaphore(%dma_start3A_312 : memref<!tpu.dma_semaphore, #tpu.memory_space<semaphore_mem>>)
            %dma_start3A_314 = arith.constant 0 : i32
            %dma_start3A_315 = arith.constant 0 : i32
            %dma_start3A_316 = tpu.memref_slice %arg5[%min3A_304, %dma_start3A_315] : memref<800000x128xf32, #tpu.memory_space<hbm>> -> memref<128x128xf32, #tpu.memory_space<hbm>>
            %dma_start3A_317 = tpu.memref_slice %arg22[%dma_start3A_314] : memref<3x!tpu.dma_semaphore, #tpu.memory_space<semaphore_mem>> -> memref<1x!tpu.dma_semaphore, #tpu.memory_space<semaphore_mem>>
            %dma_start3A_318 = tpu.memref_squeeze %dma_start3A_317 : memref<1x!tpu.dma_semaphore, #tpu.memory_space<semaphore_mem>> -> memref<!tpu.dma_semaphore, #tpu.memory_space<semaphore_mem>>
            %dma_start3A_319 = arith.constant 0 : i32
            %dma_start3A_320 = tpu.memref_slice %arg5[%min3A_304, %dma_start3A_319] : memref<800000x128xf32, #tpu.memory_space<hbm>> -> memref<128x128xf32, #tpu.memory_space<hbm>>
            tpu.enqueue_dma source(%dma_start3A_320 : memref<128x128xf32, #tpu.memory_space<hbm>>) target(%arg15 : memref<128x128xf32, #tpu.memory_space<vmem>>) target_semaphore(%dma_start3A_318 : memref<!tpu.dma_semaphore, #tpu.memory_space<semaphore_mem>>)
          } else {
          }
          %dma_wait3A = arith.constant 1 : i32
          %dma_wait3A_273 = arith.constant 0 : i32
          %dma_wait3A_274 = arith.constant 0 : i32
          %dma_wait3A_275 = tpu.memref_slice %arg2[%dma_wait3A_273, %dma_wait3A_274] : memref<51200x128xf32, #tpu.memory_space<hbm>> -> memref<51200x128xf32, #tpu.memory_space<hbm>>
          %dma_wait3A_276 = tpu.memref_slice %arg23[%dma_wait3A] : memref<3x!tpu.dma_semaphore, #tpu.memory_space<semaphore_mem>> -> memref<1x!tpu.dma_semaphore, #tpu.memory_space<semaphore_mem>>
          %dma_wait3A_277 = tpu.memref_squeeze %dma_wait3A_276 : memref<1x!tpu.dma_semaphore, #tpu.memory_space<semaphore_mem>> -> memref<!tpu.dma_semaphore, #tpu.memory_space<semaphore_mem>>
          tpu.wait_indirect_dma semaphore(%dma_wait3A_277 : memref<!tpu.dma_semaphore, #tpu.memory_space<semaphore_mem>>) src(%dma_wait3A_275 : memref<51200x128xf32, #tpu.memory_space<hbm>>) dst(%arg19 : memref<128x128xf32, #tpu.memory_space<vmem>>)
          %mul3A_278 = arith.constant 128 : i32
          %mul3A_279 = arith.muli %add3A_247, %mul3A_278 : i32
          %add3A_280 = arith.addi %mul3A_148, %mul3A_279 : i32
          %mul3A_281 = arith.constant 128 : i32
          %mul3A_282 = arith.muli %add3A_247, %mul3A_281 : i32
          %add3A_283 = arith.addi %mul3A_148, %mul3A_282 : i32
          %min3A = arith.constant 799872 : i32
          %min3A_284 = arith.minsi %add3A_283, %min3A : i32
          %max3A = arith.maxsi %squeeze3A, %add3A_280 : i32
          %sub3A_285 = arith.subi %max3A, %min3A_284 : i32
          %add3A_286 = arith.constant 128 : i32
          %add3A_287 = arith.addi %add3A_280, %add3A_286 : i32
          %min3A_288 = arith.minsi %squeeze3A_122, %add3A_287 : i32
          %sub3A_289 = arith.subi %min3A_288, %min3A_284 : i32
          %while3A_290 = arith.subi %sub3A_289, %sub3A_285 : i32
          %while3A_291 = arith.addi %sub3A_285, %while3A_290 : i32
          %while3A_292 = arith.constant 1 : i32
          %while3A_293 = arith.divsi %while3A_290, %while3A_292 : i32
          %while3A_294 = arith.muli %while3A_293, %while3A_292 : i32
          %while3A_295 = arith.addi %sub3A_285, %while3A_294 : i32
          %while3A_296 = arith.constant 1 : i32
          scf.for %while3A_298 = %sub3A_285 to %while3A_295 step %while3A_296  : i32 {
            %broadcast_in_dim3A_299 = vector.broadcast %while3A_298 : i32 to vector<16xi32>
            %gather3A = tpu.vector_load_idx %arg10[%broadcast_in_dim3A_299] : memref<128xi32, #tpu.memory_space<vmem>>[vector<16xi32>], vector<16xi32>,
            %sub3A_300 = vector.broadcast %mul3A_119 : i32 to vector<16xi32>
            %sub3A_301 = arith.subi %gather3A, %sub3A_300 : vector<16xi32>
            %gather3A_302 = tpu.vector_load_idx %arg19[%broadcast_in_dim3A_299, %iota3A] : memref<128x128xf32, #tpu.memory_space<vmem>>[vector<16xi32>, vector<16xi32>], vector<16xf32>,
            %add3A_303 = arith.constant 16 : i32
            %add3A_304 = vector.broadcast %add3A_303 : i32 to vector<16xi32>
            %add3A_305 = arith.addi %iota3A, %add3A_304 : vector<16xi32>
            %gather3A_306 = tpu.vector_load_idx %arg19[%broadcast_in_dim3A_299, %add3A_305] : memref<128x128xf32, #tpu.memory_space<vmem>>[vector<16xi32>, vector<16xi32>], vector<16xf32>,
            %mul3A_307 = arith.constant 3 : i32
            %mul3A_308 = vector.broadcast %mul3A_307 : i32 to vector<16xi32>
            %mul3A_309 = arith.muli %mul3A_308, %iota3A : vector<16xi32>
            %add3A_310 = arith.constant 32 : i32
            %add3A_311 = vector.broadcast %add3A_310 : i32 to vector<16xi32>
            %add3A_312 = arith.addi %mul3A_309, %add3A_311 : vector<16xi32>
            %gather3A_313 = tpu.vector_load_idx %arg19[%broadcast_in_dim3A_299, %add3A_312] : memref<128x128xf32, #tpu.memory_space<vmem>>[vector<16xi32>, vector<16xi32>], vector<16xf32>,
            %mul3A_314 = arith.constant 3 : i32
            %mul3A_315 = vector.broadcast %mul3A_314 : i32 to vector<16xi32>
            %mul3A_316 = arith.muli %mul3A_315, %iota3A : vector<16xi32>
            %add3A_317 = arith.constant 33 : i32
            %add3A_318 = vector.broadcast %add3A_317 : i32 to vector<16xi32>
            %add3A_319 = arith.addi %mul3A_316, %add3A_318 : vector<16xi32>
            %gather3A_320 = tpu.vector_load_idx %arg19[%broadcast_in_dim3A_299, %add3A_319] : memref<128x128xf32, #tpu.memory_space<vmem>>[vector<16xi32>, vector<16xi32>], vector<16xf32>,
            %mul3A_321 = arith.constant 3 : i32
            %mul3A_322 = vector.broadcast %mul3A_321 : i32 to vector<16xi32>
            %mul3A_323 = arith.muli %mul3A_322, %iota3A : vector<16xi32>
            %add3A_324 = arith.constant 34 : i32
            %add3A_325 = vector.broadcast %add3A_324 : i32 to vector<16xi32>
            %add3A_326 = arith.addi %mul3A_323, %add3A_325 : vector<16xi32>
            %gather3A_327 = tpu.vector_load_idx %arg19[%broadcast_in_dim3A_299, %add3A_326] : memref<128x128xf32, #tpu.memory_space<vmem>>[vector<16xi32>, vector<16xi32>], vector<16xf32>,
            %broadcast_in_dim3A_328 = arith.constant 112 : i32
            %broadcast_in_dim3A_329 = vector.broadcast %broadcast_in_dim3A_328 : i32 to vector<16xi32>
            %gather3A_330 = tpu.vector_load_idx %arg16[%broadcast_in_dim3A_299, %broadcast_in_dim3A_329] : memref<128x128xf32, #tpu.memory_space<vmem>>[vector<16xi32>, vector<16xi32>], vector<16xf32>,
            %broadcast_in_dim3A_331 = arith.constant 113 : i32
            %broadcast_in_dim3A_332 = vector.broadcast %broadcast_in_dim3A_331 : i32 to vector<16xi32>
            %gather3A_333 = tpu.vector_load_idx %arg16[%broadcast_in_dim3A_299, %broadcast_in_dim3A_332] : memref<128x128xf32, #tpu.memory_space<vmem>>[vector<16xi32>, vector<16xi32>], vector<16xf32>,
            %broadcast_in_dim3A_334 = arith.constant 114 : i32
            %broadcast_in_dim3A_335 = vector.broadcast %broadcast_in_dim3A_334 : i32 to vector<16xi32>
            %gather3A_336 = tpu.vector_load_idx %arg16[%broadcast_in_dim3A_299, %broadcast_in_dim3A_335] : memref<128x128xf32, #tpu.memory_space<vmem>>[vector<16xi32>, vector<16xi32>], vector<16xf32>,
            %gather3A_337 = tpu.vector_load_idx %arg16[%broadcast_in_dim3A_299, %iota3A] : memref<128x128xf32, #tpu.memory_space<vmem>>[vector<16xi32>, vector<16xi32>], vector<16xf32>,
            %add3A_338 = arith.constant 16 : i32
            %add3A_339 = vector.broadcast %add3A_338 : i32 to vector<16xi32>
            %add3A_340 = arith.addi %iota3A, %add3A_339 : vector<16xi32>
            %gather3A_341 = tpu.vector_load_idx %arg16[%broadcast_in_dim3A_299, %add3A_340] : memref<128x128xf32, #tpu.memory_space<vmem>>[vector<16xi32>, vector<16xi32>], vector<16xf32>,
            %add3A_342 = arith.constant 32 : i32
            %add3A_343 = vector.broadcast %add3A_342 : i32 to vector<16xi32>
            %add3A_344 = arith.addi %iota3A, %add3A_343 : vector<16xi32>
            %gather3A_345 = tpu.vector_load_idx %arg16[%broadcast_in_dim3A_299, %add3A_344] : memref<128x128xf32, #tpu.memory_space<vmem>>[vector<16xi32>, vector<16xi32>], vector<16xf32>,
            %add3A_346 = arith.constant 48 : i32
            %add3A_347 = vector.broadcast %add3A_346 : i32 to vector<16xi32>
            %add3A_348 = arith.addi %iota3A, %add3A_347 : vector<16xi32>
            %gather3A_349 = tpu.vector_load_idx %arg16[%broadcast_in_dim3A_299, %add3A_348] : memref<128x128xf32, #tpu.memory_space<vmem>>[vector<16xi32>, vector<16xi32>], vector<16xf32>,
            %add3A_350 = arith.constant 64 : i32
            %add3A_351 = vector.broadcast %add3A_350 : i32 to vector<16xi32>
            %add3A_352 = arith.addi %iota3A, %add3A_351 : vector<16xi32>
            %gather3A_353 = tpu.vector_load_idx %arg16[%broadcast_in_dim3A_299, %add3A_352] : memref<128x128xf32, #tpu.memory_space<vmem>>[vector<16xi32>, vector<16xi32>], vector<16xf32>,
            %add3A_354 = arith.constant 80 : i32
            %add3A_355 = vector.broadcast %add3A_354 : i32 to vector<16xi32>
            %add3A_356 = arith.addi %iota3A, %add3A_355 : vector<16xi32>
            %gather3A_357 = tpu.vector_load_idx %arg16[%broadcast_in_dim3A_299, %add3A_356] : memref<128x128xf32, #tpu.memory_space<vmem>>[vector<16xi32>, vector<16xi32>], vector<16xf32>,
            %add3A_358 = arith.constant 96 : i32
            %add3A_359 = vector.broadcast %add3A_358 : i32 to vector<16xi32>
            %add3A_360 = arith.addi %iota3A, %add3A_359 : vector<16xi32>
            %gather3A_361 = tpu.vector_load_idx %arg16[%broadcast_in_dim3A_299, %add3A_360] : memref<128x128xf32, #tpu.memory_space<vmem>>[vector<16xi32>, vector<16xi32>], vector<16xf32>,
            %mul3A_362 = arith.mulf %gather3A_337, %gather3A_302 : vector<16xf32>
            tpu.vector_store_idx %arg8[%sub3A_301, %iota3A], %mul3A_362 {add = true} : memref<80x256xf32, #tpu.memory_space<vmem>>[vector<16xi32>, vector<16xi32>], vector<16xf32>,
            %mul3A_363 = arith.mulf %gather3A_341, %gather3A_306 : vector<16xf32>
            tpu.vector_store_idx %arg8[%sub3A_301, %add3A_4], %mul3A_363 {add = true} : memref<80x256xf32, #tpu.memory_space<vmem>>[vector<16xi32>, vector<16xi32>], vector<16xf32>,
            %mul3A_364 = arith.mulf %gather3A_313, %gather3A_330 : vector<16xf32>
            %mul3A_365 = arith.mulf %gather3A_320, %gather3A_333 : vector<16xf32>
            %add3A_366 = arith.addf %mul3A_364, %mul3A_365 : vector<16xf32>
            %mul3A_367 = arith.mulf %gather3A_327, %gather3A_336 : vector<16xf32>
            %add3A_368 = arith.addf %add3A_366, %mul3A_367 : vector<16xf32>
            %mul3A_369 = arith.mulf %gather3A_345, %add3A_368 : vector<16xf32>
            tpu.vector_store_idx %arg8[%sub3A_301, %add3A_7], %mul3A_369 {add = true} : memref<80x256xf32, #tpu.memory_space<vmem>>[vector<16xi32>, vector<16xi32>], vector<16xf32>,
            %mul3A_370 = arith.mulf %gather3A_349, %gather3A_302 : vector<16xf32>
            %mul3A_371 = arith.mulf %gather3A_353, %gather3A_306 : vector<16xf32>
            %mul3A_372 = arith.mulf %mul3A_370, %gather3A_330 : vector<16xf32>
            tpu.vector_store_idx %arg8[%sub3A_301, %add3A_13], %mul3A_372 {add = true} : memref<80x256xf32, #tpu.memory_space<vmem>>[vector<16xi32>, vector<16xi32>], vector<16xf32>,
            %mul3A_373 = arith.mulf %mul3A_371, %gather3A_330 : vector<16xf32>
            tpu.vector_store_idx %arg8[%sub3A_301, %add3A_31], %mul3A_373 {add = true} : memref<80x256xf32, #tpu.memory_space<vmem>>[vector<16xi32>, vector<16xi32>], vector<16xf32>,
            %mul3A_374 = arith.mulf %mul3A_370, %gather3A_333 : vector<16xf32>
            tpu.vector_store_idx %arg8[%sub3A_301, %add3A_19], %mul3A_374 {add = true} : memref<80x256xf32, #tpu.memory_space<vmem>>[vector<16xi32>, vector<16xi32>], vector<16xf32>,
            %mul3A_375 = arith.mulf %mul3A_371, %gather3A_333 : vector<16xf32>
            tpu.vector_store_idx %arg8[%sub3A_301, %add3A_37], %mul3A_375 {add = true} : memref<80x256xf32, #tpu.memory_space<vmem>>[vector<16xi32>, vector<16xi32>], vector<16xf32>,
            %mul3A_376 = arith.mulf %mul3A_370, %gather3A_336 : vector<16xf32>
            tpu.vector_store_idx %arg8[%sub3A_301, %add3A_25], %mul3A_376 {add = true} : memref<80x256xf32, #tpu.memory_space<vmem>>[vector<16xi32>, vector<16xi32>], vector<16xf32>,
            %mul3A_377 = arith.mulf %mul3A_371, %gather3A_336 : vector<16xf32>
            tpu.vector_store_idx %arg8[%sub3A_301, %add3A_43], %mul3A_377 {add = true} : memref<80x256xf32, #tpu.memory_space<vmem>>[vector<16xi32>, vector<16xi32>], vector<16xf32>,
            %mul3A_378 = arith.mulf %gather3A_357, %gather3A_313 : vector<16xf32>
            tpu.vector_store_idx %arg8[%sub3A_301, %add3A_49], %mul3A_378 {add = true} : memref<80x256xf32, #tpu.memory_space<vmem>>[vector<16xi32>, vector<16xi32>], vector<16xf32>,
            %mul3A_379 = arith.mulf %gather3A_357, %gather3A_320 : vector<16xf32>
            tpu.vector_store_idx %arg8[%sub3A_301, %add3A_55], %mul3A_379 {add = true} : memref<80x256xf32, #tpu.memory_space<vmem>>[vector<16xi32>, vector<16xi32>], vector<16xf32>,
            %mul3A_380 = arith.mulf %gather3A_357, %gather3A_327 : vector<16xf32>
            tpu.vector_store_idx %arg8[%sub3A_301, %add3A_61], %mul3A_380 {add = true} : memref<80x256xf32, #tpu.memory_space<vmem>>[vector<16xi32>, vector<16xi32>], vector<16xf32>,
            %mul3A_381 = arith.mulf %gather3A_320, %gather3A_336 : vector<16xf32>
            %mul3A_382 = arith.mulf %gather3A_327, %gather3A_333 : vector<16xf32>
            %sub3A_383 = arith.subf %mul3A_381, %mul3A_382 : vector<16xf32>
            %mul3A_384 = arith.mulf %gather3A_327, %gather3A_330 : vector<16xf32>
            %mul3A_385 = arith.mulf %gather3A_313, %gather3A_336 : vector<16xf32>
            %sub3A_386 = arith.subf %mul3A_384, %mul3A_385 : vector<16xf32>
            %mul3A_387 = arith.mulf %gather3A_313, %gather3A_333 : vector<16xf32>
            %mul3A_388 = arith.mulf %gather3A_320, %gather3A_330 : vector<16xf32>
            %sub3A_389 = arith.subf %mul3A_387, %mul3A_388 : vector<16xf32>
            %mul3A_390 = arith.mulf %gather3A_361, %sub3A_383 : vector<16xf32>
            tpu.vector_store_idx %arg8[%sub3A_301, %add3A_67], %mul3A_390 {add = true} : memref<80x256xf32, #tpu.memory_space<vmem>>[vector<16xi32>, vector<16xi32>], vector<16xf32>,
            %mul3A_391 = arith.mulf %gather3A_361, %sub3A_386 : vector<16xf32>
            tpu.vector_store_idx %arg8[%sub3A_301, %add3A_73], %mul3A_391 {add = true} : memref<80x256xf32, #tpu.memory_space<vmem>>[vector<16xi32>, vector<16xi32>], vector<16xf32>,
            %mul3A_392 = arith.mulf %gather3A_361, %sub3A_389 : vector<16xf32>
            tpu.vector_store_idx %arg8[%sub3A_301, %add3A_79], %mul3A_392 {add = true} : memref<80x256xf32, #tpu.memory_space<vmem>>[vector<16xi32>, vector<16xi32>], vector<16xf32>,
          }
          %while3A_297 = arith.constant 1 : i32
          scf.for %while3A_298 = %while3A_295 to %while3A_291 step %while3A_297  : i32 {
            %broadcast_in_dim3A_299 = vector.broadcast %while3A_298 : i32 to vector<16xi32>
            %gather3A = tpu.vector_load_idx %arg10[%broadcast_in_dim3A_299] : memref<128xi32, #tpu.memory_space<vmem>>[vector<16xi32>], vector<16xi32>,
            %sub3A_300 = vector.broadcast %mul3A_119 : i32 to vector<16xi32>
            %sub3A_301 = arith.subi %gather3A, %sub3A_300 : vector<16xi32>
            %gather3A_302 = tpu.vector_load_idx %arg19[%broadcast_in_dim3A_299, %iota3A] : memref<128x128xf32, #tpu.memory_space<vmem>>[vector<16xi32>, vector<16xi32>], vector<16xf32>,
            %add3A_303 = arith.constant 16 : i32
            %add3A_304 = vector.broadcast %add3A_303 : i32 to vector<16xi32>
            %add3A_305 = arith.addi %iota3A, %add3A_304 : vector<16xi32>
            %gather3A_306 = tpu.vector_load_idx %arg19[%broadcast_in_dim3A_299, %add3A_305] : memref<128x128xf32, #tpu.memory_space<vmem>>[vector<16xi32>, vector<16xi32>], vector<16xf32>,
            %mul3A_307 = arith.constant 3 : i32
            %mul3A_308 = vector.broadcast %mul3A_307 : i32 to vector<16xi32>
            %mul3A_309 = arith.muli %mul3A_308, %iota3A : vector<16xi32>
            %add3A_310 = arith.constant 32 : i32
            %add3A_311 = vector.broadcast %add3A_310 : i32 to vector<16xi32>
            %add3A_312 = arith.addi %mul3A_309, %add3A_311 : vector<16xi32>
            %gather3A_313 = tpu.vector_load_idx %arg19[%broadcast_in_dim3A_299, %add3A_312] : memref<128x128xf32, #tpu.memory_space<vmem>>[vector<16xi32>, vector<16xi32>], vector<16xf32>,
            %mul3A_314 = arith.constant 3 : i32
            %mul3A_315 = vector.broadcast %mul3A_314 : i32 to vector<16xi32>
            %mul3A_316 = arith.muli %mul3A_315, %iota3A : vector<16xi32>
            %add3A_317 = arith.constant 33 : i32
            %add3A_318 = vector.broadcast %add3A_317 : i32 to vector<16xi32>
            %add3A_319 = arith.addi %mul3A_316, %add3A_318 : vector<16xi32>
            %gather3A_320 = tpu.vector_load_idx %arg19[%broadcast_in_dim3A_299, %add3A_319] : memref<128x128xf32, #tpu.memory_space<vmem>>[vector<16xi32>, vector<16xi32>], vector<16xf32>,
            %mul3A_321 = arith.constant 3 : i32
            %mul3A_322 = vector.broadcast %mul3A_321 : i32 to vector<16xi32>
            %mul3A_323 = arith.muli %mul3A_322, %iota3A : vector<16xi32>
            %add3A_324 = arith.constant 34 : i32
            %add3A_325 = vector.broadcast %add3A_324 : i32 to vector<16xi32>
            %add3A_326 = arith.addi %mul3A_323, %add3A_325 : vector<16xi32>
            %gather3A_327 = tpu.vector_load_idx %arg19[%broadcast_in_dim3A_299, %add3A_326] : memref<128x128xf32, #tpu.memory_space<vmem>>[vector<16xi32>, vector<16xi32>], vector<16xf32>,
            %broadcast_in_dim3A_328 = arith.constant 112 : i32
            %broadcast_in_dim3A_329 = vector.broadcast %broadcast_in_dim3A_328 : i32 to vector<16xi32>
            %gather3A_330 = tpu.vector_load_idx %arg16[%broadcast_in_dim3A_299, %broadcast_in_dim3A_329] : memref<128x128xf32, #tpu.memory_space<vmem>>[vector<16xi32>, vector<16xi32>], vector<16xf32>,
            %broadcast_in_dim3A_331 = arith.constant 113 : i32
            %broadcast_in_dim3A_332 = vector.broadcast %broadcast_in_dim3A_331 : i32 to vector<16xi32>
            %gather3A_333 = tpu.vector_load_idx %arg16[%broadcast_in_dim3A_299, %broadcast_in_dim3A_332] : memref<128x128xf32, #tpu.memory_space<vmem>>[vector<16xi32>, vector<16xi32>], vector<16xf32>,
            %broadcast_in_dim3A_334 = arith.constant 114 : i32
            %broadcast_in_dim3A_335 = vector.broadcast %broadcast_in_dim3A_334 : i32 to vector<16xi32>
            %gather3A_336 = tpu.vector_load_idx %arg16[%broadcast_in_dim3A_299, %broadcast_in_dim3A_335] : memref<128x128xf32, #tpu.memory_space<vmem>>[vector<16xi32>, vector<16xi32>], vector<16xf32>,
            %gather3A_337 = tpu.vector_load_idx %arg16[%broadcast_in_dim3A_299, %iota3A] : memref<128x128xf32, #tpu.memory_space<vmem>>[vector<16xi32>, vector<16xi32>], vector<16xf32>,
            %add3A_338 = arith.constant 16 : i32
            %add3A_339 = vector.broadcast %add3A_338 : i32 to vector<16xi32>
            %add3A_340 = arith.addi %iota3A, %add3A_339 : vector<16xi32>
            %gather3A_341 = tpu.vector_load_idx %arg16[%broadcast_in_dim3A_299, %add3A_340] : memref<128x128xf32, #tpu.memory_space<vmem>>[vector<16xi32>, vector<16xi32>], vector<16xf32>,
            %add3A_342 = arith.constant 32 : i32
            %add3A_343 = vector.broadcast %add3A_342 : i32 to vector<16xi32>
            %add3A_344 = arith.addi %iota3A, %add3A_343 : vector<16xi32>
            %gather3A_345 = tpu.vector_load_idx %arg16[%broadcast_in_dim3A_299, %add3A_344] : memref<128x128xf32, #tpu.memory_space<vmem>>[vector<16xi32>, vector<16xi32>], vector<16xf32>,
            %add3A_346 = arith.constant 48 : i32
            %add3A_347 = vector.broadcast %add3A_346 : i32 to vector<16xi32>
            %add3A_348 = arith.addi %iota3A, %add3A_347 : vector<16xi32>
            %gather3A_349 = tpu.vector_load_idx %arg16[%broadcast_in_dim3A_299, %add3A_348] : memref<128x128xf32, #tpu.memory_space<vmem>>[vector<16xi32>, vector<16xi32>], vector<16xf32>,
            %add3A_350 = arith.constant 64 : i32
            %add3A_351 = vector.broadcast %add3A_350 : i32 to vector<16xi32>
            %add3A_352 = arith.addi %iota3A, %add3A_351 : vector<16xi32>
            %gather3A_353 = tpu.vector_load_idx %arg16[%broadcast_in_dim3A_299, %add3A_352] : memref<128x128xf32, #tpu.memory_space<vmem>>[vector<16xi32>, vector<16xi32>], vector<16xf32>,
            %add3A_354 = arith.constant 80 : i32
            %add3A_355 = vector.broadcast %add3A_354 : i32 to vector<16xi32>
            %add3A_356 = arith.addi %iota3A, %add3A_355 : vector<16xi32>
            %gather3A_357 = tpu.vector_load_idx %arg16[%broadcast_in_dim3A_299, %add3A_356] : memref<128x128xf32, #tpu.memory_space<vmem>>[vector<16xi32>, vector<16xi32>], vector<16xf32>,
            %add3A_358 = arith.constant 96 : i32
            %add3A_359 = vector.broadcast %add3A_358 : i32 to vector<16xi32>
            %add3A_360 = arith.addi %iota3A, %add3A_359 : vector<16xi32>
            %gather3A_361 = tpu.vector_load_idx %arg16[%broadcast_in_dim3A_299, %add3A_360] : memref<128x128xf32, #tpu.memory_space<vmem>>[vector<16xi32>, vector<16xi32>], vector<16xf32>,
            %mul3A_362 = arith.mulf %gather3A_337, %gather3A_302 : vector<16xf32>
            tpu.vector_store_idx %arg8[%sub3A_301, %iota3A], %mul3A_362 {add = true} : memref<80x256xf32, #tpu.memory_space<vmem>>[vector<16xi32>, vector<16xi32>], vector<16xf32>,
            %mul3A_363 = arith.mulf %gather3A_341, %gather3A_306 : vector<16xf32>
            tpu.vector_store_idx %arg8[%sub3A_301, %add3A_4], %mul3A_363 {add = true} : memref<80x256xf32, #tpu.memory_space<vmem>>[vector<16xi32>, vector<16xi32>], vector<16xf32>,
            %mul3A_364 = arith.mulf %gather3A_313, %gather3A_330 : vector<16xf32>
            %mul3A_365 = arith.mulf %gather3A_320, %gather3A_333 : vector<16xf32>
            %add3A_366 = arith.addf %mul3A_364, %mul3A_365 : vector<16xf32>
            %mul3A_367 = arith.mulf %gather3A_327, %gather3A_336 : vector<16xf32>
            %add3A_368 = arith.addf %add3A_366, %mul3A_367 : vector<16xf32>
            %mul3A_369 = arith.mulf %gather3A_345, %add3A_368 : vector<16xf32>
            tpu.vector_store_idx %arg8[%sub3A_301, %add3A_7], %mul3A_369 {add = true} : memref<80x256xf32, #tpu.memory_space<vmem>>[vector<16xi32>, vector<16xi32>], vector<16xf32>,
            %mul3A_370 = arith.mulf %gather3A_349, %gather3A_302 : vector<16xf32>
            %mul3A_371 = arith.mulf %gather3A_353, %gather3A_306 : vector<16xf32>
            %mul3A_372 = arith.mulf %mul3A_370, %gather3A_330 : vector<16xf32>
            tpu.vector_store_idx %arg8[%sub3A_301, %add3A_13], %mul3A_372 {add = true} : memref<80x256xf32, #tpu.memory_space<vmem>>[vector<16xi32>, vector<16xi32>], vector<16xf32>,
            %mul3A_373 = arith.mulf %mul3A_371, %gather3A_330 : vector<16xf32>
            tpu.vector_store_idx %arg8[%sub3A_301, %add3A_31], %mul3A_373 {add = true} : memref<80x256xf32, #tpu.memory_space<vmem>>[vector<16xi32>, vector<16xi32>], vector<16xf32>,
            %mul3A_374 = arith.mulf %mul3A_370, %gather3A_333 : vector<16xf32>
            tpu.vector_store_idx %arg8[%sub3A_301, %add3A_19], %mul3A_374 {add = true} : memref<80x256xf32, #tpu.memory_space<vmem>>[vector<16xi32>, vector<16xi32>], vector<16xf32>,
            %mul3A_375 = arith.mulf %mul3A_371, %gather3A_333 : vector<16xf32>
            tpu.vector_store_idx %arg8[%sub3A_301, %add3A_37], %mul3A_375 {add = true} : memref<80x256xf32, #tpu.memory_space<vmem>>[vector<16xi32>, vector<16xi32>], vector<16xf32>,
            %mul3A_376 = arith.mulf %mul3A_370, %gather3A_336 : vector<16xf32>
            tpu.vector_store_idx %arg8[%sub3A_301, %add3A_25], %mul3A_376 {add = true} : memref<80x256xf32, #tpu.memory_space<vmem>>[vector<16xi32>, vector<16xi32>], vector<16xf32>,
            %mul3A_377 = arith.mulf %mul3A_371, %gather3A_336 : vector<16xf32>
            tpu.vector_store_idx %arg8[%sub3A_301, %add3A_43], %mul3A_377 {add = true} : memref<80x256xf32, #tpu.memory_space<vmem>>[vector<16xi32>, vector<16xi32>], vector<16xf32>,
            %mul3A_378 = arith.mulf %gather3A_357, %gather3A_313 : vector<16xf32>
            tpu.vector_store_idx %arg8[%sub3A_301, %add3A_49], %mul3A_378 {add = true} : memref<80x256xf32, #tpu.memory_space<vmem>>[vector<16xi32>, vector<16xi32>], vector<16xf32>,
            %mul3A_379 = arith.mulf %gather3A_357, %gather3A_320 : vector<16xf32>
            tpu.vector_store_idx %arg8[%sub3A_301, %add3A_55], %mul3A_379 {add = true} : memref<80x256xf32, #tpu.memory_space<vmem>>[vector<16xi32>, vector<16xi32>], vector<16xf32>,
            %mul3A_380 = arith.mulf %gather3A_357, %gather3A_327 : vector<16xf32>
            tpu.vector_store_idx %arg8[%sub3A_301, %add3A_61], %mul3A_380 {add = true} : memref<80x256xf32, #tpu.memory_space<vmem>>[vector<16xi32>, vector<16xi32>], vector<16xf32>,
            %mul3A_381 = arith.mulf %gather3A_320, %gather3A_336 : vector<16xf32>
            %mul3A_382 = arith.mulf %gather3A_327, %gather3A_333 : vector<16xf32>
            %sub3A_383 = arith.subf %mul3A_381, %mul3A_382 : vector<16xf32>
            %mul3A_384 = arith.mulf %gather3A_327, %gather3A_330 : vector<16xf32>
            %mul3A_385 = arith.mulf %gather3A_313, %gather3A_336 : vector<16xf32>
            %sub3A_386 = arith.subf %mul3A_384, %mul3A_385 : vector<16xf32>
            %mul3A_387 = arith.mulf %gather3A_313, %gather3A_333 : vector<16xf32>
            %mul3A_388 = arith.mulf %gather3A_320, %gather3A_330 : vector<16xf32>
            %sub3A_389 = arith.subf %mul3A_387, %mul3A_388 : vector<16xf32>
            %mul3A_390 = arith.mulf %gather3A_361, %sub3A_383 : vector<16xf32>
            tpu.vector_store_idx %arg8[%sub3A_301, %add3A_67], %mul3A_390 {add = true} : memref<80x256xf32, #tpu.memory_space<vmem>>[vector<16xi32>, vector<16xi32>], vector<16xf32>,
            %mul3A_391 = arith.mulf %gather3A_361, %sub3A_386 : vector<16xf32>
            tpu.vector_store_idx %arg8[%sub3A_301, %add3A_73], %mul3A_391 {add = true} : memref<80x256xf32, #tpu.memory_space<vmem>>[vector<16xi32>, vector<16xi32>], vector<16xf32>,
            %mul3A_392 = arith.mulf %gather3A_361, %sub3A_389 : vector<16xf32>
            tpu.vector_store_idx %arg8[%sub3A_301, %add3A_79], %mul3A_392 {add = true} : memref<80x256xf32, #tpu.memory_space<vmem>>[vector<16xi32>, vector<16xi32>], vector<16xf32>,
          }
        } else {
        }
        %mul3A_252 = arith.constant 3 : i32
        %mul3A_253 = arith.muli %mul3A_252, %while3A_235 : i32
        %add3A_254 = arith.constant 2 : i32
        %add3A_255 = arith.addi %mul3A_253, %add3A_254 : i32
        %lt3A_256 = arith.cmpi slt, %add3A_255, %select_n3A_177 : i32
        %convert_element_type3A_257 = arith.extui %lt3A_256 : i1 to i32
        %cond3A_258 = arith.constant 0 : i32
        %cond3A_259 = arith.cmpi ne, %convert_element_type3A_257, %cond3A_258 : i32
        scf.if %cond3A_259 {
          %add3A_261 = arith.constant 1 : i32
          %add3A_262 = arith.addi %add3A_255, %add3A_261 : i32
          %lt3A_263 = arith.cmpi slt, %add3A_262, %select_n3A_177 : i32
          %convert_element_type3A_264 = arith.extui %lt3A_263 : i1 to i32
          %cond3A_265 = arith.constant 0 : i32
          %cond3A_266 = arith.cmpi ne, %convert_element_type3A_264, %cond3A_265 : i32
          scf.if %cond3A_266 {
            %add3A_298 = arith.constant 1 : i32
            %add3A_299 = arith.addi %add3A_255, %add3A_298 : i32
            %mul3A_300 = arith.constant 128 : i32
            %mul3A_301 = arith.muli %add3A_299, %mul3A_300 : i32
            %add3A_302 = arith.addi %mul3A_148, %mul3A_301 : i32
            %min3A_303 = arith.constant 799872 : i32
            %min3A_304 = arith.minsi %add3A_302, %min3A_303 : i32
            %dma_wait3A_305 = arith.constant 0 : i32
            %dma_wait3A_306 = tpu.memref_slice %arg3[%min3A_304] : memref<800000xi32, #tpu.memory_space<hbm>> -> memref<128xi32, #tpu.memory_space<hbm>>
            %dma_wait3A_307 = tpu.memref_slice %arg22[%dma_wait3A_305] : memref<3x!tpu.dma_semaphore, #tpu.memory_space<semaphore_mem>> -> memref<1x!tpu.dma_semaphore, #tpu.memory_space<semaphore_mem>>
            %dma_wait3A_308 = tpu.memref_squeeze %dma_wait3A_307 : memref<1x!tpu.dma_semaphore, #tpu.memory_space<semaphore_mem>> -> memref<!tpu.dma_semaphore, #tpu.memory_space<semaphore_mem>>
            %dma_wait3A_309 = tpu.memref_slice %arg3[%min3A_304] : memref<800000xi32, #tpu.memory_space<hbm>> -> memref<128xi32, #tpu.memory_space<hbm>>
            tpu.wait_dma2 semaphore(%dma_wait3A_308 : memref<!tpu.dma_semaphore, #tpu.memory_space<semaphore_mem>>) src(%dma_wait3A_309 : memref<128xi32, #tpu.memory_space<hbm>>) dst(%arg9 : memref<128xi32, #tpu.memory_space<vmem>>)
            %dma_wait3A_310 = arith.constant 0 : i32
            %dma_wait3A_311 = tpu.memref_slice %arg4[%min3A_304] : memref<800000xi32, #tpu.memory_space<hbm>> -> memref<128xi32, #tpu.memory_space<hbm>>
            %dma_wait3A_312 = tpu.memref_slice %arg22[%dma_wait3A_310] : memref<3x!tpu.dma_semaphore, #tpu.memory_space<semaphore_mem>> -> memref<1x!tpu.dma_semaphore, #tpu.memory_space<semaphore_mem>>
            %dma_wait3A_313 = tpu.memref_squeeze %dma_wait3A_312 : memref<1x!tpu.dma_semaphore, #tpu.memory_space<semaphore_mem>> -> memref<!tpu.dma_semaphore, #tpu.memory_space<semaphore_mem>>
            %dma_wait3A_314 = tpu.memref_slice %arg4[%min3A_304] : memref<800000xi32, #tpu.memory_space<hbm>> -> memref<128xi32, #tpu.memory_space<hbm>>
            tpu.wait_dma2 semaphore(%dma_wait3A_313 : memref<!tpu.dma_semaphore, #tpu.memory_space<semaphore_mem>>) src(%dma_wait3A_314 : memref<128xi32, #tpu.memory_space<hbm>>) dst(%arg12 : memref<128xi32, #tpu.memory_space<vmem>>)
            %dma_wait3A_315 = arith.constant 0 : i32
            %dma_wait3A_316 = arith.constant 0 : i32
            %dma_wait3A_317 = tpu.memref_slice %arg5[%min3A_304, %dma_wait3A_316] : memref<800000x128xf32, #tpu.memory_space<hbm>> -> memref<128x128xf32, #tpu.memory_space<hbm>>
            %dma_wait3A_318 = tpu.memref_slice %arg22[%dma_wait3A_315] : memref<3x!tpu.dma_semaphore, #tpu.memory_space<semaphore_mem>> -> memref<1x!tpu.dma_semaphore, #tpu.memory_space<semaphore_mem>>
            %dma_wait3A_319 = tpu.memref_squeeze %dma_wait3A_318 : memref<1x!tpu.dma_semaphore, #tpu.memory_space<semaphore_mem>> -> memref<!tpu.dma_semaphore, #tpu.memory_space<semaphore_mem>>
            %dma_wait3A_320 = arith.constant 0 : i32
            %dma_wait3A_321 = tpu.memref_slice %arg5[%min3A_304, %dma_wait3A_320] : memref<800000x128xf32, #tpu.memory_space<hbm>> -> memref<128x128xf32, #tpu.memory_space<hbm>>
            tpu.wait_dma2 semaphore(%dma_wait3A_319 : memref<!tpu.dma_semaphore, #tpu.memory_space<semaphore_mem>>) src(%dma_wait3A_321 : memref<128x128xf32, #tpu.memory_space<hbm>>) dst(%arg15 : memref<128x128xf32, #tpu.memory_space<vmem>>)
            %dma_start3A = arith.constant 0 : i32
            %dma_start3A_322 = arith.constant 0 : i32
            %dma_start3A_323 = arith.constant 0 : i32
            %dma_start3A_324 = tpu.memref_slice %arg2[%dma_start3A_322, %dma_start3A_323] : memref<51200x128xf32, #tpu.memory_space<hbm>> -> memref<51200x128xf32, #tpu.memory_space<hbm>>
            %dma_start3A_325 = tpu.memref_slice %arg23[%dma_start3A] : memref<3x!tpu.dma_semaphore, #tpu.memory_space<semaphore_mem>> -> memref<1x!tpu.dma_semaphore, #tpu.memory_space<semaphore_mem>>
            %dma_start3A_326 = tpu.memref_squeeze %dma_start3A_325 : memref<1x!tpu.dma_semaphore, #tpu.memory_space<semaphore_mem>> -> memref<!tpu.dma_semaphore, #tpu.memory_space<semaphore_mem>>
            tpu.enqueue_indirect_dma source(%dma_start3A_324 : memref<51200x128xf32, #tpu.memory_space<hbm>>) target(%arg18 : memref<128x128xf32, #tpu.memory_space<vmem>>) offsets(%arg12 : memref<128xi32, #tpu.memory_space<vmem>>) semaphore(%dma_start3A_326 : memref<!tpu.dma_semaphore, #tpu.memory_space<semaphore_mem>>)
          } else {
          }
          %add3A_267 = arith.constant 2 : i32
          %add3A_268 = arith.addi %add3A_255, %add3A_267 : i32
          %lt3A_269 = arith.cmpi slt, %add3A_268, %select_n3A_177 : i32
          %convert_element_type3A_270 = arith.extui %lt3A_269 : i1 to i32
          %cond3A_271 = arith.constant 0 : i32
          %cond3A_272 = arith.cmpi ne, %convert_element_type3A_270, %cond3A_271 : i32
          scf.if %cond3A_272 {
            %add3A_298 = arith.constant 2 : i32
            %add3A_299 = arith.addi %add3A_255, %add3A_298 : i32
            %mul3A_300 = arith.constant 128 : i32
            %mul3A_301 = arith.muli %add3A_299, %mul3A_300 : i32
            %add3A_302 = arith.addi %mul3A_148, %mul3A_301 : i32
            %min3A_303 = arith.constant 799872 : i32
            %min3A_304 = arith.minsi %add3A_302, %min3A_303 : i32
            %dma_start3A = arith.constant 1 : i32
            %dma_start3A_305 = tpu.memref_slice %arg3[%min3A_304] : memref<800000xi32, #tpu.memory_space<hbm>> -> memref<128xi32, #tpu.memory_space<hbm>>
            %dma_start3A_306 = tpu.memref_slice %arg22[%dma_start3A] : memref<3x!tpu.dma_semaphore, #tpu.memory_space<semaphore_mem>> -> memref<1x!tpu.dma_semaphore, #tpu.memory_space<semaphore_mem>>
            %dma_start3A_307 = tpu.memref_squeeze %dma_start3A_306 : memref<1x!tpu.dma_semaphore, #tpu.memory_space<semaphore_mem>> -> memref<!tpu.dma_semaphore, #tpu.memory_space<semaphore_mem>>
            %dma_start3A_308 = tpu.memref_slice %arg3[%min3A_304] : memref<800000xi32, #tpu.memory_space<hbm>> -> memref<128xi32, #tpu.memory_space<hbm>>
            tpu.enqueue_dma source(%dma_start3A_308 : memref<128xi32, #tpu.memory_space<hbm>>) target(%arg10 : memref<128xi32, #tpu.memory_space<vmem>>) target_semaphore(%dma_start3A_307 : memref<!tpu.dma_semaphore, #tpu.memory_space<semaphore_mem>>)
            %dma_start3A_309 = arith.constant 1 : i32
            %dma_start3A_310 = tpu.memref_slice %arg4[%min3A_304] : memref<800000xi32, #tpu.memory_space<hbm>> -> memref<128xi32, #tpu.memory_space<hbm>>
            %dma_start3A_311 = tpu.memref_slice %arg22[%dma_start3A_309] : memref<3x!tpu.dma_semaphore, #tpu.memory_space<semaphore_mem>> -> memref<1x!tpu.dma_semaphore, #tpu.memory_space<semaphore_mem>>
            %dma_start3A_312 = tpu.memref_squeeze %dma_start3A_311 : memref<1x!tpu.dma_semaphore, #tpu.memory_space<semaphore_mem>> -> memref<!tpu.dma_semaphore, #tpu.memory_space<semaphore_mem>>
            %dma_start3A_313 = tpu.memref_slice %arg4[%min3A_304] : memref<800000xi32, #tpu.memory_space<hbm>> -> memref<128xi32, #tpu.memory_space<hbm>>
            tpu.enqueue_dma source(%dma_start3A_313 : memref<128xi32, #tpu.memory_space<hbm>>) target(%arg13 : memref<128xi32, #tpu.memory_space<vmem>>) target_semaphore(%dma_start3A_312 : memref<!tpu.dma_semaphore, #tpu.memory_space<semaphore_mem>>)
            %dma_start3A_314 = arith.constant 1 : i32
            %dma_start3A_315 = arith.constant 0 : i32
            %dma_start3A_316 = tpu.memref_slice %arg5[%min3A_304, %dma_start3A_315] : memref<800000x128xf32, #tpu.memory_space<hbm>> -> memref<128x128xf32, #tpu.memory_space<hbm>>
            %dma_start3A_317 = tpu.memref_slice %arg22[%dma_start3A_314] : memref<3x!tpu.dma_semaphore, #tpu.memory_space<semaphore_mem>> -> memref<1x!tpu.dma_semaphore, #tpu.memory_space<semaphore_mem>>
            %dma_start3A_318 = tpu.memref_squeeze %dma_start3A_317 : memref<1x!tpu.dma_semaphore, #tpu.memory_space<semaphore_mem>> -> memref<!tpu.dma_semaphore, #tpu.memory_space<semaphore_mem>>
            %dma_start3A_319 = arith.constant 0 : i32
            %dma_start3A_320 = tpu.memref_slice %arg5[%min3A_304, %dma_start3A_319] : memref<800000x128xf32, #tpu.memory_space<hbm>> -> memref<128x128xf32, #tpu.memory_space<hbm>>
            tpu.enqueue_dma source(%dma_start3A_320 : memref<128x128xf32, #tpu.memory_space<hbm>>) target(%arg16 : memref<128x128xf32, #tpu.memory_space<vmem>>) target_semaphore(%dma_start3A_318 : memref<!tpu.dma_semaphore, #tpu.memory_space<semaphore_mem>>)
          } else {
          }
          %dma_wait3A = arith.constant 2 : i32
          %dma_wait3A_273 = arith.constant 0 : i32
          %dma_wait3A_274 = arith.constant 0 : i32
          %dma_wait3A_275 = tpu.memref_slice %arg2[%dma_wait3A_273, %dma_wait3A_274] : memref<51200x128xf32, #tpu.memory_space<hbm>> -> memref<51200x128xf32, #tpu.memory_space<hbm>>
          %dma_wait3A_276 = tpu.memref_slice %arg23[%dma_wait3A] : memref<3x!tpu.dma_semaphore, #tpu.memory_space<semaphore_mem>> -> memref<1x!tpu.dma_semaphore, #tpu.memory_space<semaphore_mem>>
          %dma_wait3A_277 = tpu.memref_squeeze %dma_wait3A_276 : memref<1x!tpu.dma_semaphore, #tpu.memory_space<semaphore_mem>> -> memref<!tpu.dma_semaphore, #tpu.memory_space<semaphore_mem>>
          tpu.wait_indirect_dma semaphore(%dma_wait3A_277 : memref<!tpu.dma_semaphore, #tpu.memory_space<semaphore_mem>>) src(%dma_wait3A_275 : memref<51200x128xf32, #tpu.memory_space<hbm>>) dst(%arg20 : memref<128x128xf32, #tpu.memory_space<vmem>>)
          %mul3A_278 = arith.constant 128 : i32
          %mul3A_279 = arith.muli %add3A_255, %mul3A_278 : i32
          %add3A_280 = arith.addi %mul3A_148, %mul3A_279 : i32
          %mul3A_281 = arith.constant 128 : i32
          %mul3A_282 = arith.muli %add3A_255, %mul3A_281 : i32
          %add3A_283 = arith.addi %mul3A_148, %mul3A_282 : i32
          %min3A = arith.constant 799872 : i32
          %min3A_284 = arith.minsi %add3A_283, %min3A : i32
          %max3A = arith.maxsi %squeeze3A, %add3A_280 : i32
          %sub3A_285 = arith.subi %max3A, %min3A_284 : i32
          %add3A_286 = arith.constant 128 : i32
          %add3A_287 = arith.addi %add3A_280, %add3A_286 : i32
          %min3A_288 = arith.minsi %squeeze3A_122, %add3A_287 : i32
          %sub3A_289 = arith.subi %min3A_288, %min3A_284 : i32
          %while3A_290 = arith.subi %sub3A_289, %sub3A_285 : i32
          %while3A_291 = arith.addi %sub3A_285, %while3A_290 : i32
          %while3A_292 = arith.constant 1 : i32
          %while3A_293 = arith.divsi %while3A_290, %while3A_292 : i32
          %while3A_294 = arith.muli %while3A_293, %while3A_292 : i32
          %while3A_295 = arith.addi %sub3A_285, %while3A_294 : i32
          %while3A_296 = arith.constant 1 : i32
          scf.for %while3A_298 = %sub3A_285 to %while3A_295 step %while3A_296  : i32 {
            %broadcast_in_dim3A_299 = vector.broadcast %while3A_298 : i32 to vector<16xi32>
            %gather3A = tpu.vector_load_idx %arg11[%broadcast_in_dim3A_299] : memref<128xi32, #tpu.memory_space<vmem>>[vector<16xi32>], vector<16xi32>,
            %sub3A_300 = vector.broadcast %mul3A_119 : i32 to vector<16xi32>
            %sub3A_301 = arith.subi %gather3A, %sub3A_300 : vector<16xi32>
            %gather3A_302 = tpu.vector_load_idx %arg20[%broadcast_in_dim3A_299, %iota3A] : memref<128x128xf32, #tpu.memory_space<vmem>>[vector<16xi32>, vector<16xi32>], vector<16xf32>,
            %add3A_303 = arith.constant 16 : i32
            %add3A_304 = vector.broadcast %add3A_303 : i32 to vector<16xi32>
            %add3A_305 = arith.addi %iota3A, %add3A_304 : vector<16xi32>
            %gather3A_306 = tpu.vector_load_idx %arg20[%broadcast_in_dim3A_299, %add3A_305] : memref<128x128xf32, #tpu.memory_space<vmem>>[vector<16xi32>, vector<16xi32>], vector<16xf32>,
            %mul3A_307 = arith.constant 3 : i32
            %mul3A_308 = vector.broadcast %mul3A_307 : i32 to vector<16xi32>
            %mul3A_309 = arith.muli %mul3A_308, %iota3A : vector<16xi32>
            %add3A_310 = arith.constant 32 : i32
            %add3A_311 = vector.broadcast %add3A_310 : i32 to vector<16xi32>
            %add3A_312 = arith.addi %mul3A_309, %add3A_311 : vector<16xi32>
            %gather3A_313 = tpu.vector_load_idx %arg20[%broadcast_in_dim3A_299, %add3A_312] : memref<128x128xf32, #tpu.memory_space<vmem>>[vector<16xi32>, vector<16xi32>], vector<16xf32>,
            %mul3A_314 = arith.constant 3 : i32
            %mul3A_315 = vector.broadcast %mul3A_314 : i32 to vector<16xi32>
            %mul3A_316 = arith.muli %mul3A_315, %iota3A : vector<16xi32>
            %add3A_317 = arith.constant 33 : i32
            %add3A_318 = vector.broadcast %add3A_317 : i32 to vector<16xi32>
            %add3A_319 = arith.addi %mul3A_316, %add3A_318 : vector<16xi32>
            %gather3A_320 = tpu.vector_load_idx %arg20[%broadcast_in_dim3A_299, %add3A_319] : memref<128x128xf32, #tpu.memory_space<vmem>>[vector<16xi32>, vector<16xi32>], vector<16xf32>,
            %mul3A_321 = arith.constant 3 : i32
            %mul3A_322 = vector.broadcast %mul3A_321 : i32 to vector<16xi32>
            %mul3A_323 = arith.muli %mul3A_322, %iota3A : vector<16xi32>
            %add3A_324 = arith.constant 34 : i32
            %add3A_325 = vector.broadcast %add3A_324 : i32 to vector<16xi32>
            %add3A_326 = arith.addi %mul3A_323, %add3A_325 : vector<16xi32>
            %gather3A_327 = tpu.vector_load_idx %arg20[%broadcast_in_dim3A_299, %add3A_326] : memref<128x128xf32, #tpu.memory_space<vmem>>[vector<16xi32>, vector<16xi32>], vector<16xf32>,
            %broadcast_in_dim3A_328 = arith.constant 112 : i32
            %broadcast_in_dim3A_329 = vector.broadcast %broadcast_in_dim3A_328 : i32 to vector<16xi32>
            %gather3A_330 = tpu.vector_load_idx %arg17[%broadcast_in_dim3A_299, %broadcast_in_dim3A_329] : memref<128x128xf32, #tpu.memory_space<vmem>>[vector<16xi32>, vector<16xi32>], vector<16xf32>,
            %broadcast_in_dim3A_331 = arith.constant 113 : i32
            %broadcast_in_dim3A_332 = vector.broadcast %broadcast_in_dim3A_331 : i32 to vector<16xi32>
            %gather3A_333 = tpu.vector_load_idx %arg17[%broadcast_in_dim3A_299, %broadcast_in_dim3A_332] : memref<128x128xf32, #tpu.memory_space<vmem>>[vector<16xi32>, vector<16xi32>], vector<16xf32>,
            %broadcast_in_dim3A_334 = arith.constant 114 : i32
            %broadcast_in_dim3A_335 = vector.broadcast %broadcast_in_dim3A_334 : i32 to vector<16xi32>
            %gather3A_336 = tpu.vector_load_idx %arg17[%broadcast_in_dim3A_299, %broadcast_in_dim3A_335] : memref<128x128xf32, #tpu.memory_space<vmem>>[vector<16xi32>, vector<16xi32>], vector<16xf32>,
            %gather3A_337 = tpu.vector_load_idx %arg17[%broadcast_in_dim3A_299, %iota3A] : memref<128x128xf32, #tpu.memory_space<vmem>>[vector<16xi32>, vector<16xi32>], vector<16xf32>,
            %add3A_338 = arith.constant 16 : i32
            %add3A_339 = vector.broadcast %add3A_338 : i32 to vector<16xi32>
            %add3A_340 = arith.addi %iota3A, %add3A_339 : vector<16xi32>
            %gather3A_341 = tpu.vector_load_idx %arg17[%broadcast_in_dim3A_299, %add3A_340] : memref<128x128xf32, #tpu.memory_space<vmem>>[vector<16xi32>, vector<16xi32>], vector<16xf32>,
            %add3A_342 = arith.constant 32 : i32
            %add3A_343 = vector.broadcast %add3A_342 : i32 to vector<16xi32>
            %add3A_344 = arith.addi %iota3A, %add3A_343 : vector<16xi32>
            %gather3A_345 = tpu.vector_load_idx %arg17[%broadcast_in_dim3A_299, %add3A_344] : memref<128x128xf32, #tpu.memory_space<vmem>>[vector<16xi32>, vector<16xi32>], vector<16xf32>,
            %add3A_346 = arith.constant 48 : i32
            %add3A_347 = vector.broadcast %add3A_346 : i32 to vector<16xi32>
            %add3A_348 = arith.addi %iota3A, %add3A_347 : vector<16xi32>
            %gather3A_349 = tpu.vector_load_idx %arg17[%broadcast_in_dim3A_299, %add3A_348] : memref<128x128xf32, #tpu.memory_space<vmem>>[vector<16xi32>, vector<16xi32>], vector<16xf32>,
            %add3A_350 = arith.constant 64 : i32
            %add3A_351 = vector.broadcast %add3A_350 : i32 to vector<16xi32>
            %add3A_352 = arith.addi %iota3A, %add3A_351 : vector<16xi32>
            %gather3A_353 = tpu.vector_load_idx %arg17[%broadcast_in_dim3A_299, %add3A_352] : memref<128x128xf32, #tpu.memory_space<vmem>>[vector<16xi32>, vector<16xi32>], vector<16xf32>,
            %add3A_354 = arith.constant 80 : i32
            %add3A_355 = vector.broadcast %add3A_354 : i32 to vector<16xi32>
            %add3A_356 = arith.addi %iota3A, %add3A_355 : vector<16xi32>
            %gather3A_357 = tpu.vector_load_idx %arg17[%broadcast_in_dim3A_299, %add3A_356] : memref<128x128xf32, #tpu.memory_space<vmem>>[vector<16xi32>, vector<16xi32>], vector<16xf32>,
            %add3A_358 = arith.constant 96 : i32
            %add3A_359 = vector.broadcast %add3A_358 : i32 to vector<16xi32>
            %add3A_360 = arith.addi %iota3A, %add3A_359 : vector<16xi32>
            %gather3A_361 = tpu.vector_load_idx %arg17[%broadcast_in_dim3A_299, %add3A_360] : memref<128x128xf32, #tpu.memory_space<vmem>>[vector<16xi32>, vector<16xi32>], vector<16xf32>,
            %mul3A_362 = arith.mulf %gather3A_337, %gather3A_302 : vector<16xf32>
            tpu.vector_store_idx %arg8[%sub3A_301, %iota3A], %mul3A_362 {add = true} : memref<80x256xf32, #tpu.memory_space<vmem>>[vector<16xi32>, vector<16xi32>], vector<16xf32>,
            %mul3A_363 = arith.mulf %gather3A_341, %gather3A_306 : vector<16xf32>
            tpu.vector_store_idx %arg8[%sub3A_301, %add3A_4], %mul3A_363 {add = true} : memref<80x256xf32, #tpu.memory_space<vmem>>[vector<16xi32>, vector<16xi32>], vector<16xf32>,
            %mul3A_364 = arith.mulf %gather3A_313, %gather3A_330 : vector<16xf32>
            %mul3A_365 = arith.mulf %gather3A_320, %gather3A_333 : vector<16xf32>
            %add3A_366 = arith.addf %mul3A_364, %mul3A_365 : vector<16xf32>
            %mul3A_367 = arith.mulf %gather3A_327, %gather3A_336 : vector<16xf32>
            %add3A_368 = arith.addf %add3A_366, %mul3A_367 : vector<16xf32>
            %mul3A_369 = arith.mulf %gather3A_345, %add3A_368 : vector<16xf32>
            tpu.vector_store_idx %arg8[%sub3A_301, %add3A_7], %mul3A_369 {add = true} : memref<80x256xf32, #tpu.memory_space<vmem>>[vector<16xi32>, vector<16xi32>], vector<16xf32>,
            %mul3A_370 = arith.mulf %gather3A_349, %gather3A_302 : vector<16xf32>
            %mul3A_371 = arith.mulf %gather3A_353, %gather3A_306 : vector<16xf32>
            %mul3A_372 = arith.mulf %mul3A_370, %gather3A_330 : vector<16xf32>
            tpu.vector_store_idx %arg8[%sub3A_301, %add3A_13], %mul3A_372 {add = true} : memref<80x256xf32, #tpu.memory_space<vmem>>[vector<16xi32>, vector<16xi32>], vector<16xf32>,
            %mul3A_373 = arith.mulf %mul3A_371, %gather3A_330 : vector<16xf32>
            tpu.vector_store_idx %arg8[%sub3A_301, %add3A_31], %mul3A_373 {add = true} : memref<80x256xf32, #tpu.memory_space<vmem>>[vector<16xi32>, vector<16xi32>], vector<16xf32>,
            %mul3A_374 = arith.mulf %mul3A_370, %gather3A_333 : vector<16xf32>
            tpu.vector_store_idx %arg8[%sub3A_301, %add3A_19], %mul3A_374 {add = true} : memref<80x256xf32, #tpu.memory_space<vmem>>[vector<16xi32>, vector<16xi32>], vector<16xf32>,
            %mul3A_375 = arith.mulf %mul3A_371, %gather3A_333 : vector<16xf32>
            tpu.vector_store_idx %arg8[%sub3A_301, %add3A_37], %mul3A_375 {add = true} : memref<80x256xf32, #tpu.memory_space<vmem>>[vector<16xi32>, vector<16xi32>], vector<16xf32>,
            %mul3A_376 = arith.mulf %mul3A_370, %gather3A_336 : vector<16xf32>
            tpu.vector_store_idx %arg8[%sub3A_301, %add3A_25], %mul3A_376 {add = true} : memref<80x256xf32, #tpu.memory_space<vmem>>[vector<16xi32>, vector<16xi32>], vector<16xf32>,
            %mul3A_377 = arith.mulf %mul3A_371, %gather3A_336 : vector<16xf32>
            tpu.vector_store_idx %arg8[%sub3A_301, %add3A_43], %mul3A_377 {add = true} : memref<80x256xf32, #tpu.memory_space<vmem>>[vector<16xi32>, vector<16xi32>], vector<16xf32>,
            %mul3A_378 = arith.mulf %gather3A_357, %gather3A_313 : vector<16xf32>
            tpu.vector_store_idx %arg8[%sub3A_301, %add3A_49], %mul3A_378 {add = true} : memref<80x256xf32, #tpu.memory_space<vmem>>[vector<16xi32>, vector<16xi32>], vector<16xf32>,
            %mul3A_379 = arith.mulf %gather3A_357, %gather3A_320 : vector<16xf32>
            tpu.vector_store_idx %arg8[%sub3A_301, %add3A_55], %mul3A_379 {add = true} : memref<80x256xf32, #tpu.memory_space<vmem>>[vector<16xi32>, vector<16xi32>], vector<16xf32>,
            %mul3A_380 = arith.mulf %gather3A_357, %gather3A_327 : vector<16xf32>
            tpu.vector_store_idx %arg8[%sub3A_301, %add3A_61], %mul3A_380 {add = true} : memref<80x256xf32, #tpu.memory_space<vmem>>[vector<16xi32>, vector<16xi32>], vector<16xf32>,
            %mul3A_381 = arith.mulf %gather3A_320, %gather3A_336 : vector<16xf32>
            %mul3A_382 = arith.mulf %gather3A_327, %gather3A_333 : vector<16xf32>
            %sub3A_383 = arith.subf %mul3A_381, %mul3A_382 : vector<16xf32>
            %mul3A_384 = arith.mulf %gather3A_327, %gather3A_330 : vector<16xf32>
            %mul3A_385 = arith.mulf %gather3A_313, %gather3A_336 : vector<16xf32>
            %sub3A_386 = arith.subf %mul3A_384, %mul3A_385 : vector<16xf32>
            %mul3A_387 = arith.mulf %gather3A_313, %gather3A_333 : vector<16xf32>
            %mul3A_388 = arith.mulf %gather3A_320, %gather3A_330 : vector<16xf32>
            %sub3A_389 = arith.subf %mul3A_387, %mul3A_388 : vector<16xf32>
            %mul3A_390 = arith.mulf %gather3A_361, %sub3A_383 : vector<16xf32>
            tpu.vector_store_idx %arg8[%sub3A_301, %add3A_67], %mul3A_390 {add = true} : memref<80x256xf32, #tpu.memory_space<vmem>>[vector<16xi32>, vector<16xi32>], vector<16xf32>,
            %mul3A_391 = arith.mulf %gather3A_361, %sub3A_386 : vector<16xf32>
            tpu.vector_store_idx %arg8[%sub3A_301, %add3A_73], %mul3A_391 {add = true} : memref<80x256xf32, #tpu.memory_space<vmem>>[vector<16xi32>, vector<16xi32>], vector<16xf32>,
            %mul3A_392 = arith.mulf %gather3A_361, %sub3A_389 : vector<16xf32>
            tpu.vector_store_idx %arg8[%sub3A_301, %add3A_79], %mul3A_392 {add = true} : memref<80x256xf32, #tpu.memory_space<vmem>>[vector<16xi32>, vector<16xi32>], vector<16xf32>,
          }
          %while3A_297 = arith.constant 1 : i32
          scf.for %while3A_298 = %while3A_295 to %while3A_291 step %while3A_297  : i32 {
            %broadcast_in_dim3A_299 = vector.broadcast %while3A_298 : i32 to vector<16xi32>
            %gather3A = tpu.vector_load_idx %arg11[%broadcast_in_dim3A_299] : memref<128xi32, #tpu.memory_space<vmem>>[vector<16xi32>], vector<16xi32>,
            %sub3A_300 = vector.broadcast %mul3A_119 : i32 to vector<16xi32>
            %sub3A_301 = arith.subi %gather3A, %sub3A_300 : vector<16xi32>
            %gather3A_302 = tpu.vector_load_idx %arg20[%broadcast_in_dim3A_299, %iota3A] : memref<128x128xf32, #tpu.memory_space<vmem>>[vector<16xi32>, vector<16xi32>], vector<16xf32>,
            %add3A_303 = arith.constant 16 : i32
            %add3A_304 = vector.broadcast %add3A_303 : i32 to vector<16xi32>
            %add3A_305 = arith.addi %iota3A, %add3A_304 : vector<16xi32>
            %gather3A_306 = tpu.vector_load_idx %arg20[%broadcast_in_dim3A_299, %add3A_305] : memref<128x128xf32, #tpu.memory_space<vmem>>[vector<16xi32>, vector<16xi32>], vector<16xf32>,
            %mul3A_307 = arith.constant 3 : i32
            %mul3A_308 = vector.broadcast %mul3A_307 : i32 to vector<16xi32>
            %mul3A_309 = arith.muli %mul3A_308, %iota3A : vector<16xi32>
            %add3A_310 = arith.constant 32 : i32
            %add3A_311 = vector.broadcast %add3A_310 : i32 to vector<16xi32>
            %add3A_312 = arith.addi %mul3A_309, %add3A_311 : vector<16xi32>
            %gather3A_313 = tpu.vector_load_idx %arg20[%broadcast_in_dim3A_299, %add3A_312] : memref<128x128xf32, #tpu.memory_space<vmem>>[vector<16xi32>, vector<16xi32>], vector<16xf32>,
            %mul3A_314 = arith.constant 3 : i32
            %mul3A_315 = vector.broadcast %mul3A_314 : i32 to vector<16xi32>
            %mul3A_316 = arith.muli %mul3A_315, %iota3A : vector<16xi32>
            %add3A_317 = arith.constant 33 : i32
            %add3A_318 = vector.broadcast %add3A_317 : i32 to vector<16xi32>
            %add3A_319 = arith.addi %mul3A_316, %add3A_318 : vector<16xi32>
            %gather3A_320 = tpu.vector_load_idx %arg20[%broadcast_in_dim3A_299, %add3A_319] : memref<128x128xf32, #tpu.memory_space<vmem>>[vector<16xi32>, vector<16xi32>], vector<16xf32>,
            %mul3A_321 = arith.constant 3 : i32
            %mul3A_322 = vector.broadcast %mul3A_321 : i32 to vector<16xi32>
            %mul3A_323 = arith.muli %mul3A_322, %iota3A : vector<16xi32>
            %add3A_324 = arith.constant 34 : i32
            %add3A_325 = vector.broadcast %add3A_324 : i32 to vector<16xi32>
            %add3A_326 = arith.addi %mul3A_323, %add3A_325 : vector<16xi32>
            %gather3A_327 = tpu.vector_load_idx %arg20[%broadcast_in_dim3A_299, %add3A_326] : memref<128x128xf32, #tpu.memory_space<vmem>>[vector<16xi32>, vector<16xi32>], vector<16xf32>,
            %broadcast_in_dim3A_328 = arith.constant 112 : i32
            %broadcast_in_dim3A_329 = vector.broadcast %broadcast_in_dim3A_328 : i32 to vector<16xi32>
            %gather3A_330 = tpu.vector_load_idx %arg17[%broadcast_in_dim3A_299, %broadcast_in_dim3A_329] : memref<128x128xf32, #tpu.memory_space<vmem>>[vector<16xi32>, vector<16xi32>], vector<16xf32>,
            %broadcast_in_dim3A_331 = arith.constant 113 : i32
            %broadcast_in_dim3A_332 = vector.broadcast %broadcast_in_dim3A_331 : i32 to vector<16xi32>
            %gather3A_333 = tpu.vector_load_idx %arg17[%broadcast_in_dim3A_299, %broadcast_in_dim3A_332] : memref<128x128xf32, #tpu.memory_space<vmem>>[vector<16xi32>, vector<16xi32>], vector<16xf32>,
            %broadcast_in_dim3A_334 = arith.constant 114 : i32
            %broadcast_in_dim3A_335 = vector.broadcast %broadcast_in_dim3A_334 : i32 to vector<16xi32>
            %gather3A_336 = tpu.vector_load_idx %arg17[%broadcast_in_dim3A_299, %broadcast_in_dim3A_335] : memref<128x128xf32, #tpu.memory_space<vmem>>[vector<16xi32>, vector<16xi32>], vector<16xf32>,
            %gather3A_337 = tpu.vector_load_idx %arg17[%broadcast_in_dim3A_299, %iota3A] : memref<128x128xf32, #tpu.memory_space<vmem>>[vector<16xi32>, vector<16xi32>], vector<16xf32>,
            %add3A_338 = arith.constant 16 : i32
            %add3A_339 = vector.broadcast %add3A_338 : i32 to vector<16xi32>
            %add3A_340 = arith.addi %iota3A, %add3A_339 : vector<16xi32>
            %gather3A_341 = tpu.vector_load_idx %arg17[%broadcast_in_dim3A_299, %add3A_340] : memref<128x128xf32, #tpu.memory_space<vmem>>[vector<16xi32>, vector<16xi32>], vector<16xf32>,
            %add3A_342 = arith.constant 32 : i32
            %add3A_343 = vector.broadcast %add3A_342 : i32 to vector<16xi32>
            %add3A_344 = arith.addi %iota3A, %add3A_343 : vector<16xi32>
            %gather3A_345 = tpu.vector_load_idx %arg17[%broadcast_in_dim3A_299, %add3A_344] : memref<128x128xf32, #tpu.memory_space<vmem>>[vector<16xi32>, vector<16xi32>], vector<16xf32>,
            %add3A_346 = arith.constant 48 : i32
            %add3A_347 = vector.broadcast %add3A_346 : i32 to vector<16xi32>
            %add3A_348 = arith.addi %iota3A, %add3A_347 : vector<16xi32>
            %gather3A_349 = tpu.vector_load_idx %arg17[%broadcast_in_dim3A_299, %add3A_348] : memref<128x128xf32, #tpu.memory_space<vmem>>[vector<16xi32>, vector<16xi32>], vector<16xf32>,
            %add3A_350 = arith.constant 64 : i32
            %add3A_351 = vector.broadcast %add3A_350 : i32 to vector<16xi32>
            %add3A_352 = arith.addi %iota3A, %add3A_351 : vector<16xi32>
            %gather3A_353 = tpu.vector_load_idx %arg17[%broadcast_in_dim3A_299, %add3A_352] : memref<128x128xf32, #tpu.memory_space<vmem>>[vector<16xi32>, vector<16xi32>], vector<16xf32>,
            %add3A_354 = arith.constant 80 : i32
            %add3A_355 = vector.broadcast %add3A_354 : i32 to vector<16xi32>
            %add3A_356 = arith.addi %iota3A, %add3A_355 : vector<16xi32>
            %gather3A_357 = tpu.vector_load_idx %arg17[%broadcast_in_dim3A_299, %add3A_356] : memref<128x128xf32, #tpu.memory_space<vmem>>[vector<16xi32>, vector<16xi32>], vector<16xf32>,
            %add3A_358 = arith.constant 96 : i32
            %add3A_359 = vector.broadcast %add3A_358 : i32 to vector<16xi32>
            %add3A_360 = arith.addi %iota3A, %add3A_359 : vector<16xi32>
            %gather3A_361 = tpu.vector_load_idx %arg17[%broadcast_in_dim3A_299, %add3A_360] : memref<128x128xf32, #tpu.memory_space<vmem>>[vector<16xi32>, vector<16xi32>], vector<16xf32>,
            %mul3A_362 = arith.mulf %gather3A_337, %gather3A_302 : vector<16xf32>
            tpu.vector_store_idx %arg8[%sub3A_301, %iota3A], %mul3A_362 {add = true} : memref<80x256xf32, #tpu.memory_space<vmem>>[vector<16xi32>, vector<16xi32>], vector<16xf32>,
            %mul3A_363 = arith.mulf %gather3A_341, %gather3A_306 : vector<16xf32>
            tpu.vector_store_idx %arg8[%sub3A_301, %add3A_4], %mul3A_363 {add = true} : memref<80x256xf32, #tpu.memory_space<vmem>>[vector<16xi32>, vector<16xi32>], vector<16xf32>,
            %mul3A_364 = arith.mulf %gather3A_313, %gather3A_330 : vector<16xf32>
            %mul3A_365 = arith.mulf %gather3A_320, %gather3A_333 : vector<16xf32>
            %add3A_366 = arith.addf %mul3A_364, %mul3A_365 : vector<16xf32>
            %mul3A_367 = arith.mulf %gather3A_327, %gather3A_336 : vector<16xf32>
            %add3A_368 = arith.addf %add3A_366, %mul3A_367 : vector<16xf32>
            %mul3A_369 = arith.mulf %gather3A_345, %add3A_368 : vector<16xf32>
            tpu.vector_store_idx %arg8[%sub3A_301, %add3A_7], %mul3A_369 {add = true} : memref<80x256xf32, #tpu.memory_space<vmem>>[vector<16xi32>, vector<16xi32>], vector<16xf32>,
            %mul3A_370 = arith.mulf %gather3A_349, %gather3A_302 : vector<16xf32>
            %mul3A_371 = arith.mulf %gather3A_353, %gather3A_306 : vector<16xf32>
            %mul3A_372 = arith.mulf %mul3A_370, %gather3A_330 : vector<16xf32>
            tpu.vector_store_idx %arg8[%sub3A_301, %add3A_13], %mul3A_372 {add = true} : memref<80x256xf32, #tpu.memory_space<vmem>>[vector<16xi32>, vector<16xi32>], vector<16xf32>,
            %mul3A_373 = arith.mulf %mul3A_371, %gather3A_330 : vector<16xf32>
            tpu.vector_store_idx %arg8[%sub3A_301, %add3A_31], %mul3A_373 {add = true} : memref<80x256xf32, #tpu.memory_space<vmem>>[vector<16xi32>, vector<16xi32>], vector<16xf32>,
            %mul3A_374 = arith.mulf %mul3A_370, %gather3A_333 : vector<16xf32>
            tpu.vector_store_idx %arg8[%sub3A_301, %add3A_19], %mul3A_374 {add = true} : memref<80x256xf32, #tpu.memory_space<vmem>>[vector<16xi32>, vector<16xi32>], vector<16xf32>,
            %mul3A_375 = arith.mulf %mul3A_371, %gather3A_333 : vector<16xf32>
            tpu.vector_store_idx %arg8[%sub3A_301, %add3A_37], %mul3A_375 {add = true} : memref<80x256xf32, #tpu.memory_space<vmem>>[vector<16xi32>, vector<16xi32>], vector<16xf32>,
            %mul3A_376 = arith.mulf %mul3A_370, %gather3A_336 : vector<16xf32>
            tpu.vector_store_idx %arg8[%sub3A_301, %add3A_25], %mul3A_376 {add = true} : memref<80x256xf32, #tpu.memory_space<vmem>>[vector<16xi32>, vector<16xi32>], vector<16xf32>,
            %mul3A_377 = arith.mulf %mul3A_371, %gather3A_336 : vector<16xf32>
            tpu.vector_store_idx %arg8[%sub3A_301, %add3A_43], %mul3A_377 {add = true} : memref<80x256xf32, #tpu.memory_space<vmem>>[vector<16xi32>, vector<16xi32>], vector<16xf32>,
            %mul3A_378 = arith.mulf %gather3A_357, %gather3A_313 : vector<16xf32>
            tpu.vector_store_idx %arg8[%sub3A_301, %add3A_49], %mul3A_378 {add = true} : memref<80x256xf32, #tpu.memory_space<vmem>>[vector<16xi32>, vector<16xi32>], vector<16xf32>,
            %mul3A_379 = arith.mulf %gather3A_357, %gather3A_320 : vector<16xf32>
            tpu.vector_store_idx %arg8[%sub3A_301, %add3A_55], %mul3A_379 {add = true} : memref<80x256xf32, #tpu.memory_space<vmem>>[vector<16xi32>, vector<16xi32>], vector<16xf32>,
            %mul3A_380 = arith.mulf %gather3A_357, %gather3A_327 : vector<16xf32>
            tpu.vector_store_idx %arg8[%sub3A_301, %add3A_61], %mul3A_380 {add = true} : memref<80x256xf32, #tpu.memory_space<vmem>>[vector<16xi32>, vector<16xi32>], vector<16xf32>,
            %mul3A_381 = arith.mulf %gather3A_320, %gather3A_336 : vector<16xf32>
            %mul3A_382 = arith.mulf %gather3A_327, %gather3A_333 : vector<16xf32>
            %sub3A_383 = arith.subf %mul3A_381, %mul3A_382 : vector<16xf32>
            %mul3A_384 = arith.mulf %gather3A_327, %gather3A_330 : vector<16xf32>
            %mul3A_385 = arith.mulf %gather3A_313, %gather3A_336 : vector<16xf32>
            %sub3A_386 = arith.subf %mul3A_384, %mul3A_385 : vector<16xf32>
            %mul3A_387 = arith.mulf %gather3A_313, %gather3A_333 : vector<16xf32>
            %mul3A_388 = arith.mulf %gather3A_320, %gather3A_330 : vector<16xf32>
            %sub3A_389 = arith.subf %mul3A_387, %mul3A_388 : vector<16xf32>
            %mul3A_390 = arith.mulf %gather3A_361, %sub3A_383 : vector<16xf32>
            tpu.vector_store_idx %arg8[%sub3A_301, %add3A_67], %mul3A_390 {add = true} : memref<80x256xf32, #tpu.memory_space<vmem>>[vector<16xi32>, vector<16xi32>], vector<16xf32>,
            %mul3A_391 = arith.mulf %gather3A_361, %sub3A_386 : vector<16xf32>
            tpu.vector_store_idx %arg8[%sub3A_301, %add3A_73], %mul3A_391 {add = true} : memref<80x256xf32, #tpu.memory_space<vmem>>[vector<16xi32>, vector<16xi32>], vector<16xf32>,
            %mul3A_392 = arith.mulf %gather3A_361, %sub3A_389 : vector<16xf32>
            tpu.vector_store_idx %arg8[%sub3A_301, %add3A_79], %mul3A_392 {add = true} : memref<80x256xf32, #tpu.memory_space<vmem>>[vector<16xi32>, vector<16xi32>], vector<16xf32>,
          }
        } else {
        }
        %while3A_260 = arith.constant 0 : i32
        scf.yield %while3A_260 : i32
      }
      %while3A_232 = arith.constant 1 : i32
      %while3A_233 = scf.for %while3A_235 = %while3A_229 to %while3A_225 step %while3A_232 iter_args(%while3A_236 = %while3A_231) -> (i32)  : i32 {
        %mul3A_237 = arith.constant 3 : i32
        %mul3A_238 = arith.muli %mul3A_237, %while3A_235 : i32
        %add3A_239 = arith.constant 0 : i32
        %add3A_240 = arith.addi %mul3A_238, %add3A_239 : i32
        %lt3A = arith.cmpi slt, %add3A_240, %select_n3A_177 : i32
        %convert_element_type3A_241 = arith.extui %lt3A : i1 to i32
        %cond3A_242 = arith.constant 0 : i32
        %cond3A_243 = arith.cmpi ne, %convert_element_type3A_241, %cond3A_242 : i32
        scf.if %cond3A_243 {
          %add3A_261 = arith.constant 1 : i32
          %add3A_262 = arith.addi %add3A_240, %add3A_261 : i32
          %lt3A_263 = arith.cmpi slt, %add3A_262, %select_n3A_177 : i32
          %convert_element_type3A_264 = arith.extui %lt3A_263 : i1 to i32
          %cond3A_265 = arith.constant 0 : i32
          %cond3A_266 = arith.cmpi ne, %convert_element_type3A_264, %cond3A_265 : i32
          scf.if %cond3A_266 {
            %add3A_298 = arith.constant 1 : i32
            %add3A_299 = arith.addi %add3A_240, %add3A_298 : i32
            %mul3A_300 = arith.constant 128 : i32
            %mul3A_301 = arith.muli %add3A_299, %mul3A_300 : i32
            %add3A_302 = arith.addi %mul3A_148, %mul3A_301 : i32
            %min3A_303 = arith.constant 799872 : i32
            %min3A_304 = arith.minsi %add3A_302, %min3A_303 : i32
            %dma_wait3A_305 = arith.constant 1 : i32
            %dma_wait3A_306 = tpu.memref_slice %arg3[%min3A_304] : memref<800000xi32, #tpu.memory_space<hbm>> -> memref<128xi32, #tpu.memory_space<hbm>>
            %dma_wait3A_307 = tpu.memref_slice %arg22[%dma_wait3A_305] : memref<3x!tpu.dma_semaphore, #tpu.memory_space<semaphore_mem>> -> memref<1x!tpu.dma_semaphore, #tpu.memory_space<semaphore_mem>>
            %dma_wait3A_308 = tpu.memref_squeeze %dma_wait3A_307 : memref<1x!tpu.dma_semaphore, #tpu.memory_space<semaphore_mem>> -> memref<!tpu.dma_semaphore, #tpu.memory_space<semaphore_mem>>
            %dma_wait3A_309 = tpu.memref_slice %arg3[%min3A_304] : memref<800000xi32, #tpu.memory_space<hbm>> -> memref<128xi32, #tpu.memory_space<hbm>>
            tpu.wait_dma2 semaphore(%dma_wait3A_308 : memref<!tpu.dma_semaphore, #tpu.memory_space<semaphore_mem>>) src(%dma_wait3A_309 : memref<128xi32, #tpu.memory_space<hbm>>) dst(%arg10 : memref<128xi32, #tpu.memory_space<vmem>>)
            %dma_wait3A_310 = arith.constant 1 : i32
            %dma_wait3A_311 = tpu.memref_slice %arg4[%min3A_304] : memref<800000xi32, #tpu.memory_space<hbm>> -> memref<128xi32, #tpu.memory_space<hbm>>
            %dma_wait3A_312 = tpu.memref_slice %arg22[%dma_wait3A_310] : memref<3x!tpu.dma_semaphore, #tpu.memory_space<semaphore_mem>> -> memref<1x!tpu.dma_semaphore, #tpu.memory_space<semaphore_mem>>
            %dma_wait3A_313 = tpu.memref_squeeze %dma_wait3A_312 : memref<1x!tpu.dma_semaphore, #tpu.memory_space<semaphore_mem>> -> memref<!tpu.dma_semaphore, #tpu.memory_space<semaphore_mem>>
            %dma_wait3A_314 = tpu.memref_slice %arg4[%min3A_304] : memref<800000xi32, #tpu.memory_space<hbm>> -> memref<128xi32, #tpu.memory_space<hbm>>
            tpu.wait_dma2 semaphore(%dma_wait3A_313 : memref<!tpu.dma_semaphore, #tpu.memory_space<semaphore_mem>>) src(%dma_wait3A_314 : memref<128xi32, #tpu.memory_space<hbm>>) dst(%arg13 : memref<128xi32, #tpu.memory_space<vmem>>)
            %dma_wait3A_315 = arith.constant 1 : i32
            %dma_wait3A_316 = arith.constant 0 : i32
            %dma_wait3A_317 = tpu.memref_slice %arg5[%min3A_304, %dma_wait3A_316] : memref<800000x128xf32, #tpu.memory_space<hbm>> -> memref<128x128xf32, #tpu.memory_space<hbm>>
            %dma_wait3A_318 = tpu.memref_slice %arg22[%dma_wait3A_315] : memref<3x!tpu.dma_semaphore, #tpu.memory_space<semaphore_mem>> -> memref<1x!tpu.dma_semaphore, #tpu.memory_space<semaphore_mem>>
            %dma_wait3A_319 = tpu.memref_squeeze %dma_wait3A_318 : memref<1x!tpu.dma_semaphore, #tpu.memory_space<semaphore_mem>> -> memref<!tpu.dma_semaphore, #tpu.memory_space<semaphore_mem>>
            %dma_wait3A_320 = arith.constant 0 : i32
            %dma_wait3A_321 = tpu.memref_slice %arg5[%min3A_304, %dma_wait3A_320] : memref<800000x128xf32, #tpu.memory_space<hbm>> -> memref<128x128xf32, #tpu.memory_space<hbm>>
            tpu.wait_dma2 semaphore(%dma_wait3A_319 : memref<!tpu.dma_semaphore, #tpu.memory_space<semaphore_mem>>) src(%dma_wait3A_321 : memref<128x128xf32, #tpu.memory_space<hbm>>) dst(%arg16 : memref<128x128xf32, #tpu.memory_space<vmem>>)
            %dma_start3A = arith.constant 1 : i32
            %dma_start3A_322 = arith.constant 0 : i32
            %dma_start3A_323 = arith.constant 0 : i32
            %dma_start3A_324 = tpu.memref_slice %arg2[%dma_start3A_322, %dma_start3A_323] : memref<51200x128xf32, #tpu.memory_space<hbm>> -> memref<51200x128xf32, #tpu.memory_space<hbm>>
            %dma_start3A_325 = tpu.memref_slice %arg23[%dma_start3A] : memref<3x!tpu.dma_semaphore, #tpu.memory_space<semaphore_mem>> -> memref<1x!tpu.dma_semaphore, #tpu.memory_space<semaphore_mem>>
            %dma_start3A_326 = tpu.memref_squeeze %dma_start3A_325 : memref<1x!tpu.dma_semaphore, #tpu.memory_space<semaphore_mem>> -> memref<!tpu.dma_semaphore, #tpu.memory_space<semaphore_mem>>
            tpu.enqueue_indirect_dma source(%dma_start3A_324 : memref<51200x128xf32, #tpu.memory_space<hbm>>) target(%arg19 : memref<128x128xf32, #tpu.memory_space<vmem>>) offsets(%arg13 : memref<128xi32, #tpu.memory_space<vmem>>) semaphore(%dma_start3A_326 : memref<!tpu.dma_semaphore, #tpu.memory_space<semaphore_mem>>)
          } else {
          }
          %add3A_267 = arith.constant 2 : i32
          %add3A_268 = arith.addi %add3A_240, %add3A_267 : i32
          %lt3A_269 = arith.cmpi slt, %add3A_268, %select_n3A_177 : i32
          %convert_element_type3A_270 = arith.extui %lt3A_269 : i1 to i32
          %cond3A_271 = arith.constant 0 : i32
          %cond3A_272 = arith.cmpi ne, %convert_element_type3A_270, %cond3A_271 : i32
          scf.if %cond3A_272 {
            %add3A_298 = arith.constant 2 : i32
            %add3A_299 = arith.addi %add3A_240, %add3A_298 : i32
            %mul3A_300 = arith.constant 128 : i32
            %mul3A_301 = arith.muli %add3A_299, %mul3A_300 : i32
            %add3A_302 = arith.addi %mul3A_148, %mul3A_301 : i32
            %min3A_303 = arith.constant 799872 : i32
            %min3A_304 = arith.minsi %add3A_302, %min3A_303 : i32
            %dma_start3A = arith.constant 2 : i32
            %dma_start3A_305 = tpu.memref_slice %arg3[%min3A_304] : memref<800000xi32, #tpu.memory_space<hbm>> -> memref<128xi32, #tpu.memory_space<hbm>>
            %dma_start3A_306 = tpu.memref_slice %arg22[%dma_start3A] : memref<3x!tpu.dma_semaphore, #tpu.memory_space<semaphore_mem>> -> memref<1x!tpu.dma_semaphore, #tpu.memory_space<semaphore_mem>>
            %dma_start3A_307 = tpu.memref_squeeze %dma_start3A_306 : memref<1x!tpu.dma_semaphore, #tpu.memory_space<semaphore_mem>> -> memref<!tpu.dma_semaphore, #tpu.memory_space<semaphore_mem>>
            %dma_start3A_308 = tpu.memref_slice %arg3[%min3A_304] : memref<800000xi32, #tpu.memory_space<hbm>> -> memref<128xi32, #tpu.memory_space<hbm>>
            tpu.enqueue_dma source(%dma_start3A_308 : memref<128xi32, #tpu.memory_space<hbm>>) target(%arg11 : memref<128xi32, #tpu.memory_space<vmem>>) target_semaphore(%dma_start3A_307 : memref<!tpu.dma_semaphore, #tpu.memory_space<semaphore_mem>>)
            %dma_start3A_309 = arith.constant 2 : i32
            %dma_start3A_310 = tpu.memref_slice %arg4[%min3A_304] : memref<800000xi32, #tpu.memory_space<hbm>> -> memref<128xi32, #tpu.memory_space<hbm>>
            %dma_start3A_311 = tpu.memref_slice %arg22[%dma_start3A_309] : memref<3x!tpu.dma_semaphore, #tpu.memory_space<semaphore_mem>> -> memref<1x!tpu.dma_semaphore, #tpu.memory_space<semaphore_mem>>
            %dma_start3A_312 = tpu.memref_squeeze %dma_start3A_311 : memref<1x!tpu.dma_semaphore, #tpu.memory_space<semaphore_mem>> -> memref<!tpu.dma_semaphore, #tpu.memory_space<semaphore_mem>>
            %dma_start3A_313 = tpu.memref_slice %arg4[%min3A_304] : memref<800000xi32, #tpu.memory_space<hbm>> -> memref<128xi32, #tpu.memory_space<hbm>>
            tpu.enqueue_dma source(%dma_start3A_313 : memref<128xi32, #tpu.memory_space<hbm>>) target(%arg14 : memref<128xi32, #tpu.memory_space<vmem>>) target_semaphore(%dma_start3A_312 : memref<!tpu.dma_semaphore, #tpu.memory_space<semaphore_mem>>)
            %dma_start3A_314 = arith.constant 2 : i32
            %dma_start3A_315 = arith.constant 0 : i32
            %dma_start3A_316 = tpu.memref_slice %arg5[%min3A_304, %dma_start3A_315] : memref<800000x128xf32, #tpu.memory_space<hbm>> -> memref<128x128xf32, #tpu.memory_space<hbm>>
            %dma_start3A_317 = tpu.memref_slice %arg22[%dma_start3A_314] : memref<3x!tpu.dma_semaphore, #tpu.memory_space<semaphore_mem>> -> memref<1x!tpu.dma_semaphore, #tpu.memory_space<semaphore_mem>>
            %dma_start3A_318 = tpu.memref_squeeze %dma_start3A_317 : memref<1x!tpu.dma_semaphore, #tpu.memory_space<semaphore_mem>> -> memref<!tpu.dma_semaphore, #tpu.memory_space<semaphore_mem>>
            %dma_start3A_319 = arith.constant 0 : i32
            %dma_start3A_320 = tpu.memref_slice %arg5[%min3A_304, %dma_start3A_319] : memref<800000x128xf32, #tpu.memory_space<hbm>> -> memref<128x128xf32, #tpu.memory_space<hbm>>
            tpu.enqueue_dma source(%dma_start3A_320 : memref<128x128xf32, #tpu.memory_space<hbm>>) target(%arg17 : memref<128x128xf32, #tpu.memory_space<vmem>>) target_semaphore(%dma_start3A_318 : memref<!tpu.dma_semaphore, #tpu.memory_space<semaphore_mem>>)
          } else {
          }
          %dma_wait3A = arith.constant 0 : i32
          %dma_wait3A_273 = arith.constant 0 : i32
          %dma_wait3A_274 = arith.constant 0 : i32
          %dma_wait3A_275 = tpu.memref_slice %arg2[%dma_wait3A_273, %dma_wait3A_274] : memref<51200x128xf32, #tpu.memory_space<hbm>> -> memref<51200x128xf32, #tpu.memory_space<hbm>>
          %dma_wait3A_276 = tpu.memref_slice %arg23[%dma_wait3A] : memref<3x!tpu.dma_semaphore, #tpu.memory_space<semaphore_mem>> -> memref<1x!tpu.dma_semaphore, #tpu.memory_space<semaphore_mem>>
          %dma_wait3A_277 = tpu.memref_squeeze %dma_wait3A_276 : memref<1x!tpu.dma_semaphore, #tpu.memory_space<semaphore_mem>> -> memref<!tpu.dma_semaphore, #tpu.memory_space<semaphore_mem>>
          tpu.wait_indirect_dma semaphore(%dma_wait3A_277 : memref<!tpu.dma_semaphore, #tpu.memory_space<semaphore_mem>>) src(%dma_wait3A_275 : memref<51200x128xf32, #tpu.memory_space<hbm>>) dst(%arg18 : memref<128x128xf32, #tpu.memory_space<vmem>>)
          %mul3A_278 = arith.constant 128 : i32
          %mul3A_279 = arith.muli %add3A_240, %mul3A_278 : i32
          %add3A_280 = arith.addi %mul3A_148, %mul3A_279 : i32
          %mul3A_281 = arith.constant 128 : i32
          %mul3A_282 = arith.muli %add3A_240, %mul3A_281 : i32
          %add3A_283 = arith.addi %mul3A_148, %mul3A_282 : i32
          %min3A = arith.constant 799872 : i32
          %min3A_284 = arith.minsi %add3A_283, %min3A : i32
          %max3A = arith.maxsi %squeeze3A, %add3A_280 : i32
          %sub3A_285 = arith.subi %max3A, %min3A_284 : i32
          %add3A_286 = arith.constant 128 : i32
          %add3A_287 = arith.addi %add3A_280, %add3A_286 : i32
          %min3A_288 = arith.minsi %squeeze3A_122, %add3A_287 : i32
          %sub3A_289 = arith.subi %min3A_288, %min3A_284 : i32
          %while3A_290 = arith.subi %sub3A_289, %sub3A_285 : i32
          %while3A_291 = arith.addi %sub3A_285, %while3A_290 : i32
          %while3A_292 = arith.constant 1 : i32
          %while3A_293 = arith.divsi %while3A_290, %while3A_292 : i32
          %while3A_294 = arith.muli %while3A_293, %while3A_292 : i32
          %while3A_295 = arith.addi %sub3A_285, %while3A_294 : i32
          %while3A_296 = arith.constant 1 : i32
          scf.for %while3A_298 = %sub3A_285 to %while3A_295 step %while3A_296  : i32 {
            %broadcast_in_dim3A_299 = vector.broadcast %while3A_298 : i32 to vector<16xi32>
            %gather3A = tpu.vector_load_idx %arg9[%broadcast_in_dim3A_299] : memref<128xi32, #tpu.memory_space<vmem>>[vector<16xi32>], vector<16xi32>,
            %sub3A_300 = vector.broadcast %mul3A_119 : i32 to vector<16xi32>
            %sub3A_301 = arith.subi %gather3A, %sub3A_300 : vector<16xi32>
            %gather3A_302 = tpu.vector_load_idx %arg18[%broadcast_in_dim3A_299, %iota3A] : memref<128x128xf32, #tpu.memory_space<vmem>>[vector<16xi32>, vector<16xi32>], vector<16xf32>,
            %add3A_303 = arith.constant 16 : i32
            %add3A_304 = vector.broadcast %add3A_303 : i32 to vector<16xi32>
            %add3A_305 = arith.addi %iota3A, %add3A_304 : vector<16xi32>
            %gather3A_306 = tpu.vector_load_idx %arg18[%broadcast_in_dim3A_299, %add3A_305] : memref<128x128xf32, #tpu.memory_space<vmem>>[vector<16xi32>, vector<16xi32>], vector<16xf32>,
            %mul3A_307 = arith.constant 3 : i32
            %mul3A_308 = vector.broadcast %mul3A_307 : i32 to vector<16xi32>
            %mul3A_309 = arith.muli %mul3A_308, %iota3A : vector<16xi32>
            %add3A_310 = arith.constant 32 : i32
            %add3A_311 = vector.broadcast %add3A_310 : i32 to vector<16xi32>
            %add3A_312 = arith.addi %mul3A_309, %add3A_311 : vector<16xi32>
            %gather3A_313 = tpu.vector_load_idx %arg18[%broadcast_in_dim3A_299, %add3A_312] : memref<128x128xf32, #tpu.memory_space<vmem>>[vector<16xi32>, vector<16xi32>], vector<16xf32>,
            %mul3A_314 = arith.constant 3 : i32
            %mul3A_315 = vector.broadcast %mul3A_314 : i32 to vector<16xi32>
            %mul3A_316 = arith.muli %mul3A_315, %iota3A : vector<16xi32>
            %add3A_317 = arith.constant 33 : i32
            %add3A_318 = vector.broadcast %add3A_317 : i32 to vector<16xi32>
            %add3A_319 = arith.addi %mul3A_316, %add3A_318 : vector<16xi32>
            %gather3A_320 = tpu.vector_load_idx %arg18[%broadcast_in_dim3A_299, %add3A_319] : memref<128x128xf32, #tpu.memory_space<vmem>>[vector<16xi32>, vector<16xi32>], vector<16xf32>,
            %mul3A_321 = arith.constant 3 : i32
            %mul3A_322 = vector.broadcast %mul3A_321 : i32 to vector<16xi32>
            %mul3A_323 = arith.muli %mul3A_322, %iota3A : vector<16xi32>
            %add3A_324 = arith.constant 34 : i32
            %add3A_325 = vector.broadcast %add3A_324 : i32 to vector<16xi32>
            %add3A_326 = arith.addi %mul3A_323, %add3A_325 : vector<16xi32>
            %gather3A_327 = tpu.vector_load_idx %arg18[%broadcast_in_dim3A_299, %add3A_326] : memref<128x128xf32, #tpu.memory_space<vmem>>[vector<16xi32>, vector<16xi32>], vector<16xf32>,
            %broadcast_in_dim3A_328 = arith.constant 112 : i32
            %broadcast_in_dim3A_329 = vector.broadcast %broadcast_in_dim3A_328 : i32 to vector<16xi32>
            %gather3A_330 = tpu.vector_load_idx %arg15[%broadcast_in_dim3A_299, %broadcast_in_dim3A_329] : memref<128x128xf32, #tpu.memory_space<vmem>>[vector<16xi32>, vector<16xi32>], vector<16xf32>,
            %broadcast_in_dim3A_331 = arith.constant 113 : i32
            %broadcast_in_dim3A_332 = vector.broadcast %broadcast_in_dim3A_331 : i32 to vector<16xi32>
            %gather3A_333 = tpu.vector_load_idx %arg15[%broadcast_in_dim3A_299, %broadcast_in_dim3A_332] : memref<128x128xf32, #tpu.memory_space<vmem>>[vector<16xi32>, vector<16xi32>], vector<16xf32>,
            %broadcast_in_dim3A_334 = arith.constant 114 : i32
            %broadcast_in_dim3A_335 = vector.broadcast %broadcast_in_dim3A_334 : i32 to vector<16xi32>
            %gather3A_336 = tpu.vector_load_idx %arg15[%broadcast_in_dim3A_299, %broadcast_in_dim3A_335] : memref<128x128xf32, #tpu.memory_space<vmem>>[vector<16xi32>, vector<16xi32>], vector<16xf32>,
            %gather3A_337 = tpu.vector_load_idx %arg15[%broadcast_in_dim3A_299, %iota3A] : memref<128x128xf32, #tpu.memory_space<vmem>>[vector<16xi32>, vector<16xi32>], vector<16xf32>,
            %add3A_338 = arith.constant 16 : i32
            %add3A_339 = vector.broadcast %add3A_338 : i32 to vector<16xi32>
            %add3A_340 = arith.addi %iota3A, %add3A_339 : vector<16xi32>
            %gather3A_341 = tpu.vector_load_idx %arg15[%broadcast_in_dim3A_299, %add3A_340] : memref<128x128xf32, #tpu.memory_space<vmem>>[vector<16xi32>, vector<16xi32>], vector<16xf32>,
            %add3A_342 = arith.constant 32 : i32
            %add3A_343 = vector.broadcast %add3A_342 : i32 to vector<16xi32>
            %add3A_344 = arith.addi %iota3A, %add3A_343 : vector<16xi32>
            %gather3A_345 = tpu.vector_load_idx %arg15[%broadcast_in_dim3A_299, %add3A_344] : memref<128x128xf32, #tpu.memory_space<vmem>>[vector<16xi32>, vector<16xi32>], vector<16xf32>,
            %add3A_346 = arith.constant 48 : i32
            %add3A_347 = vector.broadcast %add3A_346 : i32 to vector<16xi32>
            %add3A_348 = arith.addi %iota3A, %add3A_347 : vector<16xi32>
            %gather3A_349 = tpu.vector_load_idx %arg15[%broadcast_in_dim3A_299, %add3A_348] : memref<128x128xf32, #tpu.memory_space<vmem>>[vector<16xi32>, vector<16xi32>], vector<16xf32>,
            %add3A_350 = arith.constant 64 : i32
            %add3A_351 = vector.broadcast %add3A_350 : i32 to vector<16xi32>
            %add3A_352 = arith.addi %iota3A, %add3A_351 : vector<16xi32>
            %gather3A_353 = tpu.vector_load_idx %arg15[%broadcast_in_dim3A_299, %add3A_352] : memref<128x128xf32, #tpu.memory_space<vmem>>[vector<16xi32>, vector<16xi32>], vector<16xf32>,
            %add3A_354 = arith.constant 80 : i32
            %add3A_355 = vector.broadcast %add3A_354 : i32 to vector<16xi32>
            %add3A_356 = arith.addi %iota3A, %add3A_355 : vector<16xi32>
            %gather3A_357 = tpu.vector_load_idx %arg15[%broadcast_in_dim3A_299, %add3A_356] : memref<128x128xf32, #tpu.memory_space<vmem>>[vector<16xi32>, vector<16xi32>], vector<16xf32>,
            %add3A_358 = arith.constant 96 : i32
            %add3A_359 = vector.broadcast %add3A_358 : i32 to vector<16xi32>
            %add3A_360 = arith.addi %iota3A, %add3A_359 : vector<16xi32>
            %gather3A_361 = tpu.vector_load_idx %arg15[%broadcast_in_dim3A_299, %add3A_360] : memref<128x128xf32, #tpu.memory_space<vmem>>[vector<16xi32>, vector<16xi32>], vector<16xf32>,
            %mul3A_362 = arith.mulf %gather3A_337, %gather3A_302 : vector<16xf32>
            tpu.vector_store_idx %arg8[%sub3A_301, %iota3A], %mul3A_362 {add = true} : memref<80x256xf32, #tpu.memory_space<vmem>>[vector<16xi32>, vector<16xi32>], vector<16xf32>,
            %mul3A_363 = arith.mulf %gather3A_341, %gather3A_306 : vector<16xf32>
            tpu.vector_store_idx %arg8[%sub3A_301, %add3A_4], %mul3A_363 {add = true} : memref<80x256xf32, #tpu.memory_space<vmem>>[vector<16xi32>, vector<16xi32>], vector<16xf32>,
            %mul3A_364 = arith.mulf %gather3A_313, %gather3A_330 : vector<16xf32>
            %mul3A_365 = arith.mulf %gather3A_320, %gather3A_333 : vector<16xf32>
            %add3A_366 = arith.addf %mul3A_364, %mul3A_365 : vector<16xf32>
            %mul3A_367 = arith.mulf %gather3A_327, %gather3A_336 : vector<16xf32>
            %add3A_368 = arith.addf %add3A_366, %mul3A_367 : vector<16xf32>
            %mul3A_369 = arith.mulf %gather3A_345, %add3A_368 : vector<16xf32>
            tpu.vector_store_idx %arg8[%sub3A_301, %add3A_7], %mul3A_369 {add = true} : memref<80x256xf32, #tpu.memory_space<vmem>>[vector<16xi32>, vector<16xi32>], vector<16xf32>,
            %mul3A_370 = arith.mulf %gather3A_349, %gather3A_302 : vector<16xf32>
            %mul3A_371 = arith.mulf %gather3A_353, %gather3A_306 : vector<16xf32>
            %mul3A_372 = arith.mulf %mul3A_370, %gather3A_330 : vector<16xf32>
            tpu.vector_store_idx %arg8[%sub3A_301, %add3A_13], %mul3A_372 {add = true} : memref<80x256xf32, #tpu.memory_space<vmem>>[vector<16xi32>, vector<16xi32>], vector<16xf32>,
            %mul3A_373 = arith.mulf %mul3A_371, %gather3A_330 : vector<16xf32>
            tpu.vector_store_idx %arg8[%sub3A_301, %add3A_31], %mul3A_373 {add = true} : memref<80x256xf32, #tpu.memory_space<vmem>>[vector<16xi32>, vector<16xi32>], vector<16xf32>,
            %mul3A_374 = arith.mulf %mul3A_370, %gather3A_333 : vector<16xf32>
            tpu.vector_store_idx %arg8[%sub3A_301, %add3A_19], %mul3A_374 {add = true} : memref<80x256xf32, #tpu.memory_space<vmem>>[vector<16xi32>, vector<16xi32>], vector<16xf32>,
            %mul3A_375 = arith.mulf %mul3A_371, %gather3A_333 : vector<16xf32>
            tpu.vector_store_idx %arg8[%sub3A_301, %add3A_37], %mul3A_375 {add = true} : memref<80x256xf32, #tpu.memory_space<vmem>>[vector<16xi32>, vector<16xi32>], vector<16xf32>,
            %mul3A_376 = arith.mulf %mul3A_370, %gather3A_336 : vector<16xf32>
            tpu.vector_store_idx %arg8[%sub3A_301, %add3A_25], %mul3A_376 {add = true} : memref<80x256xf32, #tpu.memory_space<vmem>>[vector<16xi32>, vector<16xi32>], vector<16xf32>,
            %mul3A_377 = arith.mulf %mul3A_371, %gather3A_336 : vector<16xf32>
            tpu.vector_store_idx %arg8[%sub3A_301, %add3A_43], %mul3A_377 {add = true} : memref<80x256xf32, #tpu.memory_space<vmem>>[vector<16xi32>, vector<16xi32>], vector<16xf32>,
            %mul3A_378 = arith.mulf %gather3A_357, %gather3A_313 : vector<16xf32>
            tpu.vector_store_idx %arg8[%sub3A_301, %add3A_49], %mul3A_378 {add = true} : memref<80x256xf32, #tpu.memory_space<vmem>>[vector<16xi32>, vector<16xi32>], vector<16xf32>,
            %mul3A_379 = arith.mulf %gather3A_357, %gather3A_320 : vector<16xf32>
            tpu.vector_store_idx %arg8[%sub3A_301, %add3A_55], %mul3A_379 {add = true} : memref<80x256xf32, #tpu.memory_space<vmem>>[vector<16xi32>, vector<16xi32>], vector<16xf32>,
            %mul3A_380 = arith.mulf %gather3A_357, %gather3A_327 : vector<16xf32>
            tpu.vector_store_idx %arg8[%sub3A_301, %add3A_61], %mul3A_380 {add = true} : memref<80x256xf32, #tpu.memory_space<vmem>>[vector<16xi32>, vector<16xi32>], vector<16xf32>,
            %mul3A_381 = arith.mulf %gather3A_320, %gather3A_336 : vector<16xf32>
            %mul3A_382 = arith.mulf %gather3A_327, %gather3A_333 : vector<16xf32>
            %sub3A_383 = arith.subf %mul3A_381, %mul3A_382 : vector<16xf32>
            %mul3A_384 = arith.mulf %gather3A_327, %gather3A_330 : vector<16xf32>
            %mul3A_385 = arith.mulf %gather3A_313, %gather3A_336 : vector<16xf32>
            %sub3A_386 = arith.subf %mul3A_384, %mul3A_385 : vector<16xf32>
            %mul3A_387 = arith.mulf %gather3A_313, %gather3A_333 : vector<16xf32>
            %mul3A_388 = arith.mulf %gather3A_320, %gather3A_330 : vector<16xf32>
            %sub3A_389 = arith.subf %mul3A_387, %mul3A_388 : vector<16xf32>
            %mul3A_390 = arith.mulf %gather3A_361, %sub3A_383 : vector<16xf32>
            tpu.vector_store_idx %arg8[%sub3A_301, %add3A_67], %mul3A_390 {add = true} : memref<80x256xf32, #tpu.memory_space<vmem>>[vector<16xi32>, vector<16xi32>], vector<16xf32>,
            %mul3A_391 = arith.mulf %gather3A_361, %sub3A_386 : vector<16xf32>
            tpu.vector_store_idx %arg8[%sub3A_301, %add3A_73], %mul3A_391 {add = true} : memref<80x256xf32, #tpu.memory_space<vmem>>[vector<16xi32>, vector<16xi32>], vector<16xf32>,
            %mul3A_392 = arith.mulf %gather3A_361, %sub3A_389 : vector<16xf32>
            tpu.vector_store_idx %arg8[%sub3A_301, %add3A_79], %mul3A_392 {add = true} : memref<80x256xf32, #tpu.memory_space<vmem>>[vector<16xi32>, vector<16xi32>], vector<16xf32>,
          }
          %while3A_297 = arith.constant 1 : i32
          scf.for %while3A_298 = %while3A_295 to %while3A_291 step %while3A_297  : i32 {
            %broadcast_in_dim3A_299 = vector.broadcast %while3A_298 : i32 to vector<16xi32>
            %gather3A = tpu.vector_load_idx %arg9[%broadcast_in_dim3A_299] : memref<128xi32, #tpu.memory_space<vmem>>[vector<16xi32>], vector<16xi32>,
            %sub3A_300 = vector.broadcast %mul3A_119 : i32 to vector<16xi32>
            %sub3A_301 = arith.subi %gather3A, %sub3A_300 : vector<16xi32>
            %gather3A_302 = tpu.vector_load_idx %arg18[%broadcast_in_dim3A_299, %iota3A] : memref<128x128xf32, #tpu.memory_space<vmem>>[vector<16xi32>, vector<16xi32>], vector<16xf32>,
            %add3A_303 = arith.constant 16 : i32
            %add3A_304 = vector.broadcast %add3A_303 : i32 to vector<16xi32>
            %add3A_305 = arith.addi %iota3A, %add3A_304 : vector<16xi32>
            %gather3A_306 = tpu.vector_load_idx %arg18[%broadcast_in_dim3A_299, %add3A_305] : memref<128x128xf32, #tpu.memory_space<vmem>>[vector<16xi32>, vector<16xi32>], vector<16xf32>,
            %mul3A_307 = arith.constant 3 : i32
            %mul3A_308 = vector.broadcast %mul3A_307 : i32 to vector<16xi32>
            %mul3A_309 = arith.muli %mul3A_308, %iota3A : vector<16xi32>
            %add3A_310 = arith.constant 32 : i32
            %add3A_311 = vector.broadcast %add3A_310 : i32 to vector<16xi32>
            %add3A_312 = arith.addi %mul3A_309, %add3A_311 : vector<16xi32>
            %gather3A_313 = tpu.vector_load_idx %arg18[%broadcast_in_dim3A_299, %add3A_312] : memref<128x128xf32, #tpu.memory_space<vmem>>[vector<16xi32>, vector<16xi32>], vector<16xf32>,
            %mul3A_314 = arith.constant 3 : i32
            %mul3A_315 = vector.broadcast %mul3A_314 : i32 to vector<16xi32>
            %mul3A_316 = arith.muli %mul3A_315, %iota3A : vector<16xi32>
            %add3A_317 = arith.constant 33 : i32
            %add3A_318 = vector.broadcast %add3A_317 : i32 to vector<16xi32>
            %add3A_319 = arith.addi %mul3A_316, %add3A_318 : vector<16xi32>
            %gather3A_320 = tpu.vector_load_idx %arg18[%broadcast_in_dim3A_299, %add3A_319] : memref<128x128xf32, #tpu.memory_space<vmem>>[vector<16xi32>, vector<16xi32>], vector<16xf32>,
            %mul3A_321 = arith.constant 3 : i32
            %mul3A_322 = vector.broadcast %mul3A_321 : i32 to vector<16xi32>
            %mul3A_323 = arith.muli %mul3A_322, %iota3A : vector<16xi32>
            %add3A_324 = arith.constant 34 : i32
            %add3A_325 = vector.broadcast %add3A_324 : i32 to vector<16xi32>
            %add3A_326 = arith.addi %mul3A_323, %add3A_325 : vector<16xi32>
            %gather3A_327 = tpu.vector_load_idx %arg18[%broadcast_in_dim3A_299, %add3A_326] : memref<128x128xf32, #tpu.memory_space<vmem>>[vector<16xi32>, vector<16xi32>], vector<16xf32>,
            %broadcast_in_dim3A_328 = arith.constant 112 : i32
            %broadcast_in_dim3A_329 = vector.broadcast %broadcast_in_dim3A_328 : i32 to vector<16xi32>
            %gather3A_330 = tpu.vector_load_idx %arg15[%broadcast_in_dim3A_299, %broadcast_in_dim3A_329] : memref<128x128xf32, #tpu.memory_space<vmem>>[vector<16xi32>, vector<16xi32>], vector<16xf32>,
            %broadcast_in_dim3A_331 = arith.constant 113 : i32
            %broadcast_in_dim3A_332 = vector.broadcast %broadcast_in_dim3A_331 : i32 to vector<16xi32>
            %gather3A_333 = tpu.vector_load_idx %arg15[%broadcast_in_dim3A_299, %broadcast_in_dim3A_332] : memref<128x128xf32, #tpu.memory_space<vmem>>[vector<16xi32>, vector<16xi32>], vector<16xf32>,
            %broadcast_in_dim3A_334 = arith.constant 114 : i32
            %broadcast_in_dim3A_335 = vector.broadcast %broadcast_in_dim3A_334 : i32 to vector<16xi32>
            %gather3A_336 = tpu.vector_load_idx %arg15[%broadcast_in_dim3A_299, %broadcast_in_dim3A_335] : memref<128x128xf32, #tpu.memory_space<vmem>>[vector<16xi32>, vector<16xi32>], vector<16xf32>,
            %gather3A_337 = tpu.vector_load_idx %arg15[%broadcast_in_dim3A_299, %iota3A] : memref<128x128xf32, #tpu.memory_space<vmem>>[vector<16xi32>, vector<16xi32>], vector<16xf32>,
            %add3A_338 = arith.constant 16 : i32
            %add3A_339 = vector.broadcast %add3A_338 : i32 to vector<16xi32>
            %add3A_340 = arith.addi %iota3A, %add3A_339 : vector<16xi32>
            %gather3A_341 = tpu.vector_load_idx %arg15[%broadcast_in_dim3A_299, %add3A_340] : memref<128x128xf32, #tpu.memory_space<vmem>>[vector<16xi32>, vector<16xi32>], vector<16xf32>,
            %add3A_342 = arith.constant 32 : i32
            %add3A_343 = vector.broadcast %add3A_342 : i32 to vector<16xi32>
            %add3A_344 = arith.addi %iota3A, %add3A_343 : vector<16xi32>
            %gather3A_345 = tpu.vector_load_idx %arg15[%broadcast_in_dim3A_299, %add3A_344] : memref<128x128xf32, #tpu.memory_space<vmem>>[vector<16xi32>, vector<16xi32>], vector<16xf32>,
            %add3A_346 = arith.constant 48 : i32
            %add3A_347 = vector.broadcast %add3A_346 : i32 to vector<16xi32>
            %add3A_348 = arith.addi %iota3A, %add3A_347 : vector<16xi32>
            %gather3A_349 = tpu.vector_load_idx %arg15[%broadcast_in_dim3A_299, %add3A_348] : memref<128x128xf32, #tpu.memory_space<vmem>>[vector<16xi32>, vector<16xi32>], vector<16xf32>,
            %add3A_350 = arith.constant 64 : i32
            %add3A_351 = vector.broadcast %add3A_350 : i32 to vector<16xi32>
            %add3A_352 = arith.addi %iota3A, %add3A_351 : vector<16xi32>
            %gather3A_353 = tpu.vector_load_idx %arg15[%broadcast_in_dim3A_299, %add3A_352] : memref<128x128xf32, #tpu.memory_space<vmem>>[vector<16xi32>, vector<16xi32>], vector<16xf32>,
            %add3A_354 = arith.constant 80 : i32
            %add3A_355 = vector.broadcast %add3A_354 : i32 to vector<16xi32>
            %add3A_356 = arith.addi %iota3A, %add3A_355 : vector<16xi32>
            %gather3A_357 = tpu.vector_load_idx %arg15[%broadcast_in_dim3A_299, %add3A_356] : memref<128x128xf32, #tpu.memory_space<vmem>>[vector<16xi32>, vector<16xi32>], vector<16xf32>,
            %add3A_358 = arith.constant 96 : i32
            %add3A_359 = vector.broadcast %add3A_358 : i32 to vector<16xi32>
            %add3A_360 = arith.addi %iota3A, %add3A_359 : vector<16xi32>
            %gather3A_361 = tpu.vector_load_idx %arg15[%broadcast_in_dim3A_299, %add3A_360] : memref<128x128xf32, #tpu.memory_space<vmem>>[vector<16xi32>, vector<16xi32>], vector<16xf32>,
            %mul3A_362 = arith.mulf %gather3A_337, %gather3A_302 : vector<16xf32>
            tpu.vector_store_idx %arg8[%sub3A_301, %iota3A], %mul3A_362 {add = true} : memref<80x256xf32, #tpu.memory_space<vmem>>[vector<16xi32>, vector<16xi32>], vector<16xf32>,
            %mul3A_363 = arith.mulf %gather3A_341, %gather3A_306 : vector<16xf32>
            tpu.vector_store_idx %arg8[%sub3A_301, %add3A_4], %mul3A_363 {add = true} : memref<80x256xf32, #tpu.memory_space<vmem>>[vector<16xi32>, vector<16xi32>], vector<16xf32>,
            %mul3A_364 = arith.mulf %gather3A_313, %gather3A_330 : vector<16xf32>
            %mul3A_365 = arith.mulf %gather3A_320, %gather3A_333 : vector<16xf32>
            %add3A_366 = arith.addf %mul3A_364, %mul3A_365 : vector<16xf32>
            %mul3A_367 = arith.mulf %gather3A_327, %gather3A_336 : vector<16xf32>
            %add3A_368 = arith.addf %add3A_366, %mul3A_367 : vector<16xf32>
            %mul3A_369 = arith.mulf %gather3A_345, %add3A_368 : vector<16xf32>
            tpu.vector_store_idx %arg8[%sub3A_301, %add3A_7], %mul3A_369 {add = true} : memref<80x256xf32, #tpu.memory_space<vmem>>[vector<16xi32>, vector<16xi32>], vector<16xf32>,
            %mul3A_370 = arith.mulf %gather3A_349, %gather3A_302 : vector<16xf32>
            %mul3A_371 = arith.mulf %gather3A_353, %gather3A_306 : vector<16xf32>
            %mul3A_372 = arith.mulf %mul3A_370, %gather3A_330 : vector<16xf32>
            tpu.vector_store_idx %arg8[%sub3A_301, %add3A_13], %mul3A_372 {add = true} : memref<80x256xf32, #tpu.memory_space<vmem>>[vector<16xi32>, vector<16xi32>], vector<16xf32>,
            %mul3A_373 = arith.mulf %mul3A_371, %gather3A_330 : vector<16xf32>
            tpu.vector_store_idx %arg8[%sub3A_301, %add3A_31], %mul3A_373 {add = true} : memref<80x256xf32, #tpu.memory_space<vmem>>[vector<16xi32>, vector<16xi32>], vector<16xf32>,
            %mul3A_374 = arith.mulf %mul3A_370, %gather3A_333 : vector<16xf32>
            tpu.vector_store_idx %arg8[%sub3A_301, %add3A_19], %mul3A_374 {add = true} : memref<80x256xf32, #tpu.memory_space<vmem>>[vector<16xi32>, vector<16xi32>], vector<16xf32>,
            %mul3A_375 = arith.mulf %mul3A_371, %gather3A_333 : vector<16xf32>
            tpu.vector_store_idx %arg8[%sub3A_301, %add3A_37], %mul3A_375 {add = true} : memref<80x256xf32, #tpu.memory_space<vmem>>[vector<16xi32>, vector<16xi32>], vector<16xf32>,
            %mul3A_376 = arith.mulf %mul3A_370, %gather3A_336 : vector<16xf32>
            tpu.vector_store_idx %arg8[%sub3A_301, %add3A_25], %mul3A_376 {add = true} : memref<80x256xf32, #tpu.memory_space<vmem>>[vector<16xi32>, vector<16xi32>], vector<16xf32>,
            %mul3A_377 = arith.mulf %mul3A_371, %gather3A_336 : vector<16xf32>
            tpu.vector_store_idx %arg8[%sub3A_301, %add3A_43], %mul3A_377 {add = true} : memref<80x256xf32, #tpu.memory_space<vmem>>[vector<16xi32>, vector<16xi32>], vector<16xf32>,
            %mul3A_378 = arith.mulf %gather3A_357, %gather3A_313 : vector<16xf32>
            tpu.vector_store_idx %arg8[%sub3A_301, %add3A_49], %mul3A_378 {add = true} : memref<80x256xf32, #tpu.memory_space<vmem>>[vector<16xi32>, vector<16xi32>], vector<16xf32>,
            %mul3A_379 = arith.mulf %gather3A_357, %gather3A_320 : vector<16xf32>
            tpu.vector_store_idx %arg8[%sub3A_301, %add3A_55], %mul3A_379 {add = true} : memref<80x256xf32, #tpu.memory_space<vmem>>[vector<16xi32>, vector<16xi32>], vector<16xf32>,
            %mul3A_380 = arith.mulf %gather3A_357, %gather3A_327 : vector<16xf32>
            tpu.vector_store_idx %arg8[%sub3A_301, %add3A_61], %mul3A_380 {add = true} : memref<80x256xf32, #tpu.memory_space<vmem>>[vector<16xi32>, vector<16xi32>], vector<16xf32>,
            %mul3A_381 = arith.mulf %gather3A_320, %gather3A_336 : vector<16xf32>
            %mul3A_382 = arith.mulf %gather3A_327, %gather3A_333 : vector<16xf32>
            %sub3A_383 = arith.subf %mul3A_381, %mul3A_382 : vector<16xf32>
            %mul3A_384 = arith.mulf %gather3A_327, %gather3A_330 : vector<16xf32>
            %mul3A_385 = arith.mulf %gather3A_313, %gather3A_336 : vector<16xf32>
            %sub3A_386 = arith.subf %mul3A_384, %mul3A_385 : vector<16xf32>
            %mul3A_387 = arith.mulf %gather3A_313, %gather3A_333 : vector<16xf32>
            %mul3A_388 = arith.mulf %gather3A_320, %gather3A_330 : vector<16xf32>
            %sub3A_389 = arith.subf %mul3A_387, %mul3A_388 : vector<16xf32>
            %mul3A_390 = arith.mulf %gather3A_361, %sub3A_383 : vector<16xf32>
            tpu.vector_store_idx %arg8[%sub3A_301, %add3A_67], %mul3A_390 {add = true} : memref<80x256xf32, #tpu.memory_space<vmem>>[vector<16xi32>, vector<16xi32>], vector<16xf32>,
            %mul3A_391 = arith.mulf %gather3A_361, %sub3A_386 : vector<16xf32>
            tpu.vector_store_idx %arg8[%sub3A_301, %add3A_73], %mul3A_391 {add = true} : memref<80x256xf32, #tpu.memory_space<vmem>>[vector<16xi32>, vector<16xi32>], vector<16xf32>,
            %mul3A_392 = arith.mulf %gather3A_361, %sub3A_389 : vector<16xf32>
            tpu.vector_store_idx %arg8[%sub3A_301, %add3A_79], %mul3A_392 {add = true} : memref<80x256xf32, #tpu.memory_space<vmem>>[vector<16xi32>, vector<16xi32>], vector<16xf32>,
          }
        } else {
        }
        %mul3A_244 = arith.constant 3 : i32
        %mul3A_245 = arith.muli %mul3A_244, %while3A_235 : i32
        %add3A_246 = arith.constant 1 : i32
        %add3A_247 = arith.addi %mul3A_245, %add3A_246 : i32
        %lt3A_248 = arith.cmpi slt, %add3A_247, %select_n3A_177 : i32
        %convert_element_type3A_249 = arith.extui %lt3A_248 : i1 to i32
        %cond3A_250 = arith.constant 0 : i32
        %cond3A_251 = arith.cmpi ne, %convert_element_type3A_249, %cond3A_250 : i32
        scf.if %cond3A_251 {
          %add3A_261 = arith.constant 1 : i32
          %add3A_262 = arith.addi %add3A_247, %add3A_261 : i32
          %lt3A_263 = arith.cmpi slt, %add3A_262, %select_n3A_177 : i32
          %convert_element_type3A_264 = arith.extui %lt3A_263 : i1 to i32
          %cond3A_265 = arith.constant 0 : i32
          %cond3A_266 = arith.cmpi ne, %convert_element_type3A_264, %cond3A_265 : i32
          scf.if %cond3A_266 {
            %add3A_298 = arith.constant 1 : i32
            %add3A_299 = arith.addi %add3A_247, %add3A_298 : i32
            %mul3A_300 = arith.constant 128 : i32
            %mul3A_301 = arith.muli %add3A_299, %mul3A_300 : i32
            %add3A_302 = arith.addi %mul3A_148, %mul3A_301 : i32
            %min3A_303 = arith.constant 799872 : i32
            %min3A_304 = arith.minsi %add3A_302, %min3A_303 : i32
            %dma_wait3A_305 = arith.constant 2 : i32
            %dma_wait3A_306 = tpu.memref_slice %arg3[%min3A_304] : memref<800000xi32, #tpu.memory_space<hbm>> -> memref<128xi32, #tpu.memory_space<hbm>>
            %dma_wait3A_307 = tpu.memref_slice %arg22[%dma_wait3A_305] : memref<3x!tpu.dma_semaphore, #tpu.memory_space<semaphore_mem>> -> memref<1x!tpu.dma_semaphore, #tpu.memory_space<semaphore_mem>>
            %dma_wait3A_308 = tpu.memref_squeeze %dma_wait3A_307 : memref<1x!tpu.dma_semaphore, #tpu.memory_space<semaphore_mem>> -> memref<!tpu.dma_semaphore, #tpu.memory_space<semaphore_mem>>
            %dma_wait3A_309 = tpu.memref_slice %arg3[%min3A_304] : memref<800000xi32, #tpu.memory_space<hbm>> -> memref<128xi32, #tpu.memory_space<hbm>>
            tpu.wait_dma2 semaphore(%dma_wait3A_308 : memref<!tpu.dma_semaphore, #tpu.memory_space<semaphore_mem>>) src(%dma_wait3A_309 : memref<128xi32, #tpu.memory_space<hbm>>) dst(%arg11 : memref<128xi32, #tpu.memory_space<vmem>>)
            %dma_wait3A_310 = arith.constant 2 : i32
            %dma_wait3A_311 = tpu.memref_slice %arg4[%min3A_304] : memref<800000xi32, #tpu.memory_space<hbm>> -> memref<128xi32, #tpu.memory_space<hbm>>
            %dma_wait3A_312 = tpu.memref_slice %arg22[%dma_wait3A_310] : memref<3x!tpu.dma_semaphore, #tpu.memory_space<semaphore_mem>> -> memref<1x!tpu.dma_semaphore, #tpu.memory_space<semaphore_mem>>
            %dma_wait3A_313 = tpu.memref_squeeze %dma_wait3A_312 : memref<1x!tpu.dma_semaphore, #tpu.memory_space<semaphore_mem>> -> memref<!tpu.dma_semaphore, #tpu.memory_space<semaphore_mem>>
            %dma_wait3A_314 = tpu.memref_slice %arg4[%min3A_304] : memref<800000xi32, #tpu.memory_space<hbm>> -> memref<128xi32, #tpu.memory_space<hbm>>
            tpu.wait_dma2 semaphore(%dma_wait3A_313 : memref<!tpu.dma_semaphore, #tpu.memory_space<semaphore_mem>>) src(%dma_wait3A_314 : memref<128xi32, #tpu.memory_space<hbm>>) dst(%arg14 : memref<128xi32, #tpu.memory_space<vmem>>)
            %dma_wait3A_315 = arith.constant 2 : i32
            %dma_wait3A_316 = arith.constant 0 : i32
            %dma_wait3A_317 = tpu.memref_slice %arg5[%min3A_304, %dma_wait3A_316] : memref<800000x128xf32, #tpu.memory_space<hbm>> -> memref<128x128xf32, #tpu.memory_space<hbm>>
            %dma_wait3A_318 = tpu.memref_slice %arg22[%dma_wait3A_315] : memref<3x!tpu.dma_semaphore, #tpu.memory_space<semaphore_mem>> -> memref<1x!tpu.dma_semaphore, #tpu.memory_space<semaphore_mem>>
            %dma_wait3A_319 = tpu.memref_squeeze %dma_wait3A_318 : memref<1x!tpu.dma_semaphore, #tpu.memory_space<semaphore_mem>> -> memref<!tpu.dma_semaphore, #tpu.memory_space<semaphore_mem>>
            %dma_wait3A_320 = arith.constant 0 : i32
            %dma_wait3A_321 = tpu.memref_slice %arg5[%min3A_304, %dma_wait3A_320] : memref<800000x128xf32, #tpu.memory_space<hbm>> -> memref<128x128xf32, #tpu.memory_space<hbm>>
            tpu.wait_dma2 semaphore(%dma_wait3A_319 : memref<!tpu.dma_semaphore, #tpu.memory_space<semaphore_mem>>) src(%dma_wait3A_321 : memref<128x128xf32, #tpu.memory_space<hbm>>) dst(%arg17 : memref<128x128xf32, #tpu.memory_space<vmem>>)
            %dma_start3A = arith.constant 2 : i32
            %dma_start3A_322 = arith.constant 0 : i32
            %dma_start3A_323 = arith.constant 0 : i32
            %dma_start3A_324 = tpu.memref_slice %arg2[%dma_start3A_322, %dma_start3A_323] : memref<51200x128xf32, #tpu.memory_space<hbm>> -> memref<51200x128xf32, #tpu.memory_space<hbm>>
            %dma_start3A_325 = tpu.memref_slice %arg23[%dma_start3A] : memref<3x!tpu.dma_semaphore, #tpu.memory_space<semaphore_mem>> -> memref<1x!tpu.dma_semaphore, #tpu.memory_space<semaphore_mem>>
            %dma_start3A_326 = tpu.memref_squeeze %dma_start3A_325 : memref<1x!tpu.dma_semaphore, #tpu.memory_space<semaphore_mem>> -> memref<!tpu.dma_semaphore, #tpu.memory_space<semaphore_mem>>
            tpu.enqueue_indirect_dma source(%dma_start3A_324 : memref<51200x128xf32, #tpu.memory_space<hbm>>) target(%arg20 : memref<128x128xf32, #tpu.memory_space<vmem>>) offsets(%arg14 : memref<128xi32, #tpu.memory_space<vmem>>) semaphore(%dma_start3A_326 : memref<!tpu.dma_semaphore, #tpu.memory_space<semaphore_mem>>)
          } else {
          }
          %add3A_267 = arith.constant 2 : i32
          %add3A_268 = arith.addi %add3A_247, %add3A_267 : i32
          %lt3A_269 = arith.cmpi slt, %add3A_268, %select_n3A_177 : i32
          %convert_element_type3A_270 = arith.extui %lt3A_269 : i1 to i32
          %cond3A_271 = arith.constant 0 : i32
          %cond3A_272 = arith.cmpi ne, %convert_element_type3A_270, %cond3A_271 : i32
          scf.if %cond3A_272 {
            %add3A_298 = arith.constant 2 : i32
            %add3A_299 = arith.addi %add3A_247, %add3A_298 : i32
            %mul3A_300 = arith.constant 128 : i32
            %mul3A_301 = arith.muli %add3A_299, %mul3A_300 : i32
            %add3A_302 = arith.addi %mul3A_148, %mul3A_301 : i32
            %min3A_303 = arith.constant 799872 : i32
            %min3A_304 = arith.minsi %add3A_302, %min3A_303 : i32
            %dma_start3A = arith.constant 0 : i32
            %dma_start3A_305 = tpu.memref_slice %arg3[%min3A_304] : memref<800000xi32, #tpu.memory_space<hbm>> -> memref<128xi32, #tpu.memory_space<hbm>>
            %dma_start3A_306 = tpu.memref_slice %arg22[%dma_start3A] : memref<3x!tpu.dma_semaphore, #tpu.memory_space<semaphore_mem>> -> memref<1x!tpu.dma_semaphore, #tpu.memory_space<semaphore_mem>>
            %dma_start3A_307 = tpu.memref_squeeze %dma_start3A_306 : memref<1x!tpu.dma_semaphore, #tpu.memory_space<semaphore_mem>> -> memref<!tpu.dma_semaphore, #tpu.memory_space<semaphore_mem>>
            %dma_start3A_308 = tpu.memref_slice %arg3[%min3A_304] : memref<800000xi32, #tpu.memory_space<hbm>> -> memref<128xi32, #tpu.memory_space<hbm>>
            tpu.enqueue_dma source(%dma_start3A_308 : memref<128xi32, #tpu.memory_space<hbm>>) target(%arg9 : memref<128xi32, #tpu.memory_space<vmem>>) target_semaphore(%dma_start3A_307 : memref<!tpu.dma_semaphore, #tpu.memory_space<semaphore_mem>>)
            %dma_start3A_309 = arith.constant 0 : i32
            %dma_start3A_310 = tpu.memref_slice %arg4[%min3A_304] : memref<800000xi32, #tpu.memory_space<hbm>> -> memref<128xi32, #tpu.memory_space<hbm>>
            %dma_start3A_311 = tpu.memref_slice %arg22[%dma_start3A_309] : memref<3x!tpu.dma_semaphore, #tpu.memory_space<semaphore_mem>> -> memref<1x!tpu.dma_semaphore, #tpu.memory_space<semaphore_mem>>
            %dma_start3A_312 = tpu.memref_squeeze %dma_start3A_311 : memref<1x!tpu.dma_semaphore, #tpu.memory_space<semaphore_mem>> -> memref<!tpu.dma_semaphore, #tpu.memory_space<semaphore_mem>>
            %dma_start3A_313 = tpu.memref_slice %arg4[%min3A_304] : memref<800000xi32, #tpu.memory_space<hbm>> -> memref<128xi32, #tpu.memory_space<hbm>>
            tpu.enqueue_dma source(%dma_start3A_313 : memref<128xi32, #tpu.memory_space<hbm>>) target(%arg12 : memref<128xi32, #tpu.memory_space<vmem>>) target_semaphore(%dma_start3A_312 : memref<!tpu.dma_semaphore, #tpu.memory_space<semaphore_mem>>)
            %dma_start3A_314 = arith.constant 0 : i32
            %dma_start3A_315 = arith.constant 0 : i32
            %dma_start3A_316 = tpu.memref_slice %arg5[%min3A_304, %dma_start3A_315] : memref<800000x128xf32, #tpu.memory_space<hbm>> -> memref<128x128xf32, #tpu.memory_space<hbm>>
            %dma_start3A_317 = tpu.memref_slice %arg22[%dma_start3A_314] : memref<3x!tpu.dma_semaphore, #tpu.memory_space<semaphore_mem>> -> memref<1x!tpu.dma_semaphore, #tpu.memory_space<semaphore_mem>>
            %dma_start3A_318 = tpu.memref_squeeze %dma_start3A_317 : memref<1x!tpu.dma_semaphore, #tpu.memory_space<semaphore_mem>> -> memref<!tpu.dma_semaphore, #tpu.memory_space<semaphore_mem>>
            %dma_start3A_319 = arith.constant 0 : i32
            %dma_start3A_320 = tpu.memref_slice %arg5[%min3A_304, %dma_start3A_319] : memref<800000x128xf32, #tpu.memory_space<hbm>> -> memref<128x128xf32, #tpu.memory_space<hbm>>
            tpu.enqueue_dma source(%dma_start3A_320 : memref<128x128xf32, #tpu.memory_space<hbm>>) target(%arg15 : memref<128x128xf32, #tpu.memory_space<vmem>>) target_semaphore(%dma_start3A_318 : memref<!tpu.dma_semaphore, #tpu.memory_space<semaphore_mem>>)
          } else {
          }
          %dma_wait3A = arith.constant 1 : i32
          %dma_wait3A_273 = arith.constant 0 : i32
          %dma_wait3A_274 = arith.constant 0 : i32
          %dma_wait3A_275 = tpu.memref_slice %arg2[%dma_wait3A_273, %dma_wait3A_274] : memref<51200x128xf32, #tpu.memory_space<hbm>> -> memref<51200x128xf32, #tpu.memory_space<hbm>>
          %dma_wait3A_276 = tpu.memref_slice %arg23[%dma_wait3A] : memref<3x!tpu.dma_semaphore, #tpu.memory_space<semaphore_mem>> -> memref<1x!tpu.dma_semaphore, #tpu.memory_space<semaphore_mem>>
          %dma_wait3A_277 = tpu.memref_squeeze %dma_wait3A_276 : memref<1x!tpu.dma_semaphore, #tpu.memory_space<semaphore_mem>> -> memref<!tpu.dma_semaphore, #tpu.memory_space<semaphore_mem>>
          tpu.wait_indirect_dma semaphore(%dma_wait3A_277 : memref<!tpu.dma_semaphore, #tpu.memory_space<semaphore_mem>>) src(%dma_wait3A_275 : memref<51200x128xf32, #tpu.memory_space<hbm>>) dst(%arg19 : memref<128x128xf32, #tpu.memory_space<vmem>>)
          %mul3A_278 = arith.constant 128 : i32
          %mul3A_279 = arith.muli %add3A_247, %mul3A_278 : i32
          %add3A_280 = arith.addi %mul3A_148, %mul3A_279 : i32
          %mul3A_281 = arith.constant 128 : i32
          %mul3A_282 = arith.muli %add3A_247, %mul3A_281 : i32
          %add3A_283 = arith.addi %mul3A_148, %mul3A_282 : i32
          %min3A = arith.constant 799872 : i32
          %min3A_284 = arith.minsi %add3A_283, %min3A : i32
          %max3A = arith.maxsi %squeeze3A, %add3A_280 : i32
          %sub3A_285 = arith.subi %max3A, %min3A_284 : i32
          %add3A_286 = arith.constant 128 : i32
          %add3A_287 = arith.addi %add3A_280, %add3A_286 : i32
          %min3A_288 = arith.minsi %squeeze3A_122, %add3A_287 : i32
          %sub3A_289 = arith.subi %min3A_288, %min3A_284 : i32
          %while3A_290 = arith.subi %sub3A_289, %sub3A_285 : i32
          %while3A_291 = arith.addi %sub3A_285, %while3A_290 : i32
          %while3A_292 = arith.constant 1 : i32
          %while3A_293 = arith.divsi %while3A_290, %while3A_292 : i32
          %while3A_294 = arith.muli %while3A_293, %while3A_292 : i32
          %while3A_295 = arith.addi %sub3A_285, %while3A_294 : i32
          %while3A_296 = arith.constant 1 : i32
          scf.for %while3A_298 = %sub3A_285 to %while3A_295 step %while3A_296  : i32 {
            %broadcast_in_dim3A_299 = vector.broadcast %while3A_298 : i32 to vector<16xi32>
            %gather3A = tpu.vector_load_idx %arg10[%broadcast_in_dim3A_299] : memref<128xi32, #tpu.memory_space<vmem>>[vector<16xi32>], vector<16xi32>,
            %sub3A_300 = vector.broadcast %mul3A_119 : i32 to vector<16xi32>
            %sub3A_301 = arith.subi %gather3A, %sub3A_300 : vector<16xi32>
            %gather3A_302 = tpu.vector_load_idx %arg19[%broadcast_in_dim3A_299, %iota3A] : memref<128x128xf32, #tpu.memory_space<vmem>>[vector<16xi32>, vector<16xi32>], vector<16xf32>,
            %add3A_303 = arith.constant 16 : i32
            %add3A_304 = vector.broadcast %add3A_303 : i32 to vector<16xi32>
            %add3A_305 = arith.addi %iota3A, %add3A_304 : vector<16xi32>
            %gather3A_306 = tpu.vector_load_idx %arg19[%broadcast_in_dim3A_299, %add3A_305] : memref<128x128xf32, #tpu.memory_space<vmem>>[vector<16xi32>, vector<16xi32>], vector<16xf32>,
            %mul3A_307 = arith.constant 3 : i32
            %mul3A_308 = vector.broadcast %mul3A_307 : i32 to vector<16xi32>
            %mul3A_309 = arith.muli %mul3A_308, %iota3A : vector<16xi32>
            %add3A_310 = arith.constant 32 : i32
            %add3A_311 = vector.broadcast %add3A_310 : i32 to vector<16xi32>
            %add3A_312 = arith.addi %mul3A_309, %add3A_311 : vector<16xi32>
            %gather3A_313 = tpu.vector_load_idx %arg19[%broadcast_in_dim3A_299, %add3A_312] : memref<128x128xf32, #tpu.memory_space<vmem>>[vector<16xi32>, vector<16xi32>], vector<16xf32>,
            %mul3A_314 = arith.constant 3 : i32
            %mul3A_315 = vector.broadcast %mul3A_314 : i32 to vector<16xi32>
            %mul3A_316 = arith.muli %mul3A_315, %iota3A : vector<16xi32>
            %add3A_317 = arith.constant 33 : i32
            %add3A_318 = vector.broadcast %add3A_317 : i32 to vector<16xi32>
            %add3A_319 = arith.addi %mul3A_316, %add3A_318 : vector<16xi32>
            %gather3A_320 = tpu.vector_load_idx %arg19[%broadcast_in_dim3A_299, %add3A_319] : memref<128x128xf32, #tpu.memory_space<vmem>>[vector<16xi32>, vector<16xi32>], vector<16xf32>,
            %mul3A_321 = arith.constant 3 : i32
            %mul3A_322 = vector.broadcast %mul3A_321 : i32 to vector<16xi32>
            %mul3A_323 = arith.muli %mul3A_322, %iota3A : vector<16xi32>
            %add3A_324 = arith.constant 34 : i32
            %add3A_325 = vector.broadcast %add3A_324 : i32 to vector<16xi32>
            %add3A_326 = arith.addi %mul3A_323, %add3A_325 : vector<16xi32>
            %gather3A_327 = tpu.vector_load_idx %arg19[%broadcast_in_dim3A_299, %add3A_326] : memref<128x128xf32, #tpu.memory_space<vmem>>[vector<16xi32>, vector<16xi32>], vector<16xf32>,
            %broadcast_in_dim3A_328 = arith.constant 112 : i32
            %broadcast_in_dim3A_329 = vector.broadcast %broadcast_in_dim3A_328 : i32 to vector<16xi32>
            %gather3A_330 = tpu.vector_load_idx %arg16[%broadcast_in_dim3A_299, %broadcast_in_dim3A_329] : memref<128x128xf32, #tpu.memory_space<vmem>>[vector<16xi32>, vector<16xi32>], vector<16xf32>,
            %broadcast_in_dim3A_331 = arith.constant 113 : i32
            %broadcast_in_dim3A_332 = vector.broadcast %broadcast_in_dim3A_331 : i32 to vector<16xi32>
            %gather3A_333 = tpu.vector_load_idx %arg16[%broadcast_in_dim3A_299, %broadcast_in_dim3A_332] : memref<128x128xf32, #tpu.memory_space<vmem>>[vector<16xi32>, vector<16xi32>], vector<16xf32>,
            %broadcast_in_dim3A_334 = arith.constant 114 : i32
            %broadcast_in_dim3A_335 = vector.broadcast %broadcast_in_dim3A_334 : i32 to vector<16xi32>
            %gather3A_336 = tpu.vector_load_idx %arg16[%broadcast_in_dim3A_299, %broadcast_in_dim3A_335] : memref<128x128xf32, #tpu.memory_space<vmem>>[vector<16xi32>, vector<16xi32>], vector<16xf32>,
            %gather3A_337 = tpu.vector_load_idx %arg16[%broadcast_in_dim3A_299, %iota3A] : memref<128x128xf32, #tpu.memory_space<vmem>>[vector<16xi32>, vector<16xi32>], vector<16xf32>,
            %add3A_338 = arith.constant 16 : i32
            %add3A_339 = vector.broadcast %add3A_338 : i32 to vector<16xi32>
            %add3A_340 = arith.addi %iota3A, %add3A_339 : vector<16xi32>
            %gather3A_341 = tpu.vector_load_idx %arg16[%broadcast_in_dim3A_299, %add3A_340] : memref<128x128xf32, #tpu.memory_space<vmem>>[vector<16xi32>, vector<16xi32>], vector<16xf32>,
            %add3A_342 = arith.constant 32 : i32
            %add3A_343 = vector.broadcast %add3A_342 : i32 to vector<16xi32>
            %add3A_344 = arith.addi %iota3A, %add3A_343 : vector<16xi32>
            %gather3A_345 = tpu.vector_load_idx %arg16[%broadcast_in_dim3A_299, %add3A_344] : memref<128x128xf32, #tpu.memory_space<vmem>>[vector<16xi32>, vector<16xi32>], vector<16xf32>,
            %add3A_346 = arith.constant 48 : i32
            %add3A_347 = vector.broadcast %add3A_346 : i32 to vector<16xi32>
            %add3A_348 = arith.addi %iota3A, %add3A_347 : vector<16xi32>
            %gather3A_349 = tpu.vector_load_idx %arg16[%broadcast_in_dim3A_299, %add3A_348] : memref<128x128xf32, #tpu.memory_space<vmem>>[vector<16xi32>, vector<16xi32>], vector<16xf32>,
            %add3A_350 = arith.constant 64 : i32
            %add3A_351 = vector.broadcast %add3A_350 : i32 to vector<16xi32>
            %add3A_352 = arith.addi %iota3A, %add3A_351 : vector<16xi32>
            %gather3A_353 = tpu.vector_load_idx %arg16[%broadcast_in_dim3A_299, %add3A_352] : memref<128x128xf32, #tpu.memory_space<vmem>>[vector<16xi32>, vector<16xi32>], vector<16xf32>,
            %add3A_354 = arith.constant 80 : i32
            %add3A_355 = vector.broadcast %add3A_354 : i32 to vector<16xi32>
            %add3A_356 = arith.addi %iota3A, %add3A_355 : vector<16xi32>
            %gather3A_357 = tpu.vector_load_idx %arg16[%broadcast_in_dim3A_299, %add3A_356] : memref<128x128xf32, #tpu.memory_space<vmem>>[vector<16xi32>, vector<16xi32>], vector<16xf32>,
            %add3A_358 = arith.constant 96 : i32
            %add3A_359 = vector.broadcast %add3A_358 : i32 to vector<16xi32>
            %add3A_360 = arith.addi %iota3A, %add3A_359 : vector<16xi32>
            %gather3A_361 = tpu.vector_load_idx %arg16[%broadcast_in_dim3A_299, %add3A_360] : memref<128x128xf32, #tpu.memory_space<vmem>>[vector<16xi32>, vector<16xi32>], vector<16xf32>,
            %mul3A_362 = arith.mulf %gather3A_337, %gather3A_302 : vector<16xf32>
            tpu.vector_store_idx %arg8[%sub3A_301, %iota3A], %mul3A_362 {add = true} : memref<80x256xf32, #tpu.memory_space<vmem>>[vector<16xi32>, vector<16xi32>], vector<16xf32>,
            %mul3A_363 = arith.mulf %gather3A_341, %gather3A_306 : vector<16xf32>
            tpu.vector_store_idx %arg8[%sub3A_301, %add3A_4], %mul3A_363 {add = true} : memref<80x256xf32, #tpu.memory_space<vmem>>[vector<16xi32>, vector<16xi32>], vector<16xf32>,
            %mul3A_364 = arith.mulf %gather3A_313, %gather3A_330 : vector<16xf32>
            %mul3A_365 = arith.mulf %gather3A_320, %gather3A_333 : vector<16xf32>
            %add3A_366 = arith.addf %mul3A_364, %mul3A_365 : vector<16xf32>
            %mul3A_367 = arith.mulf %gather3A_327, %gather3A_336 : vector<16xf32>
            %add3A_368 = arith.addf %add3A_366, %mul3A_367 : vector<16xf32>
            %mul3A_369 = arith.mulf %gather3A_345, %add3A_368 : vector<16xf32>
            tpu.vector_store_idx %arg8[%sub3A_301, %add3A_7], %mul3A_369 {add = true} : memref<80x256xf32, #tpu.memory_space<vmem>>[vector<16xi32>, vector<16xi32>], vector<16xf32>,
            %mul3A_370 = arith.mulf %gather3A_349, %gather3A_302 : vector<16xf32>
            %mul3A_371 = arith.mulf %gather3A_353, %gather3A_306 : vector<16xf32>
            %mul3A_372 = arith.mulf %mul3A_370, %gather3A_330 : vector<16xf32>
            tpu.vector_store_idx %arg8[%sub3A_301, %add3A_13], %mul3A_372 {add = true} : memref<80x256xf32, #tpu.memory_space<vmem>>[vector<16xi32>, vector<16xi32>], vector<16xf32>,
            %mul3A_373 = arith.mulf %mul3A_371, %gather3A_330 : vector<16xf32>
            tpu.vector_store_idx %arg8[%sub3A_301, %add3A_31], %mul3A_373 {add = true} : memref<80x256xf32, #tpu.memory_space<vmem>>[vector<16xi32>, vector<16xi32>], vector<16xf32>,
            %mul3A_374 = arith.mulf %mul3A_370, %gather3A_333 : vector<16xf32>
            tpu.vector_store_idx %arg8[%sub3A_301, %add3A_19], %mul3A_374 {add = true} : memref<80x256xf32, #tpu.memory_space<vmem>>[vector<16xi32>, vector<16xi32>], vector<16xf32>,
            %mul3A_375 = arith.mulf %mul3A_371, %gather3A_333 : vector<16xf32>
            tpu.vector_store_idx %arg8[%sub3A_301, %add3A_37], %mul3A_375 {add = true} : memref<80x256xf32, #tpu.memory_space<vmem>>[vector<16xi32>, vector<16xi32>], vector<16xf32>,
            %mul3A_376 = arith.mulf %mul3A_370, %gather3A_336 : vector<16xf32>
            tpu.vector_store_idx %arg8[%sub3A_301, %add3A_25], %mul3A_376 {add = true} : memref<80x256xf32, #tpu.memory_space<vmem>>[vector<16xi32>, vector<16xi32>], vector<16xf32>,
            %mul3A_377 = arith.mulf %mul3A_371, %gather3A_336 : vector<16xf32>
            tpu.vector_store_idx %arg8[%sub3A_301, %add3A_43], %mul3A_377 {add = true} : memref<80x256xf32, #tpu.memory_space<vmem>>[vector<16xi32>, vector<16xi32>], vector<16xf32>,
            %mul3A_378 = arith.mulf %gather3A_357, %gather3A_313 : vector<16xf32>
            tpu.vector_store_idx %arg8[%sub3A_301, %add3A_49], %mul3A_378 {add = true} : memref<80x256xf32, #tpu.memory_space<vmem>>[vector<16xi32>, vector<16xi32>], vector<16xf32>,
            %mul3A_379 = arith.mulf %gather3A_357, %gather3A_320 : vector<16xf32>
            tpu.vector_store_idx %arg8[%sub3A_301, %add3A_55], %mul3A_379 {add = true} : memref<80x256xf32, #tpu.memory_space<vmem>>[vector<16xi32>, vector<16xi32>], vector<16xf32>,
            %mul3A_380 = arith.mulf %gather3A_357, %gather3A_327 : vector<16xf32>
            tpu.vector_store_idx %arg8[%sub3A_301, %add3A_61], %mul3A_380 {add = true} : memref<80x256xf32, #tpu.memory_space<vmem>>[vector<16xi32>, vector<16xi32>], vector<16xf32>,
            %mul3A_381 = arith.mulf %gather3A_320, %gather3A_336 : vector<16xf32>
            %mul3A_382 = arith.mulf %gather3A_327, %gather3A_333 : vector<16xf32>
            %sub3A_383 = arith.subf %mul3A_381, %mul3A_382 : vector<16xf32>
            %mul3A_384 = arith.mulf %gather3A_327, %gather3A_330 : vector<16xf32>
            %mul3A_385 = arith.mulf %gather3A_313, %gather3A_336 : vector<16xf32>
            %sub3A_386 = arith.subf %mul3A_384, %mul3A_385 : vector<16xf32>
            %mul3A_387 = arith.mulf %gather3A_313, %gather3A_333 : vector<16xf32>
            %mul3A_388 = arith.mulf %gather3A_320, %gather3A_330 : vector<16xf32>
            %sub3A_389 = arith.subf %mul3A_387, %mul3A_388 : vector<16xf32>
            %mul3A_390 = arith.mulf %gather3A_361, %sub3A_383 : vector<16xf32>
            tpu.vector_store_idx %arg8[%sub3A_301, %add3A_67], %mul3A_390 {add = true} : memref<80x256xf32, #tpu.memory_space<vmem>>[vector<16xi32>, vector<16xi32>], vector<16xf32>,
            %mul3A_391 = arith.mulf %gather3A_361, %sub3A_386 : vector<16xf32>
            tpu.vector_store_idx %arg8[%sub3A_301, %add3A_73], %mul3A_391 {add = true} : memref<80x256xf32, #tpu.memory_space<vmem>>[vector<16xi32>, vector<16xi32>], vector<16xf32>,
            %mul3A_392 = arith.mulf %gather3A_361, %sub3A_389 : vector<16xf32>
            tpu.vector_store_idx %arg8[%sub3A_301, %add3A_79], %mul3A_392 {add = true} : memref<80x256xf32, #tpu.memory_space<vmem>>[vector<16xi32>, vector<16xi32>], vector<16xf32>,
          }
          %while3A_297 = arith.constant 1 : i32
          scf.for %while3A_298 = %while3A_295 to %while3A_291 step %while3A_297  : i32 {
            %broadcast_in_dim3A_299 = vector.broadcast %while3A_298 : i32 to vector<16xi32>
            %gather3A = tpu.vector_load_idx %arg10[%broadcast_in_dim3A_299] : memref<128xi32, #tpu.memory_space<vmem>>[vector<16xi32>], vector<16xi32>,
            %sub3A_300 = vector.broadcast %mul3A_119 : i32 to vector<16xi32>
            %sub3A_301 = arith.subi %gather3A, %sub3A_300 : vector<16xi32>
            %gather3A_302 = tpu.vector_load_idx %arg19[%broadcast_in_dim3A_299, %iota3A] : memref<128x128xf32, #tpu.memory_space<vmem>>[vector<16xi32>, vector<16xi32>], vector<16xf32>,
            %add3A_303 = arith.constant 16 : i32
            %add3A_304 = vector.broadcast %add3A_303 : i32 to vector<16xi32>
            %add3A_305 = arith.addi %iota3A, %add3A_304 : vector<16xi32>
            %gather3A_306 = tpu.vector_load_idx %arg19[%broadcast_in_dim3A_299, %add3A_305] : memref<128x128xf32, #tpu.memory_space<vmem>>[vector<16xi32>, vector<16xi32>], vector<16xf32>,
            %mul3A_307 = arith.constant 3 : i32
            %mul3A_308 = vector.broadcast %mul3A_307 : i32 to vector<16xi32>
            %mul3A_309 = arith.muli %mul3A_308, %iota3A : vector<16xi32>
            %add3A_310 = arith.constant 32 : i32
            %add3A_311 = vector.broadcast %add3A_310 : i32 to vector<16xi32>
            %add3A_312 = arith.addi %mul3A_309, %add3A_311 : vector<16xi32>
            %gather3A_313 = tpu.vector_load_idx %arg19[%broadcast_in_dim3A_299, %add3A_312] : memref<128x128xf32, #tpu.memory_space<vmem>>[vector<16xi32>, vector<16xi32>], vector<16xf32>,
            %mul3A_314 = arith.constant 3 : i32
            %mul3A_315 = vector.broadcast %mul3A_314 : i32 to vector<16xi32>
            %mul3A_316 = arith.muli %mul3A_315, %iota3A : vector<16xi32>
            %add3A_317 = arith.constant 33 : i32
            %add3A_318 = vector.broadcast %add3A_317 : i32 to vector<16xi32>
            %add3A_319 = arith.addi %mul3A_316, %add3A_318 : vector<16xi32>
            %gather3A_320 = tpu.vector_load_idx %arg19[%broadcast_in_dim3A_299, %add3A_319] : memref<128x128xf32, #tpu.memory_space<vmem>>[vector<16xi32>, vector<16xi32>], vector<16xf32>,
            %mul3A_321 = arith.constant 3 : i32
            %mul3A_322 = vector.broadcast %mul3A_321 : i32 to vector<16xi32>
            %mul3A_323 = arith.muli %mul3A_322, %iota3A : vector<16xi32>
            %add3A_324 = arith.constant 34 : i32
            %add3A_325 = vector.broadcast %add3A_324 : i32 to vector<16xi32>
            %add3A_326 = arith.addi %mul3A_323, %add3A_325 : vector<16xi32>
            %gather3A_327 = tpu.vector_load_idx %arg19[%broadcast_in_dim3A_299, %add3A_326] : memref<128x128xf32, #tpu.memory_space<vmem>>[vector<16xi32>, vector<16xi32>], vector<16xf32>,
            %broadcast_in_dim3A_328 = arith.constant 112 : i32
            %broadcast_in_dim3A_329 = vector.broadcast %broadcast_in_dim3A_328 : i32 to vector<16xi32>
            %gather3A_330 = tpu.vector_load_idx %arg16[%broadcast_in_dim3A_299, %broadcast_in_dim3A_329] : memref<128x128xf32, #tpu.memory_space<vmem>>[vector<16xi32>, vector<16xi32>], vector<16xf32>,
            %broadcast_in_dim3A_331 = arith.constant 113 : i32
            %broadcast_in_dim3A_332 = vector.broadcast %broadcast_in_dim3A_331 : i32 to vector<16xi32>
            %gather3A_333 = tpu.vector_load_idx %arg16[%broadcast_in_dim3A_299, %broadcast_in_dim3A_332] : memref<128x128xf32, #tpu.memory_space<vmem>>[vector<16xi32>, vector<16xi32>], vector<16xf32>,
            %broadcast_in_dim3A_334 = arith.constant 114 : i32
            %broadcast_in_dim3A_335 = vector.broadcast %broadcast_in_dim3A_334 : i32 to vector<16xi32>
            %gather3A_336 = tpu.vector_load_idx %arg16[%broadcast_in_dim3A_299, %broadcast_in_dim3A_335] : memref<128x128xf32, #tpu.memory_space<vmem>>[vector<16xi32>, vector<16xi32>], vector<16xf32>,
            %gather3A_337 = tpu.vector_load_idx %arg16[%broadcast_in_dim3A_299, %iota3A] : memref<128x128xf32, #tpu.memory_space<vmem>>[vector<16xi32>, vector<16xi32>], vector<16xf32>,
            %add3A_338 = arith.constant 16 : i32
            %add3A_339 = vector.broadcast %add3A_338 : i32 to vector<16xi32>
            %add3A_340 = arith.addi %iota3A, %add3A_339 : vector<16xi32>
            %gather3A_341 = tpu.vector_load_idx %arg16[%broadcast_in_dim3A_299, %add3A_340] : memref<128x128xf32, #tpu.memory_space<vmem>>[vector<16xi32>, vector<16xi32>], vector<16xf32>,
            %add3A_342 = arith.constant 32 : i32
            %add3A_343 = vector.broadcast %add3A_342 : i32 to vector<16xi32>
            %add3A_344 = arith.addi %iota3A, %add3A_343 : vector<16xi32>
            %gather3A_345 = tpu.vector_load_idx %arg16[%broadcast_in_dim3A_299, %add3A_344] : memref<128x128xf32, #tpu.memory_space<vmem>>[vector<16xi32>, vector<16xi32>], vector<16xf32>,
            %add3A_346 = arith.constant 48 : i32
            %add3A_347 = vector.broadcast %add3A_346 : i32 to vector<16xi32>
            %add3A_348 = arith.addi %iota3A, %add3A_347 : vector<16xi32>
            %gather3A_349 = tpu.vector_load_idx %arg16[%broadcast_in_dim3A_299, %add3A_348] : memref<128x128xf32, #tpu.memory_space<vmem>>[vector<16xi32>, vector<16xi32>], vector<16xf32>,
            %add3A_350 = arith.constant 64 : i32
            %add3A_351 = vector.broadcast %add3A_350 : i32 to vector<16xi32>
            %add3A_352 = arith.addi %iota3A, %add3A_351 : vector<16xi32>
            %gather3A_353 = tpu.vector_load_idx %arg16[%broadcast_in_dim3A_299, %add3A_352] : memref<128x128xf32, #tpu.memory_space<vmem>>[vector<16xi32>, vector<16xi32>], vector<16xf32>,
            %add3A_354 = arith.constant 80 : i32
            %add3A_355 = vector.broadcast %add3A_354 : i32 to vector<16xi32>
            %add3A_356 = arith.addi %iota3A, %add3A_355 : vector<16xi32>
            %gather3A_357 = tpu.vector_load_idx %arg16[%broadcast_in_dim3A_299, %add3A_356] : memref<128x128xf32, #tpu.memory_space<vmem>>[vector<16xi32>, vector<16xi32>], vector<16xf32>,
            %add3A_358 = arith.constant 96 : i32
            %add3A_359 = vector.broadcast %add3A_358 : i32 to vector<16xi32>
            %add3A_360 = arith.addi %iota3A, %add3A_359 : vector<16xi32>
            %gather3A_361 = tpu.vector_load_idx %arg16[%broadcast_in_dim3A_299, %add3A_360] : memref<128x128xf32, #tpu.memory_space<vmem>>[vector<16xi32>, vector<16xi32>], vector<16xf32>,
            %mul3A_362 = arith.mulf %gather3A_337, %gather3A_302 : vector<16xf32>
            tpu.vector_store_idx %arg8[%sub3A_301, %iota3A], %mul3A_362 {add = true} : memref<80x256xf32, #tpu.memory_space<vmem>>[vector<16xi32>, vector<16xi32>], vector<16xf32>,
            %mul3A_363 = arith.mulf %gather3A_341, %gather3A_306 : vector<16xf32>
            tpu.vector_store_idx %arg8[%sub3A_301, %add3A_4], %mul3A_363 {add = true} : memref<80x256xf32, #tpu.memory_space<vmem>>[vector<16xi32>, vector<16xi32>], vector<16xf32>,
            %mul3A_364 = arith.mulf %gather3A_313, %gather3A_330 : vector<16xf32>
            %mul3A_365 = arith.mulf %gather3A_320, %gather3A_333 : vector<16xf32>
            %add3A_366 = arith.addf %mul3A_364, %mul3A_365 : vector<16xf32>
            %mul3A_367 = arith.mulf %gather3A_327, %gather3A_336 : vector<16xf32>
            %add3A_368 = arith.addf %add3A_366, %mul3A_367 : vector<16xf32>
            %mul3A_369 = arith.mulf %gather3A_345, %add3A_368 : vector<16xf32>
            tpu.vector_store_idx %arg8[%sub3A_301, %add3A_7], %mul3A_369 {add = true} : memref<80x256xf32, #tpu.memory_space<vmem>>[vector<16xi32>, vector<16xi32>], vector<16xf32>,
            %mul3A_370 = arith.mulf %gather3A_349, %gather3A_302 : vector<16xf32>
            %mul3A_371 = arith.mulf %gather3A_353, %gather3A_306 : vector<16xf32>
            %mul3A_372 = arith.mulf %mul3A_370, %gather3A_330 : vector<16xf32>
            tpu.vector_store_idx %arg8[%sub3A_301, %add3A_13], %mul3A_372 {add = true} : memref<80x256xf32, #tpu.memory_space<vmem>>[vector<16xi32>, vector<16xi32>], vector<16xf32>,
            %mul3A_373 = arith.mulf %mul3A_371, %gather3A_330 : vector<16xf32>
            tpu.vector_store_idx %arg8[%sub3A_301, %add3A_31], %mul3A_373 {add = true} : memref<80x256xf32, #tpu.memory_space<vmem>>[vector<16xi32>, vector<16xi32>], vector<16xf32>,
            %mul3A_374 = arith.mulf %mul3A_370, %gather3A_333 : vector<16xf32>
            tpu.vector_store_idx %arg8[%sub3A_301, %add3A_19], %mul3A_374 {add = true} : memref<80x256xf32, #tpu.memory_space<vmem>>[vector<16xi32>, vector<16xi32>], vector<16xf32>,
            %mul3A_375 = arith.mulf %mul3A_371, %gather3A_333 : vector<16xf32>
            tpu.vector_store_idx %arg8[%sub3A_301, %add3A_37], %mul3A_375 {add = true} : memref<80x256xf32, #tpu.memory_space<vmem>>[vector<16xi32>, vector<16xi32>], vector<16xf32>,
            %mul3A_376 = arith.mulf %mul3A_370, %gather3A_336 : vector<16xf32>
            tpu.vector_store_idx %arg8[%sub3A_301, %add3A_25], %mul3A_376 {add = true} : memref<80x256xf32, #tpu.memory_space<vmem>>[vector<16xi32>, vector<16xi32>], vector<16xf32>,
            %mul3A_377 = arith.mulf %mul3A_371, %gather3A_336 : vector<16xf32>
            tpu.vector_store_idx %arg8[%sub3A_301, %add3A_43], %mul3A_377 {add = true} : memref<80x256xf32, #tpu.memory_space<vmem>>[vector<16xi32>, vector<16xi32>], vector<16xf32>,
            %mul3A_378 = arith.mulf %gather3A_357, %gather3A_313 : vector<16xf32>
            tpu.vector_store_idx %arg8[%sub3A_301, %add3A_49], %mul3A_378 {add = true} : memref<80x256xf32, #tpu.memory_space<vmem>>[vector<16xi32>, vector<16xi32>], vector<16xf32>,
            %mul3A_379 = arith.mulf %gather3A_357, %gather3A_320 : vector<16xf32>
            tpu.vector_store_idx %arg8[%sub3A_301, %add3A_55], %mul3A_379 {add = true} : memref<80x256xf32, #tpu.memory_space<vmem>>[vector<16xi32>, vector<16xi32>], vector<16xf32>,
            %mul3A_380 = arith.mulf %gather3A_357, %gather3A_327 : vector<16xf32>
            tpu.vector_store_idx %arg8[%sub3A_301, %add3A_61], %mul3A_380 {add = true} : memref<80x256xf32, #tpu.memory_space<vmem>>[vector<16xi32>, vector<16xi32>], vector<16xf32>,
            %mul3A_381 = arith.mulf %gather3A_320, %gather3A_336 : vector<16xf32>
            %mul3A_382 = arith.mulf %gather3A_327, %gather3A_333 : vector<16xf32>
            %sub3A_383 = arith.subf %mul3A_381, %mul3A_382 : vector<16xf32>
            %mul3A_384 = arith.mulf %gather3A_327, %gather3A_330 : vector<16xf32>
            %mul3A_385 = arith.mulf %gather3A_313, %gather3A_336 : vector<16xf32>
            %sub3A_386 = arith.subf %mul3A_384, %mul3A_385 : vector<16xf32>
            %mul3A_387 = arith.mulf %gather3A_313, %gather3A_333 : vector<16xf32>
            %mul3A_388 = arith.mulf %gather3A_320, %gather3A_330 : vector<16xf32>
            %sub3A_389 = arith.subf %mul3A_387, %mul3A_388 : vector<16xf32>
            %mul3A_390 = arith.mulf %gather3A_361, %sub3A_383 : vector<16xf32>
            tpu.vector_store_idx %arg8[%sub3A_301, %add3A_67], %mul3A_390 {add = true} : memref<80x256xf32, #tpu.memory_space<vmem>>[vector<16xi32>, vector<16xi32>], vector<16xf32>,
            %mul3A_391 = arith.mulf %gather3A_361, %sub3A_386 : vector<16xf32>
            tpu.vector_store_idx %arg8[%sub3A_301, %add3A_73], %mul3A_391 {add = true} : memref<80x256xf32, #tpu.memory_space<vmem>>[vector<16xi32>, vector<16xi32>], vector<16xf32>,
            %mul3A_392 = arith.mulf %gather3A_361, %sub3A_389 : vector<16xf32>
            tpu.vector_store_idx %arg8[%sub3A_301, %add3A_79], %mul3A_392 {add = true} : memref<80x256xf32, #tpu.memory_space<vmem>>[vector<16xi32>, vector<16xi32>], vector<16xf32>,
          }
        } else {
        }
        %mul3A_252 = arith.constant 3 : i32
        %mul3A_253 = arith.muli %mul3A_252, %while3A_235 : i32
        %add3A_254 = arith.constant 2 : i32
        %add3A_255 = arith.addi %mul3A_253, %add3A_254 : i32
        %lt3A_256 = arith.cmpi slt, %add3A_255, %select_n3A_177 : i32
        %convert_element_type3A_257 = arith.extui %lt3A_256 : i1 to i32
        %cond3A_258 = arith.constant 0 : i32
        %cond3A_259 = arith.cmpi ne, %convert_element_type3A_257, %cond3A_258 : i32
        scf.if %cond3A_259 {
          %add3A_261 = arith.constant 1 : i32
          %add3A_262 = arith.addi %add3A_255, %add3A_261 : i32
          %lt3A_263 = arith.cmpi slt, %add3A_262, %select_n3A_177 : i32
          %convert_element_type3A_264 = arith.extui %lt3A_263 : i1 to i32
          %cond3A_265 = arith.constant 0 : i32
          %cond3A_266 = arith.cmpi ne, %convert_element_type3A_264, %cond3A_265 : i32
          scf.if %cond3A_266 {
            %add3A_298 = arith.constant 1 : i32
            %add3A_299 = arith.addi %add3A_255, %add3A_298 : i32
            %mul3A_300 = arith.constant 128 : i32
            %mul3A_301 = arith.muli %add3A_299, %mul3A_300 : i32
            %add3A_302 = arith.addi %mul3A_148, %mul3A_301 : i32
            %min3A_303 = arith.constant 799872 : i32
            %min3A_304 = arith.minsi %add3A_302, %min3A_303 : i32
            %dma_wait3A_305 = arith.constant 0 : i32
            %dma_wait3A_306 = tpu.memref_slice %arg3[%min3A_304] : memref<800000xi32, #tpu.memory_space<hbm>> -> memref<128xi32, #tpu.memory_space<hbm>>
            %dma_wait3A_307 = tpu.memref_slice %arg22[%dma_wait3A_305] : memref<3x!tpu.dma_semaphore, #tpu.memory_space<semaphore_mem>> -> memref<1x!tpu.dma_semaphore, #tpu.memory_space<semaphore_mem>>
            %dma_wait3A_308 = tpu.memref_squeeze %dma_wait3A_307 : memref<1x!tpu.dma_semaphore, #tpu.memory_space<semaphore_mem>> -> memref<!tpu.dma_semaphore, #tpu.memory_space<semaphore_mem>>
            %dma_wait3A_309 = tpu.memref_slice %arg3[%min3A_304] : memref<800000xi32, #tpu.memory_space<hbm>> -> memref<128xi32, #tpu.memory_space<hbm>>
            tpu.wait_dma2 semaphore(%dma_wait3A_308 : memref<!tpu.dma_semaphore, #tpu.memory_space<semaphore_mem>>) src(%dma_wait3A_309 : memref<128xi32, #tpu.memory_space<hbm>>) dst(%arg9 : memref<128xi32, #tpu.memory_space<vmem>>)
            %dma_wait3A_310 = arith.constant 0 : i32
            %dma_wait3A_311 = tpu.memref_slice %arg4[%min3A_304] : memref<800000xi32, #tpu.memory_space<hbm>> -> memref<128xi32, #tpu.memory_space<hbm>>
            %dma_wait3A_312 = tpu.memref_slice %arg22[%dma_wait3A_310] : memref<3x!tpu.dma_semaphore, #tpu.memory_space<semaphore_mem>> -> memref<1x!tpu.dma_semaphore, #tpu.memory_space<semaphore_mem>>
            %dma_wait3A_313 = tpu.memref_squeeze %dma_wait3A_312 : memref<1x!tpu.dma_semaphore, #tpu.memory_space<semaphore_mem>> -> memref<!tpu.dma_semaphore, #tpu.memory_space<semaphore_mem>>
            %dma_wait3A_314 = tpu.memref_slice %arg4[%min3A_304] : memref<800000xi32, #tpu.memory_space<hbm>> -> memref<128xi32, #tpu.memory_space<hbm>>
            tpu.wait_dma2 semaphore(%dma_wait3A_313 : memref<!tpu.dma_semaphore, #tpu.memory_space<semaphore_mem>>) src(%dma_wait3A_314 : memref<128xi32, #tpu.memory_space<hbm>>) dst(%arg12 : memref<128xi32, #tpu.memory_space<vmem>>)
            %dma_wait3A_315 = arith.constant 0 : i32
            %dma_wait3A_316 = arith.constant 0 : i32
            %dma_wait3A_317 = tpu.memref_slice %arg5[%min3A_304, %dma_wait3A_316] : memref<800000x128xf32, #tpu.memory_space<hbm>> -> memref<128x128xf32, #tpu.memory_space<hbm>>
            %dma_wait3A_318 = tpu.memref_slice %arg22[%dma_wait3A_315] : memref<3x!tpu.dma_semaphore, #tpu.memory_space<semaphore_mem>> -> memref<1x!tpu.dma_semaphore, #tpu.memory_space<semaphore_mem>>
            %dma_wait3A_319 = tpu.memref_squeeze %dma_wait3A_318 : memref<1x!tpu.dma_semaphore, #tpu.memory_space<semaphore_mem>> -> memref<!tpu.dma_semaphore, #tpu.memory_space<semaphore_mem>>
            %dma_wait3A_320 = arith.constant 0 : i32
            %dma_wait3A_321 = tpu.memref_slice %arg5[%min3A_304, %dma_wait3A_320] : memref<800000x128xf32, #tpu.memory_space<hbm>> -> memref<128x128xf32, #tpu.memory_space<hbm>>
            tpu.wait_dma2 semaphore(%dma_wait3A_319 : memref<!tpu.dma_semaphore, #tpu.memory_space<semaphore_mem>>) src(%dma_wait3A_321 : memref<128x128xf32, #tpu.memory_space<hbm>>) dst(%arg15 : memref<128x128xf32, #tpu.memory_space<vmem>>)
            %dma_start3A = arith.constant 0 : i32
            %dma_start3A_322 = arith.constant 0 : i32
            %dma_start3A_323 = arith.constant 0 : i32
            %dma_start3A_324 = tpu.memref_slice %arg2[%dma_start3A_322, %dma_start3A_323] : memref<51200x128xf32, #tpu.memory_space<hbm>> -> memref<51200x128xf32, #tpu.memory_space<hbm>>
            %dma_start3A_325 = tpu.memref_slice %arg23[%dma_start3A] : memref<3x!tpu.dma_semaphore, #tpu.memory_space<semaphore_mem>> -> memref<1x!tpu.dma_semaphore, #tpu.memory_space<semaphore_mem>>
            %dma_start3A_326 = tpu.memref_squeeze %dma_start3A_325 : memref<1x!tpu.dma_semaphore, #tpu.memory_space<semaphore_mem>> -> memref<!tpu.dma_semaphore, #tpu.memory_space<semaphore_mem>>
            tpu.enqueue_indirect_dma source(%dma_start3A_324 : memref<51200x128xf32, #tpu.memory_space<hbm>>) target(%arg18 : memref<128x128xf32, #tpu.memory_space<vmem>>) offsets(%arg12 : memref<128xi32, #tpu.memory_space<vmem>>) semaphore(%dma_start3A_326 : memref<!tpu.dma_semaphore, #tpu.memory_space<semaphore_mem>>)
          } else {
          }
          %add3A_267 = arith.constant 2 : i32
          %add3A_268 = arith.addi %add3A_255, %add3A_267 : i32
          %lt3A_269 = arith.cmpi slt, %add3A_268, %select_n3A_177 : i32
          %convert_element_type3A_270 = arith.extui %lt3A_269 : i1 to i32
          %cond3A_271 = arith.constant 0 : i32
          %cond3A_272 = arith.cmpi ne, %convert_element_type3A_270, %cond3A_271 : i32
          scf.if %cond3A_272 {
            %add3A_298 = arith.constant 2 : i32
            %add3A_299 = arith.addi %add3A_255, %add3A_298 : i32
            %mul3A_300 = arith.constant 128 : i32
            %mul3A_301 = arith.muli %add3A_299, %mul3A_300 : i32
            %add3A_302 = arith.addi %mul3A_148, %mul3A_301 : i32
            %min3A_303 = arith.constant 799872 : i32
            %min3A_304 = arith.minsi %add3A_302, %min3A_303 : i32
            %dma_start3A = arith.constant 1 : i32
            %dma_start3A_305 = tpu.memref_slice %arg3[%min3A_304] : memref<800000xi32, #tpu.memory_space<hbm>> -> memref<128xi32, #tpu.memory_space<hbm>>
            %dma_start3A_306 = tpu.memref_slice %arg22[%dma_start3A] : memref<3x!tpu.dma_semaphore, #tpu.memory_space<semaphore_mem>> -> memref<1x!tpu.dma_semaphore, #tpu.memory_space<semaphore_mem>>
            %dma_start3A_307 = tpu.memref_squeeze %dma_start3A_306 : memref<1x!tpu.dma_semaphore, #tpu.memory_space<semaphore_mem>> -> memref<!tpu.dma_semaphore, #tpu.memory_space<semaphore_mem>>
            %dma_start3A_308 = tpu.memref_slice %arg3[%min3A_304] : memref<800000xi32, #tpu.memory_space<hbm>> -> memref<128xi32, #tpu.memory_space<hbm>>
            tpu.enqueue_dma source(%dma_start3A_308 : memref<128xi32, #tpu.memory_space<hbm>>) target(%arg10 : memref<128xi32, #tpu.memory_space<vmem>>) target_semaphore(%dma_start3A_307 : memref<!tpu.dma_semaphore, #tpu.memory_space<semaphore_mem>>)
            %dma_start3A_309 = arith.constant 1 : i32
            %dma_start3A_310 = tpu.memref_slice %arg4[%min3A_304] : memref<800000xi32, #tpu.memory_space<hbm>> -> memref<128xi32, #tpu.memory_space<hbm>>
            %dma_start3A_311 = tpu.memref_slice %arg22[%dma_start3A_309] : memref<3x!tpu.dma_semaphore, #tpu.memory_space<semaphore_mem>> -> memref<1x!tpu.dma_semaphore, #tpu.memory_space<semaphore_mem>>
            %dma_start3A_312 = tpu.memref_squeeze %dma_start3A_311 : memref<1x!tpu.dma_semaphore, #tpu.memory_space<semaphore_mem>> -> memref<!tpu.dma_semaphore, #tpu.memory_space<semaphore_mem>>
            %dma_start3A_313 = tpu.memref_slice %arg4[%min3A_304] : memref<800000xi32, #tpu.memory_space<hbm>> -> memref<128xi32, #tpu.memory_space<hbm>>
            tpu.enqueue_dma source(%dma_start3A_313 : memref<128xi32, #tpu.memory_space<hbm>>) target(%arg13 : memref<128xi32, #tpu.memory_space<vmem>>) target_semaphore(%dma_start3A_312 : memref<!tpu.dma_semaphore, #tpu.memory_space<semaphore_mem>>)
            %dma_start3A_314 = arith.constant 1 : i32
            %dma_start3A_315 = arith.constant 0 : i32
            %dma_start3A_316 = tpu.memref_slice %arg5[%min3A_304, %dma_start3A_315] : memref<800000x128xf32, #tpu.memory_space<hbm>> -> memref<128x128xf32, #tpu.memory_space<hbm>>
            %dma_start3A_317 = tpu.memref_slice %arg22[%dma_start3A_314] : memref<3x!tpu.dma_semaphore, #tpu.memory_space<semaphore_mem>> -> memref<1x!tpu.dma_semaphore, #tpu.memory_space<semaphore_mem>>
            %dma_start3A_318 = tpu.memref_squeeze %dma_start3A_317 : memref<1x!tpu.dma_semaphore, #tpu.memory_space<semaphore_mem>> -> memref<!tpu.dma_semaphore, #tpu.memory_space<semaphore_mem>>
            %dma_start3A_319 = arith.constant 0 : i32
            %dma_start3A_320 = tpu.memref_slice %arg5[%min3A_304, %dma_start3A_319] : memref<800000x128xf32, #tpu.memory_space<hbm>> -> memref<128x128xf32, #tpu.memory_space<hbm>>
            tpu.enqueue_dma source(%dma_start3A_320 : memref<128x128xf32, #tpu.memory_space<hbm>>) target(%arg16 : memref<128x128xf32, #tpu.memory_space<vmem>>) target_semaphore(%dma_start3A_318 : memref<!tpu.dma_semaphore, #tpu.memory_space<semaphore_mem>>)
          } else {
          }
          %dma_wait3A = arith.constant 2 : i32
          %dma_wait3A_273 = arith.constant 0 : i32
          %dma_wait3A_274 = arith.constant 0 : i32
          %dma_wait3A_275 = tpu.memref_slice %arg2[%dma_wait3A_273, %dma_wait3A_274] : memref<51200x128xf32, #tpu.memory_space<hbm>> -> memref<51200x128xf32, #tpu.memory_space<hbm>>
          %dma_wait3A_276 = tpu.memref_slice %arg23[%dma_wait3A] : memref<3x!tpu.dma_semaphore, #tpu.memory_space<semaphore_mem>> -> memref<1x!tpu.dma_semaphore, #tpu.memory_space<semaphore_mem>>
          %dma_wait3A_277 = tpu.memref_squeeze %dma_wait3A_276 : memref<1x!tpu.dma_semaphore, #tpu.memory_space<semaphore_mem>> -> memref<!tpu.dma_semaphore, #tpu.memory_space<semaphore_mem>>
          tpu.wait_indirect_dma semaphore(%dma_wait3A_277 : memref<!tpu.dma_semaphore, #tpu.memory_space<semaphore_mem>>) src(%dma_wait3A_275 : memref<51200x128xf32, #tpu.memory_space<hbm>>) dst(%arg20 : memref<128x128xf32, #tpu.memory_space<vmem>>)
          %mul3A_278 = arith.constant 128 : i32
          %mul3A_279 = arith.muli %add3A_255, %mul3A_278 : i32
          %add3A_280 = arith.addi %mul3A_148, %mul3A_279 : i32
          %mul3A_281 = arith.constant 128 : i32
          %mul3A_282 = arith.muli %add3A_255, %mul3A_281 : i32
          %add3A_283 = arith.addi %mul3A_148, %mul3A_282 : i32
          %min3A = arith.constant 799872 : i32
          %min3A_284 = arith.minsi %add3A_283, %min3A : i32
          %max3A = arith.maxsi %squeeze3A, %add3A_280 : i32
          %sub3A_285 = arith.subi %max3A, %min3A_284 : i32
          %add3A_286 = arith.constant 128 : i32
          %add3A_287 = arith.addi %add3A_280, %add3A_286 : i32
          %min3A_288 = arith.minsi %squeeze3A_122, %add3A_287 : i32
          %sub3A_289 = arith.subi %min3A_288, %min3A_284 : i32
          %while3A_290 = arith.subi %sub3A_289, %sub3A_285 : i32
          %while3A_291 = arith.addi %sub3A_285, %while3A_290 : i32
          %while3A_292 = arith.constant 1 : i32
          %while3A_293 = arith.divsi %while3A_290, %while3A_292 : i32
          %while3A_294 = arith.muli %while3A_293, %while3A_292 : i32
          %while3A_295 = arith.addi %sub3A_285, %while3A_294 : i32
          %while3A_296 = arith.constant 1 : i32
          scf.for %while3A_298 = %sub3A_285 to %while3A_295 step %while3A_296  : i32 {
            %broadcast_in_dim3A_299 = vector.broadcast %while3A_298 : i32 to vector<16xi32>
            %gather3A = tpu.vector_load_idx %arg11[%broadcast_in_dim3A_299] : memref<128xi32, #tpu.memory_space<vmem>>[vector<16xi32>], vector<16xi32>,
            %sub3A_300 = vector.broadcast %mul3A_119 : i32 to vector<16xi32>
            %sub3A_301 = arith.subi %gather3A, %sub3A_300 : vector<16xi32>
            %gather3A_302 = tpu.vector_load_idx %arg20[%broadcast_in_dim3A_299, %iota3A] : memref<128x128xf32, #tpu.memory_space<vmem>>[vector<16xi32>, vector<16xi32>], vector<16xf32>,
            %add3A_303 = arith.constant 16 : i32
            %add3A_304 = vector.broadcast %add3A_303 : i32 to vector<16xi32>
            %add3A_305 = arith.addi %iota3A, %add3A_304 : vector<16xi32>
            %gather3A_306 = tpu.vector_load_idx %arg20[%broadcast_in_dim3A_299, %add3A_305] : memref<128x128xf32, #tpu.memory_space<vmem>>[vector<16xi32>, vector<16xi32>], vector<16xf32>,
            %mul3A_307 = arith.constant 3 : i32
            %mul3A_308 = vector.broadcast %mul3A_307 : i32 to vector<16xi32>
            %mul3A_309 = arith.muli %mul3A_308, %iota3A : vector<16xi32>
            %add3A_310 = arith.constant 32 : i32
            %add3A_311 = vector.broadcast %add3A_310 : i32 to vector<16xi32>
            %add3A_312 = arith.addi %mul3A_309, %add3A_311 : vector<16xi32>
            %gather3A_313 = tpu.vector_load_idx %arg20[%broadcast_in_dim3A_299, %add3A_312] : memref<128x128xf32, #tpu.memory_space<vmem>>[vector<16xi32>, vector<16xi32>], vector<16xf32>,
            %mul3A_314 = arith.constant 3 : i32
            %mul3A_315 = vector.broadcast %mul3A_314 : i32 to vector<16xi32>
            %mul3A_316 = arith.muli %mul3A_315, %iota3A : vector<16xi32>
            %add3A_317 = arith.constant 33 : i32
            %add3A_318 = vector.broadcast %add3A_317 : i32 to vector<16xi32>
            %add3A_319 = arith.addi %mul3A_316, %add3A_318 : vector<16xi32>
            %gather3A_320 = tpu.vector_load_idx %arg20[%broadcast_in_dim3A_299, %add3A_319] : memref<128x128xf32, #tpu.memory_space<vmem>>[vector<16xi32>, vector<16xi32>], vector<16xf32>,
            %mul3A_321 = arith.constant 3 : i32
            %mul3A_322 = vector.broadcast %mul3A_321 : i32 to vector<16xi32>
            %mul3A_323 = arith.muli %mul3A_322, %iota3A : vector<16xi32>
            %add3A_324 = arith.constant 34 : i32
            %add3A_325 = vector.broadcast %add3A_324 : i32 to vector<16xi32>
            %add3A_326 = arith.addi %mul3A_323, %add3A_325 : vector<16xi32>
            %gather3A_327 = tpu.vector_load_idx %arg20[%broadcast_in_dim3A_299, %add3A_326] : memref<128x128xf32, #tpu.memory_space<vmem>>[vector<16xi32>, vector<16xi32>], vector<16xf32>,
            %broadcast_in_dim3A_328 = arith.constant 112 : i32
            %broadcast_in_dim3A_329 = vector.broadcast %broadcast_in_dim3A_328 : i32 to vector<16xi32>
            %gather3A_330 = tpu.vector_load_idx %arg17[%broadcast_in_dim3A_299, %broadcast_in_dim3A_329] : memref<128x128xf32, #tpu.memory_space<vmem>>[vector<16xi32>, vector<16xi32>], vector<16xf32>,
            %broadcast_in_dim3A_331 = arith.constant 113 : i32
            %broadcast_in_dim3A_332 = vector.broadcast %broadcast_in_dim3A_331 : i32 to vector<16xi32>
            %gather3A_333 = tpu.vector_load_idx %arg17[%broadcast_in_dim3A_299, %broadcast_in_dim3A_332] : memref<128x128xf32, #tpu.memory_space<vmem>>[vector<16xi32>, vector<16xi32>], vector<16xf32>,
            %broadcast_in_dim3A_334 = arith.constant 114 : i32
            %broadcast_in_dim3A_335 = vector.broadcast %broadcast_in_dim3A_334 : i32 to vector<16xi32>
            %gather3A_336 = tpu.vector_load_idx %arg17[%broadcast_in_dim3A_299, %broadcast_in_dim3A_335] : memref<128x128xf32, #tpu.memory_space<vmem>>[vector<16xi32>, vector<16xi32>], vector<16xf32>,
            %gather3A_337 = tpu.vector_load_idx %arg17[%broadcast_in_dim3A_299, %iota3A] : memref<128x128xf32, #tpu.memory_space<vmem>>[vector<16xi32>, vector<16xi32>], vector<16xf32>,
            %add3A_338 = arith.constant 16 : i32
            %add3A_339 = vector.broadcast %add3A_338 : i32 to vector<16xi32>
            %add3A_340 = arith.addi %iota3A, %add3A_339 : vector<16xi32>
            %gather3A_341 = tpu.vector_load_idx %arg17[%broadcast_in_dim3A_299, %add3A_340] : memref<128x128xf32, #tpu.memory_space<vmem>>[vector<16xi32>, vector<16xi32>], vector<16xf32>,
            %add3A_342 = arith.constant 32 : i32
            %add3A_343 = vector.broadcast %add3A_342 : i32 to vector<16xi32>
            %add3A_344 = arith.addi %iota3A, %add3A_343 : vector<16xi32>
            %gather3A_345 = tpu.vector_load_idx %arg17[%broadcast_in_dim3A_299, %add3A_344] : memref<128x128xf32, #tpu.memory_space<vmem>>[vector<16xi32>, vector<16xi32>], vector<16xf32>,
            %add3A_346 = arith.constant 48 : i32
            %add3A_347 = vector.broadcast %add3A_346 : i32 to vector<16xi32>
            %add3A_348 = arith.addi %iota3A, %add3A_347 : vector<16xi32>
            %gather3A_349 = tpu.vector_load_idx %arg17[%broadcast_in_dim3A_299, %add3A_348] : memref<128x128xf32, #tpu.memory_space<vmem>>[vector<16xi32>, vector<16xi32>], vector<16xf32>,
            %add3A_350 = arith.constant 64 : i32
            %add3A_351 = vector.broadcast %add3A_350 : i32 to vector<16xi32>
            %add3A_352 = arith.addi %iota3A, %add3A_351 : vector<16xi32>
            %gather3A_353 = tpu.vector_load_idx %arg17[%broadcast_in_dim3A_299, %add3A_352] : memref<128x128xf32, #tpu.memory_space<vmem>>[vector<16xi32>, vector<16xi32>], vector<16xf32>,
            %add3A_354 = arith.constant 80 : i32
            %add3A_355 = vector.broadcast %add3A_354 : i32 to vector<16xi32>
            %add3A_356 = arith.addi %iota3A, %add3A_355 : vector<16xi32>
            %gather3A_357 = tpu.vector_load_idx %arg17[%broadcast_in_dim3A_299, %add3A_356] : memref<128x128xf32, #tpu.memory_space<vmem>>[vector<16xi32>, vector<16xi32>], vector<16xf32>,
            %add3A_358 = arith.constant 96 : i32
            %add3A_359 = vector.broadcast %add3A_358 : i32 to vector<16xi32>
            %add3A_360 = arith.addi %iota3A, %add3A_359 : vector<16xi32>
            %gather3A_361 = tpu.vector_load_idx %arg17[%broadcast_in_dim3A_299, %add3A_360] : memref<128x128xf32, #tpu.memory_space<vmem>>[vector<16xi32>, vector<16xi32>], vector<16xf32>,
            %mul3A_362 = arith.mulf %gather3A_337, %gather3A_302 : vector<16xf32>
            tpu.vector_store_idx %arg8[%sub3A_301, %iota3A], %mul3A_362 {add = true} : memref<80x256xf32, #tpu.memory_space<vmem>>[vector<16xi32>, vector<16xi32>], vector<16xf32>,
            %mul3A_363 = arith.mulf %gather3A_341, %gather3A_306 : vector<16xf32>
            tpu.vector_store_idx %arg8[%sub3A_301, %add3A_4], %mul3A_363 {add = true} : memref<80x256xf32, #tpu.memory_space<vmem>>[vector<16xi32>, vector<16xi32>], vector<16xf32>,
            %mul3A_364 = arith.mulf %gather3A_313, %gather3A_330 : vector<16xf32>
            %mul3A_365 = arith.mulf %gather3A_320, %gather3A_333 : vector<16xf32>
            %add3A_366 = arith.addf %mul3A_364, %mul3A_365 : vector<16xf32>
            %mul3A_367 = arith.mulf %gather3A_327, %gather3A_336 : vector<16xf32>
            %add3A_368 = arith.addf %add3A_366, %mul3A_367 : vector<16xf32>
            %mul3A_369 = arith.mulf %gather3A_345, %add3A_368 : vector<16xf32>
            tpu.vector_store_idx %arg8[%sub3A_301, %add3A_7], %mul3A_369 {add = true} : memref<80x256xf32, #tpu.memory_space<vmem>>[vector<16xi32>, vector<16xi32>], vector<16xf32>,
            %mul3A_370 = arith.mulf %gather3A_349, %gather3A_302 : vector<16xf32>
            %mul3A_371 = arith.mulf %gather3A_353, %gather3A_306 : vector<16xf32>
            %mul3A_372 = arith.mulf %mul3A_370, %gather3A_330 : vector<16xf32>
            tpu.vector_store_idx %arg8[%sub3A_301, %add3A_13], %mul3A_372 {add = true} : memref<80x256xf32, #tpu.memory_space<vmem>>[vector<16xi32>, vector<16xi32>], vector<16xf32>,
            %mul3A_373 = arith.mulf %mul3A_371, %gather3A_330 : vector<16xf32>
            tpu.vector_store_idx %arg8[%sub3A_301, %add3A_31], %mul3A_373 {add = true} : memref<80x256xf32, #tpu.memory_space<vmem>>[vector<16xi32>, vector<16xi32>], vector<16xf32>,
            %mul3A_374 = arith.mulf %mul3A_370, %gather3A_333 : vector<16xf32>
            tpu.vector_store_idx %arg8[%sub3A_301, %add3A_19], %mul3A_374 {add = true} : memref<80x256xf32, #tpu.memory_space<vmem>>[vector<16xi32>, vector<16xi32>], vector<16xf32>,
            %mul3A_375 = arith.mulf %mul3A_371, %gather3A_333 : vector<16xf32>
            tpu.vector_store_idx %arg8[%sub3A_301, %add3A_37], %mul3A_375 {add = true} : memref<80x256xf32, #tpu.memory_space<vmem>>[vector<16xi32>, vector<16xi32>], vector<16xf32>,
            %mul3A_376 = arith.mulf %mul3A_370, %gather3A_336 : vector<16xf32>
            tpu.vector_store_idx %arg8[%sub3A_301, %add3A_25], %mul3A_376 {add = true} : memref<80x256xf32, #tpu.memory_space<vmem>>[vector<16xi32>, vector<16xi32>], vector<16xf32>,
            %mul3A_377 = arith.mulf %mul3A_371, %gather3A_336 : vector<16xf32>
            tpu.vector_store_idx %arg8[%sub3A_301, %add3A_43], %mul3A_377 {add = true} : memref<80x256xf32, #tpu.memory_space<vmem>>[vector<16xi32>, vector<16xi32>], vector<16xf32>,
            %mul3A_378 = arith.mulf %gather3A_357, %gather3A_313 : vector<16xf32>
            tpu.vector_store_idx %arg8[%sub3A_301, %add3A_49], %mul3A_378 {add = true} : memref<80x256xf32, #tpu.memory_space<vmem>>[vector<16xi32>, vector<16xi32>], vector<16xf32>,
            %mul3A_379 = arith.mulf %gather3A_357, %gather3A_320 : vector<16xf32>
            tpu.vector_store_idx %arg8[%sub3A_301, %add3A_55], %mul3A_379 {add = true} : memref<80x256xf32, #tpu.memory_space<vmem>>[vector<16xi32>, vector<16xi32>], vector<16xf32>,
            %mul3A_380 = arith.mulf %gather3A_357, %gather3A_327 : vector<16xf32>
            tpu.vector_store_idx %arg8[%sub3A_301, %add3A_61], %mul3A_380 {add = true} : memref<80x256xf32, #tpu.memory_space<vmem>>[vector<16xi32>, vector<16xi32>], vector<16xf32>,
            %mul3A_381 = arith.mulf %gather3A_320, %gather3A_336 : vector<16xf32>
            %mul3A_382 = arith.mulf %gather3A_327, %gather3A_333 : vector<16xf32>
            %sub3A_383 = arith.subf %mul3A_381, %mul3A_382 : vector<16xf32>
            %mul3A_384 = arith.mulf %gather3A_327, %gather3A_330 : vector<16xf32>
            %mul3A_385 = arith.mulf %gather3A_313, %gather3A_336 : vector<16xf32>
            %sub3A_386 = arith.subf %mul3A_384, %mul3A_385 : vector<16xf32>
            %mul3A_387 = arith.mulf %gather3A_313, %gather3A_333 : vector<16xf32>
            %mul3A_388 = arith.mulf %gather3A_320, %gather3A_330 : vector<16xf32>
            %sub3A_389 = arith.subf %mul3A_387, %mul3A_388 : vector<16xf32>
            %mul3A_390 = arith.mulf %gather3A_361, %sub3A_383 : vector<16xf32>
            tpu.vector_store_idx %arg8[%sub3A_301, %add3A_67], %mul3A_390 {add = true} : memref<80x256xf32, #tpu.memory_space<vmem>>[vector<16xi32>, vector<16xi32>], vector<16xf32>,
            %mul3A_391 = arith.mulf %gather3A_361, %sub3A_386 : vector<16xf32>
            tpu.vector_store_idx %arg8[%sub3A_301, %add3A_73], %mul3A_391 {add = true} : memref<80x256xf32, #tpu.memory_space<vmem>>[vector<16xi32>, vector<16xi32>], vector<16xf32>,
            %mul3A_392 = arith.mulf %gather3A_361, %sub3A_389 : vector<16xf32>
            tpu.vector_store_idx %arg8[%sub3A_301, %add3A_79], %mul3A_392 {add = true} : memref<80x256xf32, #tpu.memory_space<vmem>>[vector<16xi32>, vector<16xi32>], vector<16xf32>,
          }
          %while3A_297 = arith.constant 1 : i32
          scf.for %while3A_298 = %while3A_295 to %while3A_291 step %while3A_297  : i32 {
            %broadcast_in_dim3A_299 = vector.broadcast %while3A_298 : i32 to vector<16xi32>
            %gather3A = tpu.vector_load_idx %arg11[%broadcast_in_dim3A_299] : memref<128xi32, #tpu.memory_space<vmem>>[vector<16xi32>], vector<16xi32>,
            %sub3A_300 = vector.broadcast %mul3A_119 : i32 to vector<16xi32>
            %sub3A_301 = arith.subi %gather3A, %sub3A_300 : vector<16xi32>
            %gather3A_302 = tpu.vector_load_idx %arg20[%broadcast_in_dim3A_299, %iota3A] : memref<128x128xf32, #tpu.memory_space<vmem>>[vector<16xi32>, vector<16xi32>], vector<16xf32>,
            %add3A_303 = arith.constant 16 : i32
            %add3A_304 = vector.broadcast %add3A_303 : i32 to vector<16xi32>
            %add3A_305 = arith.addi %iota3A, %add3A_304 : vector<16xi32>
            %gather3A_306 = tpu.vector_load_idx %arg20[%broadcast_in_dim3A_299, %add3A_305] : memref<128x128xf32, #tpu.memory_space<vmem>>[vector<16xi32>, vector<16xi32>], vector<16xf32>,
            %mul3A_307 = arith.constant 3 : i32
            %mul3A_308 = vector.broadcast %mul3A_307 : i32 to vector<16xi32>
            %mul3A_309 = arith.muli %mul3A_308, %iota3A : vector<16xi32>
            %add3A_310 = arith.constant 32 : i32
            %add3A_311 = vector.broadcast %add3A_310 : i32 to vector<16xi32>
            %add3A_312 = arith.addi %mul3A_309, %add3A_311 : vector<16xi32>
            %gather3A_313 = tpu.vector_load_idx %arg20[%broadcast_in_dim3A_299, %add3A_312] : memref<128x128xf32, #tpu.memory_space<vmem>>[vector<16xi32>, vector<16xi32>], vector<16xf32>,
            %mul3A_314 = arith.constant 3 : i32
            %mul3A_315 = vector.broadcast %mul3A_314 : i32 to vector<16xi32>
            %mul3A_316 = arith.muli %mul3A_315, %iota3A : vector<16xi32>
            %add3A_317 = arith.constant 33 : i32
            %add3A_318 = vector.broadcast %add3A_317 : i32 to vector<16xi32>
            %add3A_319 = arith.addi %mul3A_316, %add3A_318 : vector<16xi32>
            %gather3A_320 = tpu.vector_load_idx %arg20[%broadcast_in_dim3A_299, %add3A_319] : memref<128x128xf32, #tpu.memory_space<vmem>>[vector<16xi32>, vector<16xi32>], vector<16xf32>,
            %mul3A_321 = arith.constant 3 : i32
            %mul3A_322 = vector.broadcast %mul3A_321 : i32 to vector<16xi32>
            %mul3A_323 = arith.muli %mul3A_322, %iota3A : vector<16xi32>
            %add3A_324 = arith.constant 34 : i32
            %add3A_325 = vector.broadcast %add3A_324 : i32 to vector<16xi32>
            %add3A_326 = arith.addi %mul3A_323, %add3A_325 : vector<16xi32>
            %gather3A_327 = tpu.vector_load_idx %arg20[%broadcast_in_dim3A_299, %add3A_326] : memref<128x128xf32, #tpu.memory_space<vmem>>[vector<16xi32>, vector<16xi32>], vector<16xf32>,
            %broadcast_in_dim3A_328 = arith.constant 112 : i32
            %broadcast_in_dim3A_329 = vector.broadcast %broadcast_in_dim3A_328 : i32 to vector<16xi32>
            %gather3A_330 = tpu.vector_load_idx %arg17[%broadcast_in_dim3A_299, %broadcast_in_dim3A_329] : memref<128x128xf32, #tpu.memory_space<vmem>>[vector<16xi32>, vector<16xi32>], vector<16xf32>,
            %broadcast_in_dim3A_331 = arith.constant 113 : i32
            %broadcast_in_dim3A_332 = vector.broadcast %broadcast_in_dim3A_331 : i32 to vector<16xi32>
            %gather3A_333 = tpu.vector_load_idx %arg17[%broadcast_in_dim3A_299, %broadcast_in_dim3A_332] : memref<128x128xf32, #tpu.memory_space<vmem>>[vector<16xi32>, vector<16xi32>], vector<16xf32>,
            %broadcast_in_dim3A_334 = arith.constant 114 : i32
            %broadcast_in_dim3A_335 = vector.broadcast %broadcast_in_dim3A_334 : i32 to vector<16xi32>
            %gather3A_336 = tpu.vector_load_idx %arg17[%broadcast_in_dim3A_299, %broadcast_in_dim3A_335] : memref<128x128xf32, #tpu.memory_space<vmem>>[vector<16xi32>, vector<16xi32>], vector<16xf32>,
            %gather3A_337 = tpu.vector_load_idx %arg17[%broadcast_in_dim3A_299, %iota3A] : memref<128x128xf32, #tpu.memory_space<vmem>>[vector<16xi32>, vector<16xi32>], vector<16xf32>,
            %add3A_338 = arith.constant 16 : i32
            %add3A_339 = vector.broadcast %add3A_338 : i32 to vector<16xi32>
            %add3A_340 = arith.addi %iota3A, %add3A_339 : vector<16xi32>
            %gather3A_341 = tpu.vector_load_idx %arg17[%broadcast_in_dim3A_299, %add3A_340] : memref<128x128xf32, #tpu.memory_space<vmem>>[vector<16xi32>, vector<16xi32>], vector<16xf32>,
            %add3A_342 = arith.constant 32 : i32
            %add3A_343 = vector.broadcast %add3A_342 : i32 to vector<16xi32>
            %add3A_344 = arith.addi %iota3A, %add3A_343 : vector<16xi32>
            %gather3A_345 = tpu.vector_load_idx %arg17[%broadcast_in_dim3A_299, %add3A_344] : memref<128x128xf32, #tpu.memory_space<vmem>>[vector<16xi32>, vector<16xi32>], vector<16xf32>,
            %add3A_346 = arith.constant 48 : i32
            %add3A_347 = vector.broadcast %add3A_346 : i32 to vector<16xi32>
            %add3A_348 = arith.addi %iota3A, %add3A_347 : vector<16xi32>
            %gather3A_349 = tpu.vector_load_idx %arg17[%broadcast_in_dim3A_299, %add3A_348] : memref<128x128xf32, #tpu.memory_space<vmem>>[vector<16xi32>, vector<16xi32>], vector<16xf32>,
            %add3A_350 = arith.constant 64 : i32
            %add3A_351 = vector.broadcast %add3A_350 : i32 to vector<16xi32>
            %add3A_352 = arith.addi %iota3A, %add3A_351 : vector<16xi32>
            %gather3A_353 = tpu.vector_load_idx %arg17[%broadcast_in_dim3A_299, %add3A_352] : memref<128x128xf32, #tpu.memory_space<vmem>>[vector<16xi32>, vector<16xi32>], vector<16xf32>,
            %add3A_354 = arith.constant 80 : i32
            %add3A_355 = vector.broadcast %add3A_354 : i32 to vector<16xi32>
            %add3A_356 = arith.addi %iota3A, %add3A_355 : vector<16xi32>
            %gather3A_357 = tpu.vector_load_idx %arg17[%broadcast_in_dim3A_299, %add3A_356] : memref<128x128xf32, #tpu.memory_space<vmem>>[vector<16xi32>, vector<16xi32>], vector<16xf32>,
            %add3A_358 = arith.constant 96 : i32
            %add3A_359 = vector.broadcast %add3A_358 : i32 to vector<16xi32>
            %add3A_360 = arith.addi %iota3A, %add3A_359 : vector<16xi32>
            %gather3A_361 = tpu.vector_load_idx %arg17[%broadcast_in_dim3A_299, %add3A_360] : memref<128x128xf32, #tpu.memory_space<vmem>>[vector<16xi32>, vector<16xi32>], vector<16xf32>,
            %mul3A_362 = arith.mulf %gather3A_337, %gather3A_302 : vector<16xf32>
            tpu.vector_store_idx %arg8[%sub3A_301, %iota3A], %mul3A_362 {add = true} : memref<80x256xf32, #tpu.memory_space<vmem>>[vector<16xi32>, vector<16xi32>], vector<16xf32>,
            %mul3A_363 = arith.mulf %gather3A_341, %gather3A_306 : vector<16xf32>
            tpu.vector_store_idx %arg8[%sub3A_301, %add3A_4], %mul3A_363 {add = true} : memref<80x256xf32, #tpu.memory_space<vmem>>[vector<16xi32>, vector<16xi32>], vector<16xf32>,
            %mul3A_364 = arith.mulf %gather3A_313, %gather3A_330 : vector<16xf32>
            %mul3A_365 = arith.mulf %gather3A_320, %gather3A_333 : vector<16xf32>
            %add3A_366 = arith.addf %mul3A_364, %mul3A_365 : vector<16xf32>
            %mul3A_367 = arith.mulf %gather3A_327, %gather3A_336 : vector<16xf32>
            %add3A_368 = arith.addf %add3A_366, %mul3A_367 : vector<16xf32>
            %mul3A_369 = arith.mulf %gather3A_345, %add3A_368 : vector<16xf32>
            tpu.vector_store_idx %arg8[%sub3A_301, %add3A_7], %mul3A_369 {add = true} : memref<80x256xf32, #tpu.memory_space<vmem>>[vector<16xi32>, vector<16xi32>], vector<16xf32>,
            %mul3A_370 = arith.mulf %gather3A_349, %gather3A_302 : vector<16xf32>
            %mul3A_371 = arith.mulf %gather3A_353, %gather3A_306 : vector<16xf32>
            %mul3A_372 = arith.mulf %mul3A_370, %gather3A_330 : vector<16xf32>
            tpu.vector_store_idx %arg8[%sub3A_301, %add3A_13], %mul3A_372 {add = true} : memref<80x256xf32, #tpu.memory_space<vmem>>[vector<16xi32>, vector<16xi32>], vector<16xf32>,
            %mul3A_373 = arith.mulf %mul3A_371, %gather3A_330 : vector<16xf32>
            tpu.vector_store_idx %arg8[%sub3A_301, %add3A_31], %mul3A_373 {add = true} : memref<80x256xf32, #tpu.memory_space<vmem>>[vector<16xi32>, vector<16xi32>], vector<16xf32>,
            %mul3A_374 = arith.mulf %mul3A_370, %gather3A_333 : vector<16xf32>
            tpu.vector_store_idx %arg8[%sub3A_301, %add3A_19], %mul3A_374 {add = true} : memref<80x256xf32, #tpu.memory_space<vmem>>[vector<16xi32>, vector<16xi32>], vector<16xf32>,
            %mul3A_375 = arith.mulf %mul3A_371, %gather3A_333 : vector<16xf32>
            tpu.vector_store_idx %arg8[%sub3A_301, %add3A_37], %mul3A_375 {add = true} : memref<80x256xf32, #tpu.memory_space<vmem>>[vector<16xi32>, vector<16xi32>], vector<16xf32>,
            %mul3A_376 = arith.mulf %mul3A_370, %gather3A_336 : vector<16xf32>
            tpu.vector_store_idx %arg8[%sub3A_301, %add3A_25], %mul3A_376 {add = true} : memref<80x256xf32, #tpu.memory_space<vmem>>[vector<16xi32>, vector<16xi32>], vector<16xf32>,
            %mul3A_377 = arith.mulf %mul3A_371, %gather3A_336 : vector<16xf32>
            tpu.vector_store_idx %arg8[%sub3A_301, %add3A_43], %mul3A_377 {add = true} : memref<80x256xf32, #tpu.memory_space<vmem>>[vector<16xi32>, vector<16xi32>], vector<16xf32>,
            %mul3A_378 = arith.mulf %gather3A_357, %gather3A_313 : vector<16xf32>
            tpu.vector_store_idx %arg8[%sub3A_301, %add3A_49], %mul3A_378 {add = true} : memref<80x256xf32, #tpu.memory_space<vmem>>[vector<16xi32>, vector<16xi32>], vector<16xf32>,
            %mul3A_379 = arith.mulf %gather3A_357, %gather3A_320 : vector<16xf32>
            tpu.vector_store_idx %arg8[%sub3A_301, %add3A_55], %mul3A_379 {add = true} : memref<80x256xf32, #tpu.memory_space<vmem>>[vector<16xi32>, vector<16xi32>], vector<16xf32>,
            %mul3A_380 = arith.mulf %gather3A_357, %gather3A_327 : vector<16xf32>
            tpu.vector_store_idx %arg8[%sub3A_301, %add3A_61], %mul3A_380 {add = true} : memref<80x256xf32, #tpu.memory_space<vmem>>[vector<16xi32>, vector<16xi32>], vector<16xf32>,
            %mul3A_381 = arith.mulf %gather3A_320, %gather3A_336 : vector<16xf32>
            %mul3A_382 = arith.mulf %gather3A_327, %gather3A_333 : vector<16xf32>
            %sub3A_383 = arith.subf %mul3A_381, %mul3A_382 : vector<16xf32>
            %mul3A_384 = arith.mulf %gather3A_327, %gather3A_330 : vector<16xf32>
            %mul3A_385 = arith.mulf %gather3A_313, %gather3A_336 : vector<16xf32>
            %sub3A_386 = arith.subf %mul3A_384, %mul3A_385 : vector<16xf32>
            %mul3A_387 = arith.mulf %gather3A_313, %gather3A_333 : vector<16xf32>
            %mul3A_388 = arith.mulf %gather3A_320, %gather3A_330 : vector<16xf32>
            %sub3A_389 = arith.subf %mul3A_387, %mul3A_388 : vector<16xf32>
            %mul3A_390 = arith.mulf %gather3A_361, %sub3A_383 : vector<16xf32>
            tpu.vector_store_idx %arg8[%sub3A_301, %add3A_67], %mul3A_390 {add = true} : memref<80x256xf32, #tpu.memory_space<vmem>>[vector<16xi32>, vector<16xi32>], vector<16xf32>,
            %mul3A_391 = arith.mulf %gather3A_361, %sub3A_386 : vector<16xf32>
            tpu.vector_store_idx %arg8[%sub3A_301, %add3A_73], %mul3A_391 {add = true} : memref<80x256xf32, #tpu.memory_space<vmem>>[vector<16xi32>, vector<16xi32>], vector<16xf32>,
            %mul3A_392 = arith.mulf %gather3A_361, %sub3A_389 : vector<16xf32>
            tpu.vector_store_idx %arg8[%sub3A_301, %add3A_79], %mul3A_392 {add = true} : memref<80x256xf32, #tpu.memory_space<vmem>>[vector<16xi32>, vector<16xi32>], vector<16xf32>,
          }
        } else {
        }
        %while3A_260 = arith.constant 0 : i32
        scf.yield %while3A_260 : i32
      }
      "tpu.region"() ({
        %run_scoped3A = tpu.sem_alloc : memref<!tpu.dma_semaphore, #tpu.memory_space<semaphore_mem>>
        %dma_start3A = arith.constant 0 : i32
        %dma_start3A_235 = tpu.memref_slice %arg7[%mul3A_119, %dma_start3A] : memref<50000x256xf32, #tpu.memory_space<hbm>> -> memref<80x256xf32, #tpu.memory_space<hbm>>
        %dma_start3A_236 = arith.constant 0 : i32
        %dma_start3A_237 = tpu.memref_slice %arg7[%mul3A_119, %dma_start3A_236] : memref<50000x256xf32, #tpu.memory_space<hbm>> -> memref<80x256xf32, #tpu.memory_space<hbm>>
        tpu.enqueue_dma source(%arg8 : memref<80x256xf32, #tpu.memory_space<vmem>>) target(%dma_start3A_237 : memref<80x256xf32, #tpu.memory_space<hbm>>) target_semaphore(%run_scoped3A : memref<!tpu.dma_semaphore, #tpu.memory_space<semaphore_mem>>)
        %dma_wait3A = arith.constant 0 : i32
        %dma_wait3A_238 = tpu.memref_slice %arg7[%mul3A_119, %dma_wait3A] : memref<50000x256xf32, #tpu.memory_space<hbm>> -> memref<80x256xf32, #tpu.memory_space<hbm>>
        %dma_wait3A_239 = arith.constant 0 : i32
        %dma_wait3A_240 = tpu.memref_slice %arg7[%mul3A_119, %dma_wait3A_239] : memref<50000x256xf32, #tpu.memory_space<hbm>> -> memref<80x256xf32, #tpu.memory_space<hbm>>
        tpu.wait_dma2 semaphore(%run_scoped3A : memref<!tpu.dma_semaphore, #tpu.memory_space<semaphore_mem>>) src(%arg8 : memref<80x256xf32, #tpu.memory_space<vmem>>) dst(%dma_wait3A_240 : memref<80x256xf32, #tpu.memory_space<hbm>>)
        tpu.yield
      }) : () -> ()
      %while3A_234 = arith.constant 0 : i32
      scf.yield %while3A_234 : i32
    }
    return
  }
}

module attributes {stable_mosaic.version = 14 : i64} {
  func.func @_packw_body(%arg0: i32, %arg1: memref<112x6400xf32, #tpu.memory_space<vmem>>, %arg2: memref<4x6400xf32, #tpu.memory_space<vmem>>, %arg3: memref<6400x128xf32, #tpu.memory_space<vmem>>) attributes {dimension_semantics = [#tpu.dimension_semantics<arbitrary>], iteration_bounds = array<i64: 125>, scalar_prefetch = 0 : i64, scratch_operands = 0 : i64, tpu.core_type = #tpu.core_type<tc>, window_params = [{transform_indices = @transform_0, window_bounds = array<i64: 112, 6400>}, {transform_indices = @transform_1, window_bounds = array<i64: 4, 6400>}, {transform_indices = @transform_2, window_bounds = array<i64: 6400, 128>}]} {
    %get3A = arith.constant 0 : index
    %get3A_0 = arith.constant 0 : index
    %get3A_1 = vector.load %arg1[%get3A, %get3A_0] : memref<112x6400xf32, #tpu.memory_space<vmem>>, vector<112x6400xf32>
    %transpose3A = tpu.transpose %get3A_1, [1, 0] : vector<112x6400xf32> -> vector<6400x112xf32>
    %get3A_2 = arith.constant 0 : index
    %get3A_3 = arith.constant 0 : index
    %get3A_4 = vector.load %arg2[%get3A_2, %get3A_3] : memref<4x6400xf32, #tpu.memory_space<vmem>>, vector<4x6400xf32>
    %transpose3A_5 = tpu.transpose %get3A_4, [1, 0] : vector<4x6400xf32> -> vector<6400x4xf32>
    %slice3A = vector.extract_strided_slice %transpose3A_5 {offsets = [0, 0], sizes = [6400, 1], strides = [1, 1]} : vector<6400x4xf32> to vector<6400x1xf32>
    %slice3A_6 = vector.extract_strided_slice %transpose3A {offsets = [0, 0], sizes = [6400, 32], strides = [1, 1]} : vector<6400x112xf32> to vector<6400x32xf32>
    %mul3A = vector.broadcast %slice3A : vector<6400x1xf32> to vector<6400x32xf32>
    %mul3A_7 = arith.mulf %slice3A_6, %mul3A : vector<6400x32xf32>
    %slice3A_8 = vector.extract_strided_slice %transpose3A {offsets = [0, 32], sizes = [6400, 16], strides = [1, 1]} : vector<6400x112xf32> to vector<6400x16xf32>
    %mul3A_9 = arith.constant 0.577350259 : f32
    %mul3A_10 = vector.broadcast %mul3A_9 : f32 to vector<6400x16xf32>
    %mul3A_11 = arith.mulf %slice3A_8, %mul3A_10 : vector<6400x16xf32>
    %slice3A_12 = vector.extract_strided_slice %transpose3A {offsets = [0, 48], sizes = [6400, 32], strides = [1, 1]} : vector<6400x112xf32> to vector<6400x32xf32>
    %slice3A_13 = vector.extract_strided_slice %transpose3A {offsets = [0, 80], sizes = [6400, 16], strides = [1, 1]} : vector<6400x112xf32> to vector<6400x16xf32>
    %mul3A_14 = vector.broadcast %slice3A : vector<6400x1xf32> to vector<6400x16xf32>
    %mul3A_15 = arith.mulf %slice3A_13, %mul3A_14 : vector<6400x16xf32>
    %slice3A_16 = vector.extract_strided_slice %transpose3A {offsets = [0, 96], sizes = [6400, 16], strides = [1, 1]} : vector<6400x112xf32> to vector<6400x16xf32>
    %mul3A_17 = arith.constant 0.707106769 : f32
    %mul3A_18 = vector.broadcast %mul3A_17 : f32 to vector<6400x16xf32>
    %mul3A_19 = arith.mulf %slice3A_16, %mul3A_18 : vector<6400x16xf32>
    %slice3A_20 = vector.extract_strided_slice %transpose3A_5 {offsets = [0, 1], sizes = [6400, 3], strides = [1, 1]} : vector<6400x4xf32> to vector<6400x3xf32>
    %broadcast_in_dim3A = arith.constant 0.000000e+00 : f32
    %broadcast_in_dim3A_21 = vector.broadcast %broadcast_in_dim3A : f32 to vector<6400x13xf32>
    %concatenate3A = tpu.concatenate %mul3A_7, %mul3A_11, %slice3A_12, %mul3A_15, %mul3A_19, %slice3A_20, %broadcast_in_dim3A_21 in 1 : vector<6400x32xf32>, vector<6400x16xf32>, vector<6400x32xf32>, vector<6400x16xf32>, vector<6400x16xf32>, vector<6400x3xf32>, vector<6400x13xf32> -> vector<6400x128xf32>
    %swap3A = arith.constant 0 : index
    %swap3A_22 = arith.constant 0 : index
    %swap3A_23 = vector.load %arg3[%swap3A, %swap3A_22] : memref<6400x128xf32, #tpu.memory_space<vmem>>, vector<6400x128xf32>
    tpu.vector_store %arg3[%swap3A, %swap3A_22], %concatenate3A {strides = array<i32>} : memref<6400x128xf32, #tpu.memory_space<vmem>>, vector<6400x128xf32>,
    return
  }
  func.func @transform_0(%arg0: i32) -> (i32, i32) {
    %c0_i32 = arith.constant 0 : i32
    %c0_i32_0 = arith.constant 0 : i32
    return %c0_i32, %arg0 : i32, i32
  }
  func.func @transform_1(%arg0: i32) -> (i32, i32) {
    %c0_i32 = arith.constant 0 : i32
    %c0_i32_0 = arith.constant 0 : i32
    return %c0_i32, %arg0 : i32, i32
  }
  func.func @transform_2(%arg0: i32) -> (i32, i32) {
    %c0_i32 = arith.constant 0 : i32
    %c0_i32_0 = arith.constant 0 : i32
    return %arg0, %c0_i32 : i32, i32
  }
}

module attributes {stable_mosaic.version = 14 : i64} {
  func.func @_packx_body(%arg0: i32, %arg1: memref<80x6400xf32, #tpu.memory_space<vmem>>, %arg2: memref<6400x128xf32, #tpu.memory_space<vmem>>) attributes {dimension_semantics = [#tpu.dimension_semantics<arbitrary>], iteration_bounds = array<i64: 8>, scalar_prefetch = 0 : i64, scratch_operands = 0 : i64, tpu.core_type = #tpu.core_type<tc>, window_params = [{transform_indices = @transform_0, window_bounds = array<i64: 80, 6400>}, {transform_indices = @transform_1, window_bounds = array<i64: 6400, 128>}]} {
    %get3A = arith.constant 0 : index
    %get3A_0 = arith.constant 0 : index
    %get3A_1 = vector.load %arg1[%get3A, %get3A_0] : memref<80x6400xf32, #tpu.memory_space<vmem>>, vector<80x6400xf32>
    %transpose3A = tpu.transpose %get3A_1, [1, 0] : vector<80x6400xf32> -> vector<6400x80xf32>
    %broadcast_in_dim3A = arith.constant 0.000000e+00 : f32
    %broadcast_in_dim3A_2 = vector.broadcast %broadcast_in_dim3A : f32 to vector<6400x48xf32>
    %concatenate3A = tpu.concatenate %transpose3A, %broadcast_in_dim3A_2 in 1 : vector<6400x80xf32>, vector<6400x48xf32> -> vector<6400x128xf32>
    %swap3A = arith.constant 0 : index
    %swap3A_3 = arith.constant 0 : index
    %swap3A_4 = vector.load %arg2[%swap3A, %swap3A_3] : memref<6400x128xf32, #tpu.memory_space<vmem>>, vector<6400x128xf32>
    tpu.vector_store %arg2[%swap3A, %swap3A_3], %concatenate3A {strides = array<i32>} : memref<6400x128xf32, #tpu.memory_space<vmem>>, vector<6400x128xf32>,
    return
  }
  func.func @transform_0(%arg0: i32) -> (i32, i32) {
    %c0_i32 = arith.constant 0 : i32
    %c0_i32_0 = arith.constant 0 : i32
    return %c0_i32, %arg0 : i32, i32
  }
  func.func @transform_1(%arg0: i32) -> (i32, i32) {
    %c0_i32 = arith.constant 0 : i32
    %c0_i32_0 = arith.constant 0 : i32
    return %arg0, %c0_i32 : i32, i32
  }
}

module attributes {stable_mosaic.version = 14 : i64} {
  func.func @_unpack_body(%arg0: i32, %arg1: memref<2176x256xf32, #tpu.memory_space<vmem>>, %arg2: memref<240x2176xf32, #tpu.memory_space<vmem>>) attributes {dimension_semantics = [#tpu.dimension_semantics<arbitrary>], iteration_bounds = array<i64: 23>, scalar_prefetch = 0 : i64, scratch_operands = 0 : i64, tpu.core_type = #tpu.core_type<tc>, window_params = [{transform_indices = @transform_0, window_bounds = array<i64: 2176, 256>}, {transform_indices = @transform_1, window_bounds = array<i64: 240, 2176>}]} {
    %get3A = arith.constant 0 : index
    %get3A_0 = arith.constant 0 : index
    %get3A_1 = vector.load %arg1[%get3A, %get3A_0] : memref<2176x256xf32, #tpu.memory_space<vmem>>, vector<2176x240xf32>
    %transpose3A = tpu.transpose %get3A_1, [1, 0] : vector<2176x240xf32> -> vector<240x2176xf32>
    %swap3A = arith.constant 0 : index
    %swap3A_2 = arith.constant 0 : index
    %swap3A_3 = vector.load %arg2[%swap3A, %swap3A_2] : memref<240x2176xf32, #tpu.memory_space<vmem>>, vector<240x2176xf32>
    tpu.vector_store %arg2[%swap3A, %swap3A_2], %transpose3A {strides = array<i32>} : memref<240x2176xf32, #tpu.memory_space<vmem>>, vector<240x2176xf32>,
    return
  }
  func.func @transform_0(%arg0: i32) -> (i32, i32) {
    %c0_i32 = arith.constant 0 : i32
    %c0_i32_0 = arith.constant 0 : i32
    return %arg0, %c0_i32 : i32, i32
  }
  func.func @transform_1(%arg0: i32) -> (i32, i32) {
    %c0_i32 = arith.constant 0 : i32
    %c0_i32_0 = arith.constant 0 : i32
    return %c0_i32, %arg0 : i32, i32
  }
}

</mosaic_0001>

<sc_bundles>
// kernel: _tp_conv.6.cloned.1.call-start
scs
__scs_entry_jumppad:
0x0: {  	(pc) =	sbr.rel $0x88, $3  }
0x1: {  	(tag) =	ssettag $0x0;
	lr =	simm.s32 $0x1  }
0x2: {  	[smem:$0x3F9C] =	sst lr;
	_ =	strace $0xD0000000  }
0x3: {  	_ = 	snop  }
0x4: {  	_ = 	snop  }
0x5: {  	_ = 	snop  }
0x6: {  	_ = 	snop  }
0x7: {  	_ = 	snop  }
__scs_overlays_trampoline_lowered:
0x8: {  	[smem:$0x3FAB] =	sst s0  }
0x9: {  	[smem:$0x3FAC] =	sst s1  }
0xa: {  	[smem:$0x3FAD] =	sst s2  }
0xb: {  	[smem:$0x3FAE] =	sst s3  }
0xc: {  	[smem:$0x3FAF] =	sst s4  }
0xd: {  	[smem:$0x3FB0] =	sst s5  }
0xe: {  	[smem:$0x3FB1] =	sst s6  }
0xf: {  	[smem:$0x3FB2] =	sst s7  }
0x10: {  	[smem:$0x3FB3] =	sst s8  }
0x11: {  	[smem:$0x3FB4] =	sst s9;
	s0 =	simm.s32 @!p0 $0x0  }
0x12: {  	s1 =	sld [smem:$0x3F9A];
	s0 =	simm.s32 @p0 $0x1  }
0x13: {  	[smem:$0x3FB5] =	sst s0;
	s0 =	simm.s32 @!p1 $0x0  }
0x14: {  	s2 =	sld [smem:$0x3F99];
	s0 =	simm.s32 @p1 $0x1  }
0x15: {  	[smem:$0x3FB6] =	sst s0;
	s0 =	simm.s32 @!p2 $0x0  }
0x16: {  	s3 =	sld [smem:$0x3FDB];
	s0 =	simm.s32 @p2 $0x1  }
0x17: {  	s4 =	simm.s32 $0x1BF5;
	[smem:$0x3FB8] =	sst s0  }
0x18: {  	s0 =	sld [smem:$0x3F9B];
	_ =	swait.ge [sflag:s4], $0x0  }
0x19: {  	s7 =	sld [smem:$0x3F9C]  }
0x1a: {  	s8 =	sadd.s32 $0xFFFFE003, lr  }
0x1b: {  	s9 =	sadd.s32 $0xFFFFFEF7, lr;
	s5 =	simm.s32 $0xFFFFFFFF;
	p2 =	slt.u32 s8, $0xFFFFF086  }
0x1c: {  	p1 =	slt.u32 s9, $0xF7A;
	s5 =	simm.s32 @!p2 $0x0  }
0x1d: {  	s5 =	simm.s32 @p1 $0x1;
	p0 =	seq.s32 s7, s2  }
0x1e: {  	s7 =	smul.u32 @!p0 $0xF7A, s2;
	p2 =	seq.s32 @!p0 s5, $0x0  }
0x1f: {  	s9 =	smul.u32 $0xF7A, s1;
	s8 =	simm.s32 @!p0 $0x1BF5;
	p2 =	por !p2, p0  }
0x20: {  	[sflag:s8] =	ssyncset.s32 @!p0 $0xFFFFF086;
	s6 =	sadd.s32 @!p0 s3, s7;
	s7 =	simm.s32 @!p0 $0x108  }
0x21: {  	s3 =	sadd.s32 s3, s9;
	s6 =	sadd.s32 @!p0 $0x88, s6;
	s7 =	simm.s32 @p2 $0x1082  }
0x22: {  	[simem:s7], [sflag:s8] =	dma.local @!p0 [hbm:s6], $0xF7A  }
0x23: {  	s9 =	sor.u32 $0xD0000000, s2;
	s6 =	simm.s32 $0x108;
	_ =	swait.ge @!p0 [sflag:s8], $0x0  }
0x24: {  	s3 =	sadd.s32 $0x88, s3;
	s6 =	simm.s32 @!p1 $0x1082;
	[sflag:s4] =	ssyncset.s32 $0xFFFFF086  }
0x25: {  	[simem:s6], [sflag:s4] =	dma.local [hbm:s3], $0xF7A  }
0x26: {  	[smem:$0x3F9C] =	sst s1;
	(tag) =	ssettag s2;
	_ =	strace s9  }
0x27: {  	s1 =	sld [smem:$0x3FAC]  }
0x28: {  	s2 =	sld [smem:$0x3FAD]  }
0x29: {  	s4 =	sld [smem:$0x3FAF]  }
0x2a: {  	p0 =	seq.s32 s5, $0x0;
	s5 =	sld [smem:$0x3FB0]  }
0x2b: {  	s6 =	sld [smem:$0x3FB1]  }
0x2c: {  	s7 =	sld [smem:$0x3FB2]  }
0x2d: {  	s3 =	simm.s32 $0x108;
	s8 =	sld [smem:$0x3FB3]  }
0x2e: {  	s3 =	simm.s32 @!p0 $0x1082;
	s9 =	sld [smem:$0x3FB4]  }
0x2f: {  	lr =	sadd.s32 s0, s3;
	s0 =	sld [smem:$0x3FAB]  }
0x30: {  	s3 =	sld [smem:$0x3FAE]  }
0x31: {  	[smem:$0x3FB7] =	sst s10  }
0x32: {  	s10 =	sld [smem:$0x3FB5];
	_ =	sdelay $0x3  }
0x33: {  	p0 =	seq.s32 s10, $0x1;
	s10 =	sld [smem:$0x3FB7];
	_ =	sdelay $0x3  }
0x34: {  	[smem:$0x3FB7] =	sst s10  }
0x35: {  	s10 =	sld [smem:$0x3FB6];
	_ =	sdelay $0x3  }
0x36: {  	p1 =	seq.s32 s10, $0x1;
	s10 =	sld [smem:$0x3FB7];
	_ =	sdelay $0x3  }
0x37: {  	[smem:$0x3FB7] =	sst s10  }
0x38: {  	s10 =	sld [smem:$0x3FB8]  }
0x39: {  	_ = 	snop;
	(pc) =	sbr.ind lr, $3  }
0x3a: {  	_ = 	snop  }
0x3b: {  	_ = 	snop  }
0x3c: {  	p2 =	seq.s32 s10, $0x1;
	s10 =	sld [smem:$0x3FB7]  }
0x3d: {  	_ =	shalt  }
0x3e: {  	_ =	shalt  }
0x3f: {  	_ =	shalt  }
0x40: {  	_ =	shalt  }
0x41: {  	_ =	shalt  }
0x42: {  	_ =	shalt  }
0x43: {  	_ =	shalt  }
0x44: {  	_ =	shalt  }
0x45: {  	_ =	shalt  }
0x46: {  	_ =	shalt  }
0x47: {  	_ =	shalt  }
0x48: {  	_ =	shalt  }
0x49: {  	_ =	shalt  }
0x4a: {  	_ =	shalt  }
0x4b: {  	_ =	shalt  }
0x4c: {  	_ =	shalt  }
0x4d: {  	_ =	shalt  }
0x4e: {  	_ =	shalt  }
0x4f: {  	_ =	shalt  }
0x50: {  	_ =	shalt  }
0x51: {  	_ =	shalt  }
0x52: {  	_ =	shalt  }
0x53: {  	_ =	shalt  }
0x54: {  	_ =	shalt  }
0x55: {  	_ =	shalt  }
0x56: {  	_ =	shalt  }
0x57: {  	_ =	shalt  }
0x58: {  	_ =	shalt  }
0x59: {  	_ =	shalt  }
0x5a: {  	_ =	shalt  }
0x5b: {  	_ =	shalt  }
0x5c: {  	_ =	shalt  }
0x5d: {  	_ =	shalt  }
0x5e: {  	_ =	shalt  }
0x5f: {  	_ =	shalt  }
0x60: {  	_ =	shalt  }
0x61: {  	_ =	shalt  }
0x62: {  	_ =	shalt  }
0x63: {  	_ =	shalt  }
0x64: {  	_ =	shalt  }
0x65: {  	_ =	shalt  }
0x66: {  	_ =	shalt  }
0x67: {  	_ =	shalt  }
0x68: {  	_ =	shalt  }
0x69: {  	_ =	shalt  }
0x6a: {  	_ =	shalt  }
0x6b: {  	_ =	shalt  }
0x6c: {  	_ =	shalt  }
0x6d: {  	_ =	shalt  }
0x6e: {  	_ =	shalt  }
0x6f: {  	_ =	shalt  }
0x70: {  	_ =	shalt  }
0x71: {  	_ =	shalt  }
0x72: {  	_ =	shalt  }
0x73: {  	_ =	shalt  }
0x74: {  	_ =	shalt  }
0x75: {  	_ =	shalt  }
0x76: {  	_ =	shalt  }
0x77: {  	_ =	shalt  }
0x78: {  	_ =	shalt  }
0x79: {  	_ =	shalt  }
0x7a: {  	_ =	shalt  }
0x7b: {  	_ =	shalt  }
0x7c: {  	_ =	shalt  }
0x7d: {  	_ =	shalt  }
0x7e: {  	_ =	shalt  }
0x7f: {  	_ =	shalt  }
0x80: {  	_ =	shalt  }
0x81: {  	_ =	shalt  }
0x82: {  	_ =	shalt  }
0x83: {  	_ =	shalt  }
0x84: {  	_ =	shalt  }
0x85: {  	_ =	shalt  }
0x86: {  	_ =	shalt  }
0x87: {  	_ =	shalt  }
.Lfunc_end0:
.L_simem_size_0:
called_computation_lowered:
.L_overlay_start_0:
0x88: {  	s2 =	sld [smem:$0x3FD9]  }
0x89: {  	s3 =	sld [smem:$0x3FFE];
	_ =	sdelay $0x1  }
0x8a: {  	s1 =	srdreg.scid  }
0x8b: {  	s0 =	sand.u32 $0x1, s1  }
0x8c: {  	s17 =	sshll.u32 s0, $0xA;
	s2 =	sadd.s32 s3, s2  }
0x8d: {  	s2 =	sadd.s32 s2, s17  }
0x8e: {  	[smem:$0x3FC3] =	sst s2  }
0x8f: {  	_ = 	snop  }
0x90: {  	s2 =	sld [smem:$0x3FC6]  }
0x91: {  	s18 =	sld [smem:$0x3FC5]  }
0x92: {  	s4 =	sld [smem:$0x3FD0];
	(tm) =	ssettm $0x1  }
0x93: {  	s5 =	sld [smem:$0x3FFB];
	_ =	sdelay $0x3  }
0x94: {  	_ =	strace s5  }
0x95: {  	s5 =	sld [smem:$0x3FFC];
	_ =	sdelay $0x3  }
0x96: {  	_ =	strace s5  }
0x97: {  	s5 =	sld [smem:$0x3FFD];
	_ =	sdelay $0x3  }
0x98: {  	_ =	strace s5  }
0x99: {  	_ =	strace $0x8FFFFFFF  }
0x9a: {  	s19 =	sld [smem:$0x3FDB];
	_ =	sdelay $0x1  }
0x9b: {  	s6 =	simm.s32 $_scs_section_size  }
0x9c: {  	s7 =	simm.s32 $_size__tile_overlayer_lowered;
	s8 =	simm.s32 $_tile_overlayer_lowered  }
0x9d: {  	s22 =	simm.s32 $0x1BFF;
	s21 =	sshll.u32 s8, $0x1;
	s5 =	sadd.s32 s6, s19  }
0x9e: {  	s9 =	simm.s32 $0x0;
	s20 =	sshll.u32 s7, $0x1;
	s7 =	sadd.s32 s21, s5  }
0x9f: {  	[timem:s9], [sflag:s22] =	dma.local [hbm:s7], s20  }
0xa0: {  	_ =	swait.ge [sflag:s22], s20  }
0xa1: {  	s6 =	ssub.s32 $0x0, s20;
	[sflag:s22] =	ssyncset.done $0x0  }
0xa2: {  	[sflag:s22] =	ssyncadd.s32 s6;
	_ =	sdelay $0x1  }
0xa3: {  	s23 =	simm.s32 $0x1B8B  }
0xa4: {  	_ =	swait.ge [sflag:s23], $0x1  }
0xa5: {  	[sflag:s23] =	ssyncset.done $0x0  }
0xa6: {  	s25 =	simm.s32 $0x1B8E;
	s24 =	sld [smem:$0x3FFE];
	[sflag:s23] =	ssyncadd.s32 $0xFFFFFFFF  }
0xa7: {  	s26 =	simm.s32 $execute0_lowered;
	[smem:$0x3FD2] =	sst s25  }
0xa8: {  	s7 =	sshll.u32 s26, $0x1;
	_ =	strace $0x80000046;
	[dreg:$0x1] =	wrdreg $0xFFFFFFFF  }
0xa9: {  	s28 =	simm.s32 $_size_execute0_lowered;
	s5 =	sadd.s32 s5, s7;
	[dreg:$0x0] =	wrdreg $0x0  }
0xaa: {  	s7 =	sshll.u32 s28, $0x1;
	[dreg:$0x2] =	wrdreg s5  }
0xab: {  	[dreg:$0x3] =	wrdreg s7  }
0xac: {  	[dreg:$0x4] =	wrdreg $0xC0  }
0xad: {  	_ =	task [dreg:s9], $0x5FFFF  }
0xae: {  	[dreg:$0x1] =	wrdreg $0xFFFFFFFF  }
0xaf: {  	[dreg:$0x0] =	wrdreg $0x60  }
0xb0: {  	[dreg:$0x2] =	wrdreg s4  }
0xb1: {  	[dreg:$0x3] =	wrdreg s2  }
0xb2: {  	[dreg:$0x4] =	wrdreg s18  }
0xb3: {  	[dreg:$0x5] =	wrdreg s24  }
0xb4: {  	[dreg:$0x6] =	wrdreg $0x9  }
0xb5: {  	_ =	task.clear_ibuf [dreg:s9], $0x7FFFF;
	_ =	strace $0x90000046  }
0xb6: {  	s29 =	simm.s32 $0x9;
	_ =	strace $0x80000048  }
0xb7: {  	_ =	swait.ge [sflag:s29], $0x1  }
0xb8: {  	[sflag:s29] =	ssyncadd.s32 $0xFFFFFFFF  }
0xb9: {  	_ =	strace $0x90000048  }
0xba: {  	_ =	sfence  }
0xbb: {  	s30 =	sld [smem:$0x0];
	_ =	sdelay $0x2  }
0xbc: {  	s31 =	sshll.u32 s1, $0xD;
	s1 =	sshrl.u32 s1, $0x2  }
0xbd: {  	s3 =	sand.u32 $0x4000, s31;
	s1 =	sadd.s32 s1, s30  }
0xbe: {  	s0 =	sor.u32 s3, s0;
	s1 =	sshll.u32 s1, $0x11  }
0xbf: {  	s0 =	sor.u32 s1, s0  }
0xc0: {  	s0 =	sadd.s32 $0x8F2B, s0  }
0xc1: {  	[sflag:s0] =	ssyncadd.remote.s32 $0x1  }
0xc2: {  	_ =	sfence.sel $0xFFFF  }
0xc3: {  	[dreg:$0x0] =	wrdreg $0xFFFFFFFF;
	(pc) =	sbr.abs _section_cstart, $3  }
0xc4: {  	[dreg:$0x1] =	wrdreg $0xFFFFFFFF  }
0xc5: {  	_ =	task.clear_ibuf [dreg:s9], $0x2FFFF;
	_ =	strace $0x9FFFFFFF  }
0xc6: {  	(tm) =	ssettm $0x7FFFFFFF  }
0xc7: {  	_ =	shalt  }
tec
execute0_lowered:
.L_overlay_start_1:
0x0: {  	(tag) =	ssettag $0x1  }
0x1: {  	s1 =	rddreg [dreg:$0x0]  }
0x2: {  	s2 =	rddreg [dreg:$0x1]  }
0x3: {  	s3 =	rddreg [dreg:$0x2]  }
0x4: {  	s0 =	rddreg [dreg:$0x3]  }
0x5: {  	s5 =	simm.s32 $0x0;
	s4 =	srdreg.scid;
	s6 =	stileid.u32  }
0x6: {  	s14 =	simm.s32 $0x5000;
	s15 =	simm.s32 $0x11300;
	s16 =	simm.s32 $0x5300  }
0x7: {  	v0 =	vlaneseq.u32;
	s17 =	simm.s32 $0x5080;
	s18 =	simm.s32 $0x15300;
	s19 =	simm.s32 $0x9300  }
0x8: {  	v1 =	vimm.f32 $0.0e+00;
	[smem:$0x7FF] =	sst s5;
	v22 =	vmul.u32 $0x3, v0;
	s8 =	sshll.u32 s6, $0x1;
	s6 =	sadd.s32 $0xE00, s0  }
0x9: {  	s4 =	sand.u32 $0x1, s4;
	v2 =	vor.u32 $0x10, v0;
	s26 =	sadd.s32 $0xC00, s0;
	v6 =	vor.u32 $0x20, v0;
	v7 =	vor.u32 $0x30, v0;
	s0 =	sadd.s32 $0xC35E00, s0  }
0xa: {  	s20 =	simm.s32 $0x5100;
	v8 =	vor.u32 $0x40, v0;
	v9 =	vor.u32 $0x50, v0;
	v10 =	vor.u32 $0x60, v0;
	_ =	strace $0x80000047;
	s7 =	ssub.s32 $0x2, s4  }
.Ltmp0:
0xb: {  	s8 =	sor.u32 s8, s4;
	[dreg:$0x6] =	wrdreg s26;
	v3 =	vadd.s32 $0x20, v22;
	v4 =	vadd.s32 $0x21, v22;
	v5 =	vadd.s32 $0x22, v22;
	(pc) =	sbr.rel .LBB2_1-.Ltmp0, $4  }
0xc: {  	[dreg:$0x7] =	wrdreg s0;
	s9 =	sshrl.u32 s7, $0x1;
	s29 =	ssub.s32 $0x290, s8;
	v11 =	vadd.s32 $0x30, v22;
	v12 =	vadd.s32 $0x60, v22;
	v13 =	vadd.s32 $0x31, v22  }
0xd: {  	[dreg:$0x5] =	wrdreg s8;
	v14 =	vadd.s32 $0x61, v22;
	v15 =	vadd.s32 $0x32, v22;
	v16 =	vadd.s32 $0x62, v22;
	s28 =	ssub.s32 s7, s9;
	s30 =	sshrl.u32 s29, $0x5  }
0xe: {  	s21 =	simm.s32 $0x19300;
	v17 =	vadd.s32 $0x90, v22;
	v18 =	vadd.s32 $0x91, v22;
	v19 =	vadd.s32 $0x92, v22;
	[dreg:$0x8] =	wrdreg s30;
	s31 =	smax.u32 s28, $0x1  }
0xf: {  	s22 =	simm.s32 $0xD300;
	s4 =	simm.s32 $0x0;
	v20 =	vor.u32 $0xC0, v22;
	v21 =	vadd.s32 $0xC1, v22;
	v22 =	vadd.s32 $0xC2, v22;
	[dreg:$0x9] =	wrdreg s31  }
.LBB2_20:
0x10: {  	s4 =	rddreg [dreg:$0xa]  }
0x11: {  	s0 =	rddreg [dreg:$0x9];
	s4 =	sadd.s32 $0x1, s4  }
0x12: {  	p0 =	sne.s32 s4, s0  }
.Ltmp1:
0x13: {  	_ = 	snop;
	(pc) =	sbr.rel @!p0 .LBB2_21-.Ltmp1, $1  }
0x14: {  	_ =	sdelay $0x3  }
.LBB2_1:
0x15: {  	[dreg:$0xa] =	wrdreg s4  }
0x16: {  	s0 =	rddreg [dreg:$0x6]  }
.Ltmp2:
0x17: {  	s30 =	simm.s32 $0x1D300;
	s31 =	simm.s32 $0x7;
	(pc) =	sbr.rel .LBB2_2-.Ltmp2, $4  }
0x18: {  	[tilespmem:s30], [sflag:$0x7] =	stream.linear.gather [hbm4b:s0+s5], $0x280, $0x38;
	[tilespmem:$0x1D580] =	vst v63  }
0x19: {  	_ =	swait.ge [sflag:s31], $0x280  }
0x1a: {  	[sflag:s31] =	ssyncset.done $0x0  }
0x1b: {  	s24 =	simm.s32 $0x0;
	[sflag:s31] =	ssyncadd.s32 $0xFFFFFD80  }
.LBB2_19:
0x1c: {  	s0 =	rddreg [dreg:$0xb]  }
0x1d: {  	s0 =	smul.u32 $0x5000, s0;
	_ =	sdelay $0x1  }
0x1e: {  	s4 =	rddreg [dreg:$0x7];
	s0 =	sshrl.u32 s0, $0x3  }
0x1f: {  	s30 =	simm.s32 $0x7;
	s0 =	sadd.s32 s4, s0  }
0x20: {  	[hbm4b:s0+s5] =	stream.linear.scatter [tilespmem:s5], [sflag:$0x7], $0x5000, $0x38;
	[tilespmem:$0x1D580] =	vst v63  }
0x21: {  	_ =	swait.ge [sflag:s30], $0x5000  }
0x22: {  	s24 =	sadd.s32 $0x1, s24;
	s31 =	rddreg [dreg:$0x8]  }
0x23: {  	p0 =	sne.s32 s24, s31  }
.Ltmp3:
0x24: {  	_ = 	snop;
	(pc) =	sbr.rel @!p0 .LBB2_20-.Ltmp3, $3  }
0x25: {  	_ =	sdelay $0x1  }
0x26: {  	[sflag:s30] =	ssyncset.done $0x0  }
0x27: {  	[sflag:s30] =	ssyncadd.s32 $0xFFFFB000  }
.LBB2_2:
0x28: {  	s0 =	sshll.u32 s24, $0x5;
	s4 =	rddreg [dreg:$0x5]  }
0x29: {  	s9 =	sor.u32 s4, s0  }
0x2a: {  	v23 =	vld [tilespmem:s9+$0x1D300];
	_ =	sdelay $0x4  }
0x2b: {  	(v2sf) =	vpush v23, $0x0;
	_ =	sdelay $0x6  }
0x2c: {  	(v2sf) =	vpush v23, $0x1;
	_ =	sdelay $0x7  }
0x2d: {  	s26 =	spop (v2sf)  }
0x2e: {  	s12 =	sand.u32 $0x7, s26  }
0x2f: {  	s13 =	sshra.s32 s26, $0x1F;
	p0 =	slt.s32 s26, $0x1;
	p1 =	sne.s32 s12, $0x0  }
0x30: {  	s23 =	sshrl.u32 s13, $0x1D;
	p0 =	por !p0, !p1  }
0x31: {  	s4 =	simm.s32 $0x1;
	s0 =	sadd.s32 s23, s26;
	p0 =	por !p0, !p0  }
0x32: {  	s0 =	sshrl.u32 s0, $0x3;
	s4 =	simm.s32 @!p0 $0x0  }
0x33: {  	s0 =	ssub.s32 s0, s4  }
0x34: {  	s28 =	spop (v2sf);
	s29 =	sshll.u32 s0, $0x3  }
0x35: {  	s0 =	ssub.s32 s28, s29  }
0x36: {  	s0 =	sadd.s32 $0x7F, s0  }
0x37: {  	s25 =	sand.u32 $0x7F, s0  }
0x38: {  	s7 =	sshra.s32 s0, $0x1F;
	p5 =	slt.s32 s0, $0x1;
	p6 =	sne.s32 s25, $0x0  }
0x39: {  	s31 =	sshrl.u32 s7, $0x19;
	p0 =	por !p5, !p6  }
0x3a: {  	s4 =	simm.s32 $0x1;
	s0 =	sadd.s32 s31, s0;
	p0 =	por !p0, !p0  }
0x3b: {  	s0 =	sshra.s32 s0, $0x7;
	s4 =	simm.s32 @!p0 $0x0  }
0x3c: {  	s30 =	ssub.s32 s0, s4  }
0x3d: {  	p0 =	slt.s32 s30, $0x1  }
0x3e: {  	p1 =	slt.s32 @!p0 s29, $0xC3480  }
0x3f: {  	s0 =	smov.u32 s29;
	p1 =	por !p1, p0  }
0x40: {  	s0 =	simm.s32 @p1 $0xC3480  }
0x41: {  	s8 =	simm.s32 @!p0 $0x0;
	s11 =	simm.s32 @!p0 $0x5000;
	s4 =	sshrl.u32 @!p0 s0, $0x3  }
0x42: {  	p2 =	seq.s32 @!p0 s30, $0x1;
	s0 =	sshll.u32 @!p0 s0, $0x4;
	s7 =	sadd.s32 @!p0 s2, s4  }
0x43: {  	[tilespmem:s11], [sflag:$0x1] =	stream.linear.gather @!p0 [hbm4b:s7+s8], $0x80, $0x38;
	[tilespmem:$0x1D580] =	vst v63  }
0x44: {  	s4 =	sadd.s32 @!p0 s3, s4;
	s0 =	sand.u32 @!p0 $0x1FFFFF80, s0;
	s7 =	simm.s32 @!p0 $0x5180  }
0x45: {  	[tilespmem:s7], [sflag:$0x1] =	stream.linear.gather @!p0 [hbm4b:s4+s8], $0x80, $0x38;
	[tilespmem:$0x1D580] =	vst v63  }
0x46: {  	p1 =	por p2, p0;
	s0 =	sadd.s32 @!p0 s6, s0;
	s4 =	simm.s32 @!p0 $0x5300  }
0x47: {  	[tilespmem:s4], [sflag:$0x1] =	stream.linear.gather @!p0 [hbm4b:s0+s8], $0x4000, $0x38;
	[tilespmem:$0x1D580] =	vst v63  }
0x48: {  	s0 =	sadd.s32 @!p1 $0x80, s29  }
0x49: {  	p3 =	slt.s32 @!p1 s0, $0xC3480  }
0x4a: {  	p2 =	por @!p0 !p3, p2  }
0x4b: {  	p2 =	por !p2, p0  }
0x4c: {  	s0 =	simm.s32 @!p2 $0xC3480  }
0x4d: {  	s11 =	simm.s32 @!p1 $0x5080;
	s4 =	sshrl.u32 @!p1 s0, $0x3  }
0x4e: {  	s8 =	simm.s32 @!p1 $0x0;
	s0 =	sshll.u32 @!p1 s0, $0x4;
	s7 =	sadd.s32 @!p1 s2, s4  }
0x4f: {  	[tilespmem:s11], [sflag:$0x2] =	stream.linear.gather @!p1 [hbm4b:s7+s8], $0x80, $0x38;
	[tilespmem:$0x1D580] =	vst v63  }
0x50: {  	s4 =	sadd.s32 @!p1 s3, s4;
	s0 =	sand.u32 @!p1 $0x1FFFFF80, s0;
	s7 =	simm.s32 @!p1 $0x5200  }
0x51: {  	[tilespmem:s7], [sflag:$0x2] =	stream.linear.gather @!p1 [hbm4b:s4+s8], $0x80, $0x38;
	[tilespmem:$0x1D580] =	vst v63  }
0x52: {  	[dreg:$0xb] =	wrdreg s9;
	s0 =	sadd.s32 @!p1 s6, s0;
	s4 =	simm.s32 @!p1 $0x9300  }
0x53: {  	[tilespmem:s4], [sflag:$0x2] =	stream.linear.gather @!p1 [hbm4b:s0+s8], $0x4000, $0x38;
	[tilespmem:$0x1D580] =	vst v63  }
0x54: {  	s7 =	simm.s32 $0x400;
	s4 =	smul.u32 $0x50, s9;
	s0 =	simm.s32 $0x0  }
.LBB2_3:
0x55: {  	p1 =	sne.s32 s7, $0x13C00;
	[tilespmem:s0+$0xF0] =	vst v1  }
0x56: {  	[tilespmem:s0+$0x0] =	vst v1  }
0x57: {  	[tilespmem:s0+$0x10] =	vst v1  }
0x58: {  	[tilespmem:s0+$0x20] =	vst v1  }
0x59: {  	[tilespmem:s0+$0x30] =	vst v1  }
0x5a: {  	[tilespmem:s0+$0x40] =	vst v1  }
0x5b: {  	[tilespmem:s0+$0x50] =	vst v1  }
0x5c: {  	[tilespmem:s0+$0x60] =	vst v1  }
0x5d: {  	[tilespmem:s0+$0x70] =	vst v1  }
0x5e: {  	[tilespmem:s0+$0x80] =	vst v1  }
0x5f: {  	[tilespmem:s0+$0x90] =	vst v1  }
.Ltmp4:
0x60: {  	[tilespmem:s0+$0xA0] =	vst v1;
	(pc) =	sbr.rel @p1 .LBB2_3-.Ltmp4, $4  }
0x61: {  	[tilespmem:s0+$0xB0] =	vst v1  }
0x62: {  	[tilespmem:s0+$0xC0] =	vst v1  }
0x63: {  	[tilespmem:s0+$0xD0] =	vst v1  }
0x64: {  	[tilespmem:s0+$0xE0] =	vst v1;
	s0 =	sshra.s32 s7, $0x2;
	s7 =	sadd.s32 $0x400, s7  }
0x65: {  	[tilespmem:s0+$0xF0] =	vst v1  }
0x66: {  	[tilespmem:s0+$0x0] =	vst v1  }
0x67: {  	[tilespmem:s0+$0x10] =	vst v1  }
0x68: {  	[tilespmem:s0+$0x20] =	vst v1  }
0x69: {  	[tilespmem:s0+$0x30] =	vst v1  }
0x6a: {  	[tilespmem:s0+$0x40] =	vst v1  }
0x6b: {  	[tilespmem:s0+$0x50] =	vst v1  }
0x6c: {  	[tilespmem:s0+$0x60] =	vst v1  }
0x6d: {  	[tilespmem:s0+$0x70] =	vst v1  }
0x6e: {  	[tilespmem:s0+$0x80] =	vst v1  }
0x6f: {  	[tilespmem:s0+$0x90] =	vst v1  }
0x70: {  	[tilespmem:s0+$0xA0] =	vst v1  }
0x71: {  	[tilespmem:s0+$0xB0] =	vst v1  }
0x72: {  	[tilespmem:s0+$0xC0] =	vst v1  }
0x73: {  	[tilespmem:s0+$0xD0] =	vst v1  }
0x74: {  	[tilespmem:s0+$0xE0] =	vst v1;
	s0 =	simm.s32 @!p0 $0x1  }
0x75: {  	_ =	swait.ge @!p0 [sflag:s0], $0x80  }
0x76: {  	[sflag:s0] =	ssyncset.done @!p0 $0x0  }
0x77: {  	[sflag:s0] =	ssyncadd.s32 @!p0 $0xFFFFFF80  }
0x78: {  	_ =	swait.ge @!p0 [sflag:s0], $0x80  }
0x79: {  	[sflag:s0] =	ssyncset.done @!p0 $0x0  }
0x7a: {  	[sflag:s0] =	ssyncadd.s32 @!p0 $0xFFFFFF80  }
0x7b: {  	_ =	swait.ge @!p0 [sflag:s0], $0x4000  }
0x7c: {  	s13 =	sadd.s32 $0x2, s30;
	s7 =	simm.s32 @!p0 $0x80;
	[sflag:s0] =	ssyncset.done @!p0 $0x0  }
0x7d: {  	s8 =	smulhi.u32 $0x55555556, s13;
	[sflag:s0] =	ssyncadd.s32 @!p0 $0xFFFFC000;
	s0 =	sshra.s32 s13, $0x1F  }
0x7e: {  	s11 =	simm.s32 @!p0 $0x5180;
	s12 =	simm.s32 @!p0 $0x11300;
	s0 =	smul.u32 $0x55555556, s0  }
0x7f: {  	[tilespmem:s12], [sflag:$0x4] =	stream.indirect.gather @!p0 [hbm4b:s1+s7], $0x80, s11, s7, $0xb8;
	[tilespmem:$0x1D580] =	vst v63  }
0x80: {  	s0 =	sadd.s32 s0, s8  }
0x81: {  	s23 =	sshrl.u32 s0, $0x1F  }
0x82: {  	s0 =	sadd.s32 s23, s0  }
0x83: {  	s7 =	smul.u32 $0xFFFFFFFD, s0  }
0x84: {  	s25 =	ssub.s32 $0xFFFFFFFE, s30  }
0x85: {  	p6 =	slt.s32 s30, $0xFFFFFFFF;
	p1 =	sne.s32 s7, s25  }
0x86: {  	p0 =	por !p6, !p1  }
0x87: {  	s7 =	simm.s32 $0x1;
	p0 =	por !p0, !p0  }
0x88: {  	s7 =	simm.s32 @!p0 $0x0  }
0x89: {  	s31 =	ssub.s32 s0, s7  }
0x8a: {  	p0 =	slt.s32 s31, $0x1  }
.Ltmp5:
0x8b: {  	_ = 	snop;
	(pc) =	sbr.rel @p0 .LBB2_19-.Ltmp5, $1  }
0x8c: {  	_ =	sdelay $0x3  }
.Ltmp6:
0x8d: {  	(pc) =	sbr.rel .LBB2_6-.Ltmp6, $2  }
0x8e: {  	_ =	sdelay $0x2  }
0x8f: {  	s0 =	sadd.s32 $0xFFFFFFFF, s30;
	v23 =	vmov s4;
	s4 =	sadd.s32 $0xFFFFFFFD, s30;
	s12 =	simm.s32 $0x0  }
.LBB2_17:
0x90: {  	_ =	sdelay $0x3  }
0x91: {  	v47 =	vmul.f32 v47, v51;
	v48 =	vld.idx.msk [tilespmem:v48+s22+$0x0], $0xffff;
	v46 =	vadd.f32 v46, v55;
	v59 =	vor.u32 v11, v27  }
0x92: {  	v50 =	vmul.f32 v50, v51;
	v36 =	vmul.f32 v53, v36;
	v44 =	vld.idx.msk [tilespmem:v44+s22+$0x0], $0xffff  }
0x93: {  	v60 =	vor.u32 v13, v27;
	[tilespmem:v40+s5+$0x0] =	vst.idx.add.f32.msk $0xffff, v45;
	v61 =	vmul.f32 v52, v46  }
0x94: {  	v62 =	vmul.f32 v36, v31;
	[tilespmem:v54+s5+$0x0] =	vst.idx.add.f32.msk $0xffff, v47  }
0x95: {  	v63 =	vmul.f32 v50, v31;
	[tilespmem:v38+s5+$0x0] =	vst.idx.add.f32.msk $0xffff, v61  }
0x96: {  	v47 =	vmul.f32 v36, v30;
	[tilespmem:v59+s5+$0x0] =	vst.idx.add.f32.msk $0xffff, v62  }
0x97: {  	v52 =	vmul.f32 v50, v30;
	[tilespmem:v49+s5+$0x0] =	vst.idx.add.f32.msk $0xffff, v63  }
0x98: {  	v35 =	vsub.f32 v42, v35;
	v36 =	vmul.f32 v36, v29;
	[tilespmem:v60+s5+$0x0] =	vst.idx.add.f32.msk $0xffff, v47  }
0x99: {  	v56 =	vor.u32 v20, v27;
	v53 =	vmul.f32 v50, v29;
	[tilespmem:v43+s5+$0x0] =	vst.idx.add.f32.msk $0xffff, v52  }
0x9a: {  	v57 =	vmul.f32 v31, v26;
	v55 =	vmul.f32 v44, v25;
	[tilespmem:v41+s5+$0x0] =	vst.idx.add.f32.msk $0xffff, v36  }
0x9b: {  	v54 =	vmul.f32 v30, v25;
	v58 =	vmul.f32 v44, v26;
	[tilespmem:v39+s5+$0x0] =	vst.idx.add.f32.msk $0xffff, v53  }
0x9c: {  	v24 =	vmul.f32 v44, v24;
	v59 =	vor.u32 v22, v27;
	[tilespmem:v34+s5+$0x0] =	vst.idx.add.f32.msk $0xffff, v55  }
0x9d: {  	v61 =	vmul.f32 v48, v37;
	v60 =	vsub.f32 v54, v57;
	[tilespmem:v33+s5+$0x0] =	vst.idx.add.f32.msk $0xffff, v58  }
0x9e: {  	v62 =	vmul.f32 v48, v35;
	[tilespmem:v32+s5+$0x0] =	vst.idx.add.f32.msk $0xffff, v24  }
0x9f: {  	v63 =	vmul.f32 v48, v60;
	[tilespmem:v56+s5+$0x0] =	vst.idx.add.f32.msk $0xffff, v61  }
0xa0: {  	[tilespmem:v28+s5+$0x0] =	vst.idx.add.f32.msk $0xffff, v62  }
0xa1: {  	[tilespmem:v59+s5+$0x0] =	vst.idx.add.f32.msk $0xffff, v63  }
.LBB2_18:
0xa2: {  	s12 =	sadd.s32 $0x1, s12  }
0xa3: {  	p0 =	sne.s32 s12, s31  }
.Ltmp7:
0xa4: {  	_ = 	snop;
	(pc) =	sbr.rel @!p0 .LBB2_19-.Ltmp7, $1  }
0xa5: {  	_ =	sdelay $0x3  }
.LBB2_6:
0xa6: {  	s8 =	smul.u32 $0x3, s12;
	_ =	sdelay $0x1  }
0xa7: {  	p0 =	sge.s32 s8, s30  }
0xa8: {  	p1 =	sge.u32 @!p0 s8, s0  }
0xa9: {  	p1 =	por p1, p0  }
0xaa: {  	s7 =	simm.s32 @!p1 $0x2  }
0xab: {  	_ =	swait.ge @!p1 [sflag:s7], $0x80  }
0xac: {  	[sflag:s7] =	ssyncset.done @!p1 $0x0  }
0xad: {  	[sflag:s7] =	ssyncadd.s32 @!p1 $0xFFFFFF80  }
0xae: {  	_ =	swait.ge @!p1 [sflag:s7], $0x80  }
0xaf: {  	[sflag:s7] =	ssyncset.done @!p1 $0x0  }
0xb0: {  	[sflag:s7] =	ssyncadd.s32 @!p1 $0xFFFFFF80  }
0xb1: {  	_ =	swait.ge @!p1 [sflag:s7], $0x4000  }
0xb2: {  	s11 =	simm.s32 @!p1 $0x5200;
	[sflag:s7] =	ssyncset.done @!p1 $0x0  }
0xb3: {  	s23 =	simm.s32 @!p1 $0x15300;
	[sflag:s7] =	ssyncadd.s32 @!p1 $0xFFFFC000;
	s7 =	simm.s32 @!p1 $0x80  }
0xb4: {  	[tilespmem:s23], [sflag:$0x5] =	stream.indirect.gather @!p1 [hbm4b:s1+s7], $0x80, s11, s7, $0xb8;
	[tilespmem:$0x1D580] =	vst v63  }
0xb5: {  	s7 =	sadd.s32 @!p0 $0x2, s8  }
0xb6: {  	p2 =	sge.u32 @!p0 s7, s30  }
0xb7: {  	p1 =	por p2, p0  }
0xb8: {  	s7 =	sshll.u32 @!p1 s7, $0x7  }
0xb9: {  	s7 =	sadd.s32 @!p1 s29, s7  }
0xba: {  	p3 =	slt.s32 @!p1 s7, $0xC3480  }
0xbb: {  	p2 =	por @!p0 !p3, p2  }
0xbc: {  	p2 =	por !p2, p0  }
0xbd: {  	s7 =	simm.s32 @!p2 $0xC3480  }
0xbe: {  	s9 =	simm.s32 @!p1 $0x0;
	s11 =	sshrl.u32 @!p1 s7, $0x3  }
0xbf: {  	s10 =	simm.s32 @!p1 $0x5100;
	s7 =	sshll.u32 @!p1 s7, $0x4;
	s23 =	sadd.s32 @!p1 s2, s11  }
0xc0: {  	[tilespmem:s10], [sflag:$0x3] =	stream.linear.gather @!p1 [hbm4b:s23+s9], $0x80, $0x38;
	[tilespmem:$0x1D580] =	vst v63  }
0xc1: {  	s7 =	sand.u32 @!p1 $0x1FFFFF80, s7;
	s10 =	sadd.s32 @!p1 s3, s11;
	s11 =	simm.s32 @!p1 $0x5280  }
0xc2: {  	[tilespmem:s11], [sflag:$0x3] =	stream.linear.gather @!p1 [hbm4b:s10+s9], $0x80, $0x38;
	[tilespmem:$0x1D580] =	vst v63  }
0xc3: {  	s7 =	sadd.s32 @!p1 s6, s7;
	s10 =	simm.s32 @!p1 $0xD300;
	s11 =	smul.u32 @!p0 $0x180, s12  }
0xc4: {  	[tilespmem:s10], [sflag:$0x3] =	stream.linear.gather @!p1 [hbm4b:s7+s9], $0x4000, $0x38;
	[tilespmem:$0x1D580] =	vst v63  }
0xc5: {  	s23 =	smov.u32 s28;
	s7 =	sadd.s32 @!p0 s29, s11;
	s11 =	smov.u32 s26  }
0xc6: {  	p1 =	slt.s32 @!p0 s7, $0xC3480;
	s9 =	sadd.s32 @!p0 $0x80, s7;
	s10 =	smov.u32 s7  }
0xc7: {  	p2 =	sgt.s32 @!p0 s26, s7;
	p1 =	por !p1, p0;
	p3 =	slt.s32 @!p0 s28, s9  }
0xc8: {  	s10 =	simm.s32 @p1 $0xC3480;
	p1 =	por !p2, p0;
	p2 =	por !p3, p0  }
0xc9: {  	s11 =	smov.u32 @p1 s7;
	s23 =	smov.u32 @p2 s9  }
0xca: {  	s7 =	ssub.s32 @!p0 s11, s10;
	s11 =	ssub.s32 @!p0 s23, s10  }
0xcb: {  	p1 =	sge.s32 @!p0 s7, s11  }
0xcc: {  	p1 =	por p0, p1  }
.Ltmp8:
0xcd: {  	_ = 	snop;
	(pc) =	sbr.rel @p1 .LBB2_10-.Ltmp8, $4  }
0xce: {  	s9 =	simm.s32 @!p0 $0x4  }
0xcf: {  	_ =	swait.ge @!p0 [sflag:s9], $0x4000  }
0xd0: {  	[sflag:s9] =	ssyncset.done @!p0 $0x0  }
0xd1: {  	[sflag:s9] =	ssyncadd.s32 @!p0 $0xFFFFC000  }
0xd2: {  	v25 =	vmov s7  }
0xd3: {  	v28 =	vshll.u32 v25, $0x7  }
0xd4: {  	v24 =	vor.u32 v5, v28  }
0xd5: {  	v26 =	vor.u32 v3, v28  }
0xd6: {  	v27 =	vor.u32 v0, v28  }
0xd7: {  	v29 =	vor.u32 $0x72, v28  }
0xd8: {  	v30 =	vor.u32 v4, v28;
	v31 =	vld.idx.msk [tilespmem:v25+s14+$0x0], $0xffff  }
0xd9: {  	v24 =	vld.idx.msk [tilespmem:v24+s15+$0x0], $0xffff  }
0xda: {  	v32 =	vor.u32 $0x71, v28;
	v25 =	vld.idx.msk [tilespmem:v26+s15+$0x0], $0xffff  }
0xdb: {  	v33 =	vor.u32 $0x70, v28;
	v36 =	vld.idx.msk [tilespmem:v27+s15+$0x0], $0xffff  }
0xdc: {  	v37 =	vor.u32 v2, v28;
	v29 =	vld.idx.msk [tilespmem:v29+s16+$0x0], $0xffff  }
0xdd: {  	v39 =	vor.u32 v8, v28;
	v26 =	vld.idx.msk [tilespmem:v30+s15+$0x0], $0xffff  }
0xde: {  	v34 =	vld.idx.msk [tilespmem:v27+s16+$0x0], $0xffff  }
0xdf: {  	v41 =	vor.u32 v7, v28;
	v49 =	vor.u32 v6, v28;
	v30 =	vld.idx.msk [tilespmem:v32+s16+$0x0], $0xffff;
	v27 =	vsub.s32 v31, v23  }
0xe0: {  	v44 =	vor.u32 v9, v28;
	v48 =	vor.u32 v10, v28;
	v31 =	vld.idx.msk [tilespmem:v33+s16+$0x0], $0xffff;
	v27 =	vshll.u32 v27, $0x8  }
0xe1: {  	s23 =	sadd.s32 $0x1, s7;
	v47 =	vld.idx.msk [tilespmem:v37+s16+$0x0], $0xffff;
	v40 =	vor.u32 v0, v27;
	v38 =	vor.u32 v6, v27;
	v46 =	vmul.f32 v29, v24  }
0xe2: {  	p0 =	slt.s32 s23, s11;
	v50 =	vld.idx.msk [tilespmem:v39+s16+$0x0], $0xffff;
	v35 =	vmul.f32 v29, v25;
	v52 =	vmul.f32 v29, v26;
	v28 =	vor.u32 v21, v27  }
.Ltmp9:
0xe3: {  	v51 =	vld.idx.msk [tilespmem:v37+s15+$0x0], $0xffff;
	v45 =	vmul.f32 v34, v36;
	v33 =	vor.u32 v18, v27;
	v32 =	vor.u32 v19, v27;
	(pc) =	sbr.rel @!p0 .LBB2_9-.Ltmp9, $4  }
0xe4: {  	v53 =	vld.idx.msk [tilespmem:v41+s16+$0x0], $0xffff;
	v55 =	vmul.f32 v30, v26;
	v34 =	vor.u32 v17, v27;
	v54 =	vmul.f32 v30, v24  }
0xe5: {  	v39 =	vor.u32 v16, v27;
	v43 =	vor.u32 v14, v27;
	v56 =	vmul.f32 v31, v25  }
0xe6: {  	v41 =	vor.u32 v15, v27;
	v37 =	vsub.f32 v52, v54;
	v52 =	vld.idx.msk [tilespmem:v49+s16+$0x0], $0xffff;
	v54 =	vor.u32 v2, v27  }
0xe7: {  	v49 =	vor.u32 v12, v27;
	v42 =	vmul.f32 v31, v24;
	v55 =	vadd.f32 v55, v56  }
.LBB2_8:
0xe8: {  	v47 =	vmul.f32 v47, v51;
	v50 =	vmul.f32 v50, v51;
	v51 =	vor.u32 v13, v27;
	s7 =	smov.u32 s23;
	s23 =	sadd.s32 $0x1, s23  }
0xe9: {  	v36 =	vmul.f32 v53, v36;
	v53 =	vor.u32 v11, v27;
	p0 =	slt.s32 s23, s11;
	v48 =	vld.idx.msk [tilespmem:v48+s16+$0x0], $0xffff;
	v46 =	vadd.f32 v46, v55  }
0xea: {  	v55 =	vmov s7;
	v44 =	vld.idx.msk [tilespmem:v44+s16+$0x0], $0xffff;
	v56 =	vmul.f32 v50, v31;
	v57 =	vmul.f32 v50, v30  }
0xeb: {  	v58 =	vshll.u32 v55, $0x7;
	[tilespmem:v40+s5+$0x0] =	vst.idx.add.f32.msk $0xffff, v45;
	v40 =	vmul.f32 v52, v46;
	v45 =	vmul.f32 v36, v31  }
0xec: {  	v46 =	vor.u32 v3, v58;
	v52 =	vor.u32 v4, v58;
	[tilespmem:v54+s5+$0x0] =	vst.idx.add.f32.msk $0xffff, v47  }
0xed: {  	v47 =	vor.u32 v5, v58;
	v54 =	vor.u32 $0x71, v58;
	[tilespmem:v38+s5+$0x0] =	vst.idx.add.f32.msk $0xffff, v40;
	v38 =	vmul.f32 v36, v30  }
0xee: {  	v59 =	vor.u32 v2, v58;
	v40 =	vor.u32 v0, v58;
	[tilespmem:v53+s5+$0x0] =	vst.idx.add.f32.msk $0xffff, v45  }
0xef: {  	v36 =	vmul.f32 v36, v29;
	v45 =	vor.u32 $0x72, v58;
	v53 =	vor.u32 v8, v58;
	[tilespmem:v49+s5+$0x0] =	vst.idx.add.f32.msk $0xffff, v56  }
0xf0: {  	v35 =	vsub.f32 v42, v35;
	v29 =	vmul.f32 v50, v29;
	[tilespmem:v51+s5+$0x0] =	vst.idx.add.f32.msk $0xffff, v38  }
0xf1: {  	v31 =	vmul.f32 v31, v26;
	v30 =	vmul.f32 v30, v25;
	v38 =	vor.u32 $0x70, v58;
	[tilespmem:v43+s5+$0x0] =	vst.idx.add.f32.msk $0xffff, v57  }
0xf2: {  	v25 =	vmul.f32 v44, v25;
	[tilespmem:v41+s5+$0x0] =	vst.idx.add.f32.msk $0xffff, v36;
	v36 =	vor.u32 v20, v27  }
0xf3: {  	v26 =	vmul.f32 v44, v26;
	[tilespmem:v39+s5+$0x0] =	vst.idx.add.f32.msk $0xffff, v29;
	v29 =	vsub.f32 v30, v31  }
0xf4: {  	v24 =	vmul.f32 v44, v24;
	[tilespmem:v34+s5+$0x0] =	vst.idx.add.f32.msk $0xffff, v25;
	v25 =	vor.u32 v22, v27  }
0xf5: {  	[tilespmem:v33+s5+$0x0] =	vst.idx.add.f32.msk $0xffff, v26;
	v26 =	vmul.f32 v48, v37  }
0xf6: {  	[tilespmem:v32+s5+$0x0] =	vst.idx.add.f32.msk $0xffff, v24;
	v24 =	vmul.f32 v48, v35  }
0xf7: {  	[tilespmem:v36+s5+$0x0] =	vst.idx.add.f32.msk $0xffff, v26;
	v26 =	vmul.f32 v48, v29  }
0xf8: {  	[tilespmem:v28+s5+$0x0] =	vst.idx.add.f32.msk $0xffff, v24  }
0xf9: {  	[tilespmem:v25+s5+$0x0] =	vst.idx.add.f32.msk $0xffff, v26  }
0xfa: {  	v24 =	vld.idx.msk [tilespmem:v47+s15+$0x0], $0xffff  }
0xfb: {  	v27 =	vld.idx.msk [tilespmem:v55+s14+$0x0], $0xffff  }
0xfc: {  	v25 =	vld.idx.msk [tilespmem:v46+s15+$0x0], $0xffff  }
0xfd: {  	v36 =	vld.idx.msk [tilespmem:v40+s15+$0x0], $0xffff  }
0xfe: {  	v29 =	vld.idx.msk [tilespmem:v45+s16+$0x0], $0xffff  }
0xff: {  	v26 =	vld.idx.msk [tilespmem:v52+s15+$0x0], $0xffff  }
0x100: {  	v32 =	vld.idx.msk [tilespmem:v40+s16+$0x0], $0xffff  }
0x101: {  	v33 =	vor.u32 v7, v58;
	v27 =	vsub.s32 v27, v23;
	v30 =	vld.idx.msk [tilespmem:v54+s16+$0x0], $0xffff  }
0x102: {  	v27 =	vshll.u32 v27, $0x8;
	v31 =	vld.idx.msk [tilespmem:v38+s16+$0x0], $0xffff  }
0x103: {  	v37 =	vor.u32 v6, v58;
	v40 =	vor.u32 v0, v27;
	v38 =	vor.u32 v6, v27;
	v47 =	vld.idx.msk [tilespmem:v59+s16+$0x0], $0xffff  }
0x104: {  	v44 =	vor.u32 v9, v58;
	v46 =	vmul.f32 v29, v24;
	v35 =	vmul.f32 v29, v25;
	v50 =	vld.idx.msk [tilespmem:v53+s16+$0x0], $0xffff  }
0x105: {  	v48 =	vor.u32 v10, v58;
	v28 =	vor.u32 v21, v27;
	v49 =	vmul.f32 v29, v26;
	v51 =	vld.idx.msk [tilespmem:v59+s15+$0x0], $0xffff  }
.Ltmp10:
0x106: {  	v45 =	vmul.f32 v32, v36;
	v32 =	vor.u32 v19, v27;
	v53 =	vld.idx.msk [tilespmem:v33+s16+$0x0], $0xffff;
	v33 =	vor.u32 v18, v27;
	(pc) =	sbr.rel @p0 .LBB2_8-.Ltmp10, $4  }
0x107: {  	v34 =	vor.u32 v17, v27;
	v55 =	vmul.f32 v30, v26;
	v54 =	vmul.f32 v30, v24  }
0x108: {  	v39 =	vor.u32 v16, v27;
	v56 =	vmul.f32 v31, v25;
	v42 =	vmul.f32 v31, v24;
	v52 =	vld.idx.msk [tilespmem:v37+s16+$0x0], $0xffff  }
0x109: {  	v43 =	vor.u32 v14, v27;
	v41 =	vor.u32 v15, v27;
	v37 =	vsub.f32 v49, v54  }
0x10a: {  	v54 =	vor.u32 v2, v27;
	v49 =	vor.u32 v12, v27;
	v55 =	vadd.f32 v55, v56  }
.LBB2_9:
0x10b: {  	_ =	sdelay $0x3  }
0x10c: {  	v47 =	vmul.f32 v47, v51;
	v48 =	vld.idx.msk [tilespmem:v48+s16+$0x0], $0xffff;
	v59 =	vor.u32 v11, v27;
	v46 =	vadd.f32 v46, v55  }
0x10d: {  	v50 =	vmul.f32 v50, v51;
	v44 =	vld.idx.msk [tilespmem:v44+s16+$0x0], $0xffff;
	v36 =	vmul.f32 v53, v36  }
0x10e: {  	v60 =	vor.u32 v13, v27;
	[tilespmem:v40+s5+$0x0] =	vst.idx.add.f32.msk $0xffff, v45;
	v61 =	vmul.f32 v52, v46  }
0x10f: {  	[tilespmem:v54+s5+$0x0] =	vst.idx.add.f32.msk $0xffff, v47;
	v62 =	vmul.f32 v36, v31  }
0x110: {  	v63 =	vmul.f32 v50, v31;
	[tilespmem:v38+s5+$0x0] =	vst.idx.add.f32.msk $0xffff, v61  }
0x111: {  	v47 =	vmul.f32 v36, v30;
	[tilespmem:v59+s5+$0x0] =	vst.idx.add.f32.msk $0xffff, v62  }
0x112: {  	v52 =	vmul.f32 v50, v30;
	[tilespmem:v49+s5+$0x0] =	vst.idx.add.f32.msk $0xffff, v63  }
0x113: {  	v56 =	vor.u32 v20, v27;
	v36 =	vmul.f32 v36, v29;
	[tilespmem:v60+s5+$0x0] =	vst.idx.add.f32.msk $0xffff, v47  }
0x114: {  	v57 =	vmul.f32 v31, v26;
	v53 =	vmul.f32 v50, v29;
	[tilespmem:v43+s5+$0x0] =	vst.idx.add.f32.msk $0xffff, v52  }
0x115: {  	v35 =	vsub.f32 v42, v35;
	v55 =	vmul.f32 v44, v25;
	[tilespmem:v41+s5+$0x0] =	vst.idx.add.f32.msk $0xffff, v36  }
0x116: {  	v54 =	vmul.f32 v30, v25;
	v58 =	vmul.f32 v44, v26;
	[tilespmem:v39+s5+$0x0] =	vst.idx.add.f32.msk $0xffff, v53  }
0x117: {  	v24 =	vmul.f32 v44, v24;
	v59 =	vor.u32 v22, v27;
	[tilespmem:v34+s5+$0x0] =	vst.idx.add.f32.msk $0xffff, v55  }
0x118: {  	v61 =	vmul.f32 v48, v37;
	v60 =	vsub.f32 v54, v57;
	[tilespmem:v33+s5+$0x0] =	vst.idx.add.f32.msk $0xffff, v58  }
0x119: {  	v62 =	vmul.f32 v48, v35;
	[tilespmem:v32+s5+$0x0] =	vst.idx.add.f32.msk $0xffff, v24  }
0x11a: {  	v63 =	vmul.f32 v48, v60;
	[tilespmem:v56+s5+$0x0] =	vst.idx.add.f32.msk $0xffff, v61  }
0x11b: {  	[tilespmem:v28+s5+$0x0] =	vst.idx.add.f32.msk $0xffff, v62  }
0x11c: {  	[tilespmem:v59+s5+$0x0] =	vst.idx.add.f32.msk $0xffff, v63  }
.LBB2_10:
0x11d: {  	s7 =	sadd.s32 $0x1, s8  }
0x11e: {  	s11 =	sadd.s32 $0x2, s8;
	p0 =	sge.s32 s7, s30  }
0x11f: {  	p1 =	sge.s32 @!p0 s11, s30  }
0x120: {  	p1 =	por p1, p0  }
0x121: {  	s9 =	simm.s32 @!p1 $0x3  }
0x122: {  	_ =	swait.ge @!p1 [sflag:s9], $0x80  }
0x123: {  	[sflag:s9] =	ssyncset.done @!p1 $0x0  }
0x124: {  	[sflag:s9] =	ssyncadd.s32 @!p1 $0xFFFFFF80  }
0x125: {  	_ =	swait.ge @!p1 [sflag:s9], $0x80  }
0x126: {  	[sflag:s9] =	ssyncset.done @!p1 $0x0  }
0x127: {  	[sflag:s9] =	ssyncadd.s32 @!p1 $0xFFFFFF80  }
0x128: {  	_ =	swait.ge @!p1 [sflag:s9], $0x4000  }
0x129: {  	s10 =	simm.s32 @!p1 $0x5280;
	[sflag:s9] =	ssyncset.done @!p1 $0x0  }
0x12a: {  	s23 =	simm.s32 @!p1 $0x19300;
	[sflag:s9] =	ssyncadd.s32 @!p1 $0xFFFFC000;
	s9 =	simm.s32 @!p1 $0x80  }
0x12b: {  	[tilespmem:s23], [sflag:$0x6] =	stream.indirect.gather @!p1 [hbm4b:s1+s9], $0x80, s10, s9, $0xb8;
	[tilespmem:$0x1D580] =	vst v63  }
0x12c: {  	s9 =	sadd.s32 @!p0 $0x3, s8  }
0x12d: {  	p2 =	sge.s32 @!p0 s9, s30  }
0x12e: {  	p1 =	por p2, p0  }
0x12f: {  	s9 =	sshll.u32 @!p1 s9, $0x7  }
0x130: {  	s9 =	sadd.s32 @!p1 s29, s9  }
0x131: {  	p3 =	slt.s32 @!p1 s9, $0xC3480  }
0x132: {  	p2 =	por @!p0 !p3, p2  }
0x133: {  	s7 =	sshll.u32 @!p0 s7, $0x7;
	p2 =	por !p2, p0  }
0x134: {  	s7 =	sadd.s32 @!p0 s29, s7;
	s9 =	simm.s32 @!p2 $0xC3480  }
0x135: {  	s13 =	simm.s32 @!p1 $0x0;
	s25 =	simm.s32 @!p1 $0x5000;
	s10 =	sshrl.u32 @!p1 s9, $0x3  }
0x136: {  	p2 =	sgt.s32 @!p0 s26, s7;
	s9 =	sshll.u32 @!p1 s9, $0x4;
	s23 =	sadd.s32 @!p1 s2, s10  }
0x137: {  	[tilespmem:s25], [sflag:$0x1] =	stream.linear.gather @!p1 [hbm4b:s23+s13], $0x80, $0x38;
	[tilespmem:$0x1D580] =	vst v63  }
0x138: {  	s10 =	sadd.s32 @!p1 s3, s10;
	s9 =	sand.u32 @!p1 $0x1FFFFF80, s9;
	s23 =	simm.s32 @!p1 $0x5180  }
0x139: {  	[tilespmem:s23], [sflag:$0x1] =	stream.linear.gather @!p1 [hbm4b:s10+s13], $0x80, $0x38;
	[tilespmem:$0x1D580] =	vst v63  }
0x13a: {  	s9 =	sadd.s32 @!p1 s6, s9;
	s10 =	simm.s32 @!p1 $0x5300;
	s23 =	smov.u32 s28  }
0x13b: {  	[tilespmem:s10], [sflag:$0x1] =	stream.linear.gather @!p1 [hbm4b:s9+s13], $0x4000, $0x38;
	[tilespmem:$0x1D580] =	vst v63  }
0x13c: {  	p1 =	slt.s32 @!p0 s7, $0xC3480;
	s9 =	sadd.s32 @!p0 $0x80, s7;
	s10 =	smov.u32 s7  }
0x13d: {  	s13 =	smov.u32 s26;
	p1 =	por !p1, p0;
	p3 =	slt.s32 @!p0 s28, s9  }
0x13e: {  	s10 =	simm.s32 @p1 $0xC3480;
	p1 =	por !p2, p0;
	p2 =	por !p3, p0  }
0x13f: {  	s13 =	smov.u32 @p1 s7;
	s23 =	smov.u32 @p2 s9  }
0x140: {  	s7 =	ssub.s32 @!p0 s13, s10;
	s23 =	ssub.s32 @!p0 s23, s10  }
0x141: {  	p1 =	sge.s32 @!p0 s7, s23  }
0x142: {  	p1 =	por p0, p1  }
.Ltmp11:
0x143: {  	_ = 	snop;
	(pc) =	sbr.rel @p1 .LBB2_14-.Ltmp11, $4  }
0x144: {  	s9 =	simm.s32 @!p0 $0x5  }
0x145: {  	_ =	swait.ge @!p0 [sflag:s9], $0x4000  }
0x146: {  	[sflag:s9] =	ssyncset.done @!p0 $0x0  }
0x147: {  	[sflag:s9] =	ssyncadd.s32 @!p0 $0xFFFFC000  }
0x148: {  	v25 =	vmov s7  }
0x149: {  	v28 =	vshll.u32 v25, $0x7  }
0x14a: {  	v24 =	vor.u32 v5, v28  }
0x14b: {  	v26 =	vor.u32 v3, v28  }
0x14c: {  	v27 =	vor.u32 v0, v28  }
0x14d: {  	v29 =	vor.u32 $0x72, v28  }
0x14e: {  	v30 =	vor.u32 v4, v28;
	v31 =	vld.idx.msk [tilespmem:v25+s17+$0x0], $0xffff  }
0x14f: {  	v24 =	vld.idx.msk [tilespmem:v24+s18+$0x0], $0xffff  }
0x150: {  	v32 =	vor.u32 $0x71, v28;
	v25 =	vld.idx.msk [tilespmem:v26+s18+$0x0], $0xffff  }
0x151: {  	v33 =	vor.u32 $0x70, v28;
	v36 =	vld.idx.msk [tilespmem:v27+s18+$0x0], $0xffff  }
0x152: {  	v37 =	vor.u32 v2, v28;
	v29 =	vld.idx.msk [tilespmem:v29+s19+$0x0], $0xffff  }
0x153: {  	v39 =	vor.u32 v8, v28;
	v26 =	vld.idx.msk [tilespmem:v30+s18+$0x0], $0xffff  }
0x154: {  	v34 =	vld.idx.msk [tilespmem:v27+s19+$0x0], $0xffff  }
0x155: {  	v41 =	vor.u32 v7, v28;
	v49 =	vor.u32 v6, v28;
	v30 =	vld.idx.msk [tilespmem:v32+s19+$0x0], $0xffff;
	v27 =	vsub.s32 v31, v23  }
0x156: {  	v44 =	vor.u32 v9, v28;
	v48 =	vor.u32 v10, v28;
	v31 =	vld.idx.msk [tilespmem:v33+s19+$0x0], $0xffff;
	v27 =	vshll.u32 v27, $0x8  }
0x157: {  	s7 =	sadd.s32 $0x1, s7;
	v47 =	vld.idx.msk [tilespmem:v37+s19+$0x0], $0xffff;
	v40 =	vor.u32 v0, v27;
	v38 =	vor.u32 v6, v27;
	v46 =	vmul.f32 v29, v24  }
0x158: {  	p0 =	slt.s32 s7, s23;
	v50 =	vld.idx.msk [tilespmem:v39+s19+$0x0], $0xffff;
	v35 =	vmul.f32 v29, v25;
	v52 =	vmul.f32 v29, v26;
	v28 =	vor.u32 v21, v27  }
.Ltmp12:
0x159: {  	v51 =	vld.idx.msk [tilespmem:v37+s18+$0x0], $0xffff;
	v45 =	vmul.f32 v34, v36;
	v33 =	vor.u32 v18, v27;
	v32 =	vor.u32 v19, v27;
	(pc) =	sbr.rel @!p0 .LBB2_13-.Ltmp12, $4  }
0x15a: {  	v53 =	vld.idx.msk [tilespmem:v41+s19+$0x0], $0xffff;
	v55 =	vmul.f32 v30, v26;
	v34 =	vor.u32 v17, v27;
	v54 =	vmul.f32 v30, v24  }
0x15b: {  	v39 =	vor.u32 v16, v27;
	v43 =	vor.u32 v14, v27;
	v56 =	vmul.f32 v31, v25  }
0x15c: {  	v41 =	vor.u32 v15, v27;
	v37 =	vsub.f32 v52, v54;
	v52 =	vld.idx.msk [tilespmem:v49+s19+$0x0], $0xffff;
	v54 =	vor.u32 v2, v27  }
0x15d: {  	v49 =	vor.u32 v12, v27;
	v42 =	vmul.f32 v31, v24;
	v55 =	vadd.f32 v55, v56  }
.LBB2_12:
0x15e: {  	v47 =	vmul.f32 v47, v51;
	v50 =	vmul.f32 v50, v51;
	v51 =	vor.u32 v13, v27;
	s9 =	smov.u32 s7;
	s7 =	sadd.s32 $0x1, s7  }
0x15f: {  	v36 =	vmul.f32 v53, v36;
	v53 =	vor.u32 v11, v27;
	p0 =	slt.s32 s7, s23;
	v48 =	vld.idx.msk [tilespmem:v48+s19+$0x0], $0xffff;
	v46 =	vadd.f32 v46, v55  }
0x160: {  	v55 =	vmov s9;
	v44 =	vld.idx.msk [tilespmem:v44+s19+$0x0], $0xffff;
	v56 =	vmul.f32 v50, v31;
	v57 =	vmul.f32 v50, v30  }
0x161: {  	v58 =	vshll.u32 v55, $0x7;
	[tilespmem:v40+s5+$0x0] =	vst.idx.add.f32.msk $0xffff, v45;
	v40 =	vmul.f32 v52, v46;
	v45 =	vmul.f32 v36, v31  }
0x162: {  	v46 =	vor.u32 v3, v58;
	v52 =	vor.u32 v4, v58;
	[tilespmem:v54+s5+$0x0] =	vst.idx.add.f32.msk $0xffff, v47  }
0x163: {  	v47 =	vor.u32 v5, v58;
	v54 =	vor.u32 $0x71, v58;
	[tilespmem:v38+s5+$0x0] =	vst.idx.add.f32.msk $0xffff, v40;
	v38 =	vmul.f32 v36, v30  }
0x164: {  	v59 =	vor.u32 v2, v58;
	v40 =	vor.u32 v0, v58;
	[tilespmem:v53+s5+$0x0] =	vst.idx.add.f32.msk $0xffff, v45  }
0x165: {  	v36 =	vmul.f32 v36, v29;
	v45 =	vor.u32 $0x72, v58;
	v53 =	vor.u32 v8, v58;
	[tilespmem:v49+s5+$0x0] =	vst.idx.add.f32.msk $0xffff, v56  }
0x166: {  	v35 =	vsub.f32 v42, v35;
	v29 =	vmul.f32 v50, v29;
	[tilespmem:v51+s5+$0x0] =	vst.idx.add.f32.msk $0xffff, v38  }
0x167: {  	v31 =	vmul.f32 v31, v26;
	v30 =	vmul.f32 v30, v25;
	v38 =	vor.u32 $0x70, v58;
	[tilespmem:v43+s5+$0x0] =	vst.idx.add.f32.msk $0xffff, v57  }
0x168: {  	v25 =	vmul.f32 v44, v25;
	[tilespmem:v41+s5+$0x0] =	vst.idx.add.f32.msk $0xffff, v36;
	v36 =	vor.u32 v20, v27  }
0x169: {  	v26 =	vmul.f32 v44, v26;
	[tilespmem:v39+s5+$0x0] =	vst.idx.add.f32.msk $0xffff, v29;
	v29 =	vsub.f32 v30, v31  }
0x16a: {  	v24 =	vmul.f32 v44, v24;
	[tilespmem:v34+s5+$0x0] =	vst.idx.add.f32.msk $0xffff, v25;
	v25 =	vor.u32 v22, v27  }
0x16b: {  	[tilespmem:v33+s5+$0x0] =	vst.idx.add.f32.msk $0xffff, v26;
	v26 =	vmul.f32 v48, v37  }
0x16c: {  	[tilespmem:v32+s5+$0x0] =	vst.idx.add.f32.msk $0xffff, v24;
	v24 =	vmul.f32 v48, v35  }
0x16d: {  	[tilespmem:v36+s5+$0x0] =	vst.idx.add.f32.msk $0xffff, v26;
	v26 =	vmul.f32 v48, v29  }
0x16e: {  	[tilespmem:v28+s5+$0x0] =	vst.idx.add.f32.msk $0xffff, v24  }
0x16f: {  	[tilespmem:v25+s5+$0x0] =	vst.idx.add.f32.msk $0xffff, v26  }
0x170: {  	v24 =	vld.idx.msk [tilespmem:v47+s18+$0x0], $0xffff  }
0x171: {  	v27 =	vld.idx.msk [tilespmem:v55+s17+$0x0], $0xffff  }
0x172: {  	v25 =	vld.idx.msk [tilespmem:v46+s18+$0x0], $0xffff  }
0x173: {  	v36 =	vld.idx.msk [tilespmem:v40+s18+$0x0], $0xffff  }
0x174: {  	v29 =	vld.idx.msk [tilespmem:v45+s19+$0x0], $0xffff  }
0x175: {  	v26 =	vld.idx.msk [tilespmem:v52+s18+$0x0], $0xffff  }
0x176: {  	v32 =	vld.idx.msk [tilespmem:v40+s19+$0x0], $0xffff  }
0x177: {  	v33 =	vor.u32 v7, v58;
	v27 =	vsub.s32 v27, v23;
	v30 =	vld.idx.msk [tilespmem:v54+s19+$0x0], $0xffff  }
0x178: {  	v27 =	vshll.u32 v27, $0x8;
	v31 =	vld.idx.msk [tilespmem:v38+s19+$0x0], $0xffff  }
0x179: {  	v37 =	vor.u32 v6, v58;
	v40 =	vor.u32 v0, v27;
	v38 =	vor.u32 v6, v27;
	v47 =	vld.idx.msk [tilespmem:v59+s19+$0x0], $0xffff  }
0x17a: {  	v44 =	vor.u32 v9, v58;
	v46 =	vmul.f32 v29, v24;
	v35 =	vmul.f32 v29, v25;
	v50 =	vld.idx.msk [tilespmem:v53+s19+$0x0], $0xffff  }
0x17b: {  	v48 =	vor.u32 v10, v58;
	v28 =	vor.u32 v21, v27;
	v49 =	vmul.f32 v29, v26;
	v51 =	vld.idx.msk [tilespmem:v59+s18+$0x0], $0xffff  }
.Ltmp13:
0x17c: {  	v45 =	vmul.f32 v32, v36;
	v32 =	vor.u32 v19, v27;
	v53 =	vld.idx.msk [tilespmem:v33+s19+$0x0], $0xffff;
	v33 =	vor.u32 v18, v27;
	(pc) =	sbr.rel @p0 .LBB2_12-.Ltmp13, $4  }
0x17d: {  	v34 =	vor.u32 v17, v27;
	v55 =	vmul.f32 v30, v26;
	v54 =	vmul.f32 v30, v24  }
0x17e: {  	v39 =	vor.u32 v16, v27;
	v56 =	vmul.f32 v31, v25;
	v42 =	vmul.f32 v31, v24;
	v52 =	vld.idx.msk [tilespmem:v37+s19+$0x0], $0xffff  }
0x17f: {  	v43 =	vor.u32 v14, v27;
	v41 =	vor.u32 v15, v27;
	v37 =	vsub.f32 v49, v54  }
0x180: {  	v54 =	vor.u32 v2, v27;
	v49 =	vor.u32 v12, v27;
	v55 =	vadd.f32 v55, v56  }
.LBB2_13:
0x181: {  	_ =	sdelay $0x3  }
0x182: {  	v47 =	vmul.f32 v47, v51;
	v48 =	vld.idx.msk [tilespmem:v48+s19+$0x0], $0xffff;
	v59 =	vor.u32 v11, v27;
	v46 =	vadd.f32 v46, v55  }
0x183: {  	v50 =	vmul.f32 v50, v51;
	v44 =	vld.idx.msk [tilespmem:v44+s19+$0x0], $0xffff;
	v36 =	vmul.f32 v53, v36  }
0x184: {  	v60 =	vor.u32 v13, v27;
	[tilespmem:v40+s5+$0x0] =	vst.idx.add.f32.msk $0xffff, v45;
	v61 =	vmul.f32 v52, v46  }
0x185: {  	[tilespmem:v54+s5+$0x0] =	vst.idx.add.f32.msk $0xffff, v47;
	v62 =	vmul.f32 v36, v31  }
0x186: {  	v63 =	vmul.f32 v50, v31;
	[tilespmem:v38+s5+$0x0] =	vst.idx.add.f32.msk $0xffff, v61  }
0x187: {  	v47 =	vmul.f32 v36, v30;
	[tilespmem:v59+s5+$0x0] =	vst.idx.add.f32.msk $0xffff, v62  }
0x188: {  	v52 =	vmul.f32 v50, v30;
	[tilespmem:v49+s5+$0x0] =	vst.idx.add.f32.msk $0xffff, v63  }
0x189: {  	v56 =	vor.u32 v20, v27;
	v36 =	vmul.f32 v36, v29;
	[tilespmem:v60+s5+$0x0] =	vst.idx.add.f32.msk $0xffff, v47  }
0x18a: {  	v57 =	vmul.f32 v31, v26;
	v53 =	vmul.f32 v50, v29;
	[tilespmem:v43+s5+$0x0] =	vst.idx.add.f32.msk $0xffff, v52  }
0x18b: {  	v35 =	vsub.f32 v42, v35;
	v55 =	vmul.f32 v44, v25;
	[tilespmem:v41+s5+$0x0] =	vst.idx.add.f32.msk $0xffff, v36  }
0x18c: {  	v54 =	vmul.f32 v30, v25;
	v58 =	vmul.f32 v44, v26;
	[tilespmem:v39+s5+$0x0] =	vst.idx.add.f32.msk $0xffff, v53  }
0x18d: {  	v24 =	vmul.f32 v44, v24;
	v59 =	vor.u32 v22, v27;
	[tilespmem:v34+s5+$0x0] =	vst.idx.add.f32.msk $0xffff, v55  }
0x18e: {  	v61 =	vmul.f32 v48, v37;
	v60 =	vsub.f32 v54, v57;
	[tilespmem:v33+s5+$0x0] =	vst.idx.add.f32.msk $0xffff, v58  }
0x18f: {  	v62 =	vmul.f32 v48, v35;
	[tilespmem:v32+s5+$0x0] =	vst.idx.add.f32.msk $0xffff, v24  }
0x190: {  	v63 =	vmul.f32 v48, v60;
	[tilespmem:v56+s5+$0x0] =	vst.idx.add.f32.msk $0xffff, v61  }
0x191: {  	[tilespmem:v28+s5+$0x0] =	vst.idx.add.f32.msk $0xffff, v62  }
0x192: {  	[tilespmem:v59+s5+$0x0] =	vst.idx.add.f32.msk $0xffff, v63  }
.LBB2_14:
0x193: {  	p0 =	sge.s32 s11, s30  }
0x194: {  	p1 =	sge.s32 @!p0 s8, s4  }
0x195: {  	p1 =	por p1, p0  }
0x196: {  	s7 =	simm.s32 @!p1 $0x1  }
0x197: {  	_ =	swait.ge @!p1 [sflag:s7], $0x80  }
0x198: {  	[sflag:s7] =	ssyncset.done @!p1 $0x0  }
0x199: {  	[sflag:s7] =	ssyncadd.s32 @!p1 $0xFFFFFF80  }
0x19a: {  	_ =	swait.ge @!p1 [sflag:s7], $0x80  }
0x19b: {  	[sflag:s7] =	ssyncset.done @!p1 $0x0  }
0x19c: {  	[sflag:s7] =	ssyncadd.s32 @!p1 $0xFFFFFF80  }
0x19d: {  	_ =	swait.ge @!p1 [sflag:s7], $0x4000  }
0x19e: {  	s9 =	simm.s32 @!p1 $0x5180;
	[sflag:s7] =	ssyncset.done @!p1 $0x0  }
0x19f: {  	s10 =	simm.s32 @!p1 $0x11300;
	[sflag:s7] =	ssyncadd.s32 @!p1 $0xFFFFC000;
	s7 =	simm.s32 @!p1 $0x80  }
0x1a0: {  	[tilespmem:s10], [sflag:$0x4] =	stream.indirect.gather @!p1 [hbm4b:s1+s7], $0x80, s9, s7, $0xb8;
	[tilespmem:$0x1D580] =	vst v63  }
0x1a1: {  	s7 =	sadd.s32 @!p0 $0x4, s8  }
0x1a2: {  	p2 =	sge.s32 @!p0 s7, s30  }
0x1a3: {  	p1 =	por p2, p0  }
0x1a4: {  	s7 =	sshll.u32 @!p1 s7, $0x7  }
0x1a5: {  	s7 =	sadd.s32 @!p1 s29, s7  }
0x1a6: {  	p3 =	slt.s32 @!p1 s7, $0xC3480  }
0x1a7: {  	p2 =	por @!p0 !p3, p2  }
0x1a8: {  	p2 =	por !p2, p0  }
0x1a9: {  	s7 =	simm.s32 @!p2 $0xC3480  }
0x1aa: {  	s10 =	simm.s32 @!p1 $0x0;
	s8 =	sshrl.u32 @!p1 s7, $0x3  }
0x1ab: {  	s13 =	simm.s32 @!p1 $0x5080;
	s7 =	sshll.u32 @!p1 s7, $0x4;
	s9 =	sadd.s32 @!p1 s2, s8  }
0x1ac: {  	[tilespmem:s13], [sflag:$0x2] =	stream.linear.gather @!p1 [hbm4b:s9+s10], $0x80, $0x38;
	[tilespmem:$0x1D580] =	vst v63  }
0x1ad: {  	s8 =	sadd.s32 @!p1 s3, s8;
	s7 =	sand.u32 @!p1 $0x1FFFFF80, s7;
	s9 =	simm.s32 @!p1 $0x5200  }
0x1ae: {  	[tilespmem:s9], [sflag:$0x2] =	stream.linear.gather @!p1 [hbm4b:s8+s10], $0x80, $0x38;
	[tilespmem:$0x1D580] =	vst v63  }
0x1af: {  	s7 =	sadd.s32 @!p1 s6, s7;
	s8 =	simm.s32 @!p1 $0x9300  }
0x1b0: {  	[tilespmem:s8], [sflag:$0x2] =	stream.linear.gather @!p1 [hbm4b:s7+s10], $0x4000, $0x38;
	[tilespmem:$0x1D580] =	vst v63  }
0x1b1: {  	s7 =	sshll.u32 @!p0 s11, $0x7  }
0x1b2: {  	s10 =	smov.u32 s26;
	s11 =	smov.u32 s28;
	s7 =	sadd.s32 @!p0 s29, s7  }
0x1b3: {  	p1 =	slt.s32 @!p0 s7, $0xC3480;
	s8 =	sadd.s32 @!p0 $0x80, s7;
	s9 =	smov.u32 s7  }
0x1b4: {  	p2 =	sgt.s32 @!p0 s26, s7;
	p1 =	por !p1, p0;
	p3 =	slt.s32 @!p0 s28, s8  }
0x1b5: {  	s9 =	simm.s32 @p1 $0xC3480;
	p1 =	por !p2, p0;
	p2 =	por !p3, p0  }
0x1b6: {  	s10 =	smov.u32 @p1 s7;
	s11 =	smov.u32 @p2 s8  }
0x1b7: {  	s7 =	ssub.s32 @!p0 s10, s9;
	s8 =	ssub.s32 @!p0 s11, s9  }
0x1b8: {  	p1 =	sge.s32 @!p0 s7, s8  }
0x1b9: {  	p1 =	por p0, p1  }
.Ltmp14:
0x1ba: {  	_ = 	snop;
	(pc) =	sbr.rel @p1 .LBB2_18-.Ltmp14, $4  }
0x1bb: {  	s13 =	simm.s32 @!p0 $0x6  }
0x1bc: {  	_ =	swait.ge @!p0 [sflag:s13], $0x4000  }
0x1bd: {  	[sflag:s13] =	ssyncset.done @!p0 $0x0  }
0x1be: {  	[sflag:s13] =	ssyncadd.s32 @!p0 $0xFFFFC000  }
0x1bf: {  	v25 =	vmov s7  }
0x1c0: {  	v28 =	vshll.u32 v25, $0x7  }
0x1c1: {  	v24 =	vor.u32 v5, v28  }
0x1c2: {  	v26 =	vor.u32 v3, v28  }
0x1c3: {  	v27 =	vor.u32 v0, v28  }
0x1c4: {  	v29 =	vor.u32 $0x72, v28  }
0x1c5: {  	v30 =	vor.u32 v4, v28;
	v31 =	vld.idx.msk [tilespmem:v25+s20+$0x0], $0xffff  }
0x1c6: {  	v24 =	vld.idx.msk [tilespmem:v24+s21+$0x0], $0xffff  }
0x1c7: {  	v32 =	vor.u32 $0x71, v28;
	v25 =	vld.idx.msk [tilespmem:v26+s21+$0x0], $0xffff  }
0x1c8: {  	v33 =	vor.u32 $0x70, v28;
	v36 =	vld.idx.msk [tilespmem:v27+s21+$0x0], $0xffff  }
0x1c9: {  	v37 =	vor.u32 v2, v28;
	v29 =	vld.idx.msk [tilespmem:v29+s22+$0x0], $0xffff  }
0x1ca: {  	v39 =	vor.u32 v8, v28;
	v26 =	vld.idx.msk [tilespmem:v30+s21+$0x0], $0xffff  }
0x1cb: {  	v34 =	vld.idx.msk [tilespmem:v27+s22+$0x0], $0xffff  }
0x1cc: {  	v41 =	vor.u32 v7, v28;
	v49 =	vor.u32 v6, v28;
	v30 =	vld.idx.msk [tilespmem:v32+s22+$0x0], $0xffff;
	v27 =	vsub.s32 v31, v23  }
0x1cd: {  	v44 =	vor.u32 v9, v28;
	v48 =	vor.u32 v10, v28;
	v31 =	vld.idx.msk [tilespmem:v33+s22+$0x0], $0xffff;
	v27 =	vshll.u32 v27, $0x8  }
0x1ce: {  	s7 =	sadd.s32 $0x1, s7;
	v47 =	vld.idx.msk [tilespmem:v37+s22+$0x0], $0xffff;
	v40 =	vor.u32 v0, v27;
	v38 =	vor.u32 v6, v27;
	v46 =	vmul.f32 v29, v24  }
0x1cf: {  	p0 =	slt.s32 s7, s8;
	v50 =	vld.idx.msk [tilespmem:v39+s22+$0x0], $0xffff;
	v35 =	vmul.f32 v29, v25;
	v52 =	vmul.f32 v29, v26;
	v28 =	vor.u32 v21, v27  }
.Ltmp15:
0x1d0: {  	v51 =	vld.idx.msk [tilespmem:v37+s21+$0x0], $0xffff;
	v45 =	vmul.f32 v34, v36;
	v33 =	vor.u32 v18, v27;
	v32 =	vor.u32 v19, v27;
	(pc) =	sbr.rel @!p0 .LBB2_17-.Ltmp15, $4  }
0x1d1: {  	v53 =	vld.idx.msk [tilespmem:v41+s22+$0x0], $0xffff;
	v55 =	vmul.f32 v30, v26;
	v34 =	vor.u32 v17, v27;
	v54 =	vmul.f32 v30, v24  }
0x1d2: {  	v39 =	vor.u32 v16, v27;
	v43 =	vor.u32 v14, v27;
	v56 =	vmul.f32 v31, v25  }
0x1d3: {  	v41 =	vor.u32 v15, v27;
	v37 =	vsub.f32 v52, v54;
	v52 =	vld.idx.msk [tilespmem:v49+s22+$0x0], $0xffff;
	v54 =	vor.u32 v2, v27  }
0x1d4: {  	v49 =	vor.u32 v12, v27;
	v42 =	vmul.f32 v31, v24;
	v55 =	vadd.f32 v55, v56  }
.LBB2_16:
0x1d5: {  	v47 =	vmul.f32 v47, v51;
	v50 =	vmul.f32 v50, v51;
	v51 =	vor.u32 v13, v27;
	s9 =	smov.u32 s7;
	s7 =	sadd.s32 $0x1, s7  }
0x1d6: {  	v46 =	vadd.f32 v46, v55;
	v36 =	vmul.f32 v53, v36;
	v53 =	vor.u32 v11, v27;
	p0 =	slt.s32 s7, s8;
	v48 =	vld.idx.msk [tilespmem:v48+s22+$0x0], $0xffff  }
0x1d7: {  	v55 =	vmov s9;
	v44 =	vld.idx.msk [tilespmem:v44+s22+$0x0], $0xffff;
	v56 =	vmul.f32 v50, v31;
	v57 =	vmul.f32 v50, v30  }
0x1d8: {  	v58 =	vshll.u32 v55, $0x7;
	[tilespmem:v40+s5+$0x0] =	vst.idx.add.f32.msk $0xffff, v45;
	v40 =	vmul.f32 v52, v46;
	v45 =	vmul.f32 v36, v31  }
0x1d9: {  	v46 =	vor.u32 v3, v58;
	v52 =	vor.u32 v4, v58;
	[tilespmem:v54+s5+$0x0] =	vst.idx.add.f32.msk $0xffff, v47  }
0x1da: {  	v47 =	vor.u32 v5, v58;
	v54 =	vor.u32 $0x71, v58;
	[tilespmem:v38+s5+$0x0] =	vst.idx.add.f32.msk $0xffff, v40;
	v38 =	vmul.f32 v36, v30  }
0x1db: {  	v59 =	vor.u32 v2, v58;
	v40 =	vor.u32 v0, v58;
	[tilespmem:v53+s5+$0x0] =	vst.idx.add.f32.msk $0xffff, v45  }
0x1dc: {  	v36 =	vmul.f32 v36, v29;
	v45 =	vor.u32 $0x72, v58;
	v53 =	vor.u32 v8, v58;
	[tilespmem:v49+s5+$0x0] =	vst.idx.add.f32.msk $0xffff, v56  }
0x1dd: {  	v35 =	vsub.f32 v42, v35;
	v29 =	vmul.f32 v50, v29;
	[tilespmem:v51+s5+$0x0] =	vst.idx.add.f32.msk $0xffff, v38  }
0x1de: {  	v31 =	vmul.f32 v31, v26;
	v30 =	vmul.f32 v30, v25;
	v38 =	vor.u32 $0x70, v58;
	[tilespmem:v43+s5+$0x0] =	vst.idx.add.f32.msk $0xffff, v57  }
0x1df: {  	v25 =	vmul.f32 v44, v25;
	[tilespmem:v41+s5+$0x0] =	vst.idx.add.f32.msk $0xffff, v36;
	v36 =	vor.u32 v20, v27  }
0x1e0: {  	v26 =	vmul.f32 v44, v26;
	[tilespmem:v39+s5+$0x0] =	vst.idx.add.f32.msk $0xffff, v29;
	v29 =	vsub.f32 v30, v31  }
0x1e1: {  	v24 =	vmul.f32 v44, v24;
	[tilespmem:v34+s5+$0x0] =	vst.idx.add.f32.msk $0xffff, v25;
	v25 =	vor.u32 v22, v27  }
0x1e2: {  	[tilespmem:v33+s5+$0x0] =	vst.idx.add.f32.msk $0xffff, v26;
	v26 =	vmul.f32 v48, v37  }
0x1e3: {  	[tilespmem:v32+s5+$0x0] =	vst.idx.add.f32.msk $0xffff, v24;
	v24 =	vmul.f32 v48, v35  }
0x1e4: {  	[tilespmem:v36+s5+$0x0] =	vst.idx.add.f32.msk $0xffff, v26;
	v26 =	vmul.f32 v48, v29  }
0x1e5: {  	[tilespmem:v28+s5+$0x0] =	vst.idx.add.f32.msk $0xffff, v24  }
0x1e6: {  	[tilespmem:v25+s5+$0x0] =	vst.idx.add.f32.msk $0xffff, v26  }
0x1e7: {  	v24 =	vld.idx.msk [tilespmem:v47+s21+$0x0], $0xffff  }
0x1e8: {  	v27 =	vld.idx.msk [tilespmem:v55+s20+$0x0], $0xffff  }
0x1e9: {  	v25 =	vld.idx.msk [tilespmem:v46+s21+$0x0], $0xffff  }
0x1ea: {  	v36 =	vld.idx.msk [tilespmem:v40+s21+$0x0], $0xffff  }
0x1eb: {  	v29 =	vld.idx.msk [tilespmem:v45+s22+$0x0], $0xffff  }
0x1ec: {  	v26 =	vld.idx.msk [tilespmem:v52+s21+$0x0], $0xffff  }
0x1ed: {  	v32 =	vld.idx.msk [tilespmem:v40+s22+$0x0], $0xffff  }
0x1ee: {  	v33 =	vor.u32 v7, v58;
	v27 =	vsub.s32 v27, v23;
	v30 =	vld.idx.msk [tilespmem:v54+s22+$0x0], $0xffff  }
0x1ef: {  	v27 =	vshll.u32 v27, $0x8;
	v31 =	vld.idx.msk [tilespmem:v38+s22+$0x0], $0xffff  }
0x1f0: {  	v37 =	vor.u32 v6, v58;
	v40 =	vor.u32 v0, v27;
	v38 =	vor.u32 v6, v27;
	v47 =	vld.idx.msk [tilespmem:v59+s22+$0x0], $0xffff  }
0x1f1: {  	v44 =	vor.u32 v9, v58;
	v46 =	vmul.f32 v29, v24;
	v35 =	vmul.f32 v29, v25;
	v50 =	vld.idx.msk [tilespmem:v53+s22+$0x0], $0xffff  }
0x1f2: {  	v48 =	vor.u32 v10, v58;
	v28 =	vor.u32 v21, v27;
	v49 =	vmul.f32 v29, v26;
	v51 =	vld.idx.msk [tilespmem:v59+s21+$0x0], $0xffff  }
.Ltmp16:
0x1f3: {  	v45 =	vmul.f32 v32, v36;
	v32 =	vor.u32 v19, v27;
	v53 =	vld.idx.msk [tilespmem:v33+s22+$0x0], $0xffff;
	v33 =	vor.u32 v18, v27;
	(pc) =	sbr.rel @p0 .LBB2_16-.Ltmp16, $4  }
0x1f4: {  	v34 =	vor.u32 v17, v27;
	v55 =	vmul.f32 v30, v26;
	v54 =	vmul.f32 v30, v24  }
0x1f5: {  	v39 =	vor.u32 v16, v27;
	v56 =	vmul.f32 v31, v25;
	v42 =	vmul.f32 v31, v24;
	v52 =	vld.idx.msk [tilespmem:v37+s22+$0x0], $0xffff  }
0x1f6: {  	v43 =	vor.u32 v14, v27;
	v41 =	vor.u32 v15, v27;
	v37 =	vsub.f32 v49, v54  }
0x1f7: {  	v54 =	vor.u32 v2, v27;
	v49 =	vor.u32 v12, v27;
	v55 =	vadd.f32 v55, v56  }
.Ltmp17:
0x1f8: {  	_ = 	snop;
	(pc) =	sbr.rel .LBB2_17-.Ltmp17, $1  }
0x1f9: {  	_ =	sdelay $0x3  }
.LBB2_21:
0x1fa: {  	_ =	sfence.sel $0x180000  }
0x1fb: {  	[bflag:$0x0] =	sbarrier.arrive $0xFFFF  }
0x1fc: {  	_ =	strace $0x90000047  }
0x1fd: {  	s0 =	stileid.u32;
	[bflag:$0x2] =	sbarrier.arrive $0xFFFF  }
0x1fe: {  	p0 =	sne.s32 s0, $0x0;
	s0 =	rddreg [dreg:$0x4]  }
0x1ff: {  	s0 =	sadd.s32 @!p0 $0x100000, s0  }
0x200: {  	[sflag:s0] =	ssyncadd.tile.s32 @!p0 $0x1;
	_ =	shalt  }
.Lfunc_end2:
_tile_overlayer_lowered:
.L_overlay_start_2:
0x201: {  	(tag) =	ssettag $0x2  }
0x202: {  	s0 =	rddreg [dreg:$0x0];
	s2 =	stileid.u32  }
0x203: {  	s1 =	rddreg [dreg:$0x1];
	p0 =	sne.s32 s2, $0x0  }
0x204: {  	s3 =	rddreg [dreg:$0x2];
	[bflag:$0x3] =	sbarrier.arrive $0xFFFF;
	s2 =	simm.s32 @!p0 $0x1C07  }
0x205: {  	[timem:s3], [sflag:s2] =	dma.local @!p0 [hbm:s0], s1  }
0x206: {  	s0 =	simm.s32 @!p0 $0x7  }
0x207: {  	_ =	swait.ge @!p0 [sflag:s0], s1  }
0x208: {  	s1 =	ssub.s32 @!p0 $0x0, s1;
	[sflag:s0] =	ssyncset.done @!p0 $0x0  }
0x209: {  	[sflag:s0] =	ssyncadd.s32 @!p0 s1  }
0x20a: {  	[bflag:$0x3] =	sbarrier.arrive $0xFFFF  }
0x20b: {  	_ =	shalt  }

</sc_bundles>
